<compile_context>
chip_gen: v7x
topology: tpu7x:2x2x1
jax: 0.10.2.dev20260603
libtpu: 0.0.44.dev20260713+nightly
codegen_flags: <defaults>
</compile_context>

<pallas_src>
import jax
import jax.numpy as jnp
from jax import lax
from jax.experimental import pallas as pl
from jax.experimental.pallas import tpu as pltpu
from jax.experimental.pallas import tpu_sc as plsc

VOCAB = 1000000
SEQ_LEN = 200
EMBED = 32
PAD = 128
LROW = 128
BATCH = 4096

NC, NS = 2, 16
NW = NC * NS
B_PER_W = BATCH // NW
CB = 8
NCHUNKS = B_PER_W // CB
SPLIT = 128
REST = SEQ_LEN - SPLIT
NBUF = 2

_MESH = plsc.VectorSubcoreMesh(
    core_axis_name="c", subcore_axis_name="s", num_cores=NC, num_subcores=NS
)


def _body(tok_hbm, idxa_hbm, idxb_hbm, pos_hbm, out_hbm,
          idxa_v, idxb_v, rows_v, pos_v, sems):
    wid = lax.axis_index("s") * NC + lax.axis_index("c")
    base_b = wid * B_PER_W

    pltpu.sync_copy(pos_hbm, pos_v)

    def fetch(ci, par):
        b0 = pl.multiple_of(base_b + ci * CB, CB)
        pltpu.sync_copy(idxa_hbm.at[pl.ds(b0, CB)], idxa_v.at[par])
        pltpu.sync_copy(idxb_hbm.at[pl.ds(b0, CB)], idxb_v.at[par])
        for r in range(CB):
            pltpu.async_copy(
                tok_hbm.at[idxa_v.at[par, r]],
                rows_v.at[par, r, pl.ds(0, SPLIT)],
                sems.at[par],
            )
            pltpu.async_copy(
                tok_hbm.at[idxb_v.at[par, r, pl.ds(0, REST)]],
                rows_v.at[par, r, pl.ds(SPLIT, REST)],
                sems.at[par],
            )

    def drain(ci, par):
        for r in range(CB):
            pltpu.make_async_copy(
                tok_hbm.at[idxa_v.at[par, r]],
                rows_v.at[par, r, pl.ds(0, SPLIT)],
                sems.at[par],
            ).wait()
            pltpu.make_async_copy(
                tok_hbm.at[idxb_v.at[par, r, pl.ds(0, REST)]],
                rows_v.at[par, r, pl.ds(SPLIT, REST)],
                sems.at[par],
            ).wait()

    for par in range(NBUF):
        fetch(par, par)

    def ring_body(j, _):
        for par in range(NBUF):
            ci = NBUF * j + par
            b0 = pl.multiple_of(base_b + ci * CB, CB)
            drain(ci, par)

            def add_body(l, _):
                p0 = pos_v[l, 0:16]
                p1 = pos_v[l, 16:32]
                for b in range(CB):
                    rows_v[par, b, l, 0:16] = rows_v[par, b, l, 0:16] + p0
                    rows_v[par, b, l, 16:32] = rows_v[par, b, l, 16:32] + p1
                return 0

            lax.fori_loop(0, SEQ_LEN, add_body, 0)

            pltpu.sync_copy(
                rows_v.at[par],
                out_hbm.at[pl.ds(b0, CB), slice(None), pl.ds(0, EMBED)],
            )

            @pl.when(ci + NBUF < NCHUNKS)
            def _():
                fetch(ci + NBUF, par)

        return 0

    lax.fori_loop(0, NCHUNKS // NBUF, ring_body, 0)


@jax.jit
def _run(tok, idx, pos):
    idxp = jnp.pad(idx, ((0, 0), (0, 2 * SPLIT - SEQ_LEN)))
    idxa = idxp[:, :SPLIT]
    idxb = idxp[:, SPLIT:]
    out = pl.kernel(
        _body,
        out_type=jax.ShapeDtypeStruct((BATCH, SEQ_LEN, PAD), jnp.float32),
        mesh=_MESH,
        scratch_types=[
            pltpu.VMEM((NBUF, CB, LROW), jnp.int32),
            pltpu.VMEM((NBUF, CB, LROW), jnp.int32),
            pltpu.VMEM((NBUF, CB, SEQ_LEN, EMBED), jnp.float32),
            pltpu.VMEM((SEQ_LEN, EMBED), jnp.float32),
            pltpu.SemaphoreType.DMA((NBUF,)),
        ],
        compiler_params=pltpu.CompilerParams(use_tc_tiling_on_sc=False),
    )(tok, idxa, idxb, pos)
    return out[..., :EMBED]


def kernel(inputs, token_table, pos_table):
    return _run(token_table, inputs, pos_table)

# --- scband reference (transcript-rebuilt; emitter-appended) ---
"""Pipeline reference for scband-positional-embedding-17617955848514 (READ-ONLY COPY).

The authoritative reference and input builder live on the scoring server;
editing this copy changes nothing except your own understanding.
"""

import jax, jax.numpy as jnp
import numpy as np

VOCAB = 1000000
SEQ_LEN = 200
EMBED = 32
BATCH = 4096

def setup_inputs(seed: int = 0) -> dict:
    key = jax.random.key(seed)
    k1, k2, k3 = jax.random.split(key, 3)
    inputs = jax.random.randint(k1, (BATCH, SEQ_LEN), 0, VOCAB, dtype=jnp.int64 if jax.config.jax_enable_x64 else jnp.int32)
    token_table = jax.random.normal(k2, (VOCAB, EMBED), dtype=jnp.float32) * 0.05
    pos_table = jax.random.normal(k3, (SEQ_LEN, EMBED), dtype=jnp.float32) * 0.05
    return {"inputs": inputs, "token_table": token_table, "pos_table": pos_table}

def reference(inputs, token_table, pos_table):
    # PositionalEmbedding.call: token embedding lookup + positional embedding lookup
    length = inputs.shape[-1]
    positions = jnp.arange(0, length)
    embedded_tokens = jnp.take(token_table, inputs, axis=0)          # [B, L, D]
    embedded_positions = jnp.take(pos_table, positions, axis=0)      # [L, D]
    return embedded_tokens + embedded_positions[None, :, :]

if __name__ == "__main__":
    import jax
    _d = setup_inputs()
    print(jax.jit(kernel)(*tuple(_d.values())))

</pallas_src>

<mosaic_0001>
#map = affine_map<(d0, d1) -> (0, 0)>
#map1 = affine_map<(d0, d1) -> (0, 0, 0)>
module attributes {stable_mosaic.version = 14 : i64} {
  func.func @_body(%arg0: i32, %arg1: i32, %arg2: memref<1000000x32xf32, #tpu.memory_space<hbm>>, %arg3: memref<4096x128xi32, #tpu.memory_space<hbm>>, %arg4: memref<4096x128xi32, #tpu.memory_space<hbm>>, %arg5: memref<200x32xf32, #tpu.memory_space<hbm>>, %arg6: memref<4096x200x128xf32, #tpu.memory_space<hbm>>, %arg7: memref<2x8x128xi32, #tpu.memory_space<vmem>>, %arg8: memref<2x8x128xi32, #tpu.memory_space<vmem>>, %arg9: memref<2x8x200x32xf32, #tpu.memory_space<vmem>>, %arg10: memref<200x32xf32, #tpu.memory_space<vmem>>, %arg11: memref<2x!tpu.dma_semaphore, #tpu.memory_space<semaphore_mem>>) attributes {dimension_semantics = [#tpu.dimension_semantics<core_parallel>, #tpu.dimension_semantics<subcore_parallel>], iteration_bounds = array<i64: 2, 16>, scalar_prefetch = 0 : i64, scratch_operands = 5 : i64, tpu.core_type = #tpu.core_type<sc_vector_subcore>, window_params = [{transform_indices = #map}, {transform_indices = #map}, {transform_indices = #map}, {transform_indices = #map}, {transform_indices = #map1}]} {
    %mul3A = arith.constant 2 : i32
    %mul3A_0 = arith.muli %arg1, %mul3A : i32
    %add3A = arith.addi %mul3A_0, %arg0 : i32
    %mul3A_1 = arith.constant 128 : i32
    %mul3A_2 = arith.muli %add3A, %mul3A_1 : i32
    "tpu.region"() ({
      %run_scoped3A_560 = tpu.sem_alloc : memref<!tpu.dma_semaphore, #tpu.memory_space<semaphore_mem>>
      tpu.enqueue_dma source(%arg5 : memref<200x32xf32, #tpu.memory_space<hbm>>) target(%arg10 : memref<200x32xf32, #tpu.memory_space<vmem>>) target_semaphore(%run_scoped3A_560 : memref<!tpu.dma_semaphore, #tpu.memory_space<semaphore_mem>>)
      tpu.wait_dma2 semaphore(%run_scoped3A_560 : memref<!tpu.dma_semaphore, #tpu.memory_space<semaphore_mem>>) src(%arg5 : memref<200x32xf32, #tpu.memory_space<hbm>>) dst(%arg10 : memref<200x32xf32, #tpu.memory_space<vmem>>)
      tpu.yield
    }) : () -> ()
    %add3A_3 = arith.constant 0 : i32
    %add3A_4 = arith.addi %mul3A_2, %add3A_3 : i32
    %multiple_of3A = tpu.assume_multiple %add3A_4, 8 : i32
    %run_scoped3A = arith.constant 0 : i32
    "tpu.region"() ({
      %run_scoped3A_560 = tpu.sem_alloc : memref<!tpu.dma_semaphore, #tpu.memory_space<semaphore_mem>>
      %dma_start3A_561 = arith.constant 0 : i32
      %dma_start3A_562 = arith.constant 0 : i32
      %dma_start3A_563 = tpu.memref_slice %arg7[%run_scoped3A, %dma_start3A_561, %dma_start3A_562] : memref<2x8x128xi32, #tpu.memory_space<vmem>> -> memref<1x8x128xi32, #tpu.memory_space<vmem>>
      %dma_start3A_564 = tpu.memref_squeeze %dma_start3A_563 : memref<1x8x128xi32, #tpu.memory_space<vmem>> -> memref<8x128xi32, #tpu.memory_space<vmem>>
      %dma_start3A_565 = arith.constant 0 : i32
      %dma_start3A_566 = tpu.memref_slice %arg3[%multiple_of3A, %dma_start3A_565] : memref<4096x128xi32, #tpu.memory_space<hbm>> -> memref<8x128xi32, #tpu.memory_space<hbm>>
      %dma_start3A_567 = arith.constant 0 : i32
      %dma_start3A_568 = arith.constant 0 : i32
      %dma_start3A_569 = tpu.memref_slice %arg7[%run_scoped3A, %dma_start3A_567, %dma_start3A_568] : memref<2x8x128xi32, #tpu.memory_space<vmem>> -> memref<1x8x128xi32, #tpu.memory_space<vmem>>
      %dma_start3A_570 = tpu.memref_squeeze %dma_start3A_569 : memref<1x8x128xi32, #tpu.memory_space<vmem>> -> memref<8x128xi32, #tpu.memory_space<vmem>>
      %dma_start3A_571 = arith.constant 0 : i32
      %dma_start3A_572 = tpu.memref_slice %arg3[%multiple_of3A, %dma_start3A_571] : memref<4096x128xi32, #tpu.memory_space<hbm>> -> memref<8x128xi32, #tpu.memory_space<hbm>>
      tpu.enqueue_dma source(%dma_start3A_572 : memref<8x128xi32, #tpu.memory_space<hbm>>) target(%dma_start3A_570 : memref<8x128xi32, #tpu.memory_space<vmem>>) target_semaphore(%run_scoped3A_560 : memref<!tpu.dma_semaphore, #tpu.memory_space<semaphore_mem>>)
      %dma_wait3A = arith.constant 0 : i32
      %dma_wait3A_573 = arith.constant 0 : i32
      %dma_wait3A_574 = tpu.memref_slice %arg7[%run_scoped3A, %dma_wait3A, %dma_wait3A_573] : memref<2x8x128xi32, #tpu.memory_space<vmem>> -> memref<1x8x128xi32, #tpu.memory_space<vmem>>
      %dma_wait3A_575 = tpu.memref_squeeze %dma_wait3A_574 : memref<1x8x128xi32, #tpu.memory_space<vmem>> -> memref<8x128xi32, #tpu.memory_space<vmem>>
      %dma_wait3A_576 = arith.constant 0 : i32
      %dma_wait3A_577 = tpu.memref_slice %arg3[%multiple_of3A, %dma_wait3A_576] : memref<4096x128xi32, #tpu.memory_space<hbm>> -> memref<8x128xi32, #tpu.memory_space<hbm>>
      %dma_wait3A_578 = arith.constant 0 : i32
      %dma_wait3A_579 = arith.constant 0 : i32
      %dma_wait3A_580 = tpu.memref_slice %arg7[%run_scoped3A, %dma_wait3A_578, %dma_wait3A_579] : memref<2x8x128xi32, #tpu.memory_space<vmem>> -> memref<1x8x128xi32, #tpu.memory_space<vmem>>
      %dma_wait3A_581 = tpu.memref_squeeze %dma_wait3A_580 : memref<1x8x128xi32, #tpu.memory_space<vmem>> -> memref<8x128xi32, #tpu.memory_space<vmem>>
      %dma_wait3A_582 = arith.constant 0 : i32
      %dma_wait3A_583 = tpu.memref_slice %arg3[%multiple_of3A, %dma_wait3A_582] : memref<4096x128xi32, #tpu.memory_space<hbm>> -> memref<8x128xi32, #tpu.memory_space<hbm>>
      tpu.wait_dma2 semaphore(%run_scoped3A_560 : memref<!tpu.dma_semaphore, #tpu.memory_space<semaphore_mem>>) src(%dma_wait3A_583 : memref<8x128xi32, #tpu.memory_space<hbm>>) dst(%dma_wait3A_581 : memref<8x128xi32, #tpu.memory_space<vmem>>)
      tpu.yield
    }) : () -> ()
    %run_scoped3A_5 = arith.constant 0 : i32
    "tpu.region"() ({
      %run_scoped3A_560 = tpu.sem_alloc : memref<!tpu.dma_semaphore, #tpu.memory_space<semaphore_mem>>
      %dma_start3A_561 = arith.constant 0 : i32
      %dma_start3A_562 = arith.constant 0 : i32
      %dma_start3A_563 = tpu.memref_slice %arg8[%run_scoped3A_5, %dma_start3A_561, %dma_start3A_562] : memref<2x8x128xi32, #tpu.memory_space<vmem>> -> memref<1x8x128xi32, #tpu.memory_space<vmem>>
      %dma_start3A_564 = tpu.memref_squeeze %dma_start3A_563 : memref<1x8x128xi32, #tpu.memory_space<vmem>> -> memref<8x128xi32, #tpu.memory_space<vmem>>
      %dma_start3A_565 = arith.constant 0 : i32
      %dma_start3A_566 = tpu.memref_slice %arg4[%multiple_of3A, %dma_start3A_565] : memref<4096x128xi32, #tpu.memory_space<hbm>> -> memref<8x128xi32, #tpu.memory_space<hbm>>
      %dma_start3A_567 = arith.constant 0 : i32
      %dma_start3A_568 = arith.constant 0 : i32
      %dma_start3A_569 = tpu.memref_slice %arg8[%run_scoped3A_5, %dma_start3A_567, %dma_start3A_568] : memref<2x8x128xi32, #tpu.memory_space<vmem>> -> memref<1x8x128xi32, #tpu.memory_space<vmem>>
      %dma_start3A_570 = tpu.memref_squeeze %dma_start3A_569 : memref<1x8x128xi32, #tpu.memory_space<vmem>> -> memref<8x128xi32, #tpu.memory_space<vmem>>
      %dma_start3A_571 = arith.constant 0 : i32
      %dma_start3A_572 = tpu.memref_slice %arg4[%multiple_of3A, %dma_start3A_571] : memref<4096x128xi32, #tpu.memory_space<hbm>> -> memref<8x128xi32, #tpu.memory_space<hbm>>
      tpu.enqueue_dma source(%dma_start3A_572 : memref<8x128xi32, #tpu.memory_space<hbm>>) target(%dma_start3A_570 : memref<8x128xi32, #tpu.memory_space<vmem>>) target_semaphore(%run_scoped3A_560 : memref<!tpu.dma_semaphore, #tpu.memory_space<semaphore_mem>>)
      %dma_wait3A = arith.constant 0 : i32
      %dma_wait3A_573 = arith.constant 0 : i32
      %dma_wait3A_574 = tpu.memref_slice %arg8[%run_scoped3A_5, %dma_wait3A, %dma_wait3A_573] : memref<2x8x128xi32, #tpu.memory_space<vmem>> -> memref<1x8x128xi32, #tpu.memory_space<vmem>>
      %dma_wait3A_575 = tpu.memref_squeeze %dma_wait3A_574 : memref<1x8x128xi32, #tpu.memory_space<vmem>> -> memref<8x128xi32, #tpu.memory_space<vmem>>
      %dma_wait3A_576 = arith.constant 0 : i32
      %dma_wait3A_577 = tpu.memref_slice %arg4[%multiple_of3A, %dma_wait3A_576] : memref<4096x128xi32, #tpu.memory_space<hbm>> -> memref<8x128xi32, #tpu.memory_space<hbm>>
      %dma_wait3A_578 = arith.constant 0 : i32
      %dma_wait3A_579 = arith.constant 0 : i32
      %dma_wait3A_580 = tpu.memref_slice %arg8[%run_scoped3A_5, %dma_wait3A_578, %dma_wait3A_579] : memref<2x8x128xi32, #tpu.memory_space<vmem>> -> memref<1x8x128xi32, #tpu.memory_space<vmem>>
      %dma_wait3A_581 = tpu.memref_squeeze %dma_wait3A_580 : memref<1x8x128xi32, #tpu.memory_space<vmem>> -> memref<8x128xi32, #tpu.memory_space<vmem>>
      %dma_wait3A_582 = arith.constant 0 : i32
      %dma_wait3A_583 = tpu.memref_slice %arg4[%multiple_of3A, %dma_wait3A_582] : memref<4096x128xi32, #tpu.memory_space<hbm>> -> memref<8x128xi32, #tpu.memory_space<hbm>>
      tpu.wait_dma2 semaphore(%run_scoped3A_560 : memref<!tpu.dma_semaphore, #tpu.memory_space<semaphore_mem>>) src(%dma_wait3A_583 : memref<8x128xi32, #tpu.memory_space<hbm>>) dst(%dma_wait3A_581 : memref<8x128xi32, #tpu.memory_space<vmem>>)
      tpu.yield
    }) : () -> ()
    %dma_start3A = arith.constant 0 : i32
    %dma_start3A_6 = arith.constant 0 : i32
    %dma_start3A_7 = arith.constant 0 : i32
    %dma_start3A_8 = arith.constant 0 : i32
    %dma_start3A_9 = arith.constant 0 : i32
    %dma_start3A_10 = arith.constant 0 : i32
    %dma_start3A_11 = arith.constant 0 : i32
    %dma_start3A_12 = tpu.memref_slice %arg9[%dma_start3A_7, %dma_start3A_8, %dma_start3A_10, %dma_start3A_11] : memref<2x8x200x32xf32, #tpu.memory_space<vmem>> -> memref<1x1x128x32xf32, #tpu.memory_space<vmem>>
    %dma_start3A_13 = tpu.memref_squeeze %dma_start3A_12 : memref<1x1x128x32xf32, #tpu.memory_space<vmem>> -> memref<128x32xf32, #tpu.memory_space<vmem>>
    %dma_start3A_14 = arith.constant 0 : i32
    %dma_start3A_15 = tpu.memref_slice %arg7[%dma_start3A, %dma_start3A_6, %dma_start3A_14] : memref<2x8x128xi32, #tpu.memory_space<vmem>> -> memref<1x1x128xi32, #tpu.memory_space<vmem>>
    %dma_start3A_16 = tpu.memref_squeeze %dma_start3A_15 : memref<1x1x128xi32, #tpu.memory_space<vmem>> -> memref<128xi32, #tpu.memory_space<vmem>>
    %dma_start3A_17 = arith.constant 0 : i32
    %dma_start3A_18 = arith.constant 0 : i32
    %dma_start3A_19 = tpu.memref_slice %arg2[%dma_start3A_17, %dma_start3A_18] : memref<1000000x32xf32, #tpu.memory_space<hbm>> -> memref<1000000x32xf32, #tpu.memory_space<hbm>>
    %dma_start3A_20 = tpu.memref_slice %arg11[%dma_start3A_9] : memref<2x!tpu.dma_semaphore, #tpu.memory_space<semaphore_mem>> -> memref<1x!tpu.dma_semaphore, #tpu.memory_space<semaphore_mem>>
    %dma_start3A_21 = tpu.memref_squeeze %dma_start3A_20 : memref<1x!tpu.dma_semaphore, #tpu.memory_space<semaphore_mem>> -> memref<!tpu.dma_semaphore, #tpu.memory_space<semaphore_mem>>
    tpu.enqueue_indirect_dma source(%dma_start3A_19 : memref<1000000x32xf32, #tpu.memory_space<hbm>>) target(%dma_start3A_13 : memref<128x32xf32, #tpu.memory_space<vmem>>) offsets(%dma_start3A_16 : memref<128xi32, #tpu.memory_space<vmem>>) semaphore(%dma_start3A_21 : memref<!tpu.dma_semaphore, #tpu.memory_space<semaphore_mem>>)
    %dma_start3A_22 = arith.constant 0 : i32
    %dma_start3A_23 = arith.constant 0 : i32
    %dma_start3A_24 = arith.constant 0 : i32
    %dma_start3A_25 = arith.constant 0 : i32
    %dma_start3A_26 = arith.constant 0 : i32
    %dma_start3A_27 = arith.constant 128 : i32
    %dma_start3A_28 = arith.constant 0 : i32
    %dma_start3A_29 = tpu.memref_slice %arg9[%dma_start3A_24, %dma_start3A_25, %dma_start3A_27, %dma_start3A_28] : memref<2x8x200x32xf32, #tpu.memory_space<vmem>> -> memref<1x1x72x32xf32, #tpu.memory_space<vmem>>
    %dma_start3A_30 = tpu.memref_squeeze %dma_start3A_29 : memref<1x1x72x32xf32, #tpu.memory_space<vmem>> -> memref<72x32xf32, #tpu.memory_space<vmem>>
    %dma_start3A_31 = arith.constant 0 : i32
    %dma_start3A_32 = tpu.memref_slice %arg8[%dma_start3A_22, %dma_start3A_23, %dma_start3A_31] : memref<2x8x128xi32, #tpu.memory_space<vmem>> -> memref<1x1x72xi32, #tpu.memory_space<vmem>>
    %dma_start3A_33 = tpu.memref_squeeze %dma_start3A_32 : memref<1x1x72xi32, #tpu.memory_space<vmem>> -> memref<72xi32, #tpu.memory_space<vmem>>
    %dma_start3A_34 = arith.constant 0 : i32
    %dma_start3A_35 = arith.constant 0 : i32
    %dma_start3A_36 = tpu.memref_slice %arg2[%dma_start3A_34, %dma_start3A_35] : memref<1000000x32xf32, #tpu.memory_space<hbm>> -> memref<1000000x32xf32, #tpu.memory_space<hbm>>
    %dma_start3A_37 = tpu.memref_slice %arg11[%dma_start3A_26] : memref<2x!tpu.dma_semaphore, #tpu.memory_space<semaphore_mem>> -> memref<1x!tpu.dma_semaphore, #tpu.memory_space<semaphore_mem>>
    %dma_start3A_38 = tpu.memref_squeeze %dma_start3A_37 : memref<1x!tpu.dma_semaphore, #tpu.memory_space<semaphore_mem>> -> memref<!tpu.dma_semaphore, #tpu.memory_space<semaphore_mem>>
    tpu.enqueue_indirect_dma source(%dma_start3A_36 : memref<1000000x32xf32, #tpu.memory_space<hbm>>) target(%dma_start3A_30 : memref<72x32xf32, #tpu.memory_space<vmem>>) offsets(%dma_start3A_33 : memref<72xi32, #tpu.memory_space<vmem>>) semaphore(%dma_start3A_38 : memref<!tpu.dma_semaphore, #tpu.memory_space<semaphore_mem>>)
    %dma_start3A_39 = arith.constant 0 : i32
    %dma_start3A_40 = arith.constant 1 : i32
    %dma_start3A_41 = arith.constant 0 : i32
    %dma_start3A_42 = arith.constant 1 : i32
    %dma_start3A_43 = arith.constant 0 : i32
    %dma_start3A_44 = arith.constant 0 : i32
    %dma_start3A_45 = arith.constant 0 : i32
    %dma_start3A_46 = tpu.memref_slice %arg9[%dma_start3A_41, %dma_start3A_42, %dma_start3A_44, %dma_start3A_45] : memref<2x8x200x32xf32, #tpu.memory_space<vmem>> -> memref<1x1x128x32xf32, #tpu.memory_space<vmem>>
    %dma_start3A_47 = tpu.memref_squeeze %dma_start3A_46 : memref<1x1x128x32xf32, #tpu.memory_space<vmem>> -> memref<128x32xf32, #tpu.memory_space<vmem>>
    %dma_start3A_48 = arith.constant 0 : i32
    %dma_start3A_49 = tpu.memref_slice %arg7[%dma_start3A_39, %dma_start3A_40, %dma_start3A_48] : memref<2x8x128xi32, #tpu.memory_space<vmem>> -> memref<1x1x128xi32, #tpu.memory_space<vmem>>
    %dma_start3A_50 = tpu.memref_squeeze %dma_start3A_49 : memref<1x1x128xi32, #tpu.memory_space<vmem>> -> memref<128xi32, #tpu.memory_space<vmem>>
    %dma_start3A_51 = arith.constant 0 : i32
    %dma_start3A_52 = arith.constant 0 : i32
    %dma_start3A_53 = tpu.memref_slice %arg2[%dma_start3A_51, %dma_start3A_52] : memref<1000000x32xf32, #tpu.memory_space<hbm>> -> memref<1000000x32xf32, #tpu.memory_space<hbm>>
    %dma_start3A_54 = tpu.memref_slice %arg11[%dma_start3A_43] : memref<2x!tpu.dma_semaphore, #tpu.memory_space<semaphore_mem>> -> memref<1x!tpu.dma_semaphore, #tpu.memory_space<semaphore_mem>>
    %dma_start3A_55 = tpu.memref_squeeze %dma_start3A_54 : memref<1x!tpu.dma_semaphore, #tpu.memory_space<semaphore_mem>> -> memref<!tpu.dma_semaphore, #tpu.memory_space<semaphore_mem>>
    tpu.enqueue_indirect_dma source(%dma_start3A_53 : memref<1000000x32xf32, #tpu.memory_space<hbm>>) target(%dma_start3A_47 : memref<128x32xf32, #tpu.memory_space<vmem>>) offsets(%dma_start3A_50 : memref<128xi32, #tpu.memory_space<vmem>>) semaphore(%dma_start3A_55 : memref<!tpu.dma_semaphore, #tpu.memory_space<semaphore_mem>>)
    %dma_start3A_56 = arith.constant 0 : i32
    %dma_start3A_57 = arith.constant 1 : i32
    %dma_start3A_58 = arith.constant 0 : i32
    %dma_start3A_59 = arith.constant 1 : i32
    %dma_start3A_60 = arith.constant 0 : i32
    %dma_start3A_61 = arith.constant 128 : i32
    %dma_start3A_62 = arith.constant 0 : i32
    %dma_start3A_63 = tpu.memref_slice %arg9[%dma_start3A_58, %dma_start3A_59, %dma_start3A_61, %dma_start3A_62] : memref<2x8x200x32xf32, #tpu.memory_space<vmem>> -> memref<1x1x72x32xf32, #tpu.memory_space<vmem>>
    %dma_start3A_64 = tpu.memref_squeeze %dma_start3A_63 : memref<1x1x72x32xf32, #tpu.memory_space<vmem>> -> memref<72x32xf32, #tpu.memory_space<vmem>>
    %dma_start3A_65 = arith.constant 0 : i32
    %dma_start3A_66 = tpu.memref_slice %arg8[%dma_start3A_56, %dma_start3A_57, %dma_start3A_65] : memref<2x8x128xi32, #tpu.memory_space<vmem>> -> memref<1x1x72xi32, #tpu.memory_space<vmem>>
    %dma_start3A_67 = tpu.memref_squeeze %dma_start3A_66 : memref<1x1x72xi32, #tpu.memory_space<vmem>> -> memref<72xi32, #tpu.memory_space<vmem>>
    %dma_start3A_68 = arith.constant 0 : i32
    %dma_start3A_69 = arith.constant 0 : i32
    %dma_start3A_70 = tpu.memref_slice %arg2[%dma_start3A_68, %dma_start3A_69] : memref<1000000x32xf32, #tpu.memory_space<hbm>> -> memref<1000000x32xf32, #tpu.memory_space<hbm>>
    %dma_start3A_71 = tpu.memref_slice %arg11[%dma_start3A_60] : memref<2x!tpu.dma_semaphore, #tpu.memory_space<semaphore_mem>> -> memref<1x!tpu.dma_semaphore, #tpu.memory_space<semaphore_mem>>
    %dma_start3A_72 = tpu.memref_squeeze %dma_start3A_71 : memref<1x!tpu.dma_semaphore, #tpu.memory_space<semaphore_mem>> -> memref<!tpu.dma_semaphore, #tpu.memory_space<semaphore_mem>>
    tpu.enqueue_indirect_dma source(%dma_start3A_70 : memref<1000000x32xf32, #tpu.memory_space<hbm>>) target(%dma_start3A_64 : memref<72x32xf32, #tpu.memory_space<vmem>>) offsets(%dma_start3A_67 : memref<72xi32, #tpu.memory_space<vmem>>) semaphore(%dma_start3A_72 : memref<!tpu.dma_semaphore, #tpu.memory_space<semaphore_mem>>)
    %dma_start3A_73 = arith.constant 0 : i32
    %dma_start3A_74 = arith.constant 2 : i32
    %dma_start3A_75 = arith.constant 0 : i32
    %dma_start3A_76 = arith.constant 2 : i32
    %dma_start3A_77 = arith.constant 0 : i32
    %dma_start3A_78 = arith.constant 0 : i32
    %dma_start3A_79 = arith.constant 0 : i32
    %dma_start3A_80 = tpu.memref_slice %arg9[%dma_start3A_75, %dma_start3A_76, %dma_start3A_78, %dma_start3A_79] : memref<2x8x200x32xf32, #tpu.memory_space<vmem>> -> memref<1x1x128x32xf32, #tpu.memory_space<vmem>>
    %dma_start3A_81 = tpu.memref_squeeze %dma_start3A_80 : memref<1x1x128x32xf32, #tpu.memory_space<vmem>> -> memref<128x32xf32, #tpu.memory_space<vmem>>
    %dma_start3A_82 = arith.constant 0 : i32
    %dma_start3A_83 = tpu.memref_slice %arg7[%dma_start3A_73, %dma_start3A_74, %dma_start3A_82] : memref<2x8x128xi32, #tpu.memory_space<vmem>> -> memref<1x1x128xi32, #tpu.memory_space<vmem>>
    %dma_start3A_84 = tpu.memref_squeeze %dma_start3A_83 : memref<1x1x128xi32, #tpu.memory_space<vmem>> -> memref<128xi32, #tpu.memory_space<vmem>>
    %dma_start3A_85 = arith.constant 0 : i32
    %dma_start3A_86 = arith.constant 0 : i32
    %dma_start3A_87 = tpu.memref_slice %arg2[%dma_start3A_85, %dma_start3A_86] : memref<1000000x32xf32, #tpu.memory_space<hbm>> -> memref<1000000x32xf32, #tpu.memory_space<hbm>>
    %dma_start3A_88 = tpu.memref_slice %arg11[%dma_start3A_77] : memref<2x!tpu.dma_semaphore, #tpu.memory_space<semaphore_mem>> -> memref<1x!tpu.dma_semaphore, #tpu.memory_space<semaphore_mem>>
    %dma_start3A_89 = tpu.memref_squeeze %dma_start3A_88 : memref<1x!tpu.dma_semaphore, #tpu.memory_space<semaphore_mem>> -> memref<!tpu.dma_semaphore, #tpu.memory_space<semaphore_mem>>
    tpu.enqueue_indirect_dma source(%dma_start3A_87 : memref<1000000x32xf32, #tpu.memory_space<hbm>>) target(%dma_start3A_81 : memref<128x32xf32, #tpu.memory_space<vmem>>) offsets(%dma_start3A_84 : memref<128xi32, #tpu.memory_space<vmem>>) semaphore(%dma_start3A_89 : memref<!tpu.dma_semaphore, #tpu.memory_space<semaphore_mem>>)
    %dma_start3A_90 = arith.constant 0 : i32
    %dma_start3A_91 = arith.constant 2 : i32
    %dma_start3A_92 = arith.constant 0 : i32
    %dma_start3A_93 = arith.constant 2 : i32
    %dma_start3A_94 = arith.constant 0 : i32
    %dma_start3A_95 = arith.constant 128 : i32
    %dma_start3A_96 = arith.constant 0 : i32
    %dma_start3A_97 = tpu.memref_slice %arg9[%dma_start3A_92, %dma_start3A_93, %dma_start3A_95, %dma_start3A_96] : memref<2x8x200x32xf32, #tpu.memory_space<vmem>> -> memref<1x1x72x32xf32, #tpu.memory_space<vmem>>
    %dma_start3A_98 = tpu.memref_squeeze %dma_start3A_97 : memref<1x1x72x32xf32, #tpu.memory_space<vmem>> -> memref<72x32xf32, #tpu.memory_space<vmem>>
    %dma_start3A_99 = arith.constant 0 : i32
    %dma_start3A_100 = tpu.memref_slice %arg8[%dma_start3A_90, %dma_start3A_91, %dma_start3A_99] : memref<2x8x128xi32, #tpu.memory_space<vmem>> -> memref<1x1x72xi32, #tpu.memory_space<vmem>>
    %dma_start3A_101 = tpu.memref_squeeze %dma_start3A_100 : memref<1x1x72xi32, #tpu.memory_space<vmem>> -> memref<72xi32, #tpu.memory_space<vmem>>
    %dma_start3A_102 = arith.constant 0 : i32
    %dma_start3A_103 = arith.constant 0 : i32
    %dma_start3A_104 = tpu.memref_slice %arg2[%dma_start3A_102, %dma_start3A_103] : memref<1000000x32xf32, #tpu.memory_space<hbm>> -> memref<1000000x32xf32, #tpu.memory_space<hbm>>
    %dma_start3A_105 = tpu.memref_slice %arg11[%dma_start3A_94] : memref<2x!tpu.dma_semaphore, #tpu.memory_space<semaphore_mem>> -> memref<1x!tpu.dma_semaphore, #tpu.memory_space<semaphore_mem>>
    %dma_start3A_106 = tpu.memref_squeeze %dma_start3A_105 : memref<1x!tpu.dma_semaphore, #tpu.memory_space<semaphore_mem>> -> memref<!tpu.dma_semaphore, #tpu.memory_space<semaphore_mem>>
    tpu.enqueue_indirect_dma source(%dma_start3A_104 : memref<1000000x32xf32, #tpu.memory_space<hbm>>) target(%dma_start3A_98 : memref<72x32xf32, #tpu.memory_space<vmem>>) offsets(%dma_start3A_101 : memref<72xi32, #tpu.memory_space<vmem>>) semaphore(%dma_start3A_106 : memref<!tpu.dma_semaphore, #tpu.memory_space<semaphore_mem>>)
    %dma_start3A_107 = arith.constant 0 : i32
    %dma_start3A_108 = arith.constant 3 : i32
    %dma_start3A_109 = arith.constant 0 : i32
    %dma_start3A_110 = arith.constant 3 : i32
    %dma_start3A_111 = arith.constant 0 : i32
    %dma_start3A_112 = arith.constant 0 : i32
    %dma_start3A_113 = arith.constant 0 : i32
    %dma_start3A_114 = tpu.memref_slice %arg9[%dma_start3A_109, %dma_start3A_110, %dma_start3A_112, %dma_start3A_113] : memref<2x8x200x32xf32, #tpu.memory_space<vmem>> -> memref<1x1x128x32xf32, #tpu.memory_space<vmem>>
    %dma_start3A_115 = tpu.memref_squeeze %dma_start3A_114 : memref<1x1x128x32xf32, #tpu.memory_space<vmem>> -> memref<128x32xf32, #tpu.memory_space<vmem>>
    %dma_start3A_116 = arith.constant 0 : i32
    %dma_start3A_117 = tpu.memref_slice %arg7[%dma_start3A_107, %dma_start3A_108, %dma_start3A_116] : memref<2x8x128xi32, #tpu.memory_space<vmem>> -> memref<1x1x128xi32, #tpu.memory_space<vmem>>
    %dma_start3A_118 = tpu.memref_squeeze %dma_start3A_117 : memref<1x1x128xi32, #tpu.memory_space<vmem>> -> memref<128xi32, #tpu.memory_space<vmem>>
    %dma_start3A_119 = arith.constant 0 : i32
    %dma_start3A_120 = arith.constant 0 : i32
    %dma_start3A_121 = tpu.memref_slice %arg2[%dma_start3A_119, %dma_start3A_120] : memref<1000000x32xf32, #tpu.memory_space<hbm>> -> memref<1000000x32xf32, #tpu.memory_space<hbm>>
    %dma_start3A_122 = tpu.memref_slice %arg11[%dma_start3A_111] : memref<2x!tpu.dma_semaphore, #tpu.memory_space<semaphore_mem>> -> memref<1x!tpu.dma_semaphore, #tpu.memory_space<semaphore_mem>>
    %dma_start3A_123 = tpu.memref_squeeze %dma_start3A_122 : memref<1x!tpu.dma_semaphore, #tpu.memory_space<semaphore_mem>> -> memref<!tpu.dma_semaphore, #tpu.memory_space<semaphore_mem>>
    tpu.enqueue_indirect_dma source(%dma_start3A_121 : memref<1000000x32xf32, #tpu.memory_space<hbm>>) target(%dma_start3A_115 : memref<128x32xf32, #tpu.memory_space<vmem>>) offsets(%dma_start3A_118 : memref<128xi32, #tpu.memory_space<vmem>>) semaphore(%dma_start3A_123 : memref<!tpu.dma_semaphore, #tpu.memory_space<semaphore_mem>>)
    %dma_start3A_124 = arith.constant 0 : i32
    %dma_start3A_125 = arith.constant 3 : i32
    %dma_start3A_126 = arith.constant 0 : i32
    %dma_start3A_127 = arith.constant 3 : i32
    %dma_start3A_128 = arith.constant 0 : i32
    %dma_start3A_129 = arith.constant 128 : i32
    %dma_start3A_130 = arith.constant 0 : i32
    %dma_start3A_131 = tpu.memref_slice %arg9[%dma_start3A_126, %dma_start3A_127, %dma_start3A_129, %dma_start3A_130] : memref<2x8x200x32xf32, #tpu.memory_space<vmem>> -> memref<1x1x72x32xf32, #tpu.memory_space<vmem>>
    %dma_start3A_132 = tpu.memref_squeeze %dma_start3A_131 : memref<1x1x72x32xf32, #tpu.memory_space<vmem>> -> memref<72x32xf32, #tpu.memory_space<vmem>>
    %dma_start3A_133 = arith.constant 0 : i32
    %dma_start3A_134 = tpu.memref_slice %arg8[%dma_start3A_124, %dma_start3A_125, %dma_start3A_133] : memref<2x8x128xi32, #tpu.memory_space<vmem>> -> memref<1x1x72xi32, #tpu.memory_space<vmem>>
    %dma_start3A_135 = tpu.memref_squeeze %dma_start3A_134 : memref<1x1x72xi32, #tpu.memory_space<vmem>> -> memref<72xi32, #tpu.memory_space<vmem>>
    %dma_start3A_136 = arith.constant 0 : i32
    %dma_start3A_137 = arith.constant 0 : i32
    %dma_start3A_138 = tpu.memref_slice %arg2[%dma_start3A_136, %dma_start3A_137] : memref<1000000x32xf32, #tpu.memory_space<hbm>> -> memref<1000000x32xf32, #tpu.memory_space<hbm>>
    %dma_start3A_139 = tpu.memref_slice %arg11[%dma_start3A_128] : memref<2x!tpu.dma_semaphore, #tpu.memory_space<semaphore_mem>> -> memref<1x!tpu.dma_semaphore, #tpu.memory_space<semaphore_mem>>
    %dma_start3A_140 = tpu.memref_squeeze %dma_start3A_139 : memref<1x!tpu.dma_semaphore, #tpu.memory_space<semaphore_mem>> -> memref<!tpu.dma_semaphore, #tpu.memory_space<semaphore_mem>>
    tpu.enqueue_indirect_dma source(%dma_start3A_138 : memref<1000000x32xf32, #tpu.memory_space<hbm>>) target(%dma_start3A_132 : memref<72x32xf32, #tpu.memory_space<vmem>>) offsets(%dma_start3A_135 : memref<72xi32, #tpu.memory_space<vmem>>) semaphore(%dma_start3A_140 : memref<!tpu.dma_semaphore, #tpu.memory_space<semaphore_mem>>)
    %dma_start3A_141 = arith.constant 0 : i32
    %dma_start3A_142 = arith.constant 4 : i32
    %dma_start3A_143 = arith.constant 0 : i32
    %dma_start3A_144 = arith.constant 4 : i32
    %dma_start3A_145 = arith.constant 0 : i32
    %dma_start3A_146 = arith.constant 0 : i32
    %dma_start3A_147 = arith.constant 0 : i32
    %dma_start3A_148 = tpu.memref_slice %arg9[%dma_start3A_143, %dma_start3A_144, %dma_start3A_146, %dma_start3A_147] : memref<2x8x200x32xf32, #tpu.memory_space<vmem>> -> memref<1x1x128x32xf32, #tpu.memory_space<vmem>>
    %dma_start3A_149 = tpu.memref_squeeze %dma_start3A_148 : memref<1x1x128x32xf32, #tpu.memory_space<vmem>> -> memref<128x32xf32, #tpu.memory_space<vmem>>
    %dma_start3A_150 = arith.constant 0 : i32
    %dma_start3A_151 = tpu.memref_slice %arg7[%dma_start3A_141, %dma_start3A_142, %dma_start3A_150] : memref<2x8x128xi32, #tpu.memory_space<vmem>> -> memref<1x1x128xi32, #tpu.memory_space<vmem>>
    %dma_start3A_152 = tpu.memref_squeeze %dma_start3A_151 : memref<1x1x128xi32, #tpu.memory_space<vmem>> -> memref<128xi32, #tpu.memory_space<vmem>>
    %dma_start3A_153 = arith.constant 0 : i32
    %dma_start3A_154 = arith.constant 0 : i32
    %dma_start3A_155 = tpu.memref_slice %arg2[%dma_start3A_153, %dma_start3A_154] : memref<1000000x32xf32, #tpu.memory_space<hbm>> -> memref<1000000x32xf32, #tpu.memory_space<hbm>>
    %dma_start3A_156 = tpu.memref_slice %arg11[%dma_start3A_145] : memref<2x!tpu.dma_semaphore, #tpu.memory_space<semaphore_mem>> -> memref<1x!tpu.dma_semaphore, #tpu.memory_space<semaphore_mem>>
    %dma_start3A_157 = tpu.memref_squeeze %dma_start3A_156 : memref<1x!tpu.dma_semaphore, #tpu.memory_space<semaphore_mem>> -> memref<!tpu.dma_semaphore, #tpu.memory_space<semaphore_mem>>
    tpu.enqueue_indirect_dma source(%dma_start3A_155 : memref<1000000x32xf32, #tpu.memory_space<hbm>>) target(%dma_start3A_149 : memref<128x32xf32, #tpu.memory_space<vmem>>) offsets(%dma_start3A_152 : memref<128xi32, #tpu.memory_space<vmem>>) semaphore(%dma_start3A_157 : memref<!tpu.dma_semaphore, #tpu.memory_space<semaphore_mem>>)
    %dma_start3A_158 = arith.constant 0 : i32
    %dma_start3A_159 = arith.constant 4 : i32
    %dma_start3A_160 = arith.constant 0 : i32
    %dma_start3A_161 = arith.constant 4 : i32
    %dma_start3A_162 = arith.constant 0 : i32
    %dma_start3A_163 = arith.constant 128 : i32
    %dma_start3A_164 = arith.constant 0 : i32
    %dma_start3A_165 = tpu.memref_slice %arg9[%dma_start3A_160, %dma_start3A_161, %dma_start3A_163, %dma_start3A_164] : memref<2x8x200x32xf32, #tpu.memory_space<vmem>> -> memref<1x1x72x32xf32, #tpu.memory_space<vmem>>
    %dma_start3A_166 = tpu.memref_squeeze %dma_start3A_165 : memref<1x1x72x32xf32, #tpu.memory_space<vmem>> -> memref<72x32xf32, #tpu.memory_space<vmem>>
    %dma_start3A_167 = arith.constant 0 : i32
    %dma_start3A_168 = tpu.memref_slice %arg8[%dma_start3A_158, %dma_start3A_159, %dma_start3A_167] : memref<2x8x128xi32, #tpu.memory_space<vmem>> -> memref<1x1x72xi32, #tpu.memory_space<vmem>>
    %dma_start3A_169 = tpu.memref_squeeze %dma_start3A_168 : memref<1x1x72xi32, #tpu.memory_space<vmem>> -> memref<72xi32, #tpu.memory_space<vmem>>
    %dma_start3A_170 = arith.constant 0 : i32
    %dma_start3A_171 = arith.constant 0 : i32
    %dma_start3A_172 = tpu.memref_slice %arg2[%dma_start3A_170, %dma_start3A_171] : memref<1000000x32xf32, #tpu.memory_space<hbm>> -> memref<1000000x32xf32, #tpu.memory_space<hbm>>
    %dma_start3A_173 = tpu.memref_slice %arg11[%dma_start3A_162] : memref<2x!tpu.dma_semaphore, #tpu.memory_space<semaphore_mem>> -> memref<1x!tpu.dma_semaphore, #tpu.memory_space<semaphore_mem>>
    %dma_start3A_174 = tpu.memref_squeeze %dma_start3A_173 : memref<1x!tpu.dma_semaphore, #tpu.memory_space<semaphore_mem>> -> memref<!tpu.dma_semaphore, #tpu.memory_space<semaphore_mem>>
    tpu.enqueue_indirect_dma source(%dma_start3A_172 : memref<1000000x32xf32, #tpu.memory_space<hbm>>) target(%dma_start3A_166 : memref<72x32xf32, #tpu.memory_space<vmem>>) offsets(%dma_start3A_169 : memref<72xi32, #tpu.memory_space<vmem>>) semaphore(%dma_start3A_174 : memref<!tpu.dma_semaphore, #tpu.memory_space<semaphore_mem>>)
    %dma_start3A_175 = arith.constant 0 : i32
    %dma_start3A_176 = arith.constant 5 : i32
    %dma_start3A_177 = arith.constant 0 : i32
    %dma_start3A_178 = arith.constant 5 : i32
    %dma_start3A_179 = arith.constant 0 : i32
    %dma_start3A_180 = arith.constant 0 : i32
    %dma_start3A_181 = arith.constant 0 : i32
    %dma_start3A_182 = tpu.memref_slice %arg9[%dma_start3A_177, %dma_start3A_178, %dma_start3A_180, %dma_start3A_181] : memref<2x8x200x32xf32, #tpu.memory_space<vmem>> -> memref<1x1x128x32xf32, #tpu.memory_space<vmem>>
    %dma_start3A_183 = tpu.memref_squeeze %dma_start3A_182 : memref<1x1x128x32xf32, #tpu.memory_space<vmem>> -> memref<128x32xf32, #tpu.memory_space<vmem>>
    %dma_start3A_184 = arith.constant 0 : i32
    %dma_start3A_185 = tpu.memref_slice %arg7[%dma_start3A_175, %dma_start3A_176, %dma_start3A_184] : memref<2x8x128xi32, #tpu.memory_space<vmem>> -> memref<1x1x128xi32, #tpu.memory_space<vmem>>
    %dma_start3A_186 = tpu.memref_squeeze %dma_start3A_185 : memref<1x1x128xi32, #tpu.memory_space<vmem>> -> memref<128xi32, #tpu.memory_space<vmem>>
    %dma_start3A_187 = arith.constant 0 : i32
    %dma_start3A_188 = arith.constant 0 : i32
    %dma_start3A_189 = tpu.memref_slice %arg2[%dma_start3A_187, %dma_start3A_188] : memref<1000000x32xf32, #tpu.memory_space<hbm>> -> memref<1000000x32xf32, #tpu.memory_space<hbm>>
    %dma_start3A_190 = tpu.memref_slice %arg11[%dma_start3A_179] : memref<2x!tpu.dma_semaphore, #tpu.memory_space<semaphore_mem>> -> memref<1x!tpu.dma_semaphore, #tpu.memory_space<semaphore_mem>>
    %dma_start3A_191 = tpu.memref_squeeze %dma_start3A_190 : memref<1x!tpu.dma_semaphore, #tpu.memory_space<semaphore_mem>> -> memref<!tpu.dma_semaphore, #tpu.memory_space<semaphore_mem>>
    tpu.enqueue_indirect_dma source(%dma_start3A_189 : memref<1000000x32xf32, #tpu.memory_space<hbm>>) target(%dma_start3A_183 : memref<128x32xf32, #tpu.memory_space<vmem>>) offsets(%dma_start3A_186 : memref<128xi32, #tpu.memory_space<vmem>>) semaphore(%dma_start3A_191 : memref<!tpu.dma_semaphore, #tpu.memory_space<semaphore_mem>>)
    %dma_start3A_192 = arith.constant 0 : i32
    %dma_start3A_193 = arith.constant 5 : i32
    %dma_start3A_194 = arith.constant 0 : i32
    %dma_start3A_195 = arith.constant 5 : i32
    %dma_start3A_196 = arith.constant 0 : i32
    %dma_start3A_197 = arith.constant 128 : i32
    %dma_start3A_198 = arith.constant 0 : i32
    %dma_start3A_199 = tpu.memref_slice %arg9[%dma_start3A_194, %dma_start3A_195, %dma_start3A_197, %dma_start3A_198] : memref<2x8x200x32xf32, #tpu.memory_space<vmem>> -> memref<1x1x72x32xf32, #tpu.memory_space<vmem>>
    %dma_start3A_200 = tpu.memref_squeeze %dma_start3A_199 : memref<1x1x72x32xf32, #tpu.memory_space<vmem>> -> memref<72x32xf32, #tpu.memory_space<vmem>>
    %dma_start3A_201 = arith.constant 0 : i32
    %dma_start3A_202 = tpu.memref_slice %arg8[%dma_start3A_192, %dma_start3A_193, %dma_start3A_201] : memref<2x8x128xi32, #tpu.memory_space<vmem>> -> memref<1x1x72xi32, #tpu.memory_space<vmem>>
    %dma_start3A_203 = tpu.memref_squeeze %dma_start3A_202 : memref<1x1x72xi32, #tpu.memory_space<vmem>> -> memref<72xi32, #tpu.memory_space<vmem>>
    %dma_start3A_204 = arith.constant 0 : i32
    %dma_start3A_205 = arith.constant 0 : i32
    %dma_start3A_206 = tpu.memref_slice %arg2[%dma_start3A_204, %dma_start3A_205] : memref<1000000x32xf32, #tpu.memory_space<hbm>> -> memref<1000000x32xf32, #tpu.memory_space<hbm>>
    %dma_start3A_207 = tpu.memref_slice %arg11[%dma_start3A_196] : memref<2x!tpu.dma_semaphore, #tpu.memory_space<semaphore_mem>> -> memref<1x!tpu.dma_semaphore, #tpu.memory_space<semaphore_mem>>
    %dma_start3A_208 = tpu.memref_squeeze %dma_start3A_207 : memref<1x!tpu.dma_semaphore, #tpu.memory_space<semaphore_mem>> -> memref<!tpu.dma_semaphore, #tpu.memory_space<semaphore_mem>>
    tpu.enqueue_indirect_dma source(%dma_start3A_206 : memref<1000000x32xf32, #tpu.memory_space<hbm>>) target(%dma_start3A_200 : memref<72x32xf32, #tpu.memory_space<vmem>>) offsets(%dma_start3A_203 : memref<72xi32, #tpu.memory_space<vmem>>) semaphore(%dma_start3A_208 : memref<!tpu.dma_semaphore, #tpu.memory_space<semaphore_mem>>)
    %dma_start3A_209 = arith.constant 0 : i32
    %dma_start3A_210 = arith.constant 6 : i32
    %dma_start3A_211 = arith.constant 0 : i32
    %dma_start3A_212 = arith.constant 6 : i32
    %dma_start3A_213 = arith.constant 0 : i32
    %dma_start3A_214 = arith.constant 0 : i32
    %dma_start3A_215 = arith.constant 0 : i32
    %dma_start3A_216 = tpu.memref_slice %arg9[%dma_start3A_211, %dma_start3A_212, %dma_start3A_214, %dma_start3A_215] : memref<2x8x200x32xf32, #tpu.memory_space<vmem>> -> memref<1x1x128x32xf32, #tpu.memory_space<vmem>>
    %dma_start3A_217 = tpu.memref_squeeze %dma_start3A_216 : memref<1x1x128x32xf32, #tpu.memory_space<vmem>> -> memref<128x32xf32, #tpu.memory_space<vmem>>
    %dma_start3A_218 = arith.constant 0 : i32
    %dma_start3A_219 = tpu.memref_slice %arg7[%dma_start3A_209, %dma_start3A_210, %dma_start3A_218] : memref<2x8x128xi32, #tpu.memory_space<vmem>> -> memref<1x1x128xi32, #tpu.memory_space<vmem>>
    %dma_start3A_220 = tpu.memref_squeeze %dma_start3A_219 : memref<1x1x128xi32, #tpu.memory_space<vmem>> -> memref<128xi32, #tpu.memory_space<vmem>>
    %dma_start3A_221 = arith.constant 0 : i32
    %dma_start3A_222 = arith.constant 0 : i32
    %dma_start3A_223 = tpu.memref_slice %arg2[%dma_start3A_221, %dma_start3A_222] : memref<1000000x32xf32, #tpu.memory_space<hbm>> -> memref<1000000x32xf32, #tpu.memory_space<hbm>>
    %dma_start3A_224 = tpu.memref_slice %arg11[%dma_start3A_213] : memref<2x!tpu.dma_semaphore, #tpu.memory_space<semaphore_mem>> -> memref<1x!tpu.dma_semaphore, #tpu.memory_space<semaphore_mem>>
    %dma_start3A_225 = tpu.memref_squeeze %dma_start3A_224 : memref<1x!tpu.dma_semaphore, #tpu.memory_space<semaphore_mem>> -> memref<!tpu.dma_semaphore, #tpu.memory_space<semaphore_mem>>
    tpu.enqueue_indirect_dma source(%dma_start3A_223 : memref<1000000x32xf32, #tpu.memory_space<hbm>>) target(%dma_start3A_217 : memref<128x32xf32, #tpu.memory_space<vmem>>) offsets(%dma_start3A_220 : memref<128xi32, #tpu.memory_space<vmem>>) semaphore(%dma_start3A_225 : memref<!tpu.dma_semaphore, #tpu.memory_space<semaphore_mem>>)
    %dma_start3A_226 = arith.constant 0 : i32
    %dma_start3A_227 = arith.constant 6 : i32
    %dma_start3A_228 = arith.constant 0 : i32
    %dma_start3A_229 = arith.constant 6 : i32
    %dma_start3A_230 = arith.constant 0 : i32
    %dma_start3A_231 = arith.constant 128 : i32
    %dma_start3A_232 = arith.constant 0 : i32
    %dma_start3A_233 = tpu.memref_slice %arg9[%dma_start3A_228, %dma_start3A_229, %dma_start3A_231, %dma_start3A_232] : memref<2x8x200x32xf32, #tpu.memory_space<vmem>> -> memref<1x1x72x32xf32, #tpu.memory_space<vmem>>
    %dma_start3A_234 = tpu.memref_squeeze %dma_start3A_233 : memref<1x1x72x32xf32, #tpu.memory_space<vmem>> -> memref<72x32xf32, #tpu.memory_space<vmem>>
    %dma_start3A_235 = arith.constant 0 : i32
    %dma_start3A_236 = tpu.memref_slice %arg8[%dma_start3A_226, %dma_start3A_227, %dma_start3A_235] : memref<2x8x128xi32, #tpu.memory_space<vmem>> -> memref<1x1x72xi32, #tpu.memory_space<vmem>>
    %dma_start3A_237 = tpu.memref_squeeze %dma_start3A_236 : memref<1x1x72xi32, #tpu.memory_space<vmem>> -> memref<72xi32, #tpu.memory_space<vmem>>
    %dma_start3A_238 = arith.constant 0 : i32
    %dma_start3A_239 = arith.constant 0 : i32
    %dma_start3A_240 = tpu.memref_slice %arg2[%dma_start3A_238, %dma_start3A_239] : memref<1000000x32xf32, #tpu.memory_space<hbm>> -> memref<1000000x32xf32, #tpu.memory_space<hbm>>
    %dma_start3A_241 = tpu.memref_slice %arg11[%dma_start3A_230] : memref<2x!tpu.dma_semaphore, #tpu.memory_space<semaphore_mem>> -> memref<1x!tpu.dma_semaphore, #tpu.memory_space<semaphore_mem>>
    %dma_start3A_242 = tpu.memref_squeeze %dma_start3A_241 : memref<1x!tpu.dma_semaphore, #tpu.memory_space<semaphore_mem>> -> memref<!tpu.dma_semaphore, #tpu.memory_space<semaphore_mem>>
    tpu.enqueue_indirect_dma source(%dma_start3A_240 : memref<1000000x32xf32, #tpu.memory_space<hbm>>) target(%dma_start3A_234 : memref<72x32xf32, #tpu.memory_space<vmem>>) offsets(%dma_start3A_237 : memref<72xi32, #tpu.memory_space<vmem>>) semaphore(%dma_start3A_242 : memref<!tpu.dma_semaphore, #tpu.memory_space<semaphore_mem>>)
    %dma_start3A_243 = arith.constant 0 : i32
    %dma_start3A_244 = arith.constant 7 : i32
    %dma_start3A_245 = arith.constant 0 : i32
    %dma_start3A_246 = arith.constant 7 : i32
    %dma_start3A_247 = arith.constant 0 : i32
    %dma_start3A_248 = arith.constant 0 : i32
    %dma_start3A_249 = arith.constant 0 : i32
    %dma_start3A_250 = tpu.memref_slice %arg9[%dma_start3A_245, %dma_start3A_246, %dma_start3A_248, %dma_start3A_249] : memref<2x8x200x32xf32, #tpu.memory_space<vmem>> -> memref<1x1x128x32xf32, #tpu.memory_space<vmem>>
    %dma_start3A_251 = tpu.memref_squeeze %dma_start3A_250 : memref<1x1x128x32xf32, #tpu.memory_space<vmem>> -> memref<128x32xf32, #tpu.memory_space<vmem>>
    %dma_start3A_252 = arith.constant 0 : i32
    %dma_start3A_253 = tpu.memref_slice %arg7[%dma_start3A_243, %dma_start3A_244, %dma_start3A_252] : memref<2x8x128xi32, #tpu.memory_space<vmem>> -> memref<1x1x128xi32, #tpu.memory_space<vmem>>
    %dma_start3A_254 = tpu.memref_squeeze %dma_start3A_253 : memref<1x1x128xi32, #tpu.memory_space<vmem>> -> memref<128xi32, #tpu.memory_space<vmem>>
    %dma_start3A_255 = arith.constant 0 : i32
    %dma_start3A_256 = arith.constant 0 : i32
    %dma_start3A_257 = tpu.memref_slice %arg2[%dma_start3A_255, %dma_start3A_256] : memref<1000000x32xf32, #tpu.memory_space<hbm>> -> memref<1000000x32xf32, #tpu.memory_space<hbm>>
    %dma_start3A_258 = tpu.memref_slice %arg11[%dma_start3A_247] : memref<2x!tpu.dma_semaphore, #tpu.memory_space<semaphore_mem>> -> memref<1x!tpu.dma_semaphore, #tpu.memory_space<semaphore_mem>>
    %dma_start3A_259 = tpu.memref_squeeze %dma_start3A_258 : memref<1x!tpu.dma_semaphore, #tpu.memory_space<semaphore_mem>> -> memref<!tpu.dma_semaphore, #tpu.memory_space<semaphore_mem>>
    tpu.enqueue_indirect_dma source(%dma_start3A_257 : memref<1000000x32xf32, #tpu.memory_space<hbm>>) target(%dma_start3A_251 : memref<128x32xf32, #tpu.memory_space<vmem>>) offsets(%dma_start3A_254 : memref<128xi32, #tpu.memory_space<vmem>>) semaphore(%dma_start3A_259 : memref<!tpu.dma_semaphore, #tpu.memory_space<semaphore_mem>>)
    %dma_start3A_260 = arith.constant 0 : i32
    %dma_start3A_261 = arith.constant 7 : i32
    %dma_start3A_262 = arith.constant 0 : i32
    %dma_start3A_263 = arith.constant 7 : i32
    %dma_start3A_264 = arith.constant 0 : i32
    %dma_start3A_265 = arith.constant 128 : i32
    %dma_start3A_266 = arith.constant 0 : i32
    %dma_start3A_267 = tpu.memref_slice %arg9[%dma_start3A_262, %dma_start3A_263, %dma_start3A_265, %dma_start3A_266] : memref<2x8x200x32xf32, #tpu.memory_space<vmem>> -> memref<1x1x72x32xf32, #tpu.memory_space<vmem>>
    %dma_start3A_268 = tpu.memref_squeeze %dma_start3A_267 : memref<1x1x72x32xf32, #tpu.memory_space<vmem>> -> memref<72x32xf32, #tpu.memory_space<vmem>>
    %dma_start3A_269 = arith.constant 0 : i32
    %dma_start3A_270 = tpu.memref_slice %arg8[%dma_start3A_260, %dma_start3A_261, %dma_start3A_269] : memref<2x8x128xi32, #tpu.memory_space<vmem>> -> memref<1x1x72xi32, #tpu.memory_space<vmem>>
    %dma_start3A_271 = tpu.memref_squeeze %dma_start3A_270 : memref<1x1x72xi32, #tpu.memory_space<vmem>> -> memref<72xi32, #tpu.memory_space<vmem>>
    %dma_start3A_272 = arith.constant 0 : i32
    %dma_start3A_273 = arith.constant 0 : i32
    %dma_start3A_274 = tpu.memref_slice %arg2[%dma_start3A_272, %dma_start3A_273] : memref<1000000x32xf32, #tpu.memory_space<hbm>> -> memref<1000000x32xf32, #tpu.memory_space<hbm>>
    %dma_start3A_275 = tpu.memref_slice %arg11[%dma_start3A_264] : memref<2x!tpu.dma_semaphore, #tpu.memory_space<semaphore_mem>> -> memref<1x!tpu.dma_semaphore, #tpu.memory_space<semaphore_mem>>
    %dma_start3A_276 = tpu.memref_squeeze %dma_start3A_275 : memref<1x!tpu.dma_semaphore, #tpu.memory_space<semaphore_mem>> -> memref<!tpu.dma_semaphore, #tpu.memory_space<semaphore_mem>>
    tpu.enqueue_indirect_dma source(%dma_start3A_274 : memref<1000000x32xf32, #tpu.memory_space<hbm>>) target(%dma_start3A_268 : memref<72x32xf32, #tpu.memory_space<vmem>>) offsets(%dma_start3A_271 : memref<72xi32, #tpu.memory_space<vmem>>) semaphore(%dma_start3A_276 : memref<!tpu.dma_semaphore, #tpu.memory_space<semaphore_mem>>)
    %add3A_277 = arith.constant 8 : i32
    %add3A_278 = arith.addi %mul3A_2, %add3A_277 : i32
    %multiple_of3A_279 = tpu.assume_multiple %add3A_278, 8 : i32
    %run_scoped3A_280 = arith.constant 1 : i32
    "tpu.region"() ({
      %run_scoped3A_560 = tpu.sem_alloc : memref<!tpu.dma_semaphore, #tpu.memory_space<semaphore_mem>>
      %dma_start3A_561 = arith.constant 0 : i32
      %dma_start3A_562 = arith.constant 0 : i32
      %dma_start3A_563 = tpu.memref_slice %arg7[%run_scoped3A_280, %dma_start3A_561, %dma_start3A_562] : memref<2x8x128xi32, #tpu.memory_space<vmem>> -> memref<1x8x128xi32, #tpu.memory_space<vmem>>
      %dma_start3A_564 = tpu.memref_squeeze %dma_start3A_563 : memref<1x8x128xi32, #tpu.memory_space<vmem>> -> memref<8x128xi32, #tpu.memory_space<vmem>>
      %dma_start3A_565 = arith.constant 0 : i32
      %dma_start3A_566 = tpu.memref_slice %arg3[%multiple_of3A_279, %dma_start3A_565] : memref<4096x128xi32, #tpu.memory_space<hbm>> -> memref<8x128xi32, #tpu.memory_space<hbm>>
      %dma_start3A_567 = arith.constant 0 : i32
      %dma_start3A_568 = arith.constant 0 : i32
      %dma_start3A_569 = tpu.memref_slice %arg7[%run_scoped3A_280, %dma_start3A_567, %dma_start3A_568] : memref<2x8x128xi32, #tpu.memory_space<vmem>> -> memref<1x8x128xi32, #tpu.memory_space<vmem>>
      %dma_start3A_570 = tpu.memref_squeeze %dma_start3A_569 : memref<1x8x128xi32, #tpu.memory_space<vmem>> -> memref<8x128xi32, #tpu.memory_space<vmem>>
      %dma_start3A_571 = arith.constant 0 : i32
      %dma_start3A_572 = tpu.memref_slice %arg3[%multiple_of3A_279, %dma_start3A_571] : memref<4096x128xi32, #tpu.memory_space<hbm>> -> memref<8x128xi32, #tpu.memory_space<hbm>>
      tpu.enqueue_dma source(%dma_start3A_572 : memref<8x128xi32, #tpu.memory_space<hbm>>) target(%dma_start3A_570 : memref<8x128xi32, #tpu.memory_space<vmem>>) target_semaphore(%run_scoped3A_560 : memref<!tpu.dma_semaphore, #tpu.memory_space<semaphore_mem>>)
      %dma_wait3A = arith.constant 0 : i32
      %dma_wait3A_573 = arith.constant 0 : i32
      %dma_wait3A_574 = tpu.memref_slice %arg7[%run_scoped3A_280, %dma_wait3A, %dma_wait3A_573] : memref<2x8x128xi32, #tpu.memory_space<vmem>> -> memref<1x8x128xi32, #tpu.memory_space<vmem>>
      %dma_wait3A_575 = tpu.memref_squeeze %dma_wait3A_574 : memref<1x8x128xi32, #tpu.memory_space<vmem>> -> memref<8x128xi32, #tpu.memory_space<vmem>>
      %dma_wait3A_576 = arith.constant 0 : i32
      %dma_wait3A_577 = tpu.memref_slice %arg3[%multiple_of3A_279, %dma_wait3A_576] : memref<4096x128xi32, #tpu.memory_space<hbm>> -> memref<8x128xi32, #tpu.memory_space<hbm>>
      %dma_wait3A_578 = arith.constant 0 : i32
      %dma_wait3A_579 = arith.constant 0 : i32
      %dma_wait3A_580 = tpu.memref_slice %arg7[%run_scoped3A_280, %dma_wait3A_578, %dma_wait3A_579] : memref<2x8x128xi32, #tpu.memory_space<vmem>> -> memref<1x8x128xi32, #tpu.memory_space<vmem>>
      %dma_wait3A_581 = tpu.memref_squeeze %dma_wait3A_580 : memref<1x8x128xi32, #tpu.memory_space<vmem>> -> memref<8x128xi32, #tpu.memory_space<vmem>>
      %dma_wait3A_582 = arith.constant 0 : i32
      %dma_wait3A_583 = tpu.memref_slice %arg3[%multiple_of3A_279, %dma_wait3A_582] : memref<4096x128xi32, #tpu.memory_space<hbm>> -> memref<8x128xi32, #tpu.memory_space<hbm>>
      tpu.wait_dma2 semaphore(%run_scoped3A_560 : memref<!tpu.dma_semaphore, #tpu.memory_space<semaphore_mem>>) src(%dma_wait3A_583 : memref<8x128xi32, #tpu.memory_space<hbm>>) dst(%dma_wait3A_581 : memref<8x128xi32, #tpu.memory_space<vmem>>)
      tpu.yield
    }) : () -> ()
    %run_scoped3A_281 = arith.constant 1 : i32
    "tpu.region"() ({
      %run_scoped3A_560 = tpu.sem_alloc : memref<!tpu.dma_semaphore, #tpu.memory_space<semaphore_mem>>
      %dma_start3A_561 = arith.constant 0 : i32
      %dma_start3A_562 = arith.constant 0 : i32
      %dma_start3A_563 = tpu.memref_slice %arg8[%run_scoped3A_281, %dma_start3A_561, %dma_start3A_562] : memref<2x8x128xi32, #tpu.memory_space<vmem>> -> memref<1x8x128xi32, #tpu.memory_space<vmem>>
      %dma_start3A_564 = tpu.memref_squeeze %dma_start3A_563 : memref<1x8x128xi32, #tpu.memory_space<vmem>> -> memref<8x128xi32, #tpu.memory_space<vmem>>
      %dma_start3A_565 = arith.constant 0 : i32
      %dma_start3A_566 = tpu.memref_slice %arg4[%multiple_of3A_279, %dma_start3A_565] : memref<4096x128xi32, #tpu.memory_space<hbm>> -> memref<8x128xi32, #tpu.memory_space<hbm>>
      %dma_start3A_567 = arith.constant 0 : i32
      %dma_start3A_568 = arith.constant 0 : i32
      %dma_start3A_569 = tpu.memref_slice %arg8[%run_scoped3A_281, %dma_start3A_567, %dma_start3A_568] : memref<2x8x128xi32, #tpu.memory_space<vmem>> -> memref<1x8x128xi32, #tpu.memory_space<vmem>>
      %dma_start3A_570 = tpu.memref_squeeze %dma_start3A_569 : memref<1x8x128xi32, #tpu.memory_space<vmem>> -> memref<8x128xi32, #tpu.memory_space<vmem>>
      %dma_start3A_571 = arith.constant 0 : i32
      %dma_start3A_572 = tpu.memref_slice %arg4[%multiple_of3A_279, %dma_start3A_571] : memref<4096x128xi32, #tpu.memory_space<hbm>> -> memref<8x128xi32, #tpu.memory_space<hbm>>
      tpu.enqueue_dma source(%dma_start3A_572 : memref<8x128xi32, #tpu.memory_space<hbm>>) target(%dma_start3A_570 : memref<8x128xi32, #tpu.memory_space<vmem>>) target_semaphore(%run_scoped3A_560 : memref<!tpu.dma_semaphore, #tpu.memory_space<semaphore_mem>>)
      %dma_wait3A = arith.constant 0 : i32
      %dma_wait3A_573 = arith.constant 0 : i32
      %dma_wait3A_574 = tpu.memref_slice %arg8[%run_scoped3A_281, %dma_wait3A, %dma_wait3A_573] : memref<2x8x128xi32, #tpu.memory_space<vmem>> -> memref<1x8x128xi32, #tpu.memory_space<vmem>>
      %dma_wait3A_575 = tpu.memref_squeeze %dma_wait3A_574 : memref<1x8x128xi32, #tpu.memory_space<vmem>> -> memref<8x128xi32, #tpu.memory_space<vmem>>
      %dma_wait3A_576 = arith.constant 0 : i32
      %dma_wait3A_577 = tpu.memref_slice %arg4[%multiple_of3A_279, %dma_wait3A_576] : memref<4096x128xi32, #tpu.memory_space<hbm>> -> memref<8x128xi32, #tpu.memory_space<hbm>>
      %dma_wait3A_578 = arith.constant 0 : i32
      %dma_wait3A_579 = arith.constant 0 : i32
      %dma_wait3A_580 = tpu.memref_slice %arg8[%run_scoped3A_281, %dma_wait3A_578, %dma_wait3A_579] : memref<2x8x128xi32, #tpu.memory_space<vmem>> -> memref<1x8x128xi32, #tpu.memory_space<vmem>>
      %dma_wait3A_581 = tpu.memref_squeeze %dma_wait3A_580 : memref<1x8x128xi32, #tpu.memory_space<vmem>> -> memref<8x128xi32, #tpu.memory_space<vmem>>
      %dma_wait3A_582 = arith.constant 0 : i32
      %dma_wait3A_583 = tpu.memref_slice %arg4[%multiple_of3A_279, %dma_wait3A_582] : memref<4096x128xi32, #tpu.memory_space<hbm>> -> memref<8x128xi32, #tpu.memory_space<hbm>>
      tpu.wait_dma2 semaphore(%run_scoped3A_560 : memref<!tpu.dma_semaphore, #tpu.memory_space<semaphore_mem>>) src(%dma_wait3A_583 : memref<8x128xi32, #tpu.memory_space<hbm>>) dst(%dma_wait3A_581 : memref<8x128xi32, #tpu.memory_space<vmem>>)
      tpu.yield
    }) : () -> ()
    %dma_start3A_282 = arith.constant 1 : i32
    %dma_start3A_283 = arith.constant 0 : i32
    %dma_start3A_284 = arith.constant 1 : i32
    %dma_start3A_285 = arith.constant 0 : i32
    %dma_start3A_286 = arith.constant 1 : i32
    %dma_start3A_287 = arith.constant 0 : i32
    %dma_start3A_288 = arith.constant 0 : i32
    %dma_start3A_289 = tpu.memref_slice %arg9[%dma_start3A_284, %dma_start3A_285, %dma_start3A_287, %dma_start3A_288] : memref<2x8x200x32xf32, #tpu.memory_space<vmem>> -> memref<1x1x128x32xf32, #tpu.memory_space<vmem>>
    %dma_start3A_290 = tpu.memref_squeeze %dma_start3A_289 : memref<1x1x128x32xf32, #tpu.memory_space<vmem>> -> memref<128x32xf32, #tpu.memory_space<vmem>>
    %dma_start3A_291 = arith.constant 0 : i32
    %dma_start3A_292 = tpu.memref_slice %arg7[%dma_start3A_282, %dma_start3A_283, %dma_start3A_291] : memref<2x8x128xi32, #tpu.memory_space<vmem>> -> memref<1x1x128xi32, #tpu.memory_space<vmem>>
    %dma_start3A_293 = tpu.memref_squeeze %dma_start3A_292 : memref<1x1x128xi32, #tpu.memory_space<vmem>> -> memref<128xi32, #tpu.memory_space<vmem>>
    %dma_start3A_294 = arith.constant 0 : i32
    %dma_start3A_295 = arith.constant 0 : i32
    %dma_start3A_296 = tpu.memref_slice %arg2[%dma_start3A_294, %dma_start3A_295] : memref<1000000x32xf32, #tpu.memory_space<hbm>> -> memref<1000000x32xf32, #tpu.memory_space<hbm>>
    %dma_start3A_297 = tpu.memref_slice %arg11[%dma_start3A_286] : memref<2x!tpu.dma_semaphore, #tpu.memory_space<semaphore_mem>> -> memref<1x!tpu.dma_semaphore, #tpu.memory_space<semaphore_mem>>
    %dma_start3A_298 = tpu.memref_squeeze %dma_start3A_297 : memref<1x!tpu.dma_semaphore, #tpu.memory_space<semaphore_mem>> -> memref<!tpu.dma_semaphore, #tpu.memory_space<semaphore_mem>>
    tpu.enqueue_indirect_dma source(%dma_start3A_296 : memref<1000000x32xf32, #tpu.memory_space<hbm>>) target(%dma_start3A_290 : memref<128x32xf32, #tpu.memory_space<vmem>>) offsets(%dma_start3A_293 : memref<128xi32, #tpu.memory_space<vmem>>) semaphore(%dma_start3A_298 : memref<!tpu.dma_semaphore, #tpu.memory_space<semaphore_mem>>)
    %dma_start3A_299 = arith.constant 1 : i32
    %dma_start3A_300 = arith.constant 0 : i32
    %dma_start3A_301 = arith.constant 1 : i32
    %dma_start3A_302 = arith.constant 0 : i32
    %dma_start3A_303 = arith.constant 1 : i32
    %dma_start3A_304 = arith.constant 128 : i32
    %dma_start3A_305 = arith.constant 0 : i32
    %dma_start3A_306 = tpu.memref_slice %arg9[%dma_start3A_301, %dma_start3A_302, %dma_start3A_304, %dma_start3A_305] : memref<2x8x200x32xf32, #tpu.memory_space<vmem>> -> memref<1x1x72x32xf32, #tpu.memory_space<vmem>>
    %dma_start3A_307 = tpu.memref_squeeze %dma_start3A_306 : memref<1x1x72x32xf32, #tpu.memory_space<vmem>> -> memref<72x32xf32, #tpu.memory_space<vmem>>
    %dma_start3A_308 = arith.constant 0 : i32
    %dma_start3A_309 = tpu.memref_slice %arg8[%dma_start3A_299, %dma_start3A_300, %dma_start3A_308] : memref<2x8x128xi32, #tpu.memory_space<vmem>> -> memref<1x1x72xi32, #tpu.memory_space<vmem>>
    %dma_start3A_310 = tpu.memref_squeeze %dma_start3A_309 : memref<1x1x72xi32, #tpu.memory_space<vmem>> -> memref<72xi32, #tpu.memory_space<vmem>>
    %dma_start3A_311 = arith.constant 0 : i32
    %dma_start3A_312 = arith.constant 0 : i32
    %dma_start3A_313 = tpu.memref_slice %arg2[%dma_start3A_311, %dma_start3A_312] : memref<1000000x32xf32, #tpu.memory_space<hbm>> -> memref<1000000x32xf32, #tpu.memory_space<hbm>>
    %dma_start3A_314 = tpu.memref_slice %arg11[%dma_start3A_303] : memref<2x!tpu.dma_semaphore, #tpu.memory_space<semaphore_mem>> -> memref<1x!tpu.dma_semaphore, #tpu.memory_space<semaphore_mem>>
    %dma_start3A_315 = tpu.memref_squeeze %dma_start3A_314 : memref<1x!tpu.dma_semaphore, #tpu.memory_space<semaphore_mem>> -> memref<!tpu.dma_semaphore, #tpu.memory_space<semaphore_mem>>
    tpu.enqueue_indirect_dma source(%dma_start3A_313 : memref<1000000x32xf32, #tpu.memory_space<hbm>>) target(%dma_start3A_307 : memref<72x32xf32, #tpu.memory_space<vmem>>) offsets(%dma_start3A_310 : memref<72xi32, #tpu.memory_space<vmem>>) semaphore(%dma_start3A_315 : memref<!tpu.dma_semaphore, #tpu.memory_space<semaphore_mem>>)
    %dma_start3A_316 = arith.constant 1 : i32
    %dma_start3A_317 = arith.constant 1 : i32
    %dma_start3A_318 = arith.constant 1 : i32
    %dma_start3A_319 = arith.constant 1 : i32
    %dma_start3A_320 = arith.constant 1 : i32
    %dma_start3A_321 = arith.constant 0 : i32
    %dma_start3A_322 = arith.constant 0 : i32
    %dma_start3A_323 = tpu.memref_slice %arg9[%dma_start3A_318, %dma_start3A_319, %dma_start3A_321, %dma_start3A_322] : memref<2x8x200x32xf32, #tpu.memory_space<vmem>> -> memref<1x1x128x32xf32, #tpu.memory_space<vmem>>
    %dma_start3A_324 = tpu.memref_squeeze %dma_start3A_323 : memref<1x1x128x32xf32, #tpu.memory_space<vmem>> -> memref<128x32xf32, #tpu.memory_space<vmem>>
    %dma_start3A_325 = arith.constant 0 : i32
    %dma_start3A_326 = tpu.memref_slice %arg7[%dma_start3A_316, %dma_start3A_317, %dma_start3A_325] : memref<2x8x128xi32, #tpu.memory_space<vmem>> -> memref<1x1x128xi32, #tpu.memory_space<vmem>>
    %dma_start3A_327 = tpu.memref_squeeze %dma_start3A_326 : memref<1x1x128xi32, #tpu.memory_space<vmem>> -> memref<128xi32, #tpu.memory_space<vmem>>
    %dma_start3A_328 = arith.constant 0 : i32
    %dma_start3A_329 = arith.constant 0 : i32
    %dma_start3A_330 = tpu.memref_slice %arg2[%dma_start3A_328, %dma_start3A_329] : memref<1000000x32xf32, #tpu.memory_space<hbm>> -> memref<1000000x32xf32, #tpu.memory_space<hbm>>
    %dma_start3A_331 = tpu.memref_slice %arg11[%dma_start3A_320] : memref<2x!tpu.dma_semaphore, #tpu.memory_space<semaphore_mem>> -> memref<1x!tpu.dma_semaphore, #tpu.memory_space<semaphore_mem>>
    %dma_start3A_332 = tpu.memref_squeeze %dma_start3A_331 : memref<1x!tpu.dma_semaphore, #tpu.memory_space<semaphore_mem>> -> memref<!tpu.dma_semaphore, #tpu.memory_space<semaphore_mem>>
    tpu.enqueue_indirect_dma source(%dma_start3A_330 : memref<1000000x32xf32, #tpu.memory_space<hbm>>) target(%dma_start3A_324 : memref<128x32xf32, #tpu.memory_space<vmem>>) offsets(%dma_start3A_327 : memref<128xi32, #tpu.memory_space<vmem>>) semaphore(%dma_start3A_332 : memref<!tpu.dma_semaphore, #tpu.memory_space<semaphore_mem>>)
    %dma_start3A_333 = arith.constant 1 : i32
    %dma_start3A_334 = arith.constant 1 : i32
    %dma_start3A_335 = arith.constant 1 : i32
    %dma_start3A_336 = arith.constant 1 : i32
    %dma_start3A_337 = arith.constant 1 : i32
    %dma_start3A_338 = arith.constant 128 : i32
    %dma_start3A_339 = arith.constant 0 : i32
    %dma_start3A_340 = tpu.memref_slice %arg9[%dma_start3A_335, %dma_start3A_336, %dma_start3A_338, %dma_start3A_339] : memref<2x8x200x32xf32, #tpu.memory_space<vmem>> -> memref<1x1x72x32xf32, #tpu.memory_space<vmem>>
    %dma_start3A_341 = tpu.memref_squeeze %dma_start3A_340 : memref<1x1x72x32xf32, #tpu.memory_space<vmem>> -> memref<72x32xf32, #tpu.memory_space<vmem>>
    %dma_start3A_342 = arith.constant 0 : i32
    %dma_start3A_343 = tpu.memref_slice %arg8[%dma_start3A_333, %dma_start3A_334, %dma_start3A_342] : memref<2x8x128xi32, #tpu.memory_space<vmem>> -> memref<1x1x72xi32, #tpu.memory_space<vmem>>
    %dma_start3A_344 = tpu.memref_squeeze %dma_start3A_343 : memref<1x1x72xi32, #tpu.memory_space<vmem>> -> memref<72xi32, #tpu.memory_space<vmem>>
    %dma_start3A_345 = arith.constant 0 : i32
    %dma_start3A_346 = arith.constant 0 : i32
    %dma_start3A_347 = tpu.memref_slice %arg2[%dma_start3A_345, %dma_start3A_346] : memref<1000000x32xf32, #tpu.memory_space<hbm>> -> memref<1000000x32xf32, #tpu.memory_space<hbm>>
    %dma_start3A_348 = tpu.memref_slice %arg11[%dma_start3A_337] : memref<2x!tpu.dma_semaphore, #tpu.memory_space<semaphore_mem>> -> memref<1x!tpu.dma_semaphore, #tpu.memory_space<semaphore_mem>>
    %dma_start3A_349 = tpu.memref_squeeze %dma_start3A_348 : memref<1x!tpu.dma_semaphore, #tpu.memory_space<semaphore_mem>> -> memref<!tpu.dma_semaphore, #tpu.memory_space<semaphore_mem>>
    tpu.enqueue_indirect_dma source(%dma_start3A_347 : memref<1000000x32xf32, #tpu.memory_space<hbm>>) target(%dma_start3A_341 : memref<72x32xf32, #tpu.memory_space<vmem>>) offsets(%dma_start3A_344 : memref<72xi32, #tpu.memory_space<vmem>>) semaphore(%dma_start3A_349 : memref<!tpu.dma_semaphore, #tpu.memory_space<semaphore_mem>>)
    %dma_start3A_350 = arith.constant 1 : i32
    %dma_start3A_351 = arith.constant 2 : i32
    %dma_start3A_352 = arith.constant 1 : i32
    %dma_start3A_353 = arith.constant 2 : i32
    %dma_start3A_354 = arith.constant 1 : i32
    %dma_start3A_355 = arith.constant 0 : i32
    %dma_start3A_356 = arith.constant 0 : i32
    %dma_start3A_357 = tpu.memref_slice %arg9[%dma_start3A_352, %dma_start3A_353, %dma_start3A_355, %dma_start3A_356] : memref<2x8x200x32xf32, #tpu.memory_space<vmem>> -> memref<1x1x128x32xf32, #tpu.memory_space<vmem>>
    %dma_start3A_358 = tpu.memref_squeeze %dma_start3A_357 : memref<1x1x128x32xf32, #tpu.memory_space<vmem>> -> memref<128x32xf32, #tpu.memory_space<vmem>>
    %dma_start3A_359 = arith.constant 0 : i32
    %dma_start3A_360 = tpu.memref_slice %arg7[%dma_start3A_350, %dma_start3A_351, %dma_start3A_359] : memref<2x8x128xi32, #tpu.memory_space<vmem>> -> memref<1x1x128xi32, #tpu.memory_space<vmem>>
    %dma_start3A_361 = tpu.memref_squeeze %dma_start3A_360 : memref<1x1x128xi32, #tpu.memory_space<vmem>> -> memref<128xi32, #tpu.memory_space<vmem>>
    %dma_start3A_362 = arith.constant 0 : i32
    %dma_start3A_363 = arith.constant 0 : i32
    %dma_start3A_364 = tpu.memref_slice %arg2[%dma_start3A_362, %dma_start3A_363] : memref<1000000x32xf32, #tpu.memory_space<hbm>> -> memref<1000000x32xf32, #tpu.memory_space<hbm>>
    %dma_start3A_365 = tpu.memref_slice %arg11[%dma_start3A_354] : memref<2x!tpu.dma_semaphore, #tpu.memory_space<semaphore_mem>> -> memref<1x!tpu.dma_semaphore, #tpu.memory_space<semaphore_mem>>
    %dma_start3A_366 = tpu.memref_squeeze %dma_start3A_365 : memref<1x!tpu.dma_semaphore, #tpu.memory_space<semaphore_mem>> -> memref<!tpu.dma_semaphore, #tpu.memory_space<semaphore_mem>>
    tpu.enqueue_indirect_dma source(%dma_start3A_364 : memref<1000000x32xf32, #tpu.memory_space<hbm>>) target(%dma_start3A_358 : memref<128x32xf32, #tpu.memory_space<vmem>>) offsets(%dma_start3A_361 : memref<128xi32, #tpu.memory_space<vmem>>) semaphore(%dma_start3A_366 : memref<!tpu.dma_semaphore, #tpu.memory_space<semaphore_mem>>)
    %dma_start3A_367 = arith.constant 1 : i32
    %dma_start3A_368 = arith.constant 2 : i32
    %dma_start3A_369 = arith.constant 1 : i32
    %dma_start3A_370 = arith.constant 2 : i32
    %dma_start3A_371 = arith.constant 1 : i32
    %dma_start3A_372 = arith.constant 128 : i32
    %dma_start3A_373 = arith.constant 0 : i32
    %dma_start3A_374 = tpu.memref_slice %arg9[%dma_start3A_369, %dma_start3A_370, %dma_start3A_372, %dma_start3A_373] : memref<2x8x200x32xf32, #tpu.memory_space<vmem>> -> memref<1x1x72x32xf32, #tpu.memory_space<vmem>>
    %dma_start3A_375 = tpu.memref_squeeze %dma_start3A_374 : memref<1x1x72x32xf32, #tpu.memory_space<vmem>> -> memref<72x32xf32, #tpu.memory_space<vmem>>
    %dma_start3A_376 = arith.constant 0 : i32
    %dma_start3A_377 = tpu.memref_slice %arg8[%dma_start3A_367, %dma_start3A_368, %dma_start3A_376] : memref<2x8x128xi32, #tpu.memory_space<vmem>> -> memref<1x1x72xi32, #tpu.memory_space<vmem>>
    %dma_start3A_378 = tpu.memref_squeeze %dma_start3A_377 : memref<1x1x72xi32, #tpu.memory_space<vmem>> -> memref<72xi32, #tpu.memory_space<vmem>>
    %dma_start3A_379 = arith.constant 0 : i32
    %dma_start3A_380 = arith.constant 0 : i32
    %dma_start3A_381 = tpu.memref_slice %arg2[%dma_start3A_379, %dma_start3A_380] : memref<1000000x32xf32, #tpu.memory_space<hbm>> -> memref<1000000x32xf32, #tpu.memory_space<hbm>>
    %dma_start3A_382 = tpu.memref_slice %arg11[%dma_start3A_371] : memref<2x!tpu.dma_semaphore, #tpu.memory_space<semaphore_mem>> -> memref<1x!tpu.dma_semaphore, #tpu.memory_space<semaphore_mem>>
    %dma_start3A_383 = tpu.memref_squeeze %dma_start3A_382 : memref<1x!tpu.dma_semaphore, #tpu.memory_space<semaphore_mem>> -> memref<!tpu.dma_semaphore, #tpu.memory_space<semaphore_mem>>
    tpu.enqueue_indirect_dma source(%dma_start3A_381 : memref<1000000x32xf32, #tpu.memory_space<hbm>>) target(%dma_start3A_375 : memref<72x32xf32, #tpu.memory_space<vmem>>) offsets(%dma_start3A_378 : memref<72xi32, #tpu.memory_space<vmem>>) semaphore(%dma_start3A_383 : memref<!tpu.dma_semaphore, #tpu.memory_space<semaphore_mem>>)
    %dma_start3A_384 = arith.constant 1 : i32
    %dma_start3A_385 = arith.constant 3 : i32
    %dma_start3A_386 = arith.constant 1 : i32
    %dma_start3A_387 = arith.constant 3 : i32
    %dma_start3A_388 = arith.constant 1 : i32
    %dma_start3A_389 = arith.constant 0 : i32
    %dma_start3A_390 = arith.constant 0 : i32
    %dma_start3A_391 = tpu.memref_slice %arg9[%dma_start3A_386, %dma_start3A_387, %dma_start3A_389, %dma_start3A_390] : memref<2x8x200x32xf32, #tpu.memory_space<vmem>> -> memref<1x1x128x32xf32, #tpu.memory_space<vmem>>
    %dma_start3A_392 = tpu.memref_squeeze %dma_start3A_391 : memref<1x1x128x32xf32, #tpu.memory_space<vmem>> -> memref<128x32xf32, #tpu.memory_space<vmem>>
    %dma_start3A_393 = arith.constant 0 : i32
    %dma_start3A_394 = tpu.memref_slice %arg7[%dma_start3A_384, %dma_start3A_385, %dma_start3A_393] : memref<2x8x128xi32, #tpu.memory_space<vmem>> -> memref<1x1x128xi32, #tpu.memory_space<vmem>>
    %dma_start3A_395 = tpu.memref_squeeze %dma_start3A_394 : memref<1x1x128xi32, #tpu.memory_space<vmem>> -> memref<128xi32, #tpu.memory_space<vmem>>
    %dma_start3A_396 = arith.constant 0 : i32
    %dma_start3A_397 = arith.constant 0 : i32
    %dma_start3A_398 = tpu.memref_slice %arg2[%dma_start3A_396, %dma_start3A_397] : memref<1000000x32xf32, #tpu.memory_space<hbm>> -> memref<1000000x32xf32, #tpu.memory_space<hbm>>
    %dma_start3A_399 = tpu.memref_slice %arg11[%dma_start3A_388] : memref<2x!tpu.dma_semaphore, #tpu.memory_space<semaphore_mem>> -> memref<1x!tpu.dma_semaphore, #tpu.memory_space<semaphore_mem>>
    %dma_start3A_400 = tpu.memref_squeeze %dma_start3A_399 : memref<1x!tpu.dma_semaphore, #tpu.memory_space<semaphore_mem>> -> memref<!tpu.dma_semaphore, #tpu.memory_space<semaphore_mem>>
    tpu.enqueue_indirect_dma source(%dma_start3A_398 : memref<1000000x32xf32, #tpu.memory_space<hbm>>) target(%dma_start3A_392 : memref<128x32xf32, #tpu.memory_space<vmem>>) offsets(%dma_start3A_395 : memref<128xi32, #tpu.memory_space<vmem>>) semaphore(%dma_start3A_400 : memref<!tpu.dma_semaphore, #tpu.memory_space<semaphore_mem>>)
    %dma_start3A_401 = arith.constant 1 : i32
    %dma_start3A_402 = arith.constant 3 : i32
    %dma_start3A_403 = arith.constant 1 : i32
    %dma_start3A_404 = arith.constant 3 : i32
    %dma_start3A_405 = arith.constant 1 : i32
    %dma_start3A_406 = arith.constant 128 : i32
    %dma_start3A_407 = arith.constant 0 : i32
    %dma_start3A_408 = tpu.memref_slice %arg9[%dma_start3A_403, %dma_start3A_404, %dma_start3A_406, %dma_start3A_407] : memref<2x8x200x32xf32, #tpu.memory_space<vmem>> -> memref<1x1x72x32xf32, #tpu.memory_space<vmem>>
    %dma_start3A_409 = tpu.memref_squeeze %dma_start3A_408 : memref<1x1x72x32xf32, #tpu.memory_space<vmem>> -> memref<72x32xf32, #tpu.memory_space<vmem>>
    %dma_start3A_410 = arith.constant 0 : i32
    %dma_start3A_411 = tpu.memref_slice %arg8[%dma_start3A_401, %dma_start3A_402, %dma_start3A_410] : memref<2x8x128xi32, #tpu.memory_space<vmem>> -> memref<1x1x72xi32, #tpu.memory_space<vmem>>
    %dma_start3A_412 = tpu.memref_squeeze %dma_start3A_411 : memref<1x1x72xi32, #tpu.memory_space<vmem>> -> memref<72xi32, #tpu.memory_space<vmem>>
    %dma_start3A_413 = arith.constant 0 : i32
    %dma_start3A_414 = arith.constant 0 : i32
    %dma_start3A_415 = tpu.memref_slice %arg2[%dma_start3A_413, %dma_start3A_414] : memref<1000000x32xf32, #tpu.memory_space<hbm>> -> memref<1000000x32xf32, #tpu.memory_space<hbm>>
    %dma_start3A_416 = tpu.memref_slice %arg11[%dma_start3A_405] : memref<2x!tpu.dma_semaphore, #tpu.memory_space<semaphore_mem>> -> memref<1x!tpu.dma_semaphore, #tpu.memory_space<semaphore_mem>>
    %dma_start3A_417 = tpu.memref_squeeze %dma_start3A_416 : memref<1x!tpu.dma_semaphore, #tpu.memory_space<semaphore_mem>> -> memref<!tpu.dma_semaphore, #tpu.memory_space<semaphore_mem>>
    tpu.enqueue_indirect_dma source(%dma_start3A_415 : memref<1000000x32xf32, #tpu.memory_space<hbm>>) target(%dma_start3A_409 : memref<72x32xf32, #tpu.memory_space<vmem>>) offsets(%dma_start3A_412 : memref<72xi32, #tpu.memory_space<vmem>>) semaphore(%dma_start3A_417 : memref<!tpu.dma_semaphore, #tpu.memory_space<semaphore_mem>>)
    %dma_start3A_418 = arith.constant 1 : i32
    %dma_start3A_419 = arith.constant 4 : i32
    %dma_start3A_420 = arith.constant 1 : i32
    %dma_start3A_421 = arith.constant 4 : i32
    %dma_start3A_422 = arith.constant 1 : i32
    %dma_start3A_423 = arith.constant 0 : i32
    %dma_start3A_424 = arith.constant 0 : i32
    %dma_start3A_425 = tpu.memref_slice %arg9[%dma_start3A_420, %dma_start3A_421, %dma_start3A_423, %dma_start3A_424] : memref<2x8x200x32xf32, #tpu.memory_space<vmem>> -> memref<1x1x128x32xf32, #tpu.memory_space<vmem>>
    %dma_start3A_426 = tpu.memref_squeeze %dma_start3A_425 : memref<1x1x128x32xf32, #tpu.memory_space<vmem>> -> memref<128x32xf32, #tpu.memory_space<vmem>>
    %dma_start3A_427 = arith.constant 0 : i32
    %dma_start3A_428 = tpu.memref_slice %arg7[%dma_start3A_418, %dma_start3A_419, %dma_start3A_427] : memref<2x8x128xi32, #tpu.memory_space<vmem>> -> memref<1x1x128xi32, #tpu.memory_space<vmem>>
    %dma_start3A_429 = tpu.memref_squeeze %dma_start3A_428 : memref<1x1x128xi32, #tpu.memory_space<vmem>> -> memref<128xi32, #tpu.memory_space<vmem>>
    %dma_start3A_430 = arith.constant 0 : i32
    %dma_start3A_431 = arith.constant 0 : i32
    %dma_start3A_432 = tpu.memref_slice %arg2[%dma_start3A_430, %dma_start3A_431] : memref<1000000x32xf32, #tpu.memory_space<hbm>> -> memref<1000000x32xf32, #tpu.memory_space<hbm>>
    %dma_start3A_433 = tpu.memref_slice %arg11[%dma_start3A_422] : memref<2x!tpu.dma_semaphore, #tpu.memory_space<semaphore_mem>> -> memref<1x!tpu.dma_semaphore, #tpu.memory_space<semaphore_mem>>
    %dma_start3A_434 = tpu.memref_squeeze %dma_start3A_433 : memref<1x!tpu.dma_semaphore, #tpu.memory_space<semaphore_mem>> -> memref<!tpu.dma_semaphore, #tpu.memory_space<semaphore_mem>>
    tpu.enqueue_indirect_dma source(%dma_start3A_432 : memref<1000000x32xf32, #tpu.memory_space<hbm>>) target(%dma_start3A_426 : memref<128x32xf32, #tpu.memory_space<vmem>>) offsets(%dma_start3A_429 : memref<128xi32, #tpu.memory_space<vmem>>) semaphore(%dma_start3A_434 : memref<!tpu.dma_semaphore, #tpu.memory_space<semaphore_mem>>)
    %dma_start3A_435 = arith.constant 1 : i32
    %dma_start3A_436 = arith.constant 4 : i32
    %dma_start3A_437 = arith.constant 1 : i32
    %dma_start3A_438 = arith.constant 4 : i32
    %dma_start3A_439 = arith.constant 1 : i32
    %dma_start3A_440 = arith.constant 128 : i32
    %dma_start3A_441 = arith.constant 0 : i32
    %dma_start3A_442 = tpu.memref_slice %arg9[%dma_start3A_437, %dma_start3A_438, %dma_start3A_440, %dma_start3A_441] : memref<2x8x200x32xf32, #tpu.memory_space<vmem>> -> memref<1x1x72x32xf32, #tpu.memory_space<vmem>>
    %dma_start3A_443 = tpu.memref_squeeze %dma_start3A_442 : memref<1x1x72x32xf32, #tpu.memory_space<vmem>> -> memref<72x32xf32, #tpu.memory_space<vmem>>
    %dma_start3A_444 = arith.constant 0 : i32
    %dma_start3A_445 = tpu.memref_slice %arg8[%dma_start3A_435, %dma_start3A_436, %dma_start3A_444] : memref<2x8x128xi32, #tpu.memory_space<vmem>> -> memref<1x1x72xi32, #tpu.memory_space<vmem>>
    %dma_start3A_446 = tpu.memref_squeeze %dma_start3A_445 : memref<1x1x72xi32, #tpu.memory_space<vmem>> -> memref<72xi32, #tpu.memory_space<vmem>>
    %dma_start3A_447 = arith.constant 0 : i32
    %dma_start3A_448 = arith.constant 0 : i32
    %dma_start3A_449 = tpu.memref_slice %arg2[%dma_start3A_447, %dma_start3A_448] : memref<1000000x32xf32, #tpu.memory_space<hbm>> -> memref<1000000x32xf32, #tpu.memory_space<hbm>>
    %dma_start3A_450 = tpu.memref_slice %arg11[%dma_start3A_439] : memref<2x!tpu.dma_semaphore, #tpu.memory_space<semaphore_mem>> -> memref<1x!tpu.dma_semaphore, #tpu.memory_space<semaphore_mem>>
    %dma_start3A_451 = tpu.memref_squeeze %dma_start3A_450 : memref<1x!tpu.dma_semaphore, #tpu.memory_space<semaphore_mem>> -> memref<!tpu.dma_semaphore, #tpu.memory_space<semaphore_mem>>
    tpu.enqueue_indirect_dma source(%dma_start3A_449 : memref<1000000x32xf32, #tpu.memory_space<hbm>>) target(%dma_start3A_443 : memref<72x32xf32, #tpu.memory_space<vmem>>) offsets(%dma_start3A_446 : memref<72xi32, #tpu.memory_space<vmem>>) semaphore(%dma_start3A_451 : memref<!tpu.dma_semaphore, #tpu.memory_space<semaphore_mem>>)
    %dma_start3A_452 = arith.constant 1 : i32
    %dma_start3A_453 = arith.constant 5 : i32
    %dma_start3A_454 = arith.constant 1 : i32
    %dma_start3A_455 = arith.constant 5 : i32
    %dma_start3A_456 = arith.constant 1 : i32
    %dma_start3A_457 = arith.constant 0 : i32
    %dma_start3A_458 = arith.constant 0 : i32
    %dma_start3A_459 = tpu.memref_slice %arg9[%dma_start3A_454, %dma_start3A_455, %dma_start3A_457, %dma_start3A_458] : memref<2x8x200x32xf32, #tpu.memory_space<vmem>> -> memref<1x1x128x32xf32, #tpu.memory_space<vmem>>
    %dma_start3A_460 = tpu.memref_squeeze %dma_start3A_459 : memref<1x1x128x32xf32, #tpu.memory_space<vmem>> -> memref<128x32xf32, #tpu.memory_space<vmem>>
    %dma_start3A_461 = arith.constant 0 : i32
    %dma_start3A_462 = tpu.memref_slice %arg7[%dma_start3A_452, %dma_start3A_453, %dma_start3A_461] : memref<2x8x128xi32, #tpu.memory_space<vmem>> -> memref<1x1x128xi32, #tpu.memory_space<vmem>>
    %dma_start3A_463 = tpu.memref_squeeze %dma_start3A_462 : memref<1x1x128xi32, #tpu.memory_space<vmem>> -> memref<128xi32, #tpu.memory_space<vmem>>
    %dma_start3A_464 = arith.constant 0 : i32
    %dma_start3A_465 = arith.constant 0 : i32
    %dma_start3A_466 = tpu.memref_slice %arg2[%dma_start3A_464, %dma_start3A_465] : memref<1000000x32xf32, #tpu.memory_space<hbm>> -> memref<1000000x32xf32, #tpu.memory_space<hbm>>
    %dma_start3A_467 = tpu.memref_slice %arg11[%dma_start3A_456] : memref<2x!tpu.dma_semaphore, #tpu.memory_space<semaphore_mem>> -> memref<1x!tpu.dma_semaphore, #tpu.memory_space<semaphore_mem>>
    %dma_start3A_468 = tpu.memref_squeeze %dma_start3A_467 : memref<1x!tpu.dma_semaphore, #tpu.memory_space<semaphore_mem>> -> memref<!tpu.dma_semaphore, #tpu.memory_space<semaphore_mem>>
    tpu.enqueue_indirect_dma source(%dma_start3A_466 : memref<1000000x32xf32, #tpu.memory_space<hbm>>) target(%dma_start3A_460 : memref<128x32xf32, #tpu.memory_space<vmem>>) offsets(%dma_start3A_463 : memref<128xi32, #tpu.memory_space<vmem>>) semaphore(%dma_start3A_468 : memref<!tpu.dma_semaphore, #tpu.memory_space<semaphore_mem>>)
    %dma_start3A_469 = arith.constant 1 : i32
    %dma_start3A_470 = arith.constant 5 : i32
    %dma_start3A_471 = arith.constant 1 : i32
    %dma_start3A_472 = arith.constant 5 : i32
    %dma_start3A_473 = arith.constant 1 : i32
    %dma_start3A_474 = arith.constant 128 : i32
    %dma_start3A_475 = arith.constant 0 : i32
    %dma_start3A_476 = tpu.memref_slice %arg9[%dma_start3A_471, %dma_start3A_472, %dma_start3A_474, %dma_start3A_475] : memref<2x8x200x32xf32, #tpu.memory_space<vmem>> -> memref<1x1x72x32xf32, #tpu.memory_space<vmem>>
    %dma_start3A_477 = tpu.memref_squeeze %dma_start3A_476 : memref<1x1x72x32xf32, #tpu.memory_space<vmem>> -> memref<72x32xf32, #tpu.memory_space<vmem>>
    %dma_start3A_478 = arith.constant 0 : i32
    %dma_start3A_479 = tpu.memref_slice %arg8[%dma_start3A_469, %dma_start3A_470, %dma_start3A_478] : memref<2x8x128xi32, #tpu.memory_space<vmem>> -> memref<1x1x72xi32, #tpu.memory_space<vmem>>
    %dma_start3A_480 = tpu.memref_squeeze %dma_start3A_479 : memref<1x1x72xi32, #tpu.memory_space<vmem>> -> memref<72xi32, #tpu.memory_space<vmem>>
    %dma_start3A_481 = arith.constant 0 : i32
    %dma_start3A_482 = arith.constant 0 : i32
    %dma_start3A_483 = tpu.memref_slice %arg2[%dma_start3A_481, %dma_start3A_482] : memref<1000000x32xf32, #tpu.memory_space<hbm>> -> memref<1000000x32xf32, #tpu.memory_space<hbm>>
    %dma_start3A_484 = tpu.memref_slice %arg11[%dma_start3A_473] : memref<2x!tpu.dma_semaphore, #tpu.memory_space<semaphore_mem>> -> memref<1x!tpu.dma_semaphore, #tpu.memory_space<semaphore_mem>>
    %dma_start3A_485 = tpu.memref_squeeze %dma_start3A_484 : memref<1x!tpu.dma_semaphore, #tpu.memory_space<semaphore_mem>> -> memref<!tpu.dma_semaphore, #tpu.memory_space<semaphore_mem>>
    tpu.enqueue_indirect_dma source(%dma_start3A_483 : memref<1000000x32xf32, #tpu.memory_space<hbm>>) target(%dma_start3A_477 : memref<72x32xf32, #tpu.memory_space<vmem>>) offsets(%dma_start3A_480 : memref<72xi32, #tpu.memory_space<vmem>>) semaphore(%dma_start3A_485 : memref<!tpu.dma_semaphore, #tpu.memory_space<semaphore_mem>>)
    %dma_start3A_486 = arith.constant 1 : i32
    %dma_start3A_487 = arith.constant 6 : i32
    %dma_start3A_488 = arith.constant 1 : i32
    %dma_start3A_489 = arith.constant 6 : i32
    %dma_start3A_490 = arith.constant 1 : i32
    %dma_start3A_491 = arith.constant 0 : i32
    %dma_start3A_492 = arith.constant 0 : i32
    %dma_start3A_493 = tpu.memref_slice %arg9[%dma_start3A_488, %dma_start3A_489, %dma_start3A_491, %dma_start3A_492] : memref<2x8x200x32xf32, #tpu.memory_space<vmem>> -> memref<1x1x128x32xf32, #tpu.memory_space<vmem>>
    %dma_start3A_494 = tpu.memref_squeeze %dma_start3A_493 : memref<1x1x128x32xf32, #tpu.memory_space<vmem>> -> memref<128x32xf32, #tpu.memory_space<vmem>>
    %dma_start3A_495 = arith.constant 0 : i32
    %dma_start3A_496 = tpu.memref_slice %arg7[%dma_start3A_486, %dma_start3A_487, %dma_start3A_495] : memref<2x8x128xi32, #tpu.memory_space<vmem>> -> memref<1x1x128xi32, #tpu.memory_space<vmem>>
    %dma_start3A_497 = tpu.memref_squeeze %dma_start3A_496 : memref<1x1x128xi32, #tpu.memory_space<vmem>> -> memref<128xi32, #tpu.memory_space<vmem>>
    %dma_start3A_498 = arith.constant 0 : i32
    %dma_start3A_499 = arith.constant 0 : i32
    %dma_start3A_500 = tpu.memref_slice %arg2[%dma_start3A_498, %dma_start3A_499] : memref<1000000x32xf32, #tpu.memory_space<hbm>> -> memref<1000000x32xf32, #tpu.memory_space<hbm>>
    %dma_start3A_501 = tpu.memref_slice %arg11[%dma_start3A_490] : memref<2x!tpu.dma_semaphore, #tpu.memory_space<semaphore_mem>> -> memref<1x!tpu.dma_semaphore, #tpu.memory_space<semaphore_mem>>
    %dma_start3A_502 = tpu.memref_squeeze %dma_start3A_501 : memref<1x!tpu.dma_semaphore, #tpu.memory_space<semaphore_mem>> -> memref<!tpu.dma_semaphore, #tpu.memory_space<semaphore_mem>>
    tpu.enqueue_indirect_dma source(%dma_start3A_500 : memref<1000000x32xf32, #tpu.memory_space<hbm>>) target(%dma_start3A_494 : memref<128x32xf32, #tpu.memory_space<vmem>>) offsets(%dma_start3A_497 : memref<128xi32, #tpu.memory_space<vmem>>) semaphore(%dma_start3A_502 : memref<!tpu.dma_semaphore, #tpu.memory_space<semaphore_mem>>)
    %dma_start3A_503 = arith.constant 1 : i32
    %dma_start3A_504 = arith.constant 6 : i32
    %dma_start3A_505 = arith.constant 1 : i32
    %dma_start3A_506 = arith.constant 6 : i32
    %dma_start3A_507 = arith.constant 1 : i32
    %dma_start3A_508 = arith.constant 128 : i32
    %dma_start3A_509 = arith.constant 0 : i32
    %dma_start3A_510 = tpu.memref_slice %arg9[%dma_start3A_505, %dma_start3A_506, %dma_start3A_508, %dma_start3A_509] : memref<2x8x200x32xf32, #tpu.memory_space<vmem>> -> memref<1x1x72x32xf32, #tpu.memory_space<vmem>>
    %dma_start3A_511 = tpu.memref_squeeze %dma_start3A_510 : memref<1x1x72x32xf32, #tpu.memory_space<vmem>> -> memref<72x32xf32, #tpu.memory_space<vmem>>
    %dma_start3A_512 = arith.constant 0 : i32
    %dma_start3A_513 = tpu.memref_slice %arg8[%dma_start3A_503, %dma_start3A_504, %dma_start3A_512] : memref<2x8x128xi32, #tpu.memory_space<vmem>> -> memref<1x1x72xi32, #tpu.memory_space<vmem>>
    %dma_start3A_514 = tpu.memref_squeeze %dma_start3A_513 : memref<1x1x72xi32, #tpu.memory_space<vmem>> -> memref<72xi32, #tpu.memory_space<vmem>>
    %dma_start3A_515 = arith.constant 0 : i32
    %dma_start3A_516 = arith.constant 0 : i32
    %dma_start3A_517 = tpu.memref_slice %arg2[%dma_start3A_515, %dma_start3A_516] : memref<1000000x32xf32, #tpu.memory_space<hbm>> -> memref<1000000x32xf32, #tpu.memory_space<hbm>>
    %dma_start3A_518 = tpu.memref_slice %arg11[%dma_start3A_507] : memref<2x!tpu.dma_semaphore, #tpu.memory_space<semaphore_mem>> -> memref<1x!tpu.dma_semaphore, #tpu.memory_space<semaphore_mem>>
    %dma_start3A_519 = tpu.memref_squeeze %dma_start3A_518 : memref<1x!tpu.dma_semaphore, #tpu.memory_space<semaphore_mem>> -> memref<!tpu.dma_semaphore, #tpu.memory_space<semaphore_mem>>
    tpu.enqueue_indirect_dma source(%dma_start3A_517 : memref<1000000x32xf32, #tpu.memory_space<hbm>>) target(%dma_start3A_511 : memref<72x32xf32, #tpu.memory_space<vmem>>) offsets(%dma_start3A_514 : memref<72xi32, #tpu.memory_space<vmem>>) semaphore(%dma_start3A_519 : memref<!tpu.dma_semaphore, #tpu.memory_space<semaphore_mem>>)
    %dma_start3A_520 = arith.constant 1 : i32
    %dma_start3A_521 = arith.constant 7 : i32
    %dma_start3A_522 = arith.constant 1 : i32
    %dma_start3A_523 = arith.constant 7 : i32
    %dma_start3A_524 = arith.constant 1 : i32
    %dma_start3A_525 = arith.constant 0 : i32
    %dma_start3A_526 = arith.constant 0 : i32
    %dma_start3A_527 = tpu.memref_slice %arg9[%dma_start3A_522, %dma_start3A_523, %dma_start3A_525, %dma_start3A_526] : memref<2x8x200x32xf32, #tpu.memory_space<vmem>> -> memref<1x1x128x32xf32, #tpu.memory_space<vmem>>
    %dma_start3A_528 = tpu.memref_squeeze %dma_start3A_527 : memref<1x1x128x32xf32, #tpu.memory_space<vmem>> -> memref<128x32xf32, #tpu.memory_space<vmem>>
    %dma_start3A_529 = arith.constant 0 : i32
    %dma_start3A_530 = tpu.memref_slice %arg7[%dma_start3A_520, %dma_start3A_521, %dma_start3A_529] : memref<2x8x128xi32, #tpu.memory_space<vmem>> -> memref<1x1x128xi32, #tpu.memory_space<vmem>>
    %dma_start3A_531 = tpu.memref_squeeze %dma_start3A_530 : memref<1x1x128xi32, #tpu.memory_space<vmem>> -> memref<128xi32, #tpu.memory_space<vmem>>
    %dma_start3A_532 = arith.constant 0 : i32
    %dma_start3A_533 = arith.constant 0 : i32
    %dma_start3A_534 = tpu.memref_slice %arg2[%dma_start3A_532, %dma_start3A_533] : memref<1000000x32xf32, #tpu.memory_space<hbm>> -> memref<1000000x32xf32, #tpu.memory_space<hbm>>
    %dma_start3A_535 = tpu.memref_slice %arg11[%dma_start3A_524] : memref<2x!tpu.dma_semaphore, #tpu.memory_space<semaphore_mem>> -> memref<1x!tpu.dma_semaphore, #tpu.memory_space<semaphore_mem>>
    %dma_start3A_536 = tpu.memref_squeeze %dma_start3A_535 : memref<1x!tpu.dma_semaphore, #tpu.memory_space<semaphore_mem>> -> memref<!tpu.dma_semaphore, #tpu.memory_space<semaphore_mem>>
    tpu.enqueue_indirect_dma source(%dma_start3A_534 : memref<1000000x32xf32, #tpu.memory_space<hbm>>) target(%dma_start3A_528 : memref<128x32xf32, #tpu.memory_space<vmem>>) offsets(%dma_start3A_531 : memref<128xi32, #tpu.memory_space<vmem>>) semaphore(%dma_start3A_536 : memref<!tpu.dma_semaphore, #tpu.memory_space<semaphore_mem>>)
    %dma_start3A_537 = arith.constant 1 : i32
    %dma_start3A_538 = arith.constant 7 : i32
    %dma_start3A_539 = arith.constant 1 : i32
    %dma_start3A_540 = arith.constant 7 : i32
    %dma_start3A_541 = arith.constant 1 : i32
    %dma_start3A_542 = arith.constant 128 : i32
    %dma_start3A_543 = arith.constant 0 : i32
    %dma_start3A_544 = tpu.memref_slice %arg9[%dma_start3A_539, %dma_start3A_540, %dma_start3A_542, %dma_start3A_543] : memref<2x8x200x32xf32, #tpu.memory_space<vmem>> -> memref<1x1x72x32xf32, #tpu.memory_space<vmem>>
    %dma_start3A_545 = tpu.memref_squeeze %dma_start3A_544 : memref<1x1x72x32xf32, #tpu.memory_space<vmem>> -> memref<72x32xf32, #tpu.memory_space<vmem>>
    %dma_start3A_546 = arith.constant 0 : i32
    %dma_start3A_547 = tpu.memref_slice %arg8[%dma_start3A_537, %dma_start3A_538, %dma_start3A_546] : memref<2x8x128xi32, #tpu.memory_space<vmem>> -> memref<1x1x72xi32, #tpu.memory_space<vmem>>
    %dma_start3A_548 = tpu.memref_squeeze %dma_start3A_547 : memref<1x1x72xi32, #tpu.memory_space<vmem>> -> memref<72xi32, #tpu.memory_space<vmem>>
    %dma_start3A_549 = arith.constant 0 : i32
    %dma_start3A_550 = arith.constant 0 : i32
    %dma_start3A_551 = tpu.memref_slice %arg2[%dma_start3A_549, %dma_start3A_550] : memref<1000000x32xf32, #tpu.memory_space<hbm>> -> memref<1000000x32xf32, #tpu.memory_space<hbm>>
    %dma_start3A_552 = tpu.memref_slice %arg11[%dma_start3A_541] : memref<2x!tpu.dma_semaphore, #tpu.memory_space<semaphore_mem>> -> memref<1x!tpu.dma_semaphore, #tpu.memory_space<semaphore_mem>>
    %dma_start3A_553 = tpu.memref_squeeze %dma_start3A_552 : memref<1x!tpu.dma_semaphore, #tpu.memory_space<semaphore_mem>> -> memref<!tpu.dma_semaphore, #tpu.memory_space<semaphore_mem>>
    tpu.enqueue_indirect_dma source(%dma_start3A_551 : memref<1000000x32xf32, #tpu.memory_space<hbm>>) target(%dma_start3A_545 : memref<72x32xf32, #tpu.memory_space<vmem>>) offsets(%dma_start3A_548 : memref<72xi32, #tpu.memory_space<vmem>>) semaphore(%dma_start3A_553 : memref<!tpu.dma_semaphore, #tpu.memory_space<semaphore_mem>>)
    %scan3A = arith.constant 0 : i32
    %scan3A_554 = arith.constant 0 : i32
    %scan3A_555 = arith.constant 8 : i32
    %scan3A_556 = arith.addi %scan3A_554, %scan3A_555 : i32
    %scan3A_557 = arith.constant 1 : i32
    %scan3A_558 = scf.for %scan3A_560 = %scan3A_554 to %scan3A_556 step %scan3A_557 iter_args(%scan3A_561 = %scan3A) -> (i32)  : i32 {
      %mul3A_562 = arith.constant 2 : i32
      %mul3A_563 = arith.muli %mul3A_562, %scan3A_560 : i32
      %add3A_564 = arith.constant 0 : i32
      %add3A_565 = arith.addi %mul3A_563, %add3A_564 : i32
      %mul3A_566 = arith.constant 8 : i32
      %mul3A_567 = arith.muli %add3A_565, %mul3A_566 : i32
      %add3A_568 = arith.addi %mul3A_2, %mul3A_567 : i32
      %multiple_of3A_569 = tpu.assume_multiple %add3A_568, 8 : i32
      %dma_wait3A = arith.constant 0 : i32
      %dma_wait3A_570 = arith.constant 0 : i32
      %dma_wait3A_571 = arith.constant 0 : i32
      %dma_wait3A_572 = arith.constant 0 : i32
      %dma_wait3A_573 = arith.constant 0 : i32
      %dma_wait3A_574 = arith.constant 0 : i32
      %dma_wait3A_575 = arith.constant 0 : i32
      %dma_wait3A_576 = tpu.memref_slice %arg9[%dma_wait3A_571, %dma_wait3A_572, %dma_wait3A_574, %dma_wait3A_575] : memref<2x8x200x32xf32, #tpu.memory_space<vmem>> -> memref<1x1x128x32xf32, #tpu.memory_space<vmem>>
      %dma_wait3A_577 = tpu.memref_squeeze %dma_wait3A_576 : memref<1x1x128x32xf32, #tpu.memory_space<vmem>> -> memref<128x32xf32, #tpu.memory_space<vmem>>
      %dma_wait3A_578 = arith.constant 0 : i32
      %dma_wait3A_579 = tpu.memref_slice %arg7[%dma_wait3A, %dma_wait3A_570, %dma_wait3A_578] : memref<2x8x128xi32, #tpu.memory_space<vmem>> -> memref<1x1x128xi32, #tpu.memory_space<vmem>>
      %dma_wait3A_580 = tpu.memref_squeeze %dma_wait3A_579 : memref<1x1x128xi32, #tpu.memory_space<vmem>> -> memref<128xi32, #tpu.memory_space<vmem>>
      %dma_wait3A_581 = arith.constant 0 : i32
      %dma_wait3A_582 = arith.constant 0 : i32
      %dma_wait3A_583 = tpu.memref_slice %arg2[%dma_wait3A_581, %dma_wait3A_582] : memref<1000000x32xf32, #tpu.memory_space<hbm>> -> memref<1000000x32xf32, #tpu.memory_space<hbm>>
      %dma_wait3A_584 = tpu.memref_slice %arg11[%dma_wait3A_573] : memref<2x!tpu.dma_semaphore, #tpu.memory_space<semaphore_mem>> -> memref<1x!tpu.dma_semaphore, #tpu.memory_space<semaphore_mem>>
      %dma_wait3A_585 = tpu.memref_squeeze %dma_wait3A_584 : memref<1x!tpu.dma_semaphore, #tpu.memory_space<semaphore_mem>> -> memref<!tpu.dma_semaphore, #tpu.memory_space<semaphore_mem>>
      tpu.wait_indirect_dma semaphore(%dma_wait3A_585 : memref<!tpu.dma_semaphore, #tpu.memory_space<semaphore_mem>>) src(%dma_wait3A_583 : memref<1000000x32xf32, #tpu.memory_space<hbm>>) dst(%dma_wait3A_577 : memref<128x32xf32, #tpu.memory_space<vmem>>)
      %dma_wait3A_586 = arith.constant 0 : i32
      %dma_wait3A_587 = arith.constant 0 : i32
      %dma_wait3A_588 = arith.constant 0 : i32
      %dma_wait3A_589 = arith.constant 0 : i32
      %dma_wait3A_590 = arith.constant 0 : i32
      %dma_wait3A_591 = arith.constant 128 : i32
      %dma_wait3A_592 = arith.constant 0 : i32
      %dma_wait3A_593 = tpu.memref_slice %arg9[%dma_wait3A_588, %dma_wait3A_589, %dma_wait3A_591, %dma_wait3A_592] : memref<2x8x200x32xf32, #tpu.memory_space<vmem>> -> memref<1x1x72x32xf32, #tpu.memory_space<vmem>>
      %dma_wait3A_594 = tpu.memref_squeeze %dma_wait3A_593 : memref<1x1x72x32xf32, #tpu.memory_space<vmem>> -> memref<72x32xf32, #tpu.memory_space<vmem>>
      %dma_wait3A_595 = arith.constant 0 : i32
      %dma_wait3A_596 = tpu.memref_slice %arg8[%dma_wait3A_586, %dma_wait3A_587, %dma_wait3A_595] : memref<2x8x128xi32, #tpu.memory_space<vmem>> -> memref<1x1x72xi32, #tpu.memory_space<vmem>>
      %dma_wait3A_597 = tpu.memref_squeeze %dma_wait3A_596 : memref<1x1x72xi32, #tpu.memory_space<vmem>> -> memref<72xi32, #tpu.memory_space<vmem>>
      %dma_wait3A_598 = arith.constant 0 : i32
      %dma_wait3A_599 = arith.constant 0 : i32
      %dma_wait3A_600 = tpu.memref_slice %arg2[%dma_wait3A_598, %dma_wait3A_599] : memref<1000000x32xf32, #tpu.memory_space<hbm>> -> memref<1000000x32xf32, #tpu.memory_space<hbm>>
      %dma_wait3A_601 = tpu.memref_slice %arg11[%dma_wait3A_590] : memref<2x!tpu.dma_semaphore, #tpu.memory_space<semaphore_mem>> -> memref<1x!tpu.dma_semaphore, #tpu.memory_space<semaphore_mem>>
      %dma_wait3A_602 = tpu.memref_squeeze %dma_wait3A_601 : memref<1x!tpu.dma_semaphore, #tpu.memory_space<semaphore_mem>> -> memref<!tpu.dma_semaphore, #tpu.memory_space<semaphore_mem>>
      tpu.wait_indirect_dma semaphore(%dma_wait3A_602 : memref<!tpu.dma_semaphore, #tpu.memory_space<semaphore_mem>>) src(%dma_wait3A_600 : memref<1000000x32xf32, #tpu.memory_space<hbm>>) dst(%dma_wait3A_594 : memref<72x32xf32, #tpu.memory_space<vmem>>)
      %dma_wait3A_603 = arith.constant 0 : i32
      %dma_wait3A_604 = arith.constant 1 : i32
      %dma_wait3A_605 = arith.constant 0 : i32
      %dma_wait3A_606 = arith.constant 1 : i32
      %dma_wait3A_607 = arith.constant 0 : i32
      %dma_wait3A_608 = arith.constant 0 : i32
      %dma_wait3A_609 = arith.constant 0 : i32
      %dma_wait3A_610 = tpu.memref_slice %arg9[%dma_wait3A_605, %dma_wait3A_606, %dma_wait3A_608, %dma_wait3A_609] : memref<2x8x200x32xf32, #tpu.memory_space<vmem>> -> memref<1x1x128x32xf32, #tpu.memory_space<vmem>>
      %dma_wait3A_611 = tpu.memref_squeeze %dma_wait3A_610 : memref<1x1x128x32xf32, #tpu.memory_space<vmem>> -> memref<128x32xf32, #tpu.memory_space<vmem>>
      %dma_wait3A_612 = arith.constant 0 : i32
      %dma_wait3A_613 = tpu.memref_slice %arg7[%dma_wait3A_603, %dma_wait3A_604, %dma_wait3A_612] : memref<2x8x128xi32, #tpu.memory_space<vmem>> -> memref<1x1x128xi32, #tpu.memory_space<vmem>>
      %dma_wait3A_614 = tpu.memref_squeeze %dma_wait3A_613 : memref<1x1x128xi32, #tpu.memory_space<vmem>> -> memref<128xi32, #tpu.memory_space<vmem>>
      %dma_wait3A_615 = arith.constant 0 : i32
      %dma_wait3A_616 = arith.constant 0 : i32
      %dma_wait3A_617 = tpu.memref_slice %arg2[%dma_wait3A_615, %dma_wait3A_616] : memref<1000000x32xf32, #tpu.memory_space<hbm>> -> memref<1000000x32xf32, #tpu.memory_space<hbm>>
      %dma_wait3A_618 = tpu.memref_slice %arg11[%dma_wait3A_607] : memref<2x!tpu.dma_semaphore, #tpu.memory_space<semaphore_mem>> -> memref<1x!tpu.dma_semaphore, #tpu.memory_space<semaphore_mem>>
      %dma_wait3A_619 = tpu.memref_squeeze %dma_wait3A_618 : memref<1x!tpu.dma_semaphore, #tpu.memory_space<semaphore_mem>> -> memref<!tpu.dma_semaphore, #tpu.memory_space<semaphore_mem>>
      tpu.wait_indirect_dma semaphore(%dma_wait3A_619 : memref<!tpu.dma_semaphore, #tpu.memory_space<semaphore_mem>>) src(%dma_wait3A_617 : memref<1000000x32xf32, #tpu.memory_space<hbm>>) dst(%dma_wait3A_611 : memref<128x32xf32, #tpu.memory_space<vmem>>)
      %dma_wait3A_620 = arith.constant 0 : i32
      %dma_wait3A_621 = arith.constant 1 : i32
      %dma_wait3A_622 = arith.constant 0 : i32
      %dma_wait3A_623 = arith.constant 1 : i32
      %dma_wait3A_624 = arith.constant 0 : i32
      %dma_wait3A_625 = arith.constant 128 : i32
      %dma_wait3A_626 = arith.constant 0 : i32
      %dma_wait3A_627 = tpu.memref_slice %arg9[%dma_wait3A_622, %dma_wait3A_623, %dma_wait3A_625, %dma_wait3A_626] : memref<2x8x200x32xf32, #tpu.memory_space<vmem>> -> memref<1x1x72x32xf32, #tpu.memory_space<vmem>>
      %dma_wait3A_628 = tpu.memref_squeeze %dma_wait3A_627 : memref<1x1x72x32xf32, #tpu.memory_space<vmem>> -> memref<72x32xf32, #tpu.memory_space<vmem>>
      %dma_wait3A_629 = arith.constant 0 : i32
      %dma_wait3A_630 = tpu.memref_slice %arg8[%dma_wait3A_620, %dma_wait3A_621, %dma_wait3A_629] : memref<2x8x128xi32, #tpu.memory_space<vmem>> -> memref<1x1x72xi32, #tpu.memory_space<vmem>>
      %dma_wait3A_631 = tpu.memref_squeeze %dma_wait3A_630 : memref<1x1x72xi32, #tpu.memory_space<vmem>> -> memref<72xi32, #tpu.memory_space<vmem>>
      %dma_wait3A_632 = arith.constant 0 : i32
      %dma_wait3A_633 = arith.constant 0 : i32
      %dma_wait3A_634 = tpu.memref_slice %arg2[%dma_wait3A_632, %dma_wait3A_633] : memref<1000000x32xf32, #tpu.memory_space<hbm>> -> memref<1000000x32xf32, #tpu.memory_space<hbm>>
      %dma_wait3A_635 = tpu.memref_slice %arg11[%dma_wait3A_624] : memref<2x!tpu.dma_semaphore, #tpu.memory_space<semaphore_mem>> -> memref<1x!tpu.dma_semaphore, #tpu.memory_space<semaphore_mem>>
      %dma_wait3A_636 = tpu.memref_squeeze %dma_wait3A_635 : memref<1x!tpu.dma_semaphore, #tpu.memory_space<semaphore_mem>> -> memref<!tpu.dma_semaphore, #tpu.memory_space<semaphore_mem>>
      tpu.wait_indirect_dma semaphore(%dma_wait3A_636 : memref<!tpu.dma_semaphore, #tpu.memory_space<semaphore_mem>>) src(%dma_wait3A_634 : memref<1000000x32xf32, #tpu.memory_space<hbm>>) dst(%dma_wait3A_628 : memref<72x32xf32, #tpu.memory_space<vmem>>)
      %dma_wait3A_637 = arith.constant 0 : i32
      %dma_wait3A_638 = arith.constant 2 : i32
      %dma_wait3A_639 = arith.constant 0 : i32
      %dma_wait3A_640 = arith.constant 2 : i32
      %dma_wait3A_641 = arith.constant 0 : i32
      %dma_wait3A_642 = arith.constant 0 : i32
      %dma_wait3A_643 = arith.constant 0 : i32
      %dma_wait3A_644 = tpu.memref_slice %arg9[%dma_wait3A_639, %dma_wait3A_640, %dma_wait3A_642, %dma_wait3A_643] : memref<2x8x200x32xf32, #tpu.memory_space<vmem>> -> memref<1x1x128x32xf32, #tpu.memory_space<vmem>>
      %dma_wait3A_645 = tpu.memref_squeeze %dma_wait3A_644 : memref<1x1x128x32xf32, #tpu.memory_space<vmem>> -> memref<128x32xf32, #tpu.memory_space<vmem>>
      %dma_wait3A_646 = arith.constant 0 : i32
      %dma_wait3A_647 = tpu.memref_slice %arg7[%dma_wait3A_637, %dma_wait3A_638, %dma_wait3A_646] : memref<2x8x128xi32, #tpu.memory_space<vmem>> -> memref<1x1x128xi32, #tpu.memory_space<vmem>>
      %dma_wait3A_648 = tpu.memref_squeeze %dma_wait3A_647 : memref<1x1x128xi32, #tpu.memory_space<vmem>> -> memref<128xi32, #tpu.memory_space<vmem>>
      %dma_wait3A_649 = arith.constant 0 : i32
      %dma_wait3A_650 = arith.constant 0 : i32
      %dma_wait3A_651 = tpu.memref_slice %arg2[%dma_wait3A_649, %dma_wait3A_650] : memref<1000000x32xf32, #tpu.memory_space<hbm>> -> memref<1000000x32xf32, #tpu.memory_space<hbm>>
      %dma_wait3A_652 = tpu.memref_slice %arg11[%dma_wait3A_641] : memref<2x!tpu.dma_semaphore, #tpu.memory_space<semaphore_mem>> -> memref<1x!tpu.dma_semaphore, #tpu.memory_space<semaphore_mem>>
      %dma_wait3A_653 = tpu.memref_squeeze %dma_wait3A_652 : memref<1x!tpu.dma_semaphore, #tpu.memory_space<semaphore_mem>> -> memref<!tpu.dma_semaphore, #tpu.memory_space<semaphore_mem>>
      tpu.wait_indirect_dma semaphore(%dma_wait3A_653 : memref<!tpu.dma_semaphore, #tpu.memory_space<semaphore_mem>>) src(%dma_wait3A_651 : memref<1000000x32xf32, #tpu.memory_space<hbm>>) dst(%dma_wait3A_645 : memref<128x32xf32, #tpu.memory_space<vmem>>)
      %dma_wait3A_654 = arith.constant 0 : i32
      %dma_wait3A_655 = arith.constant 2 : i32
      %dma_wait3A_656 = arith.constant 0 : i32
      %dma_wait3A_657 = arith.constant 2 : i32
      %dma_wait3A_658 = arith.constant 0 : i32
      %dma_wait3A_659 = arith.constant 128 : i32
      %dma_wait3A_660 = arith.constant 0 : i32
      %dma_wait3A_661 = tpu.memref_slice %arg9[%dma_wait3A_656, %dma_wait3A_657, %dma_wait3A_659, %dma_wait3A_660] : memref<2x8x200x32xf32, #tpu.memory_space<vmem>> -> memref<1x1x72x32xf32, #tpu.memory_space<vmem>>
      %dma_wait3A_662 = tpu.memref_squeeze %dma_wait3A_661 : memref<1x1x72x32xf32, #tpu.memory_space<vmem>> -> memref<72x32xf32, #tpu.memory_space<vmem>>
      %dma_wait3A_663 = arith.constant 0 : i32
      %dma_wait3A_664 = tpu.memref_slice %arg8[%dma_wait3A_654, %dma_wait3A_655, %dma_wait3A_663] : memref<2x8x128xi32, #tpu.memory_space<vmem>> -> memref<1x1x72xi32, #tpu.memory_space<vmem>>
      %dma_wait3A_665 = tpu.memref_squeeze %dma_wait3A_664 : memref<1x1x72xi32, #tpu.memory_space<vmem>> -> memref<72xi32, #tpu.memory_space<vmem>>
      %dma_wait3A_666 = arith.constant 0 : i32
      %dma_wait3A_667 = arith.constant 0 : i32
      %dma_wait3A_668 = tpu.memref_slice %arg2[%dma_wait3A_666, %dma_wait3A_667] : memref<1000000x32xf32, #tpu.memory_space<hbm>> -> memref<1000000x32xf32, #tpu.memory_space<hbm>>
      %dma_wait3A_669 = tpu.memref_slice %arg11[%dma_wait3A_658] : memref<2x!tpu.dma_semaphore, #tpu.memory_space<semaphore_mem>> -> memref<1x!tpu.dma_semaphore, #tpu.memory_space<semaphore_mem>>
      %dma_wait3A_670 = tpu.memref_squeeze %dma_wait3A_669 : memref<1x!tpu.dma_semaphore, #tpu.memory_space<semaphore_mem>> -> memref<!tpu.dma_semaphore, #tpu.memory_space<semaphore_mem>>
      tpu.wait_indirect_dma semaphore(%dma_wait3A_670 : memref<!tpu.dma_semaphore, #tpu.memory_space<semaphore_mem>>) src(%dma_wait3A_668 : memref<1000000x32xf32, #tpu.memory_space<hbm>>) dst(%dma_wait3A_662 : memref<72x32xf32, #tpu.memory_space<vmem>>)
      %dma_wait3A_671 = arith.constant 0 : i32
      %dma_wait3A_672 = arith.constant 3 : i32
      %dma_wait3A_673 = arith.constant 0 : i32
      %dma_wait3A_674 = arith.constant 3 : i32
      %dma_wait3A_675 = arith.constant 0 : i32
      %dma_wait3A_676 = arith.constant 0 : i32
      %dma_wait3A_677 = arith.constant 0 : i32
      %dma_wait3A_678 = tpu.memref_slice %arg9[%dma_wait3A_673, %dma_wait3A_674, %dma_wait3A_676, %dma_wait3A_677] : memref<2x8x200x32xf32, #tpu.memory_space<vmem>> -> memref<1x1x128x32xf32, #tpu.memory_space<vmem>>
      %dma_wait3A_679 = tpu.memref_squeeze %dma_wait3A_678 : memref<1x1x128x32xf32, #tpu.memory_space<vmem>> -> memref<128x32xf32, #tpu.memory_space<vmem>>
      %dma_wait3A_680 = arith.constant 0 : i32
      %dma_wait3A_681 = tpu.memref_slice %arg7[%dma_wait3A_671, %dma_wait3A_672, %dma_wait3A_680] : memref<2x8x128xi32, #tpu.memory_space<vmem>> -> memref<1x1x128xi32, #tpu.memory_space<vmem>>
      %dma_wait3A_682 = tpu.memref_squeeze %dma_wait3A_681 : memref<1x1x128xi32, #tpu.memory_space<vmem>> -> memref<128xi32, #tpu.memory_space<vmem>>
      %dma_wait3A_683 = arith.constant 0 : i32
      %dma_wait3A_684 = arith.constant 0 : i32
      %dma_wait3A_685 = tpu.memref_slice %arg2[%dma_wait3A_683, %dma_wait3A_684] : memref<1000000x32xf32, #tpu.memory_space<hbm>> -> memref<1000000x32xf32, #tpu.memory_space<hbm>>
      %dma_wait3A_686 = tpu.memref_slice %arg11[%dma_wait3A_675] : memref<2x!tpu.dma_semaphore, #tpu.memory_space<semaphore_mem>> -> memref<1x!tpu.dma_semaphore, #tpu.memory_space<semaphore_mem>>
      %dma_wait3A_687 = tpu.memref_squeeze %dma_wait3A_686 : memref<1x!tpu.dma_semaphore, #tpu.memory_space<semaphore_mem>> -> memref<!tpu.dma_semaphore, #tpu.memory_space<semaphore_mem>>
      tpu.wait_indirect_dma semaphore(%dma_wait3A_687 : memref<!tpu.dma_semaphore, #tpu.memory_space<semaphore_mem>>) src(%dma_wait3A_685 : memref<1000000x32xf32, #tpu.memory_space<hbm>>) dst(%dma_wait3A_679 : memref<128x32xf32, #tpu.memory_space<vmem>>)
      %dma_wait3A_688 = arith.constant 0 : i32
      %dma_wait3A_689 = arith.constant 3 : i32
      %dma_wait3A_690 = arith.constant 0 : i32
      %dma_wait3A_691 = arith.constant 3 : i32
      %dma_wait3A_692 = arith.constant 0 : i32
      %dma_wait3A_693 = arith.constant 128 : i32
      %dma_wait3A_694 = arith.constant 0 : i32
      %dma_wait3A_695 = tpu.memref_slice %arg9[%dma_wait3A_690, %dma_wait3A_691, %dma_wait3A_693, %dma_wait3A_694] : memref<2x8x200x32xf32, #tpu.memory_space<vmem>> -> memref<1x1x72x32xf32, #tpu.memory_space<vmem>>
      %dma_wait3A_696 = tpu.memref_squeeze %dma_wait3A_695 : memref<1x1x72x32xf32, #tpu.memory_space<vmem>> -> memref<72x32xf32, #tpu.memory_space<vmem>>
      %dma_wait3A_697 = arith.constant 0 : i32
      %dma_wait3A_698 = tpu.memref_slice %arg8[%dma_wait3A_688, %dma_wait3A_689, %dma_wait3A_697] : memref<2x8x128xi32, #tpu.memory_space<vmem>> -> memref<1x1x72xi32, #tpu.memory_space<vmem>>
      %dma_wait3A_699 = tpu.memref_squeeze %dma_wait3A_698 : memref<1x1x72xi32, #tpu.memory_space<vmem>> -> memref<72xi32, #tpu.memory_space<vmem>>
      %dma_wait3A_700 = arith.constant 0 : i32
      %dma_wait3A_701 = arith.constant 0 : i32
      %dma_wait3A_702 = tpu.memref_slice %arg2[%dma_wait3A_700, %dma_wait3A_701] : memref<1000000x32xf32, #tpu.memory_space<hbm>> -> memref<1000000x32xf32, #tpu.memory_space<hbm>>
      %dma_wait3A_703 = tpu.memref_slice %arg11[%dma_wait3A_692] : memref<2x!tpu.dma_semaphore, #tpu.memory_space<semaphore_mem>> -> memref<1x!tpu.dma_semaphore, #tpu.memory_space<semaphore_mem>>
      %dma_wait3A_704 = tpu.memref_squeeze %dma_wait3A_703 : memref<1x!tpu.dma_semaphore, #tpu.memory_space<semaphore_mem>> -> memref<!tpu.dma_semaphore, #tpu.memory_space<semaphore_mem>>
      tpu.wait_indirect_dma semaphore(%dma_wait3A_704 : memref<!tpu.dma_semaphore, #tpu.memory_space<semaphore_mem>>) src(%dma_wait3A_702 : memref<1000000x32xf32, #tpu.memory_space<hbm>>) dst(%dma_wait3A_696 : memref<72x32xf32, #tpu.memory_space<vmem>>)
      %dma_wait3A_705 = arith.constant 0 : i32
      %dma_wait3A_706 = arith.constant 4 : i32
      %dma_wait3A_707 = arith.constant 0 : i32
      %dma_wait3A_708 = arith.constant 4 : i32
      %dma_wait3A_709 = arith.constant 0 : i32
      %dma_wait3A_710 = arith.constant 0 : i32
      %dma_wait3A_711 = arith.constant 0 : i32
      %dma_wait3A_712 = tpu.memref_slice %arg9[%dma_wait3A_707, %dma_wait3A_708, %dma_wait3A_710, %dma_wait3A_711] : memref<2x8x200x32xf32, #tpu.memory_space<vmem>> -> memref<1x1x128x32xf32, #tpu.memory_space<vmem>>
      %dma_wait3A_713 = tpu.memref_squeeze %dma_wait3A_712 : memref<1x1x128x32xf32, #tpu.memory_space<vmem>> -> memref<128x32xf32, #tpu.memory_space<vmem>>
      %dma_wait3A_714 = arith.constant 0 : i32
      %dma_wait3A_715 = tpu.memref_slice %arg7[%dma_wait3A_705, %dma_wait3A_706, %dma_wait3A_714] : memref<2x8x128xi32, #tpu.memory_space<vmem>> -> memref<1x1x128xi32, #tpu.memory_space<vmem>>
      %dma_wait3A_716 = tpu.memref_squeeze %dma_wait3A_715 : memref<1x1x128xi32, #tpu.memory_space<vmem>> -> memref<128xi32, #tpu.memory_space<vmem>>
      %dma_wait3A_717 = arith.constant 0 : i32
      %dma_wait3A_718 = arith.constant 0 : i32
      %dma_wait3A_719 = tpu.memref_slice %arg2[%dma_wait3A_717, %dma_wait3A_718] : memref<1000000x32xf32, #tpu.memory_space<hbm>> -> memref<1000000x32xf32, #tpu.memory_space<hbm>>
      %dma_wait3A_720 = tpu.memref_slice %arg11[%dma_wait3A_709] : memref<2x!tpu.dma_semaphore, #tpu.memory_space<semaphore_mem>> -> memref<1x!tpu.dma_semaphore, #tpu.memory_space<semaphore_mem>>
      %dma_wait3A_721 = tpu.memref_squeeze %dma_wait3A_720 : memref<1x!tpu.dma_semaphore, #tpu.memory_space<semaphore_mem>> -> memref<!tpu.dma_semaphore, #tpu.memory_space<semaphore_mem>>
      tpu.wait_indirect_dma semaphore(%dma_wait3A_721 : memref<!tpu.dma_semaphore, #tpu.memory_space<semaphore_mem>>) src(%dma_wait3A_719 : memref<1000000x32xf32, #tpu.memory_space<hbm>>) dst(%dma_wait3A_713 : memref<128x32xf32, #tpu.memory_space<vmem>>)
      %dma_wait3A_722 = arith.constant 0 : i32
      %dma_wait3A_723 = arith.constant 4 : i32
      %dma_wait3A_724 = arith.constant 0 : i32
      %dma_wait3A_725 = arith.constant 4 : i32
      %dma_wait3A_726 = arith.constant 0 : i32
      %dma_wait3A_727 = arith.constant 128 : i32
      %dma_wait3A_728 = arith.constant 0 : i32
      %dma_wait3A_729 = tpu.memref_slice %arg9[%dma_wait3A_724, %dma_wait3A_725, %dma_wait3A_727, %dma_wait3A_728] : memref<2x8x200x32xf32, #tpu.memory_space<vmem>> -> memref<1x1x72x32xf32, #tpu.memory_space<vmem>>
      %dma_wait3A_730 = tpu.memref_squeeze %dma_wait3A_729 : memref<1x1x72x32xf32, #tpu.memory_space<vmem>> -> memref<72x32xf32, #tpu.memory_space<vmem>>
      %dma_wait3A_731 = arith.constant 0 : i32
      %dma_wait3A_732 = tpu.memref_slice %arg8[%dma_wait3A_722, %dma_wait3A_723, %dma_wait3A_731] : memref<2x8x128xi32, #tpu.memory_space<vmem>> -> memref<1x1x72xi32, #tpu.memory_space<vmem>>
      %dma_wait3A_733 = tpu.memref_squeeze %dma_wait3A_732 : memref<1x1x72xi32, #tpu.memory_space<vmem>> -> memref<72xi32, #tpu.memory_space<vmem>>
      %dma_wait3A_734 = arith.constant 0 : i32
      %dma_wait3A_735 = arith.constant 0 : i32
      %dma_wait3A_736 = tpu.memref_slice %arg2[%dma_wait3A_734, %dma_wait3A_735] : memref<1000000x32xf32, #tpu.memory_space<hbm>> -> memref<1000000x32xf32, #tpu.memory_space<hbm>>
      %dma_wait3A_737 = tpu.memref_slice %arg11[%dma_wait3A_726] : memref<2x!tpu.dma_semaphore, #tpu.memory_space<semaphore_mem>> -> memref<1x!tpu.dma_semaphore, #tpu.memory_space<semaphore_mem>>
      %dma_wait3A_738 = tpu.memref_squeeze %dma_wait3A_737 : memref<1x!tpu.dma_semaphore, #tpu.memory_space<semaphore_mem>> -> memref<!tpu.dma_semaphore, #tpu.memory_space<semaphore_mem>>
      tpu.wait_indirect_dma semaphore(%dma_wait3A_738 : memref<!tpu.dma_semaphore, #tpu.memory_space<semaphore_mem>>) src(%dma_wait3A_736 : memref<1000000x32xf32, #tpu.memory_space<hbm>>) dst(%dma_wait3A_730 : memref<72x32xf32, #tpu.memory_space<vmem>>)
      %dma_wait3A_739 = arith.constant 0 : i32
      %dma_wait3A_740 = arith.constant 5 : i32
      %dma_wait3A_741 = arith.constant 0 : i32
      %dma_wait3A_742 = arith.constant 5 : i32
      %dma_wait3A_743 = arith.constant 0 : i32
      %dma_wait3A_744 = arith.constant 0 : i32
      %dma_wait3A_745 = arith.constant 0 : i32
      %dma_wait3A_746 = tpu.memref_slice %arg9[%dma_wait3A_741, %dma_wait3A_742, %dma_wait3A_744, %dma_wait3A_745] : memref<2x8x200x32xf32, #tpu.memory_space<vmem>> -> memref<1x1x128x32xf32, #tpu.memory_space<vmem>>
      %dma_wait3A_747 = tpu.memref_squeeze %dma_wait3A_746 : memref<1x1x128x32xf32, #tpu.memory_space<vmem>> -> memref<128x32xf32, #tpu.memory_space<vmem>>
      %dma_wait3A_748 = arith.constant 0 : i32
      %dma_wait3A_749 = tpu.memref_slice %arg7[%dma_wait3A_739, %dma_wait3A_740, %dma_wait3A_748] : memref<2x8x128xi32, #tpu.memory_space<vmem>> -> memref<1x1x128xi32, #tpu.memory_space<vmem>>
      %dma_wait3A_750 = tpu.memref_squeeze %dma_wait3A_749 : memref<1x1x128xi32, #tpu.memory_space<vmem>> -> memref<128xi32, #tpu.memory_space<vmem>>
      %dma_wait3A_751 = arith.constant 0 : i32
      %dma_wait3A_752 = arith.constant 0 : i32
      %dma_wait3A_753 = tpu.memref_slice %arg2[%dma_wait3A_751, %dma_wait3A_752] : memref<1000000x32xf32, #tpu.memory_space<hbm>> -> memref<1000000x32xf32, #tpu.memory_space<hbm>>
      %dma_wait3A_754 = tpu.memref_slice %arg11[%dma_wait3A_743] : memref<2x!tpu.dma_semaphore, #tpu.memory_space<semaphore_mem>> -> memref<1x!tpu.dma_semaphore, #tpu.memory_space<semaphore_mem>>
      %dma_wait3A_755 = tpu.memref_squeeze %dma_wait3A_754 : memref<1x!tpu.dma_semaphore, #tpu.memory_space<semaphore_mem>> -> memref<!tpu.dma_semaphore, #tpu.memory_space<semaphore_mem>>
      tpu.wait_indirect_dma semaphore(%dma_wait3A_755 : memref<!tpu.dma_semaphore, #tpu.memory_space<semaphore_mem>>) src(%dma_wait3A_753 : memref<1000000x32xf32, #tpu.memory_space<hbm>>) dst(%dma_wait3A_747 : memref<128x32xf32, #tpu.memory_space<vmem>>)
      %dma_wait3A_756 = arith.constant 0 : i32
      %dma_wait3A_757 = arith.constant 5 : i32
      %dma_wait3A_758 = arith.constant 0 : i32
      %dma_wait3A_759 = arith.constant 5 : i32
      %dma_wait3A_760 = arith.constant 0 : i32
      %dma_wait3A_761 = arith.constant 128 : i32
      %dma_wait3A_762 = arith.constant 0 : i32
      %dma_wait3A_763 = tpu.memref_slice %arg9[%dma_wait3A_758, %dma_wait3A_759, %dma_wait3A_761, %dma_wait3A_762] : memref<2x8x200x32xf32, #tpu.memory_space<vmem>> -> memref<1x1x72x32xf32, #tpu.memory_space<vmem>>
      %dma_wait3A_764 = tpu.memref_squeeze %dma_wait3A_763 : memref<1x1x72x32xf32, #tpu.memory_space<vmem>> -> memref<72x32xf32, #tpu.memory_space<vmem>>
      %dma_wait3A_765 = arith.constant 0 : i32
      %dma_wait3A_766 = tpu.memref_slice %arg8[%dma_wait3A_756, %dma_wait3A_757, %dma_wait3A_765] : memref<2x8x128xi32, #tpu.memory_space<vmem>> -> memref<1x1x72xi32, #tpu.memory_space<vmem>>
      %dma_wait3A_767 = tpu.memref_squeeze %dma_wait3A_766 : memref<1x1x72xi32, #tpu.memory_space<vmem>> -> memref<72xi32, #tpu.memory_space<vmem>>
      %dma_wait3A_768 = arith.constant 0 : i32
      %dma_wait3A_769 = arith.constant 0 : i32
      %dma_wait3A_770 = tpu.memref_slice %arg2[%dma_wait3A_768, %dma_wait3A_769] : memref<1000000x32xf32, #tpu.memory_space<hbm>> -> memref<1000000x32xf32, #tpu.memory_space<hbm>>
      %dma_wait3A_771 = tpu.memref_slice %arg11[%dma_wait3A_760] : memref<2x!tpu.dma_semaphore, #tpu.memory_space<semaphore_mem>> -> memref<1x!tpu.dma_semaphore, #tpu.memory_space<semaphore_mem>>
      %dma_wait3A_772 = tpu.memref_squeeze %dma_wait3A_771 : memref<1x!tpu.dma_semaphore, #tpu.memory_space<semaphore_mem>> -> memref<!tpu.dma_semaphore, #tpu.memory_space<semaphore_mem>>
      tpu.wait_indirect_dma semaphore(%dma_wait3A_772 : memref<!tpu.dma_semaphore, #tpu.memory_space<semaphore_mem>>) src(%dma_wait3A_770 : memref<1000000x32xf32, #tpu.memory_space<hbm>>) dst(%dma_wait3A_764 : memref<72x32xf32, #tpu.memory_space<vmem>>)
      %dma_wait3A_773 = arith.constant 0 : i32
      %dma_wait3A_774 = arith.constant 6 : i32
      %dma_wait3A_775 = arith.constant 0 : i32
      %dma_wait3A_776 = arith.constant 6 : i32
      %dma_wait3A_777 = arith.constant 0 : i32
      %dma_wait3A_778 = arith.constant 0 : i32
      %dma_wait3A_779 = arith.constant 0 : i32
      %dma_wait3A_780 = tpu.memref_slice %arg9[%dma_wait3A_775, %dma_wait3A_776, %dma_wait3A_778, %dma_wait3A_779] : memref<2x8x200x32xf32, #tpu.memory_space<vmem>> -> memref<1x1x128x32xf32, #tpu.memory_space<vmem>>
      %dma_wait3A_781 = tpu.memref_squeeze %dma_wait3A_780 : memref<1x1x128x32xf32, #tpu.memory_space<vmem>> -> memref<128x32xf32, #tpu.memory_space<vmem>>
      %dma_wait3A_782 = arith.constant 0 : i32
      %dma_wait3A_783 = tpu.memref_slice %arg7[%dma_wait3A_773, %dma_wait3A_774, %dma_wait3A_782] : memref<2x8x128xi32, #tpu.memory_space<vmem>> -> memref<1x1x128xi32, #tpu.memory_space<vmem>>
      %dma_wait3A_784 = tpu.memref_squeeze %dma_wait3A_783 : memref<1x1x128xi32, #tpu.memory_space<vmem>> -> memref<128xi32, #tpu.memory_space<vmem>>
      %dma_wait3A_785 = arith.constant 0 : i32
      %dma_wait3A_786 = arith.constant 0 : i32
      %dma_wait3A_787 = tpu.memref_slice %arg2[%dma_wait3A_785, %dma_wait3A_786] : memref<1000000x32xf32, #tpu.memory_space<hbm>> -> memref<1000000x32xf32, #tpu.memory_space<hbm>>
      %dma_wait3A_788 = tpu.memref_slice %arg11[%dma_wait3A_777] : memref<2x!tpu.dma_semaphore, #tpu.memory_space<semaphore_mem>> -> memref<1x!tpu.dma_semaphore, #tpu.memory_space<semaphore_mem>>
      %dma_wait3A_789 = tpu.memref_squeeze %dma_wait3A_788 : memref<1x!tpu.dma_semaphore, #tpu.memory_space<semaphore_mem>> -> memref<!tpu.dma_semaphore, #tpu.memory_space<semaphore_mem>>
      tpu.wait_indirect_dma semaphore(%dma_wait3A_789 : memref<!tpu.dma_semaphore, #tpu.memory_space<semaphore_mem>>) src(%dma_wait3A_787 : memref<1000000x32xf32, #tpu.memory_space<hbm>>) dst(%dma_wait3A_781 : memref<128x32xf32, #tpu.memory_space<vmem>>)
      %dma_wait3A_790 = arith.constant 0 : i32
      %dma_wait3A_791 = arith.constant 6 : i32
      %dma_wait3A_792 = arith.constant 0 : i32
      %dma_wait3A_793 = arith.constant 6 : i32
      %dma_wait3A_794 = arith.constant 0 : i32
      %dma_wait3A_795 = arith.constant 128 : i32
      %dma_wait3A_796 = arith.constant 0 : i32
      %dma_wait3A_797 = tpu.memref_slice %arg9[%dma_wait3A_792, %dma_wait3A_793, %dma_wait3A_795, %dma_wait3A_796] : memref<2x8x200x32xf32, #tpu.memory_space<vmem>> -> memref<1x1x72x32xf32, #tpu.memory_space<vmem>>
      %dma_wait3A_798 = tpu.memref_squeeze %dma_wait3A_797 : memref<1x1x72x32xf32, #tpu.memory_space<vmem>> -> memref<72x32xf32, #tpu.memory_space<vmem>>
      %dma_wait3A_799 = arith.constant 0 : i32
      %dma_wait3A_800 = tpu.memref_slice %arg8[%dma_wait3A_790, %dma_wait3A_791, %dma_wait3A_799] : memref<2x8x128xi32, #tpu.memory_space<vmem>> -> memref<1x1x72xi32, #tpu.memory_space<vmem>>
      %dma_wait3A_801 = tpu.memref_squeeze %dma_wait3A_800 : memref<1x1x72xi32, #tpu.memory_space<vmem>> -> memref<72xi32, #tpu.memory_space<vmem>>
      %dma_wait3A_802 = arith.constant 0 : i32
      %dma_wait3A_803 = arith.constant 0 : i32
      %dma_wait3A_804 = tpu.memref_slice %arg2[%dma_wait3A_802, %dma_wait3A_803] : memref<1000000x32xf32, #tpu.memory_space<hbm>> -> memref<1000000x32xf32, #tpu.memory_space<hbm>>
      %dma_wait3A_805 = tpu.memref_slice %arg11[%dma_wait3A_794] : memref<2x!tpu.dma_semaphore, #tpu.memory_space<semaphore_mem>> -> memref<1x!tpu.dma_semaphore, #tpu.memory_space<semaphore_mem>>
      %dma_wait3A_806 = tpu.memref_squeeze %dma_wait3A_805 : memref<1x!tpu.dma_semaphore, #tpu.memory_space<semaphore_mem>> -> memref<!tpu.dma_semaphore, #tpu.memory_space<semaphore_mem>>
      tpu.wait_indirect_dma semaphore(%dma_wait3A_806 : memref<!tpu.dma_semaphore, #tpu.memory_space<semaphore_mem>>) src(%dma_wait3A_804 : memref<1000000x32xf32, #tpu.memory_space<hbm>>) dst(%dma_wait3A_798 : memref<72x32xf32, #tpu.memory_space<vmem>>)
      %dma_wait3A_807 = arith.constant 0 : i32
      %dma_wait3A_808 = arith.constant 7 : i32
      %dma_wait3A_809 = arith.constant 0 : i32
      %dma_wait3A_810 = arith.constant 7 : i32
      %dma_wait3A_811 = arith.constant 0 : i32
      %dma_wait3A_812 = arith.constant 0 : i32
      %dma_wait3A_813 = arith.constant 0 : i32
      %dma_wait3A_814 = tpu.memref_slice %arg9[%dma_wait3A_809, %dma_wait3A_810, %dma_wait3A_812, %dma_wait3A_813] : memref<2x8x200x32xf32, #tpu.memory_space<vmem>> -> memref<1x1x128x32xf32, #tpu.memory_space<vmem>>
      %dma_wait3A_815 = tpu.memref_squeeze %dma_wait3A_814 : memref<1x1x128x32xf32, #tpu.memory_space<vmem>> -> memref<128x32xf32, #tpu.memory_space<vmem>>
      %dma_wait3A_816 = arith.constant 0 : i32
      %dma_wait3A_817 = tpu.memref_slice %arg7[%dma_wait3A_807, %dma_wait3A_808, %dma_wait3A_816] : memref<2x8x128xi32, #tpu.memory_space<vmem>> -> memref<1x1x128xi32, #tpu.memory_space<vmem>>
      %dma_wait3A_818 = tpu.memref_squeeze %dma_wait3A_817 : memref<1x1x128xi32, #tpu.memory_space<vmem>> -> memref<128xi32, #tpu.memory_space<vmem>>
      %dma_wait3A_819 = arith.constant 0 : i32
      %dma_wait3A_820 = arith.constant 0 : i32
      %dma_wait3A_821 = tpu.memref_slice %arg2[%dma_wait3A_819, %dma_wait3A_820] : memref<1000000x32xf32, #tpu.memory_space<hbm>> -> memref<1000000x32xf32, #tpu.memory_space<hbm>>
      %dma_wait3A_822 = tpu.memref_slice %arg11[%dma_wait3A_811] : memref<2x!tpu.dma_semaphore, #tpu.memory_space<semaphore_mem>> -> memref<1x!tpu.dma_semaphore, #tpu.memory_space<semaphore_mem>>
      %dma_wait3A_823 = tpu.memref_squeeze %dma_wait3A_822 : memref<1x!tpu.dma_semaphore, #tpu.memory_space<semaphore_mem>> -> memref<!tpu.dma_semaphore, #tpu.memory_space<semaphore_mem>>
      tpu.wait_indirect_dma semaphore(%dma_wait3A_823 : memref<!tpu.dma_semaphore, #tpu.memory_space<semaphore_mem>>) src(%dma_wait3A_821 : memref<1000000x32xf32, #tpu.memory_space<hbm>>) dst(%dma_wait3A_815 : memref<128x32xf32, #tpu.memory_space<vmem>>)
      %dma_wait3A_824 = arith.constant 0 : i32
      %dma_wait3A_825 = arith.constant 7 : i32
      %dma_wait3A_826 = arith.constant 0 : i32
      %dma_wait3A_827 = arith.constant 7 : i32
      %dma_wait3A_828 = arith.constant 0 : i32
      %dma_wait3A_829 = arith.constant 128 : i32
      %dma_wait3A_830 = arith.constant 0 : i32
      %dma_wait3A_831 = tpu.memref_slice %arg9[%dma_wait3A_826, %dma_wait3A_827, %dma_wait3A_829, %dma_wait3A_830] : memref<2x8x200x32xf32, #tpu.memory_space<vmem>> -> memref<1x1x72x32xf32, #tpu.memory_space<vmem>>
      %dma_wait3A_832 = tpu.memref_squeeze %dma_wait3A_831 : memref<1x1x72x32xf32, #tpu.memory_space<vmem>> -> memref<72x32xf32, #tpu.memory_space<vmem>>
      %dma_wait3A_833 = arith.constant 0 : i32
      %dma_wait3A_834 = tpu.memref_slice %arg8[%dma_wait3A_824, %dma_wait3A_825, %dma_wait3A_833] : memref<2x8x128xi32, #tpu.memory_space<vmem>> -> memref<1x1x72xi32, #tpu.memory_space<vmem>>
      %dma_wait3A_835 = tpu.memref_squeeze %dma_wait3A_834 : memref<1x1x72xi32, #tpu.memory_space<vmem>> -> memref<72xi32, #tpu.memory_space<vmem>>
      %dma_wait3A_836 = arith.constant 0 : i32
      %dma_wait3A_837 = arith.constant 0 : i32
      %dma_wait3A_838 = tpu.memref_slice %arg2[%dma_wait3A_836, %dma_wait3A_837] : memref<1000000x32xf32, #tpu.memory_space<hbm>> -> memref<1000000x32xf32, #tpu.memory_space<hbm>>
      %dma_wait3A_839 = tpu.memref_slice %arg11[%dma_wait3A_828] : memref<2x!tpu.dma_semaphore, #tpu.memory_space<semaphore_mem>> -> memref<1x!tpu.dma_semaphore, #tpu.memory_space<semaphore_mem>>
      %dma_wait3A_840 = tpu.memref_squeeze %dma_wait3A_839 : memref<1x!tpu.dma_semaphore, #tpu.memory_space<semaphore_mem>> -> memref<!tpu.dma_semaphore, #tpu.memory_space<semaphore_mem>>
      tpu.wait_indirect_dma semaphore(%dma_wait3A_840 : memref<!tpu.dma_semaphore, #tpu.memory_space<semaphore_mem>>) src(%dma_wait3A_838 : memref<1000000x32xf32, #tpu.memory_space<hbm>>) dst(%dma_wait3A_832 : memref<72x32xf32, #tpu.memory_space<vmem>>)
      %scan3A_841 = arith.constant 0 : i32
      %scan3A_842 = arith.constant 0 : i32
      %scan3A_843 = arith.constant 200 : i32
      %scan3A_844 = arith.addi %scan3A_842, %scan3A_843 : i32
      %scan3A_845 = arith.constant 1 : i32
      %scan3A_846 = scf.for %scan3A_1149 = %scan3A_842 to %scan3A_844 step %scan3A_845 iter_args(%scan3A_1150 = %scan3A_841) -> (i32)  : i32 {
        %get3A = arith.index_cast %scan3A_1149 : i32 to index
        %get3A_1151 = arith.constant 0 : index
        %get3A_1152 = tpu.vector_load %arg10[%get3A, %get3A_1151] {strides = array<i32>} : memref<200x32xf32, #tpu.memory_space<vmem>>, vector<1x16xf32>,
        %get3A_1153 = vector.shape_cast %get3A_1152 : vector<1x16xf32> to vector<16xf32>
        %get3A_1154 = arith.index_cast %scan3A_1149 : i32 to index
        %get3A_1155 = arith.constant 16 : index
        %get3A_1156 = tpu.vector_load %arg10[%get3A_1154, %get3A_1155] {strides = array<i32>} : memref<200x32xf32, #tpu.memory_space<vmem>>, vector<1x16xf32>,
        %get3A_1157 = vector.shape_cast %get3A_1156 : vector<1x16xf32> to vector<16xf32>
        %get3A_1158 = arith.constant 0 : i32
        %get3A_1159 = arith.constant 0 : i32
        %get3A_1160 = arith.index_cast %get3A_1158 : i32 to index
        %get3A_1161 = arith.index_cast %get3A_1159 : i32 to index
        %get3A_1162 = arith.index_cast %scan3A_1149 : i32 to index
        %get3A_1163 = arith.constant 0 : index
        %get3A_1164 = tpu.vector_load %arg9[%get3A_1160, %get3A_1161, %get3A_1162, %get3A_1163] {strides = array<i32>} : memref<2x8x200x32xf32, #tpu.memory_space<vmem>>, vector<1x1x1x16xf32>,
        %get3A_1165 = vector.shape_cast %get3A_1164 : vector<1x1x1x16xf32> to vector<16xf32>
        %add3A_1166 = arith.addf %get3A_1165, %get3A_1153 : vector<16xf32>
        %swap3A = arith.constant 0 : i32
        %swap3A_1167 = arith.constant 0 : i32
        %swap3A_1168 = arith.index_cast %swap3A : i32 to index
        %swap3A_1169 = arith.index_cast %swap3A_1167 : i32 to index
        %swap3A_1170 = arith.index_cast %scan3A_1149 : i32 to index
        %swap3A_1171 = arith.constant 0 : index
        %swap3A_1172 = tpu.vector_load %arg9[%swap3A_1168, %swap3A_1169, %swap3A_1170, %swap3A_1171] {strides = array<i32>} : memref<2x8x200x32xf32, #tpu.memory_space<vmem>>, vector<1x1x1x16xf32>,
        %swap3A_1173 = vector.shape_cast %swap3A_1172 : vector<1x1x1x16xf32> to vector<16xf32>
        %swap3A_1174 = vector.shape_cast %add3A_1166 : vector<16xf32> to vector<1x1x1x16xf32>
        tpu.vector_store %arg9[%swap3A_1168, %swap3A_1169, %swap3A_1170, %swap3A_1171], %swap3A_1174 {strides = array<i32>} : memref<2x8x200x32xf32, #tpu.memory_space<vmem>>, vector<1x1x1x16xf32>,
        %get3A_1175 = arith.constant 0 : i32
        %get3A_1176 = arith.constant 0 : i32
        %get3A_1177 = arith.index_cast %get3A_1175 : i32 to index
        %get3A_1178 = arith.index_cast %get3A_1176 : i32 to index
        %get3A_1179 = arith.index_cast %scan3A_1149 : i32 to index
        %get3A_1180 = arith.constant 16 : index
        %get3A_1181 = tpu.vector_load %arg9[%get3A_1177, %get3A_1178, %get3A_1179, %get3A_1180] {strides = array<i32>} : memref<2x8x200x32xf32, #tpu.memory_space<vmem>>, vector<1x1x1x16xf32>,
        %get3A_1182 = vector.shape_cast %get3A_1181 : vector<1x1x1x16xf32> to vector<16xf32>
        %add3A_1183 = arith.addf %get3A_1182, %get3A_1157 : vector<16xf32>
        %swap3A_1184 = arith.constant 0 : i32
        %swap3A_1185 = arith.constant 0 : i32
        %swap3A_1186 = arith.index_cast %swap3A_1184 : i32 to index
        %swap3A_1187 = arith.index_cast %swap3A_1185 : i32 to index
        %swap3A_1188 = arith.index_cast %scan3A_1149 : i32 to index
        %swap3A_1189 = arith.constant 16 : index
        %swap3A_1190 = tpu.vector_load %arg9[%swap3A_1186, %swap3A_1187, %swap3A_1188, %swap3A_1189] {strides = array<i32>} : memref<2x8x200x32xf32, #tpu.memory_space<vmem>>, vector<1x1x1x16xf32>,
        %swap3A_1191 = vector.shape_cast %swap3A_1190 : vector<1x1x1x16xf32> to vector<16xf32>
        %swap3A_1192 = vector.shape_cast %add3A_1183 : vector<16xf32> to vector<1x1x1x16xf32>
        tpu.vector_store %arg9[%swap3A_1186, %swap3A_1187, %swap3A_1188, %swap3A_1189], %swap3A_1192 {strides = array<i32>} : memref<2x8x200x32xf32, #tpu.memory_space<vmem>>, vector<1x1x1x16xf32>,
        %get3A_1193 = arith.constant 0 : i32
        %get3A_1194 = arith.constant 1 : i32
        %get3A_1195 = arith.index_cast %get3A_1193 : i32 to index
        %get3A_1196 = arith.index_cast %get3A_1194 : i32 to index
        %get3A_1197 = arith.index_cast %scan3A_1149 : i32 to index
        %get3A_1198 = arith.constant 0 : index
        %get3A_1199 = tpu.vector_load %arg9[%get3A_1195, %get3A_1196, %get3A_1197, %get3A_1198] {strides = array<i32>} : memref<2x8x200x32xf32, #tpu.memory_space<vmem>>, vector<1x1x1x16xf32>,
        %get3A_1200 = vector.shape_cast %get3A_1199 : vector<1x1x1x16xf32> to vector<16xf32>
        %add3A_1201 = arith.addf %get3A_1200, %get3A_1153 : vector<16xf32>
        %swap3A_1202 = arith.constant 0 : i32
        %swap3A_1203 = arith.constant 1 : i32
        %swap3A_1204 = arith.index_cast %swap3A_1202 : i32 to index
        %swap3A_1205 = arith.index_cast %swap3A_1203 : i32 to index
        %swap3A_1206 = arith.index_cast %scan3A_1149 : i32 to index
        %swap3A_1207 = arith.constant 0 : index
        %swap3A_1208 = tpu.vector_load %arg9[%swap3A_1204, %swap3A_1205, %swap3A_1206, %swap3A_1207] {strides = array<i32>} : memref<2x8x200x32xf32, #tpu.memory_space<vmem>>, vector<1x1x1x16xf32>,
        %swap3A_1209 = vector.shape_cast %swap3A_1208 : vector<1x1x1x16xf32> to vector<16xf32>
        %swap3A_1210 = vector.shape_cast %add3A_1201 : vector<16xf32> to vector<1x1x1x16xf32>
        tpu.vector_store %arg9[%swap3A_1204, %swap3A_1205, %swap3A_1206, %swap3A_1207], %swap3A_1210 {strides = array<i32>} : memref<2x8x200x32xf32, #tpu.memory_space<vmem>>, vector<1x1x1x16xf32>,
        %get3A_1211 = arith.constant 0 : i32
        %get3A_1212 = arith.constant 1 : i32
        %get3A_1213 = arith.index_cast %get3A_1211 : i32 to index
        %get3A_1214 = arith.index_cast %get3A_1212 : i32 to index
        %get3A_1215 = arith.index_cast %scan3A_1149 : i32 to index
        %get3A_1216 = arith.constant 16 : index
        %get3A_1217 = tpu.vector_load %arg9[%get3A_1213, %get3A_1214, %get3A_1215, %get3A_1216] {strides = array<i32>} : memref<2x8x200x32xf32, #tpu.memory_space<vmem>>, vector<1x1x1x16xf32>,
        %get3A_1218 = vector.shape_cast %get3A_1217 : vector<1x1x1x16xf32> to vector<16xf32>
        %add3A_1219 = arith.addf %get3A_1218, %get3A_1157 : vector<16xf32>
        %swap3A_1220 = arith.constant 0 : i32
        %swap3A_1221 = arith.constant 1 : i32
        %swap3A_1222 = arith.index_cast %swap3A_1220 : i32 to index
        %swap3A_1223 = arith.index_cast %swap3A_1221 : i32 to index
        %swap3A_1224 = arith.index_cast %scan3A_1149 : i32 to index
        %swap3A_1225 = arith.constant 16 : index
        %swap3A_1226 = tpu.vector_load %arg9[%swap3A_1222, %swap3A_1223, %swap3A_1224, %swap3A_1225] {strides = array<i32>} : memref<2x8x200x32xf32, #tpu.memory_space<vmem>>, vector<1x1x1x16xf32>,
        %swap3A_1227 = vector.shape_cast %swap3A_1226 : vector<1x1x1x16xf32> to vector<16xf32>
        %swap3A_1228 = vector.shape_cast %add3A_1219 : vector<16xf32> to vector<1x1x1x16xf32>
        tpu.vector_store %arg9[%swap3A_1222, %swap3A_1223, %swap3A_1224, %swap3A_1225], %swap3A_1228 {strides = array<i32>} : memref<2x8x200x32xf32, #tpu.memory_space<vmem>>, vector<1x1x1x16xf32>,
        %get3A_1229 = arith.constant 0 : i32
        %get3A_1230 = arith.constant 2 : i32
        %get3A_1231 = arith.index_cast %get3A_1229 : i32 to index
        %get3A_1232 = arith.index_cast %get3A_1230 : i32 to index
        %get3A_1233 = arith.index_cast %scan3A_1149 : i32 to index
        %get3A_1234 = arith.constant 0 : index
        %get3A_1235 = tpu.vector_load %arg9[%get3A_1231, %get3A_1232, %get3A_1233, %get3A_1234] {strides = array<i32>} : memref<2x8x200x32xf32, #tpu.memory_space<vmem>>, vector<1x1x1x16xf32>,
        %get3A_1236 = vector.shape_cast %get3A_1235 : vector<1x1x1x16xf32> to vector<16xf32>
        %add3A_1237 = arith.addf %get3A_1236, %get3A_1153 : vector<16xf32>
        %swap3A_1238 = arith.constant 0 : i32
        %swap3A_1239 = arith.constant 2 : i32
        %swap3A_1240 = arith.index_cast %swap3A_1238 : i32 to index
        %swap3A_1241 = arith.index_cast %swap3A_1239 : i32 to index
        %swap3A_1242 = arith.index_cast %scan3A_1149 : i32 to index
        %swap3A_1243 = arith.constant 0 : index
        %swap3A_1244 = tpu.vector_load %arg9[%swap3A_1240, %swap3A_1241, %swap3A_1242, %swap3A_1243] {strides = array<i32>} : memref<2x8x200x32xf32, #tpu.memory_space<vmem>>, vector<1x1x1x16xf32>,
        %swap3A_1245 = vector.shape_cast %swap3A_1244 : vector<1x1x1x16xf32> to vector<16xf32>
        %swap3A_1246 = vector.shape_cast %add3A_1237 : vector<16xf32> to vector<1x1x1x16xf32>
        tpu.vector_store %arg9[%swap3A_1240, %swap3A_1241, %swap3A_1242, %swap3A_1243], %swap3A_1246 {strides = array<i32>} : memref<2x8x200x32xf32, #tpu.memory_space<vmem>>, vector<1x1x1x16xf32>,
        %get3A_1247 = arith.constant 0 : i32
        %get3A_1248 = arith.constant 2 : i32
        %get3A_1249 = arith.index_cast %get3A_1247 : i32 to index
        %get3A_1250 = arith.index_cast %get3A_1248 : i32 to index
        %get3A_1251 = arith.index_cast %scan3A_1149 : i32 to index
        %get3A_1252 = arith.constant 16 : index
        %get3A_1253 = tpu.vector_load %arg9[%get3A_1249, %get3A_1250, %get3A_1251, %get3A_1252] {strides = array<i32>} : memref<2x8x200x32xf32, #tpu.memory_space<vmem>>, vector<1x1x1x16xf32>,
        %get3A_1254 = vector.shape_cast %get3A_1253 : vector<1x1x1x16xf32> to vector<16xf32>
        %add3A_1255 = arith.addf %get3A_1254, %get3A_1157 : vector<16xf32>
        %swap3A_1256 = arith.constant 0 : i32
        %swap3A_1257 = arith.constant 2 : i32
        %swap3A_1258 = arith.index_cast %swap3A_1256 : i32 to index
        %swap3A_1259 = arith.index_cast %swap3A_1257 : i32 to index
        %swap3A_1260 = arith.index_cast %scan3A_1149 : i32 to index
        %swap3A_1261 = arith.constant 16 : index
        %swap3A_1262 = tpu.vector_load %arg9[%swap3A_1258, %swap3A_1259, %swap3A_1260, %swap3A_1261] {strides = array<i32>} : memref<2x8x200x32xf32, #tpu.memory_space<vmem>>, vector<1x1x1x16xf32>,
        %swap3A_1263 = vector.shape_cast %swap3A_1262 : vector<1x1x1x16xf32> to vector<16xf32>
        %swap3A_1264 = vector.shape_cast %add3A_1255 : vector<16xf32> to vector<1x1x1x16xf32>
        tpu.vector_store %arg9[%swap3A_1258, %swap3A_1259, %swap3A_1260, %swap3A_1261], %swap3A_1264 {strides = array<i32>} : memref<2x8x200x32xf32, #tpu.memory_space<vmem>>, vector<1x1x1x16xf32>,
        %get3A_1265 = arith.constant 0 : i32
        %get3A_1266 = arith.constant 3 : i32
        %get3A_1267 = arith.index_cast %get3A_1265 : i32 to index
        %get3A_1268 = arith.index_cast %get3A_1266 : i32 to index
        %get3A_1269 = arith.index_cast %scan3A_1149 : i32 to index
        %get3A_1270 = arith.constant 0 : index
        %get3A_1271 = tpu.vector_load %arg9[%get3A_1267, %get3A_1268, %get3A_1269, %get3A_1270] {strides = array<i32>} : memref<2x8x200x32xf32, #tpu.memory_space<vmem>>, vector<1x1x1x16xf32>,
        %get3A_1272 = vector.shape_cast %get3A_1271 : vector<1x1x1x16xf32> to vector<16xf32>
        %add3A_1273 = arith.addf %get3A_1272, %get3A_1153 : vector<16xf32>
        %swap3A_1274 = arith.constant 0 : i32
        %swap3A_1275 = arith.constant 3 : i32
        %swap3A_1276 = arith.index_cast %swap3A_1274 : i32 to index
        %swap3A_1277 = arith.index_cast %swap3A_1275 : i32 to index
        %swap3A_1278 = arith.index_cast %scan3A_1149 : i32 to index
        %swap3A_1279 = arith.constant 0 : index
        %swap3A_1280 = tpu.vector_load %arg9[%swap3A_1276, %swap3A_1277, %swap3A_1278, %swap3A_1279] {strides = array<i32>} : memref<2x8x200x32xf32, #tpu.memory_space<vmem>>, vector<1x1x1x16xf32>,
        %swap3A_1281 = vector.shape_cast %swap3A_1280 : vector<1x1x1x16xf32> to vector<16xf32>
        %swap3A_1282 = vector.shape_cast %add3A_1273 : vector<16xf32> to vector<1x1x1x16xf32>
        tpu.vector_store %arg9[%swap3A_1276, %swap3A_1277, %swap3A_1278, %swap3A_1279], %swap3A_1282 {strides = array<i32>} : memref<2x8x200x32xf32, #tpu.memory_space<vmem>>, vector<1x1x1x16xf32>,
        %get3A_1283 = arith.constant 0 : i32
        %get3A_1284 = arith.constant 3 : i32
        %get3A_1285 = arith.index_cast %get3A_1283 : i32 to index
        %get3A_1286 = arith.index_cast %get3A_1284 : i32 to index
        %get3A_1287 = arith.index_cast %scan3A_1149 : i32 to index
        %get3A_1288 = arith.constant 16 : index
        %get3A_1289 = tpu.vector_load %arg9[%get3A_1285, %get3A_1286, %get3A_1287, %get3A_1288] {strides = array<i32>} : memref<2x8x200x32xf32, #tpu.memory_space<vmem>>, vector<1x1x1x16xf32>,
        %get3A_1290 = vector.shape_cast %get3A_1289 : vector<1x1x1x16xf32> to vector<16xf32>
        %add3A_1291 = arith.addf %get3A_1290, %get3A_1157 : vector<16xf32>
        %swap3A_1292 = arith.constant 0 : i32
        %swap3A_1293 = arith.constant 3 : i32
        %swap3A_1294 = arith.index_cast %swap3A_1292 : i32 to index
        %swap3A_1295 = arith.index_cast %swap3A_1293 : i32 to index
        %swap3A_1296 = arith.index_cast %scan3A_1149 : i32 to index
        %swap3A_1297 = arith.constant 16 : index
        %swap3A_1298 = tpu.vector_load %arg9[%swap3A_1294, %swap3A_1295, %swap3A_1296, %swap3A_1297] {strides = array<i32>} : memref<2x8x200x32xf32, #tpu.memory_space<vmem>>, vector<1x1x1x16xf32>,
        %swap3A_1299 = vector.shape_cast %swap3A_1298 : vector<1x1x1x16xf32> to vector<16xf32>
        %swap3A_1300 = vector.shape_cast %add3A_1291 : vector<16xf32> to vector<1x1x1x16xf32>
        tpu.vector_store %arg9[%swap3A_1294, %swap3A_1295, %swap3A_1296, %swap3A_1297], %swap3A_1300 {strides = array<i32>} : memref<2x8x200x32xf32, #tpu.memory_space<vmem>>, vector<1x1x1x16xf32>,
        %get3A_1301 = arith.constant 0 : i32
        %get3A_1302 = arith.constant 4 : i32
        %get3A_1303 = arith.index_cast %get3A_1301 : i32 to index
        %get3A_1304 = arith.index_cast %get3A_1302 : i32 to index
        %get3A_1305 = arith.index_cast %scan3A_1149 : i32 to index
        %get3A_1306 = arith.constant 0 : index
        %get3A_1307 = tpu.vector_load %arg9[%get3A_1303, %get3A_1304, %get3A_1305, %get3A_1306] {strides = array<i32>} : memref<2x8x200x32xf32, #tpu.memory_space<vmem>>, vector<1x1x1x16xf32>,
        %get3A_1308 = vector.shape_cast %get3A_1307 : vector<1x1x1x16xf32> to vector<16xf32>
        %add3A_1309 = arith.addf %get3A_1308, %get3A_1153 : vector<16xf32>
        %swap3A_1310 = arith.constant 0 : i32
        %swap3A_1311 = arith.constant 4 : i32
        %swap3A_1312 = arith.index_cast %swap3A_1310 : i32 to index
        %swap3A_1313 = arith.index_cast %swap3A_1311 : i32 to index
        %swap3A_1314 = arith.index_cast %scan3A_1149 : i32 to index
        %swap3A_1315 = arith.constant 0 : index
        %swap3A_1316 = tpu.vector_load %arg9[%swap3A_1312, %swap3A_1313, %swap3A_1314, %swap3A_1315] {strides = array<i32>} : memref<2x8x200x32xf32, #tpu.memory_space<vmem>>, vector<1x1x1x16xf32>,
        %swap3A_1317 = vector.shape_cast %swap3A_1316 : vector<1x1x1x16xf32> to vector<16xf32>
        %swap3A_1318 = vector.shape_cast %add3A_1309 : vector<16xf32> to vector<1x1x1x16xf32>
        tpu.vector_store %arg9[%swap3A_1312, %swap3A_1313, %swap3A_1314, %swap3A_1315], %swap3A_1318 {strides = array<i32>} : memref<2x8x200x32xf32, #tpu.memory_space<vmem>>, vector<1x1x1x16xf32>,
        %get3A_1319 = arith.constant 0 : i32
        %get3A_1320 = arith.constant 4 : i32
        %get3A_1321 = arith.index_cast %get3A_1319 : i32 to index
        %get3A_1322 = arith.index_cast %get3A_1320 : i32 to index
        %get3A_1323 = arith.index_cast %scan3A_1149 : i32 to index
        %get3A_1324 = arith.constant 16 : index
        %get3A_1325 = tpu.vector_load %arg9[%get3A_1321, %get3A_1322, %get3A_1323, %get3A_1324] {strides = array<i32>} : memref<2x8x200x32xf32, #tpu.memory_space<vmem>>, vector<1x1x1x16xf32>,
        %get3A_1326 = vector.shape_cast %get3A_1325 : vector<1x1x1x16xf32> to vector<16xf32>
        %add3A_1327 = arith.addf %get3A_1326, %get3A_1157 : vector<16xf32>
        %swap3A_1328 = arith.constant 0 : i32
        %swap3A_1329 = arith.constant 4 : i32
        %swap3A_1330 = arith.index_cast %swap3A_1328 : i32 to index
        %swap3A_1331 = arith.index_cast %swap3A_1329 : i32 to index
        %swap3A_1332 = arith.index_cast %scan3A_1149 : i32 to index
        %swap3A_1333 = arith.constant 16 : index
        %swap3A_1334 = tpu.vector_load %arg9[%swap3A_1330, %swap3A_1331, %swap3A_1332, %swap3A_1333] {strides = array<i32>} : memref<2x8x200x32xf32, #tpu.memory_space<vmem>>, vector<1x1x1x16xf32>,
        %swap3A_1335 = vector.shape_cast %swap3A_1334 : vector<1x1x1x16xf32> to vector<16xf32>
        %swap3A_1336 = vector.shape_cast %add3A_1327 : vector<16xf32> to vector<1x1x1x16xf32>
        tpu.vector_store %arg9[%swap3A_1330, %swap3A_1331, %swap3A_1332, %swap3A_1333], %swap3A_1336 {strides = array<i32>} : memref<2x8x200x32xf32, #tpu.memory_space<vmem>>, vector<1x1x1x16xf32>,
        %get3A_1337 = arith.constant 0 : i32
        %get3A_1338 = arith.constant 5 : i32
        %get3A_1339 = arith.index_cast %get3A_1337 : i32 to index
        %get3A_1340 = arith.index_cast %get3A_1338 : i32 to index
        %get3A_1341 = arith.index_cast %scan3A_1149 : i32 to index
        %get3A_1342 = arith.constant 0 : index
        %get3A_1343 = tpu.vector_load %arg9[%get3A_1339, %get3A_1340, %get3A_1341, %get3A_1342] {strides = array<i32>} : memref<2x8x200x32xf32, #tpu.memory_space<vmem>>, vector<1x1x1x16xf32>,
        %get3A_1344 = vector.shape_cast %get3A_1343 : vector<1x1x1x16xf32> to vector<16xf32>
        %add3A_1345 = arith.addf %get3A_1344, %get3A_1153 : vector<16xf32>
        %swap3A_1346 = arith.constant 0 : i32
        %swap3A_1347 = arith.constant 5 : i32
        %swap3A_1348 = arith.index_cast %swap3A_1346 : i32 to index
        %swap3A_1349 = arith.index_cast %swap3A_1347 : i32 to index
        %swap3A_1350 = arith.index_cast %scan3A_1149 : i32 to index
        %swap3A_1351 = arith.constant 0 : index
        %swap3A_1352 = tpu.vector_load %arg9[%swap3A_1348, %swap3A_1349, %swap3A_1350, %swap3A_1351] {strides = array<i32>} : memref<2x8x200x32xf32, #tpu.memory_space<vmem>>, vector<1x1x1x16xf32>,
        %swap3A_1353 = vector.shape_cast %swap3A_1352 : vector<1x1x1x16xf32> to vector<16xf32>
        %swap3A_1354 = vector.shape_cast %add3A_1345 : vector<16xf32> to vector<1x1x1x16xf32>
        tpu.vector_store %arg9[%swap3A_1348, %swap3A_1349, %swap3A_1350, %swap3A_1351], %swap3A_1354 {strides = array<i32>} : memref<2x8x200x32xf32, #tpu.memory_space<vmem>>, vector<1x1x1x16xf32>,
        %get3A_1355 = arith.constant 0 : i32
        %get3A_1356 = arith.constant 5 : i32
        %get3A_1357 = arith.index_cast %get3A_1355 : i32 to index
        %get3A_1358 = arith.index_cast %get3A_1356 : i32 to index
        %get3A_1359 = arith.index_cast %scan3A_1149 : i32 to index
        %get3A_1360 = arith.constant 16 : index
        %get3A_1361 = tpu.vector_load %arg9[%get3A_1357, %get3A_1358, %get3A_1359, %get3A_1360] {strides = array<i32>} : memref<2x8x200x32xf32, #tpu.memory_space<vmem>>, vector<1x1x1x16xf32>,
        %get3A_1362 = vector.shape_cast %get3A_1361 : vector<1x1x1x16xf32> to vector<16xf32>
        %add3A_1363 = arith.addf %get3A_1362, %get3A_1157 : vector<16xf32>
        %swap3A_1364 = arith.constant 0 : i32
        %swap3A_1365 = arith.constant 5 : i32
        %swap3A_1366 = arith.index_cast %swap3A_1364 : i32 to index
        %swap3A_1367 = arith.index_cast %swap3A_1365 : i32 to index
        %swap3A_1368 = arith.index_cast %scan3A_1149 : i32 to index
        %swap3A_1369 = arith.constant 16 : index
        %swap3A_1370 = tpu.vector_load %arg9[%swap3A_1366, %swap3A_1367, %swap3A_1368, %swap3A_1369] {strides = array<i32>} : memref<2x8x200x32xf32, #tpu.memory_space<vmem>>, vector<1x1x1x16xf32>,
        %swap3A_1371 = vector.shape_cast %swap3A_1370 : vector<1x1x1x16xf32> to vector<16xf32>
        %swap3A_1372 = vector.shape_cast %add3A_1363 : vector<16xf32> to vector<1x1x1x16xf32>
        tpu.vector_store %arg9[%swap3A_1366, %swap3A_1367, %swap3A_1368, %swap3A_1369], %swap3A_1372 {strides = array<i32>} : memref<2x8x200x32xf32, #tpu.memory_space<vmem>>, vector<1x1x1x16xf32>,
        %get3A_1373 = arith.constant 0 : i32
        %get3A_1374 = arith.constant 6 : i32
        %get3A_1375 = arith.index_cast %get3A_1373 : i32 to index
        %get3A_1376 = arith.index_cast %get3A_1374 : i32 to index
        %get3A_1377 = arith.index_cast %scan3A_1149 : i32 to index
        %get3A_1378 = arith.constant 0 : index
        %get3A_1379 = tpu.vector_load %arg9[%get3A_1375, %get3A_1376, %get3A_1377, %get3A_1378] {strides = array<i32>} : memref<2x8x200x32xf32, #tpu.memory_space<vmem>>, vector<1x1x1x16xf32>,
        %get3A_1380 = vector.shape_cast %get3A_1379 : vector<1x1x1x16xf32> to vector<16xf32>
        %add3A_1381 = arith.addf %get3A_1380, %get3A_1153 : vector<16xf32>
        %swap3A_1382 = arith.constant 0 : i32
        %swap3A_1383 = arith.constant 6 : i32
        %swap3A_1384 = arith.index_cast %swap3A_1382 : i32 to index
        %swap3A_1385 = arith.index_cast %swap3A_1383 : i32 to index
        %swap3A_1386 = arith.index_cast %scan3A_1149 : i32 to index
        %swap3A_1387 = arith.constant 0 : index
        %swap3A_1388 = tpu.vector_load %arg9[%swap3A_1384, %swap3A_1385, %swap3A_1386, %swap3A_1387] {strides = array<i32>} : memref<2x8x200x32xf32, #tpu.memory_space<vmem>>, vector<1x1x1x16xf32>,
        %swap3A_1389 = vector.shape_cast %swap3A_1388 : vector<1x1x1x16xf32> to vector<16xf32>
        %swap3A_1390 = vector.shape_cast %add3A_1381 : vector<16xf32> to vector<1x1x1x16xf32>
        tpu.vector_store %arg9[%swap3A_1384, %swap3A_1385, %swap3A_1386, %swap3A_1387], %swap3A_1390 {strides = array<i32>} : memref<2x8x200x32xf32, #tpu.memory_space<vmem>>, vector<1x1x1x16xf32>,
        %get3A_1391 = arith.constant 0 : i32
        %get3A_1392 = arith.constant 6 : i32
        %get3A_1393 = arith.index_cast %get3A_1391 : i32 to index
        %get3A_1394 = arith.index_cast %get3A_1392 : i32 to index
        %get3A_1395 = arith.index_cast %scan3A_1149 : i32 to index
        %get3A_1396 = arith.constant 16 : index
        %get3A_1397 = tpu.vector_load %arg9[%get3A_1393, %get3A_1394, %get3A_1395, %get3A_1396] {strides = array<i32>} : memref<2x8x200x32xf32, #tpu.memory_space<vmem>>, vector<1x1x1x16xf32>,
        %get3A_1398 = vector.shape_cast %get3A_1397 : vector<1x1x1x16xf32> to vector<16xf32>
        %add3A_1399 = arith.addf %get3A_1398, %get3A_1157 : vector<16xf32>
        %swap3A_1400 = arith.constant 0 : i32
        %swap3A_1401 = arith.constant 6 : i32
        %swap3A_1402 = arith.index_cast %swap3A_1400 : i32 to index
        %swap3A_1403 = arith.index_cast %swap3A_1401 : i32 to index
        %swap3A_1404 = arith.index_cast %scan3A_1149 : i32 to index
        %swap3A_1405 = arith.constant 16 : index
        %swap3A_1406 = tpu.vector_load %arg9[%swap3A_1402, %swap3A_1403, %swap3A_1404, %swap3A_1405] {strides = array<i32>} : memref<2x8x200x32xf32, #tpu.memory_space<vmem>>, vector<1x1x1x16xf32>,
        %swap3A_1407 = vector.shape_cast %swap3A_1406 : vector<1x1x1x16xf32> to vector<16xf32>
        %swap3A_1408 = vector.shape_cast %add3A_1399 : vector<16xf32> to vector<1x1x1x16xf32>
        tpu.vector_store %arg9[%swap3A_1402, %swap3A_1403, %swap3A_1404, %swap3A_1405], %swap3A_1408 {strides = array<i32>} : memref<2x8x200x32xf32, #tpu.memory_space<vmem>>, vector<1x1x1x16xf32>,
        %get3A_1409 = arith.constant 0 : i32
        %get3A_1410 = arith.constant 7 : i32
        %get3A_1411 = arith.index_cast %get3A_1409 : i32 to index
        %get3A_1412 = arith.index_cast %get3A_1410 : i32 to index
        %get3A_1413 = arith.index_cast %scan3A_1149 : i32 to index
        %get3A_1414 = arith.constant 0 : index
        %get3A_1415 = tpu.vector_load %arg9[%get3A_1411, %get3A_1412, %get3A_1413, %get3A_1414] {strides = array<i32>} : memref<2x8x200x32xf32, #tpu.memory_space<vmem>>, vector<1x1x1x16xf32>,
        %get3A_1416 = vector.shape_cast %get3A_1415 : vector<1x1x1x16xf32> to vector<16xf32>
        %add3A_1417 = arith.addf %get3A_1416, %get3A_1153 : vector<16xf32>
        %swap3A_1418 = arith.constant 0 : i32
        %swap3A_1419 = arith.constant 7 : i32
        %swap3A_1420 = arith.index_cast %swap3A_1418 : i32 to index
        %swap3A_1421 = arith.index_cast %swap3A_1419 : i32 to index
        %swap3A_1422 = arith.index_cast %scan3A_1149 : i32 to index
        %swap3A_1423 = arith.constant 0 : index
        %swap3A_1424 = tpu.vector_load %arg9[%swap3A_1420, %swap3A_1421, %swap3A_1422, %swap3A_1423] {strides = array<i32>} : memref<2x8x200x32xf32, #tpu.memory_space<vmem>>, vector<1x1x1x16xf32>,
        %swap3A_1425 = vector.shape_cast %swap3A_1424 : vector<1x1x1x16xf32> to vector<16xf32>
        %swap3A_1426 = vector.shape_cast %add3A_1417 : vector<16xf32> to vector<1x1x1x16xf32>
        tpu.vector_store %arg9[%swap3A_1420, %swap3A_1421, %swap3A_1422, %swap3A_1423], %swap3A_1426 {strides = array<i32>} : memref<2x8x200x32xf32, #tpu.memory_space<vmem>>, vector<1x1x1x16xf32>,
        %get3A_1427 = arith.constant 0 : i32
        %get3A_1428 = arith.constant 7 : i32
        %get3A_1429 = arith.index_cast %get3A_1427 : i32 to index
        %get3A_1430 = arith.index_cast %get3A_1428 : i32 to index
        %get3A_1431 = arith.index_cast %scan3A_1149 : i32 to index
        %get3A_1432 = arith.constant 16 : index
        %get3A_1433 = tpu.vector_load %arg9[%get3A_1429, %get3A_1430, %get3A_1431, %get3A_1432] {strides = array<i32>} : memref<2x8x200x32xf32, #tpu.memory_space<vmem>>, vector<1x1x1x16xf32>,
        %get3A_1434 = vector.shape_cast %get3A_1433 : vector<1x1x1x16xf32> to vector<16xf32>
        %add3A_1435 = arith.addf %get3A_1434, %get3A_1157 : vector<16xf32>
        %swap3A_1436 = arith.constant 0 : i32
        %swap3A_1437 = arith.constant 7 : i32
        %swap3A_1438 = arith.index_cast %swap3A_1436 : i32 to index
        %swap3A_1439 = arith.index_cast %swap3A_1437 : i32 to index
        %swap3A_1440 = arith.index_cast %scan3A_1149 : i32 to index
        %swap3A_1441 = arith.constant 16 : index
        %swap3A_1442 = tpu.vector_load %arg9[%swap3A_1438, %swap3A_1439, %swap3A_1440, %swap3A_1441] {strides = array<i32>} : memref<2x8x200x32xf32, #tpu.memory_space<vmem>>, vector<1x1x1x16xf32>,
        %swap3A_1443 = vector.shape_cast %swap3A_1442 : vector<1x1x1x16xf32> to vector<16xf32>
        %swap3A_1444 = vector.shape_cast %add3A_1435 : vector<16xf32> to vector<1x1x1x16xf32>
        tpu.vector_store %arg9[%swap3A_1438, %swap3A_1439, %swap3A_1440, %swap3A_1441], %swap3A_1444 {strides = array<i32>} : memref<2x8x200x32xf32, #tpu.memory_space<vmem>>, vector<1x1x1x16xf32>,
        %scan3A_1445 = arith.constant 0 : i32
        scf.yield %scan3A_1445 : i32
      }
      %scan3A_847 = arith.constant 200 : i32
      %run_scoped3A_848 = arith.constant 0 : i32
      "tpu.region"() ({
        %run_scoped3A_1149 = tpu.sem_alloc : memref<!tpu.dma_semaphore, #tpu.memory_space<semaphore_mem>>
        %dma_start3A_1150 = arith.constant 0 : i32
        %dma_start3A_1151 = arith.constant 0 : i32
        %dma_start3A_1152 = arith.constant 0 : i32
        %dma_start3A_1153 = tpu.memref_slice %arg9[%run_scoped3A_848, %dma_start3A_1150, %dma_start3A_1151, %dma_start3A_1152] : memref<2x8x200x32xf32, #tpu.memory_space<vmem>> -> memref<1x8x200x32xf32, #tpu.memory_space<vmem>>
        %dma_start3A_1154 = tpu.memref_squeeze %dma_start3A_1153 : memref<1x8x200x32xf32, #tpu.memory_space<vmem>> -> memref<8x200x32xf32, #tpu.memory_space<vmem>>
        %dma_start3A_1155 = arith.constant 0 : i32
        %dma_start3A_1156 = arith.constant 0 : i32
        %dma_start3A_1157 = tpu.memref_slice %arg6[%multiple_of3A_569, %dma_start3A_1155, %dma_start3A_1156] : memref<4096x200x128xf32, #tpu.memory_space<hbm>> -> memref<8x200x32xf32, #tpu.memory_space<hbm>>
        %dma_start3A_1158 = arith.constant 0 : i32
        %dma_start3A_1159 = arith.constant 0 : i32
        %dma_start3A_1160 = tpu.memref_slice %arg6[%multiple_of3A_569, %dma_start3A_1158, %dma_start3A_1159] : memref<4096x200x128xf32, #tpu.memory_space<hbm>> -> memref<8x200x32xf32, #tpu.memory_space<hbm>>
        %dma_start3A_1161 = arith.constant 0 : i32
        %dma_start3A_1162 = arith.constant 0 : i32
        %dma_start3A_1163 = arith.constant 0 : i32
        %dma_start3A_1164 = tpu.memref_slice %arg9[%run_scoped3A_848, %dma_start3A_1161, %dma_start3A_1162, %dma_start3A_1163] : memref<2x8x200x32xf32, #tpu.memory_space<vmem>> -> memref<1x8x200x32xf32, #tpu.memory_space<vmem>>
        %dma_start3A_1165 = tpu.memref_squeeze %dma_start3A_1164 : memref<1x8x200x32xf32, #tpu.memory_space<vmem>> -> memref<8x200x32xf32, #tpu.memory_space<vmem>>
        tpu.enqueue_dma source(%dma_start3A_1165 : memref<8x200x32xf32, #tpu.memory_space<vmem>>) target(%dma_start3A_1160 : memref<8x200x32xf32, #tpu.memory_space<hbm>>) target_semaphore(%run_scoped3A_1149 : memref<!tpu.dma_semaphore, #tpu.memory_space<semaphore_mem>>)
        %dma_wait3A_1166 = arith.constant 0 : i32
        %dma_wait3A_1167 = arith.constant 0 : i32
        %dma_wait3A_1168 = arith.constant 0 : i32
        %dma_wait3A_1169 = tpu.memref_slice %arg9[%run_scoped3A_848, %dma_wait3A_1166, %dma_wait3A_1167, %dma_wait3A_1168] : memref<2x8x200x32xf32, #tpu.memory_space<vmem>> -> memref<1x8x200x32xf32, #tpu.memory_space<vmem>>
        %dma_wait3A_1170 = tpu.memref_squeeze %dma_wait3A_1169 : memref<1x8x200x32xf32, #tpu.memory_space<vmem>> -> memref<8x200x32xf32, #tpu.memory_space<vmem>>
        %dma_wait3A_1171 = arith.constant 0 : i32
        %dma_wait3A_1172 = arith.constant 0 : i32
        %dma_wait3A_1173 = tpu.memref_slice %arg6[%multiple_of3A_569, %dma_wait3A_1171, %dma_wait3A_1172] : memref<4096x200x128xf32, #tpu.memory_space<hbm>> -> memref<8x200x32xf32, #tpu.memory_space<hbm>>
        %dma_wait3A_1174 = arith.constant 0 : i32
        %dma_wait3A_1175 = arith.constant 0 : i32
        %dma_wait3A_1176 = tpu.memref_slice %arg6[%multiple_of3A_569, %dma_wait3A_1174, %dma_wait3A_1175] : memref<4096x200x128xf32, #tpu.memory_space<hbm>> -> memref<8x200x32xf32, #tpu.memory_space<hbm>>
        %dma_wait3A_1177 = arith.constant 0 : i32
        %dma_wait3A_1178 = arith.constant 0 : i32
        %dma_wait3A_1179 = arith.constant 0 : i32
        %dma_wait3A_1180 = tpu.memref_slice %arg9[%run_scoped3A_848, %dma_wait3A_1177, %dma_wait3A_1178, %dma_wait3A_1179] : memref<2x8x200x32xf32, #tpu.memory_space<vmem>> -> memref<1x8x200x32xf32, #tpu.memory_space<vmem>>
        %dma_wait3A_1181 = tpu.memref_squeeze %dma_wait3A_1180 : memref<1x8x200x32xf32, #tpu.memory_space<vmem>> -> memref<8x200x32xf32, #tpu.memory_space<vmem>>
        tpu.wait_dma2 semaphore(%run_scoped3A_1149 : memref<!tpu.dma_semaphore, #tpu.memory_space<semaphore_mem>>) src(%dma_wait3A_1181 : memref<8x200x32xf32, #tpu.memory_space<vmem>>) dst(%dma_wait3A_1176 : memref<8x200x32xf32, #tpu.memory_space<hbm>>)
        tpu.yield
      }) : () -> ()
      %add3A_849 = arith.constant 2 : i32
      %add3A_850 = arith.addi %add3A_565, %add3A_849 : i32
      %lt3A = arith.constant 16 : i32
      %lt3A_851 = arith.cmpi slt, %add3A_850, %lt3A : i32
      %convert_element_type3A = arith.extui %lt3A_851 : i1 to i32
      %cond3A = arith.constant 0 : i32
      %cond3A_852 = arith.cmpi ne, %convert_element_type3A, %cond3A : i32
      scf.if %cond3A_852 {
        %add3A_1149 = arith.constant 2 : i32
        %add3A_1150 = arith.addi %add3A_565, %add3A_1149 : i32
        %mul3A_1151 = arith.constant 8 : i32
        %mul3A_1152 = arith.muli %add3A_1150, %mul3A_1151 : i32
        %add3A_1153 = arith.addi %mul3A_2, %mul3A_1152 : i32
        %multiple_of3A_1154 = tpu.assume_multiple %add3A_1153, 8 : i32
        %run_scoped3A_1155 = arith.constant 0 : i32
        "tpu.region"() ({
          %run_scoped3A_1429 = tpu.sem_alloc : memref<!tpu.dma_semaphore, #tpu.memory_space<semaphore_mem>>
          %dma_start3A_1430 = arith.constant 0 : i32
          %dma_start3A_1431 = arith.constant 0 : i32
          %dma_start3A_1432 = tpu.memref_slice %arg7[%run_scoped3A_1155, %dma_start3A_1430, %dma_start3A_1431] : memref<2x8x128xi32, #tpu.memory_space<vmem>> -> memref<1x8x128xi32, #tpu.memory_space<vmem>>
          %dma_start3A_1433 = tpu.memref_squeeze %dma_start3A_1432 : memref<1x8x128xi32, #tpu.memory_space<vmem>> -> memref<8x128xi32, #tpu.memory_space<vmem>>
          %dma_start3A_1434 = arith.constant 0 : i32
          %dma_start3A_1435 = tpu.memref_slice %arg3[%multiple_of3A_1154, %dma_start3A_1434] : memref<4096x128xi32, #tpu.memory_space<hbm>> -> memref<8x128xi32, #tpu.memory_space<hbm>>
          %dma_start3A_1436 = arith.constant 0 : i32
          %dma_start3A_1437 = arith.constant 0 : i32
          %dma_start3A_1438 = tpu.memref_slice %arg7[%run_scoped3A_1155, %dma_start3A_1436, %dma_start3A_1437] : memref<2x8x128xi32, #tpu.memory_space<vmem>> -> memref<1x8x128xi32, #tpu.memory_space<vmem>>
          %dma_start3A_1439 = tpu.memref_squeeze %dma_start3A_1438 : memref<1x8x128xi32, #tpu.memory_space<vmem>> -> memref<8x128xi32, #tpu.memory_space<vmem>>
          %dma_start3A_1440 = arith.constant 0 : i32
          %dma_start3A_1441 = tpu.memref_slice %arg3[%multiple_of3A_1154, %dma_start3A_1440] : memref<4096x128xi32, #tpu.memory_space<hbm>> -> memref<8x128xi32, #tpu.memory_space<hbm>>
          tpu.enqueue_dma source(%dma_start3A_1441 : memref<8x128xi32, #tpu.memory_space<hbm>>) target(%dma_start3A_1439 : memref<8x128xi32, #tpu.memory_space<vmem>>) target_semaphore(%run_scoped3A_1429 : memref<!tpu.dma_semaphore, #tpu.memory_space<semaphore_mem>>)
          %dma_wait3A_1442 = arith.constant 0 : i32
          %dma_wait3A_1443 = arith.constant 0 : i32
          %dma_wait3A_1444 = tpu.memref_slice %arg7[%run_scoped3A_1155, %dma_wait3A_1442, %dma_wait3A_1443] : memref<2x8x128xi32, #tpu.memory_space<vmem>> -> memref<1x8x128xi32, #tpu.memory_space<vmem>>
          %dma_wait3A_1445 = tpu.memref_squeeze %dma_wait3A_1444 : memref<1x8x128xi32, #tpu.memory_space<vmem>> -> memref<8x128xi32, #tpu.memory_space<vmem>>
          %dma_wait3A_1446 = arith.constant 0 : i32
          %dma_wait3A_1447 = tpu.memref_slice %arg3[%multiple_of3A_1154, %dma_wait3A_1446] : memref<4096x128xi32, #tpu.memory_space<hbm>> -> memref<8x128xi32, #tpu.memory_space<hbm>>
          %dma_wait3A_1448 = arith.constant 0 : i32
          %dma_wait3A_1449 = arith.constant 0 : i32
          %dma_wait3A_1450 = tpu.memref_slice %arg7[%run_scoped3A_1155, %dma_wait3A_1448, %dma_wait3A_1449] : memref<2x8x128xi32, #tpu.memory_space<vmem>> -> memref<1x8x128xi32, #tpu.memory_space<vmem>>
          %dma_wait3A_1451 = tpu.memref_squeeze %dma_wait3A_1450 : memref<1x8x128xi32, #tpu.memory_space<vmem>> -> memref<8x128xi32, #tpu.memory_space<vmem>>
          %dma_wait3A_1452 = arith.constant 0 : i32
          %dma_wait3A_1453 = tpu.memref_slice %arg3[%multiple_of3A_1154, %dma_wait3A_1452] : memref<4096x128xi32, #tpu.memory_space<hbm>> -> memref<8x128xi32, #tpu.memory_space<hbm>>
          tpu.wait_dma2 semaphore(%run_scoped3A_1429 : memref<!tpu.dma_semaphore, #tpu.memory_space<semaphore_mem>>) src(%dma_wait3A_1453 : memref<8x128xi32, #tpu.memory_space<hbm>>) dst(%dma_wait3A_1451 : memref<8x128xi32, #tpu.memory_space<vmem>>)
          tpu.yield
        }) : () -> ()
        %run_scoped3A_1156 = arith.constant 0 : i32
        "tpu.region"() ({
          %run_scoped3A_1429 = tpu.sem_alloc : memref<!tpu.dma_semaphore, #tpu.memory_space<semaphore_mem>>
          %dma_start3A_1430 = arith.constant 0 : i32
          %dma_start3A_1431 = arith.constant 0 : i32
          %dma_start3A_1432 = tpu.memref_slice %arg8[%run_scoped3A_1156, %dma_start3A_1430, %dma_start3A_1431] : memref<2x8x128xi32, #tpu.memory_space<vmem>> -> memref<1x8x128xi32, #tpu.memory_space<vmem>>
          %dma_start3A_1433 = tpu.memref_squeeze %dma_start3A_1432 : memref<1x8x128xi32, #tpu.memory_space<vmem>> -> memref<8x128xi32, #tpu.memory_space<vmem>>
          %dma_start3A_1434 = arith.constant 0 : i32
          %dma_start3A_1435 = tpu.memref_slice %arg4[%multiple_of3A_1154, %dma_start3A_1434] : memref<4096x128xi32, #tpu.memory_space<hbm>> -> memref<8x128xi32, #tpu.memory_space<hbm>>
          %dma_start3A_1436 = arith.constant 0 : i32
          %dma_start3A_1437 = arith.constant 0 : i32
          %dma_start3A_1438 = tpu.memref_slice %arg8[%run_scoped3A_1156, %dma_start3A_1436, %dma_start3A_1437] : memref<2x8x128xi32, #tpu.memory_space<vmem>> -> memref<1x8x128xi32, #tpu.memory_space<vmem>>
          %dma_start3A_1439 = tpu.memref_squeeze %dma_start3A_1438 : memref<1x8x128xi32, #tpu.memory_space<vmem>> -> memref<8x128xi32, #tpu.memory_space<vmem>>
          %dma_start3A_1440 = arith.constant 0 : i32
          %dma_start3A_1441 = tpu.memref_slice %arg4[%multiple_of3A_1154, %dma_start3A_1440] : memref<4096x128xi32, #tpu.memory_space<hbm>> -> memref<8x128xi32, #tpu.memory_space<hbm>>
          tpu.enqueue_dma source(%dma_start3A_1441 : memref<8x128xi32, #tpu.memory_space<hbm>>) target(%dma_start3A_1439 : memref<8x128xi32, #tpu.memory_space<vmem>>) target_semaphore(%run_scoped3A_1429 : memref<!tpu.dma_semaphore, #tpu.memory_space<semaphore_mem>>)
          %dma_wait3A_1442 = arith.constant 0 : i32
          %dma_wait3A_1443 = arith.constant 0 : i32
          %dma_wait3A_1444 = tpu.memref_slice %arg8[%run_scoped3A_1156, %dma_wait3A_1442, %dma_wait3A_1443] : memref<2x8x128xi32, #tpu.memory_space<vmem>> -> memref<1x8x128xi32, #tpu.memory_space<vmem>>
          %dma_wait3A_1445 = tpu.memref_squeeze %dma_wait3A_1444 : memref<1x8x128xi32, #tpu.memory_space<vmem>> -> memref<8x128xi32, #tpu.memory_space<vmem>>
          %dma_wait3A_1446 = arith.constant 0 : i32
          %dma_wait3A_1447 = tpu.memref_slice %arg4[%multiple_of3A_1154, %dma_wait3A_1446] : memref<4096x128xi32, #tpu.memory_space<hbm>> -> memref<8x128xi32, #tpu.memory_space<hbm>>
          %dma_wait3A_1448 = arith.constant 0 : i32
          %dma_wait3A_1449 = arith.constant 0 : i32
          %dma_wait3A_1450 = tpu.memref_slice %arg8[%run_scoped3A_1156, %dma_wait3A_1448, %dma_wait3A_1449] : memref<2x8x128xi32, #tpu.memory_space<vmem>> -> memref<1x8x128xi32, #tpu.memory_space<vmem>>
          %dma_wait3A_1451 = tpu.memref_squeeze %dma_wait3A_1450 : memref<1x8x128xi32, #tpu.memory_space<vmem>> -> memref<8x128xi32, #tpu.memory_space<vmem>>
          %dma_wait3A_1452 = arith.constant 0 : i32
          %dma_wait3A_1453 = tpu.memref_slice %arg4[%multiple_of3A_1154, %dma_wait3A_1452] : memref<4096x128xi32, #tpu.memory_space<hbm>> -> memref<8x128xi32, #tpu.memory_space<hbm>>
          tpu.wait_dma2 semaphore(%run_scoped3A_1429 : memref<!tpu.dma_semaphore, #tpu.memory_space<semaphore_mem>>) src(%dma_wait3A_1453 : memref<8x128xi32, #tpu.memory_space<hbm>>) dst(%dma_wait3A_1451 : memref<8x128xi32, #tpu.memory_space<vmem>>)
          tpu.yield
        }) : () -> ()
        %dma_start3A_1157 = arith.constant 0 : i32
        %dma_start3A_1158 = arith.constant 0 : i32
        %dma_start3A_1159 = arith.constant 0 : i32
        %dma_start3A_1160 = arith.constant 0 : i32
        %dma_start3A_1161 = arith.constant 0 : i32
        %dma_start3A_1162 = arith.constant 0 : i32
        %dma_start3A_1163 = arith.constant 0 : i32
        %dma_start3A_1164 = tpu.memref_slice %arg9[%dma_start3A_1159, %dma_start3A_1160, %dma_start3A_1162, %dma_start3A_1163] : memref<2x8x200x32xf32, #tpu.memory_space<vmem>> -> memref<1x1x128x32xf32, #tpu.memory_space<vmem>>
        %dma_start3A_1165 = tpu.memref_squeeze %dma_start3A_1164 : memref<1x1x128x32xf32, #tpu.memory_space<vmem>> -> memref<128x32xf32, #tpu.memory_space<vmem>>
        %dma_start3A_1166 = arith.constant 0 : i32
        %dma_start3A_1167 = tpu.memref_slice %arg7[%dma_start3A_1157, %dma_start3A_1158, %dma_start3A_1166] : memref<2x8x128xi32, #tpu.memory_space<vmem>> -> memref<1x1x128xi32, #tpu.memory_space<vmem>>
        %dma_start3A_1168 = tpu.memref_squeeze %dma_start3A_1167 : memref<1x1x128xi32, #tpu.memory_space<vmem>> -> memref<128xi32, #tpu.memory_space<vmem>>
        %dma_start3A_1169 = arith.constant 0 : i32
        %dma_start3A_1170 = arith.constant 0 : i32
        %dma_start3A_1171 = tpu.memref_slice %arg2[%dma_start3A_1169, %dma_start3A_1170] : memref<1000000x32xf32, #tpu.memory_space<hbm>> -> memref<1000000x32xf32, #tpu.memory_space<hbm>>
        %dma_start3A_1172 = tpu.memref_slice %arg11[%dma_start3A_1161] : memref<2x!tpu.dma_semaphore, #tpu.memory_space<semaphore_mem>> -> memref<1x!tpu.dma_semaphore, #tpu.memory_space<semaphore_mem>>
        %dma_start3A_1173 = tpu.memref_squeeze %dma_start3A_1172 : memref<1x!tpu.dma_semaphore, #tpu.memory_space<semaphore_mem>> -> memref<!tpu.dma_semaphore, #tpu.memory_space<semaphore_mem>>
        tpu.enqueue_indirect_dma source(%dma_start3A_1171 : memref<1000000x32xf32, #tpu.memory_space<hbm>>) target(%dma_start3A_1165 : memref<128x32xf32, #tpu.memory_space<vmem>>) offsets(%dma_start3A_1168 : memref<128xi32, #tpu.memory_space<vmem>>) semaphore(%dma_start3A_1173 : memref<!tpu.dma_semaphore, #tpu.memory_space<semaphore_mem>>)
        %dma_start3A_1174 = arith.constant 0 : i32
        %dma_start3A_1175 = arith.constant 0 : i32
        %dma_start3A_1176 = arith.constant 0 : i32
        %dma_start3A_1177 = arith.constant 0 : i32
        %dma_start3A_1178 = arith.constant 0 : i32
        %dma_start3A_1179 = arith.constant 128 : i32
        %dma_start3A_1180 = arith.constant 0 : i32
        %dma_start3A_1181 = tpu.memref_slice %arg9[%dma_start3A_1176, %dma_start3A_1177, %dma_start3A_1179, %dma_start3A_1180] : memref<2x8x200x32xf32, #tpu.memory_space<vmem>> -> memref<1x1x72x32xf32, #tpu.memory_space<vmem>>
        %dma_start3A_1182 = tpu.memref_squeeze %dma_start3A_1181 : memref<1x1x72x32xf32, #tpu.memory_space<vmem>> -> memref<72x32xf32, #tpu.memory_space<vmem>>
        %dma_start3A_1183 = arith.constant 0 : i32
        %dma_start3A_1184 = tpu.memref_slice %arg8[%dma_start3A_1174, %dma_start3A_1175, %dma_start3A_1183] : memref<2x8x128xi32, #tpu.memory_space<vmem>> -> memref<1x1x72xi32, #tpu.memory_space<vmem>>
        %dma_start3A_1185 = tpu.memref_squeeze %dma_start3A_1184 : memref<1x1x72xi32, #tpu.memory_space<vmem>> -> memref<72xi32, #tpu.memory_space<vmem>>
        %dma_start3A_1186 = arith.constant 0 : i32
        %dma_start3A_1187 = arith.constant 0 : i32
        %dma_start3A_1188 = tpu.memref_slice %arg2[%dma_start3A_1186, %dma_start3A_1187] : memref<1000000x32xf32, #tpu.memory_space<hbm>> -> memref<1000000x32xf32, #tpu.memory_space<hbm>>
        %dma_start3A_1189 = tpu.memref_slice %arg11[%dma_start3A_1178] : memref<2x!tpu.dma_semaphore, #tpu.memory_space<semaphore_mem>> -> memref<1x!tpu.dma_semaphore, #tpu.memory_space<semaphore_mem>>
        %dma_start3A_1190 = tpu.memref_squeeze %dma_start3A_1189 : memref<1x!tpu.dma_semaphore, #tpu.memory_space<semaphore_mem>> -> memref<!tpu.dma_semaphore, #tpu.memory_space<semaphore_mem>>
        tpu.enqueue_indirect_dma source(%dma_start3A_1188 : memref<1000000x32xf32, #tpu.memory_space<hbm>>) target(%dma_start3A_1182 : memref<72x32xf32, #tpu.memory_space<vmem>>) offsets(%dma_start3A_1185 : memref<72xi32, #tpu.memory_space<vmem>>) semaphore(%dma_start3A_1190 : memref<!tpu.dma_semaphore, #tpu.memory_space<semaphore_mem>>)
        %dma_start3A_1191 = arith.constant 0 : i32
        %dma_start3A_1192 = arith.constant 1 : i32
        %dma_start3A_1193 = arith.constant 0 : i32
        %dma_start3A_1194 = arith.constant 1 : i32
        %dma_start3A_1195 = arith.constant 0 : i32
        %dma_start3A_1196 = arith.constant 0 : i32
        %dma_start3A_1197 = arith.constant 0 : i32
        %dma_start3A_1198 = tpu.memref_slice %arg9[%dma_start3A_1193, %dma_start3A_1194, %dma_start3A_1196, %dma_start3A_1197] : memref<2x8x200x32xf32, #tpu.memory_space<vmem>> -> memref<1x1x128x32xf32, #tpu.memory_space<vmem>>
        %dma_start3A_1199 = tpu.memref_squeeze %dma_start3A_1198 : memref<1x1x128x32xf32, #tpu.memory_space<vmem>> -> memref<128x32xf32, #tpu.memory_space<vmem>>
        %dma_start3A_1200 = arith.constant 0 : i32
        %dma_start3A_1201 = tpu.memref_slice %arg7[%dma_start3A_1191, %dma_start3A_1192, %dma_start3A_1200] : memref<2x8x128xi32, #tpu.memory_space<vmem>> -> memref<1x1x128xi32, #tpu.memory_space<vmem>>
        %dma_start3A_1202 = tpu.memref_squeeze %dma_start3A_1201 : memref<1x1x128xi32, #tpu.memory_space<vmem>> -> memref<128xi32, #tpu.memory_space<vmem>>
        %dma_start3A_1203 = arith.constant 0 : i32
        %dma_start3A_1204 = arith.constant 0 : i32
        %dma_start3A_1205 = tpu.memref_slice %arg2[%dma_start3A_1203, %dma_start3A_1204] : memref<1000000x32xf32, #tpu.memory_space<hbm>> -> memref<1000000x32xf32, #tpu.memory_space<hbm>>
        %dma_start3A_1206 = tpu.memref_slice %arg11[%dma_start3A_1195] : memref<2x!tpu.dma_semaphore, #tpu.memory_space<semaphore_mem>> -> memref<1x!tpu.dma_semaphore, #tpu.memory_space<semaphore_mem>>
        %dma_start3A_1207 = tpu.memref_squeeze %dma_start3A_1206 : memref<1x!tpu.dma_semaphore, #tpu.memory_space<semaphore_mem>> -> memref<!tpu.dma_semaphore, #tpu.memory_space<semaphore_mem>>
        tpu.enqueue_indirect_dma source(%dma_start3A_1205 : memref<1000000x32xf32, #tpu.memory_space<hbm>>) target(%dma_start3A_1199 : memref<128x32xf32, #tpu.memory_space<vmem>>) offsets(%dma_start3A_1202 : memref<128xi32, #tpu.memory_space<vmem>>) semaphore(%dma_start3A_1207 : memref<!tpu.dma_semaphore, #tpu.memory_space<semaphore_mem>>)
        %dma_start3A_1208 = arith.constant 0 : i32
        %dma_start3A_1209 = arith.constant 1 : i32
        %dma_start3A_1210 = arith.constant 0 : i32
        %dma_start3A_1211 = arith.constant 1 : i32
        %dma_start3A_1212 = arith.constant 0 : i32
        %dma_start3A_1213 = arith.constant 128 : i32
        %dma_start3A_1214 = arith.constant 0 : i32
        %dma_start3A_1215 = tpu.memref_slice %arg9[%dma_start3A_1210, %dma_start3A_1211, %dma_start3A_1213, %dma_start3A_1214] : memref<2x8x200x32xf32, #tpu.memory_space<vmem>> -> memref<1x1x72x32xf32, #tpu.memory_space<vmem>>
        %dma_start3A_1216 = tpu.memref_squeeze %dma_start3A_1215 : memref<1x1x72x32xf32, #tpu.memory_space<vmem>> -> memref<72x32xf32, #tpu.memory_space<vmem>>
        %dma_start3A_1217 = arith.constant 0 : i32
        %dma_start3A_1218 = tpu.memref_slice %arg8[%dma_start3A_1208, %dma_start3A_1209, %dma_start3A_1217] : memref<2x8x128xi32, #tpu.memory_space<vmem>> -> memref<1x1x72xi32, #tpu.memory_space<vmem>>
        %dma_start3A_1219 = tpu.memref_squeeze %dma_start3A_1218 : memref<1x1x72xi32, #tpu.memory_space<vmem>> -> memref<72xi32, #tpu.memory_space<vmem>>
        %dma_start3A_1220 = arith.constant 0 : i32
        %dma_start3A_1221 = arith.constant 0 : i32
        %dma_start3A_1222 = tpu.memref_slice %arg2[%dma_start3A_1220, %dma_start3A_1221] : memref<1000000x32xf32, #tpu.memory_space<hbm>> -> memref<1000000x32xf32, #tpu.memory_space<hbm>>
        %dma_start3A_1223 = tpu.memref_slice %arg11[%dma_start3A_1212] : memref<2x!tpu.dma_semaphore, #tpu.memory_space<semaphore_mem>> -> memref<1x!tpu.dma_semaphore, #tpu.memory_space<semaphore_mem>>
        %dma_start3A_1224 = tpu.memref_squeeze %dma_start3A_1223 : memref<1x!tpu.dma_semaphore, #tpu.memory_space<semaphore_mem>> -> memref<!tpu.dma_semaphore, #tpu.memory_space<semaphore_mem>>
        tpu.enqueue_indirect_dma source(%dma_start3A_1222 : memref<1000000x32xf32, #tpu.memory_space<hbm>>) target(%dma_start3A_1216 : memref<72x32xf32, #tpu.memory_space<vmem>>) offsets(%dma_start3A_1219 : memref<72xi32, #tpu.memory_space<vmem>>) semaphore(%dma_start3A_1224 : memref<!tpu.dma_semaphore, #tpu.memory_space<semaphore_mem>>)
        %dma_start3A_1225 = arith.constant 0 : i32
        %dma_start3A_1226 = arith.constant 2 : i32
        %dma_start3A_1227 = arith.constant 0 : i32
        %dma_start3A_1228 = arith.constant 2 : i32
        %dma_start3A_1229 = arith.constant 0 : i32
        %dma_start3A_1230 = arith.constant 0 : i32
        %dma_start3A_1231 = arith.constant 0 : i32
        %dma_start3A_1232 = tpu.memref_slice %arg9[%dma_start3A_1227, %dma_start3A_1228, %dma_start3A_1230, %dma_start3A_1231] : memref<2x8x200x32xf32, #tpu.memory_space<vmem>> -> memref<1x1x128x32xf32, #tpu.memory_space<vmem>>
        %dma_start3A_1233 = tpu.memref_squeeze %dma_start3A_1232 : memref<1x1x128x32xf32, #tpu.memory_space<vmem>> -> memref<128x32xf32, #tpu.memory_space<vmem>>
        %dma_start3A_1234 = arith.constant 0 : i32
        %dma_start3A_1235 = tpu.memref_slice %arg7[%dma_start3A_1225, %dma_start3A_1226, %dma_start3A_1234] : memref<2x8x128xi32, #tpu.memory_space<vmem>> -> memref<1x1x128xi32, #tpu.memory_space<vmem>>
        %dma_start3A_1236 = tpu.memref_squeeze %dma_start3A_1235 : memref<1x1x128xi32, #tpu.memory_space<vmem>> -> memref<128xi32, #tpu.memory_space<vmem>>
        %dma_start3A_1237 = arith.constant 0 : i32
        %dma_start3A_1238 = arith.constant 0 : i32
        %dma_start3A_1239 = tpu.memref_slice %arg2[%dma_start3A_1237, %dma_start3A_1238] : memref<1000000x32xf32, #tpu.memory_space<hbm>> -> memref<1000000x32xf32, #tpu.memory_space<hbm>>
        %dma_start3A_1240 = tpu.memref_slice %arg11[%dma_start3A_1229] : memref<2x!tpu.dma_semaphore, #tpu.memory_space<semaphore_mem>> -> memref<1x!tpu.dma_semaphore, #tpu.memory_space<semaphore_mem>>
        %dma_start3A_1241 = tpu.memref_squeeze %dma_start3A_1240 : memref<1x!tpu.dma_semaphore, #tpu.memory_space<semaphore_mem>> -> memref<!tpu.dma_semaphore, #tpu.memory_space<semaphore_mem>>
        tpu.enqueue_indirect_dma source(%dma_start3A_1239 : memref<1000000x32xf32, #tpu.memory_space<hbm>>) target(%dma_start3A_1233 : memref<128x32xf32, #tpu.memory_space<vmem>>) offsets(%dma_start3A_1236 : memref<128xi32, #tpu.memory_space<vmem>>) semaphore(%dma_start3A_1241 : memref<!tpu.dma_semaphore, #tpu.memory_space<semaphore_mem>>)
        %dma_start3A_1242 = arith.constant 0 : i32
        %dma_start3A_1243 = arith.constant 2 : i32
        %dma_start3A_1244 = arith.constant 0 : i32
        %dma_start3A_1245 = arith.constant 2 : i32
        %dma_start3A_1246 = arith.constant 0 : i32
        %dma_start3A_1247 = arith.constant 128 : i32
        %dma_start3A_1248 = arith.constant 0 : i32
        %dma_start3A_1249 = tpu.memref_slice %arg9[%dma_start3A_1244, %dma_start3A_1245, %dma_start3A_1247, %dma_start3A_1248] : memref<2x8x200x32xf32, #tpu.memory_space<vmem>> -> memref<1x1x72x32xf32, #tpu.memory_space<vmem>>
        %dma_start3A_1250 = tpu.memref_squeeze %dma_start3A_1249 : memref<1x1x72x32xf32, #tpu.memory_space<vmem>> -> memref<72x32xf32, #tpu.memory_space<vmem>>
        %dma_start3A_1251 = arith.constant 0 : i32
        %dma_start3A_1252 = tpu.memref_slice %arg8[%dma_start3A_1242, %dma_start3A_1243, %dma_start3A_1251] : memref<2x8x128xi32, #tpu.memory_space<vmem>> -> memref<1x1x72xi32, #tpu.memory_space<vmem>>
        %dma_start3A_1253 = tpu.memref_squeeze %dma_start3A_1252 : memref<1x1x72xi32, #tpu.memory_space<vmem>> -> memref<72xi32, #tpu.memory_space<vmem>>
        %dma_start3A_1254 = arith.constant 0 : i32
        %dma_start3A_1255 = arith.constant 0 : i32
        %dma_start3A_1256 = tpu.memref_slice %arg2[%dma_start3A_1254, %dma_start3A_1255] : memref<1000000x32xf32, #tpu.memory_space<hbm>> -> memref<1000000x32xf32, #tpu.memory_space<hbm>>
        %dma_start3A_1257 = tpu.memref_slice %arg11[%dma_start3A_1246] : memref<2x!tpu.dma_semaphore, #tpu.memory_space<semaphore_mem>> -> memref<1x!tpu.dma_semaphore, #tpu.memory_space<semaphore_mem>>
        %dma_start3A_1258 = tpu.memref_squeeze %dma_start3A_1257 : memref<1x!tpu.dma_semaphore, #tpu.memory_space<semaphore_mem>> -> memref<!tpu.dma_semaphore, #tpu.memory_space<semaphore_mem>>
        tpu.enqueue_indirect_dma source(%dma_start3A_1256 : memref<1000000x32xf32, #tpu.memory_space<hbm>>) target(%dma_start3A_1250 : memref<72x32xf32, #tpu.memory_space<vmem>>) offsets(%dma_start3A_1253 : memref<72xi32, #tpu.memory_space<vmem>>) semaphore(%dma_start3A_1258 : memref<!tpu.dma_semaphore, #tpu.memory_space<semaphore_mem>>)
        %dma_start3A_1259 = arith.constant 0 : i32
        %dma_start3A_1260 = arith.constant 3 : i32
        %dma_start3A_1261 = arith.constant 0 : i32
        %dma_start3A_1262 = arith.constant 3 : i32
        %dma_start3A_1263 = arith.constant 0 : i32
        %dma_start3A_1264 = arith.constant 0 : i32
        %dma_start3A_1265 = arith.constant 0 : i32
        %dma_start3A_1266 = tpu.memref_slice %arg9[%dma_start3A_1261, %dma_start3A_1262, %dma_start3A_1264, %dma_start3A_1265] : memref<2x8x200x32xf32, #tpu.memory_space<vmem>> -> memref<1x1x128x32xf32, #tpu.memory_space<vmem>>
        %dma_start3A_1267 = tpu.memref_squeeze %dma_start3A_1266 : memref<1x1x128x32xf32, #tpu.memory_space<vmem>> -> memref<128x32xf32, #tpu.memory_space<vmem>>
        %dma_start3A_1268 = arith.constant 0 : i32
        %dma_start3A_1269 = tpu.memref_slice %arg7[%dma_start3A_1259, %dma_start3A_1260, %dma_start3A_1268] : memref<2x8x128xi32, #tpu.memory_space<vmem>> -> memref<1x1x128xi32, #tpu.memory_space<vmem>>
        %dma_start3A_1270 = tpu.memref_squeeze %dma_start3A_1269 : memref<1x1x128xi32, #tpu.memory_space<vmem>> -> memref<128xi32, #tpu.memory_space<vmem>>
        %dma_start3A_1271 = arith.constant 0 : i32
        %dma_start3A_1272 = arith.constant 0 : i32
        %dma_start3A_1273 = tpu.memref_slice %arg2[%dma_start3A_1271, %dma_start3A_1272] : memref<1000000x32xf32, #tpu.memory_space<hbm>> -> memref<1000000x32xf32, #tpu.memory_space<hbm>>
        %dma_start3A_1274 = tpu.memref_slice %arg11[%dma_start3A_1263] : memref<2x!tpu.dma_semaphore, #tpu.memory_space<semaphore_mem>> -> memref<1x!tpu.dma_semaphore, #tpu.memory_space<semaphore_mem>>
        %dma_start3A_1275 = tpu.memref_squeeze %dma_start3A_1274 : memref<1x!tpu.dma_semaphore, #tpu.memory_space<semaphore_mem>> -> memref<!tpu.dma_semaphore, #tpu.memory_space<semaphore_mem>>
        tpu.enqueue_indirect_dma source(%dma_start3A_1273 : memref<1000000x32xf32, #tpu.memory_space<hbm>>) target(%dma_start3A_1267 : memref<128x32xf32, #tpu.memory_space<vmem>>) offsets(%dma_start3A_1270 : memref<128xi32, #tpu.memory_space<vmem>>) semaphore(%dma_start3A_1275 : memref<!tpu.dma_semaphore, #tpu.memory_space<semaphore_mem>>)
        %dma_start3A_1276 = arith.constant 0 : i32
        %dma_start3A_1277 = arith.constant 3 : i32
        %dma_start3A_1278 = arith.constant 0 : i32
        %dma_start3A_1279 = arith.constant 3 : i32
        %dma_start3A_1280 = arith.constant 0 : i32
        %dma_start3A_1281 = arith.constant 128 : i32
        %dma_start3A_1282 = arith.constant 0 : i32
        %dma_start3A_1283 = tpu.memref_slice %arg9[%dma_start3A_1278, %dma_start3A_1279, %dma_start3A_1281, %dma_start3A_1282] : memref<2x8x200x32xf32, #tpu.memory_space<vmem>> -> memref<1x1x72x32xf32, #tpu.memory_space<vmem>>
        %dma_start3A_1284 = tpu.memref_squeeze %dma_start3A_1283 : memref<1x1x72x32xf32, #tpu.memory_space<vmem>> -> memref<72x32xf32, #tpu.memory_space<vmem>>
        %dma_start3A_1285 = arith.constant 0 : i32
        %dma_start3A_1286 = tpu.memref_slice %arg8[%dma_start3A_1276, %dma_start3A_1277, %dma_start3A_1285] : memref<2x8x128xi32, #tpu.memory_space<vmem>> -> memref<1x1x72xi32, #tpu.memory_space<vmem>>
        %dma_start3A_1287 = tpu.memref_squeeze %dma_start3A_1286 : memref<1x1x72xi32, #tpu.memory_space<vmem>> -> memref<72xi32, #tpu.memory_space<vmem>>
        %dma_start3A_1288 = arith.constant 0 : i32
        %dma_start3A_1289 = arith.constant 0 : i32
        %dma_start3A_1290 = tpu.memref_slice %arg2[%dma_start3A_1288, %dma_start3A_1289] : memref<1000000x32xf32, #tpu.memory_space<hbm>> -> memref<1000000x32xf32, #tpu.memory_space<hbm>>
        %dma_start3A_1291 = tpu.memref_slice %arg11[%dma_start3A_1280] : memref<2x!tpu.dma_semaphore, #tpu.memory_space<semaphore_mem>> -> memref<1x!tpu.dma_semaphore, #tpu.memory_space<semaphore_mem>>
        %dma_start3A_1292 = tpu.memref_squeeze %dma_start3A_1291 : memref<1x!tpu.dma_semaphore, #tpu.memory_space<semaphore_mem>> -> memref<!tpu.dma_semaphore, #tpu.memory_space<semaphore_mem>>
        tpu.enqueue_indirect_dma source(%dma_start3A_1290 : memref<1000000x32xf32, #tpu.memory_space<hbm>>) target(%dma_start3A_1284 : memref<72x32xf32, #tpu.memory_space<vmem>>) offsets(%dma_start3A_1287 : memref<72xi32, #tpu.memory_space<vmem>>) semaphore(%dma_start3A_1292 : memref<!tpu.dma_semaphore, #tpu.memory_space<semaphore_mem>>)
        %dma_start3A_1293 = arith.constant 0 : i32
        %dma_start3A_1294 = arith.constant 4 : i32
        %dma_start3A_1295 = arith.constant 0 : i32
        %dma_start3A_1296 = arith.constant 4 : i32
        %dma_start3A_1297 = arith.constant 0 : i32
        %dma_start3A_1298 = arith.constant 0 : i32
        %dma_start3A_1299 = arith.constant 0 : i32
        %dma_start3A_1300 = tpu.memref_slice %arg9[%dma_start3A_1295, %dma_start3A_1296, %dma_start3A_1298, %dma_start3A_1299] : memref<2x8x200x32xf32, #tpu.memory_space<vmem>> -> memref<1x1x128x32xf32, #tpu.memory_space<vmem>>
        %dma_start3A_1301 = tpu.memref_squeeze %dma_start3A_1300 : memref<1x1x128x32xf32, #tpu.memory_space<vmem>> -> memref<128x32xf32, #tpu.memory_space<vmem>>
        %dma_start3A_1302 = arith.constant 0 : i32
        %dma_start3A_1303 = tpu.memref_slice %arg7[%dma_start3A_1293, %dma_start3A_1294, %dma_start3A_1302] : memref<2x8x128xi32, #tpu.memory_space<vmem>> -> memref<1x1x128xi32, #tpu.memory_space<vmem>>
        %dma_start3A_1304 = tpu.memref_squeeze %dma_start3A_1303 : memref<1x1x128xi32, #tpu.memory_space<vmem>> -> memref<128xi32, #tpu.memory_space<vmem>>
        %dma_start3A_1305 = arith.constant 0 : i32
        %dma_start3A_1306 = arith.constant 0 : i32
        %dma_start3A_1307 = tpu.memref_slice %arg2[%dma_start3A_1305, %dma_start3A_1306] : memref<1000000x32xf32, #tpu.memory_space<hbm>> -> memref<1000000x32xf32, #tpu.memory_space<hbm>>
        %dma_start3A_1308 = tpu.memref_slice %arg11[%dma_start3A_1297] : memref<2x!tpu.dma_semaphore, #tpu.memory_space<semaphore_mem>> -> memref<1x!tpu.dma_semaphore, #tpu.memory_space<semaphore_mem>>
        %dma_start3A_1309 = tpu.memref_squeeze %dma_start3A_1308 : memref<1x!tpu.dma_semaphore, #tpu.memory_space<semaphore_mem>> -> memref<!tpu.dma_semaphore, #tpu.memory_space<semaphore_mem>>
        tpu.enqueue_indirect_dma source(%dma_start3A_1307 : memref<1000000x32xf32, #tpu.memory_space<hbm>>) target(%dma_start3A_1301 : memref<128x32xf32, #tpu.memory_space<vmem>>) offsets(%dma_start3A_1304 : memref<128xi32, #tpu.memory_space<vmem>>) semaphore(%dma_start3A_1309 : memref<!tpu.dma_semaphore, #tpu.memory_space<semaphore_mem>>)
        %dma_start3A_1310 = arith.constant 0 : i32
        %dma_start3A_1311 = arith.constant 4 : i32
        %dma_start3A_1312 = arith.constant 0 : i32
        %dma_start3A_1313 = arith.constant 4 : i32
        %dma_start3A_1314 = arith.constant 0 : i32
        %dma_start3A_1315 = arith.constant 128 : i32
        %dma_start3A_1316 = arith.constant 0 : i32
        %dma_start3A_1317 = tpu.memref_slice %arg9[%dma_start3A_1312, %dma_start3A_1313, %dma_start3A_1315, %dma_start3A_1316] : memref<2x8x200x32xf32, #tpu.memory_space<vmem>> -> memref<1x1x72x32xf32, #tpu.memory_space<vmem>>
        %dma_start3A_1318 = tpu.memref_squeeze %dma_start3A_1317 : memref<1x1x72x32xf32, #tpu.memory_space<vmem>> -> memref<72x32xf32, #tpu.memory_space<vmem>>
        %dma_start3A_1319 = arith.constant 0 : i32
        %dma_start3A_1320 = tpu.memref_slice %arg8[%dma_start3A_1310, %dma_start3A_1311, %dma_start3A_1319] : memref<2x8x128xi32, #tpu.memory_space<vmem>> -> memref<1x1x72xi32, #tpu.memory_space<vmem>>
        %dma_start3A_1321 = tpu.memref_squeeze %dma_start3A_1320 : memref<1x1x72xi32, #tpu.memory_space<vmem>> -> memref<72xi32, #tpu.memory_space<vmem>>
        %dma_start3A_1322 = arith.constant 0 : i32
        %dma_start3A_1323 = arith.constant 0 : i32
        %dma_start3A_1324 = tpu.memref_slice %arg2[%dma_start3A_1322, %dma_start3A_1323] : memref<1000000x32xf32, #tpu.memory_space<hbm>> -> memref<1000000x32xf32, #tpu.memory_space<hbm>>
        %dma_start3A_1325 = tpu.memref_slice %arg11[%dma_start3A_1314] : memref<2x!tpu.dma_semaphore, #tpu.memory_space<semaphore_mem>> -> memref<1x!tpu.dma_semaphore, #tpu.memory_space<semaphore_mem>>
        %dma_start3A_1326 = tpu.memref_squeeze %dma_start3A_1325 : memref<1x!tpu.dma_semaphore, #tpu.memory_space<semaphore_mem>> -> memref<!tpu.dma_semaphore, #tpu.memory_space<semaphore_mem>>
        tpu.enqueue_indirect_dma source(%dma_start3A_1324 : memref<1000000x32xf32, #tpu.memory_space<hbm>>) target(%dma_start3A_1318 : memref<72x32xf32, #tpu.memory_space<vmem>>) offsets(%dma_start3A_1321 : memref<72xi32, #tpu.memory_space<vmem>>) semaphore(%dma_start3A_1326 : memref<!tpu.dma_semaphore, #tpu.memory_space<semaphore_mem>>)
        %dma_start3A_1327 = arith.constant 0 : i32
        %dma_start3A_1328 = arith.constant 5 : i32
        %dma_start3A_1329 = arith.constant 0 : i32
        %dma_start3A_1330 = arith.constant 5 : i32
        %dma_start3A_1331 = arith.constant 0 : i32
        %dma_start3A_1332 = arith.constant 0 : i32
        %dma_start3A_1333 = arith.constant 0 : i32
        %dma_start3A_1334 = tpu.memref_slice %arg9[%dma_start3A_1329, %dma_start3A_1330, %dma_start3A_1332, %dma_start3A_1333] : memref<2x8x200x32xf32, #tpu.memory_space<vmem>> -> memref<1x1x128x32xf32, #tpu.memory_space<vmem>>
        %dma_start3A_1335 = tpu.memref_squeeze %dma_start3A_1334 : memref<1x1x128x32xf32, #tpu.memory_space<vmem>> -> memref<128x32xf32, #tpu.memory_space<vmem>>
        %dma_start3A_1336 = arith.constant 0 : i32
        %dma_start3A_1337 = tpu.memref_slice %arg7[%dma_start3A_1327, %dma_start3A_1328, %dma_start3A_1336] : memref<2x8x128xi32, #tpu.memory_space<vmem>> -> memref<1x1x128xi32, #tpu.memory_space<vmem>>
        %dma_start3A_1338 = tpu.memref_squeeze %dma_start3A_1337 : memref<1x1x128xi32, #tpu.memory_space<vmem>> -> memref<128xi32, #tpu.memory_space<vmem>>
        %dma_start3A_1339 = arith.constant 0 : i32
        %dma_start3A_1340 = arith.constant 0 : i32
        %dma_start3A_1341 = tpu.memref_slice %arg2[%dma_start3A_1339, %dma_start3A_1340] : memref<1000000x32xf32, #tpu.memory_space<hbm>> -> memref<1000000x32xf32, #tpu.memory_space<hbm>>
        %dma_start3A_1342 = tpu.memref_slice %arg11[%dma_start3A_1331] : memref<2x!tpu.dma_semaphore, #tpu.memory_space<semaphore_mem>> -> memref<1x!tpu.dma_semaphore, #tpu.memory_space<semaphore_mem>>
        %dma_start3A_1343 = tpu.memref_squeeze %dma_start3A_1342 : memref<1x!tpu.dma_semaphore, #tpu.memory_space<semaphore_mem>> -> memref<!tpu.dma_semaphore, #tpu.memory_space<semaphore_mem>>
        tpu.enqueue_indirect_dma source(%dma_start3A_1341 : memref<1000000x32xf32, #tpu.memory_space<hbm>>) target(%dma_start3A_1335 : memref<128x32xf32, #tpu.memory_space<vmem>>) offsets(%dma_start3A_1338 : memref<128xi32, #tpu.memory_space<vmem>>) semaphore(%dma_start3A_1343 : memref<!tpu.dma_semaphore, #tpu.memory_space<semaphore_mem>>)
        %dma_start3A_1344 = arith.constant 0 : i32
        %dma_start3A_1345 = arith.constant 5 : i32
        %dma_start3A_1346 = arith.constant 0 : i32
        %dma_start3A_1347 = arith.constant 5 : i32
        %dma_start3A_1348 = arith.constant 0 : i32
        %dma_start3A_1349 = arith.constant 128 : i32
        %dma_start3A_1350 = arith.constant 0 : i32
        %dma_start3A_1351 = tpu.memref_slice %arg9[%dma_start3A_1346, %dma_start3A_1347, %dma_start3A_1349, %dma_start3A_1350] : memref<2x8x200x32xf32, #tpu.memory_space<vmem>> -> memref<1x1x72x32xf32, #tpu.memory_space<vmem>>
        %dma_start3A_1352 = tpu.memref_squeeze %dma_start3A_1351 : memref<1x1x72x32xf32, #tpu.memory_space<vmem>> -> memref<72x32xf32, #tpu.memory_space<vmem>>
        %dma_start3A_1353 = arith.constant 0 : i32
        %dma_start3A_1354 = tpu.memref_slice %arg8[%dma_start3A_1344, %dma_start3A_1345, %dma_start3A_1353] : memref<2x8x128xi32, #tpu.memory_space<vmem>> -> memref<1x1x72xi32, #tpu.memory_space<vmem>>
        %dma_start3A_1355 = tpu.memref_squeeze %dma_start3A_1354 : memref<1x1x72xi32, #tpu.memory_space<vmem>> -> memref<72xi32, #tpu.memory_space<vmem>>
        %dma_start3A_1356 = arith.constant 0 : i32
        %dma_start3A_1357 = arith.constant 0 : i32
        %dma_start3A_1358 = tpu.memref_slice %arg2[%dma_start3A_1356, %dma_start3A_1357] : memref<1000000x32xf32, #tpu.memory_space<hbm>> -> memref<1000000x32xf32, #tpu.memory_space<hbm>>
        %dma_start3A_1359 = tpu.memref_slice %arg11[%dma_start3A_1348] : memref<2x!tpu.dma_semaphore, #tpu.memory_space<semaphore_mem>> -> memref<1x!tpu.dma_semaphore, #tpu.memory_space<semaphore_mem>>
        %dma_start3A_1360 = tpu.memref_squeeze %dma_start3A_1359 : memref<1x!tpu.dma_semaphore, #tpu.memory_space<semaphore_mem>> -> memref<!tpu.dma_semaphore, #tpu.memory_space<semaphore_mem>>
        tpu.enqueue_indirect_dma source(%dma_start3A_1358 : memref<1000000x32xf32, #tpu.memory_space<hbm>>) target(%dma_start3A_1352 : memref<72x32xf32, #tpu.memory_space<vmem>>) offsets(%dma_start3A_1355 : memref<72xi32, #tpu.memory_space<vmem>>) semaphore(%dma_start3A_1360 : memref<!tpu.dma_semaphore, #tpu.memory_space<semaphore_mem>>)
        %dma_start3A_1361 = arith.constant 0 : i32
        %dma_start3A_1362 = arith.constant 6 : i32
        %dma_start3A_1363 = arith.constant 0 : i32
        %dma_start3A_1364 = arith.constant 6 : i32
        %dma_start3A_1365 = arith.constant 0 : i32
        %dma_start3A_1366 = arith.constant 0 : i32
        %dma_start3A_1367 = arith.constant 0 : i32
        %dma_start3A_1368 = tpu.memref_slice %arg9[%dma_start3A_1363, %dma_start3A_1364, %dma_start3A_1366, %dma_start3A_1367] : memref<2x8x200x32xf32, #tpu.memory_space<vmem>> -> memref<1x1x128x32xf32, #tpu.memory_space<vmem>>
        %dma_start3A_1369 = tpu.memref_squeeze %dma_start3A_1368 : memref<1x1x128x32xf32, #tpu.memory_space<vmem>> -> memref<128x32xf32, #tpu.memory_space<vmem>>
        %dma_start3A_1370 = arith.constant 0 : i32
        %dma_start3A_1371 = tpu.memref_slice %arg7[%dma_start3A_1361, %dma_start3A_1362, %dma_start3A_1370] : memref<2x8x128xi32, #tpu.memory_space<vmem>> -> memref<1x1x128xi32, #tpu.memory_space<vmem>>
        %dma_start3A_1372 = tpu.memref_squeeze %dma_start3A_1371 : memref<1x1x128xi32, #tpu.memory_space<vmem>> -> memref<128xi32, #tpu.memory_space<vmem>>
        %dma_start3A_1373 = arith.constant 0 : i32
        %dma_start3A_1374 = arith.constant 0 : i32
        %dma_start3A_1375 = tpu.memref_slice %arg2[%dma_start3A_1373, %dma_start3A_1374] : memref<1000000x32xf32, #tpu.memory_space<hbm>> -> memref<1000000x32xf32, #tpu.memory_space<hbm>>
        %dma_start3A_1376 = tpu.memref_slice %arg11[%dma_start3A_1365] : memref<2x!tpu.dma_semaphore, #tpu.memory_space<semaphore_mem>> -> memref<1x!tpu.dma_semaphore, #tpu.memory_space<semaphore_mem>>
        %dma_start3A_1377 = tpu.memref_squeeze %dma_start3A_1376 : memref<1x!tpu.dma_semaphore, #tpu.memory_space<semaphore_mem>> -> memref<!tpu.dma_semaphore, #tpu.memory_space<semaphore_mem>>
        tpu.enqueue_indirect_dma source(%dma_start3A_1375 : memref<1000000x32xf32, #tpu.memory_space<hbm>>) target(%dma_start3A_1369 : memref<128x32xf32, #tpu.memory_space<vmem>>) offsets(%dma_start3A_1372 : memref<128xi32, #tpu.memory_space<vmem>>) semaphore(%dma_start3A_1377 : memref<!tpu.dma_semaphore, #tpu.memory_space<semaphore_mem>>)
        %dma_start3A_1378 = arith.constant 0 : i32
        %dma_start3A_1379 = arith.constant 6 : i32
        %dma_start3A_1380 = arith.constant 0 : i32
        %dma_start3A_1381 = arith.constant 6 : i32
        %dma_start3A_1382 = arith.constant 0 : i32
        %dma_start3A_1383 = arith.constant 128 : i32
        %dma_start3A_1384 = arith.constant 0 : i32
        %dma_start3A_1385 = tpu.memref_slice %arg9[%dma_start3A_1380, %dma_start3A_1381, %dma_start3A_1383, %dma_start3A_1384] : memref<2x8x200x32xf32, #tpu.memory_space<vmem>> -> memref<1x1x72x32xf32, #tpu.memory_space<vmem>>
        %dma_start3A_1386 = tpu.memref_squeeze %dma_start3A_1385 : memref<1x1x72x32xf32, #tpu.memory_space<vmem>> -> memref<72x32xf32, #tpu.memory_space<vmem>>
        %dma_start3A_1387 = arith.constant 0 : i32
        %dma_start3A_1388 = tpu.memref_slice %arg8[%dma_start3A_1378, %dma_start3A_1379, %dma_start3A_1387] : memref<2x8x128xi32, #tpu.memory_space<vmem>> -> memref<1x1x72xi32, #tpu.memory_space<vmem>>
        %dma_start3A_1389 = tpu.memref_squeeze %dma_start3A_1388 : memref<1x1x72xi32, #tpu.memory_space<vmem>> -> memref<72xi32, #tpu.memory_space<vmem>>
        %dma_start3A_1390 = arith.constant 0 : i32
        %dma_start3A_1391 = arith.constant 0 : i32
        %dma_start3A_1392 = tpu.memref_slice %arg2[%dma_start3A_1390, %dma_start3A_1391] : memref<1000000x32xf32, #tpu.memory_space<hbm>> -> memref<1000000x32xf32, #tpu.memory_space<hbm>>
        %dma_start3A_1393 = tpu.memref_slice %arg11[%dma_start3A_1382] : memref<2x!tpu.dma_semaphore, #tpu.memory_space<semaphore_mem>> -> memref<1x!tpu.dma_semaphore, #tpu.memory_space<semaphore_mem>>
        %dma_start3A_1394 = tpu.memref_squeeze %dma_start3A_1393 : memref<1x!tpu.dma_semaphore, #tpu.memory_space<semaphore_mem>> -> memref<!tpu.dma_semaphore, #tpu.memory_space<semaphore_mem>>
        tpu.enqueue_indirect_dma source(%dma_start3A_1392 : memref<1000000x32xf32, #tpu.memory_space<hbm>>) target(%dma_start3A_1386 : memref<72x32xf32, #tpu.memory_space<vmem>>) offsets(%dma_start3A_1389 : memref<72xi32, #tpu.memory_space<vmem>>) semaphore(%dma_start3A_1394 : memref<!tpu.dma_semaphore, #tpu.memory_space<semaphore_mem>>)
        %dma_start3A_1395 = arith.constant 0 : i32
        %dma_start3A_1396 = arith.constant 7 : i32
        %dma_start3A_1397 = arith.constant 0 : i32
        %dma_start3A_1398 = arith.constant 7 : i32
        %dma_start3A_1399 = arith.constant 0 : i32
        %dma_start3A_1400 = arith.constant 0 : i32
        %dma_start3A_1401 = arith.constant 0 : i32
        %dma_start3A_1402 = tpu.memref_slice %arg9[%dma_start3A_1397, %dma_start3A_1398, %dma_start3A_1400, %dma_start3A_1401] : memref<2x8x200x32xf32, #tpu.memory_space<vmem>> -> memref<1x1x128x32xf32, #tpu.memory_space<vmem>>
        %dma_start3A_1403 = tpu.memref_squeeze %dma_start3A_1402 : memref<1x1x128x32xf32, #tpu.memory_space<vmem>> -> memref<128x32xf32, #tpu.memory_space<vmem>>
        %dma_start3A_1404 = arith.constant 0 : i32
        %dma_start3A_1405 = tpu.memref_slice %arg7[%dma_start3A_1395, %dma_start3A_1396, %dma_start3A_1404] : memref<2x8x128xi32, #tpu.memory_space<vmem>> -> memref<1x1x128xi32, #tpu.memory_space<vmem>>
        %dma_start3A_1406 = tpu.memref_squeeze %dma_start3A_1405 : memref<1x1x128xi32, #tpu.memory_space<vmem>> -> memref<128xi32, #tpu.memory_space<vmem>>
        %dma_start3A_1407 = arith.constant 0 : i32
        %dma_start3A_1408 = arith.constant 0 : i32
        %dma_start3A_1409 = tpu.memref_slice %arg2[%dma_start3A_1407, %dma_start3A_1408] : memref<1000000x32xf32, #tpu.memory_space<hbm>> -> memref<1000000x32xf32, #tpu.memory_space<hbm>>
        %dma_start3A_1410 = tpu.memref_slice %arg11[%dma_start3A_1399] : memref<2x!tpu.dma_semaphore, #tpu.memory_space<semaphore_mem>> -> memref<1x!tpu.dma_semaphore, #tpu.memory_space<semaphore_mem>>
        %dma_start3A_1411 = tpu.memref_squeeze %dma_start3A_1410 : memref<1x!tpu.dma_semaphore, #tpu.memory_space<semaphore_mem>> -> memref<!tpu.dma_semaphore, #tpu.memory_space<semaphore_mem>>
        tpu.enqueue_indirect_dma source(%dma_start3A_1409 : memref<1000000x32xf32, #tpu.memory_space<hbm>>) target(%dma_start3A_1403 : memref<128x32xf32, #tpu.memory_space<vmem>>) offsets(%dma_start3A_1406 : memref<128xi32, #tpu.memory_space<vmem>>) semaphore(%dma_start3A_1411 : memref<!tpu.dma_semaphore, #tpu.memory_space<semaphore_mem>>)
        %dma_start3A_1412 = arith.constant 0 : i32
        %dma_start3A_1413 = arith.constant 7 : i32
        %dma_start3A_1414 = arith.constant 0 : i32
        %dma_start3A_1415 = arith.constant 7 : i32
        %dma_start3A_1416 = arith.constant 0 : i32
        %dma_start3A_1417 = arith.constant 128 : i32
        %dma_start3A_1418 = arith.constant 0 : i32
        %dma_start3A_1419 = tpu.memref_slice %arg9[%dma_start3A_1414, %dma_start3A_1415, %dma_start3A_1417, %dma_start3A_1418] : memref<2x8x200x32xf32, #tpu.memory_space<vmem>> -> memref<1x1x72x32xf32, #tpu.memory_space<vmem>>
        %dma_start3A_1420 = tpu.memref_squeeze %dma_start3A_1419 : memref<1x1x72x32xf32, #tpu.memory_space<vmem>> -> memref<72x32xf32, #tpu.memory_space<vmem>>
        %dma_start3A_1421 = arith.constant 0 : i32
        %dma_start3A_1422 = tpu.memref_slice %arg8[%dma_start3A_1412, %dma_start3A_1413, %dma_start3A_1421] : memref<2x8x128xi32, #tpu.memory_space<vmem>> -> memref<1x1x72xi32, #tpu.memory_space<vmem>>
        %dma_start3A_1423 = tpu.memref_squeeze %dma_start3A_1422 : memref<1x1x72xi32, #tpu.memory_space<vmem>> -> memref<72xi32, #tpu.memory_space<vmem>>
        %dma_start3A_1424 = arith.constant 0 : i32
        %dma_start3A_1425 = arith.constant 0 : i32
        %dma_start3A_1426 = tpu.memref_slice %arg2[%dma_start3A_1424, %dma_start3A_1425] : memref<1000000x32xf32, #tpu.memory_space<hbm>> -> memref<1000000x32xf32, #tpu.memory_space<hbm>>
        %dma_start3A_1427 = tpu.memref_slice %arg11[%dma_start3A_1416] : memref<2x!tpu.dma_semaphore, #tpu.memory_space<semaphore_mem>> -> memref<1x!tpu.dma_semaphore, #tpu.memory_space<semaphore_mem>>
        %dma_start3A_1428 = tpu.memref_squeeze %dma_start3A_1427 : memref<1x!tpu.dma_semaphore, #tpu.memory_space<semaphore_mem>> -> memref<!tpu.dma_semaphore, #tpu.memory_space<semaphore_mem>>
        tpu.enqueue_indirect_dma source(%dma_start3A_1426 : memref<1000000x32xf32, #tpu.memory_space<hbm>>) target(%dma_start3A_1420 : memref<72x32xf32, #tpu.memory_space<vmem>>) offsets(%dma_start3A_1423 : memref<72xi32, #tpu.memory_space<vmem>>) semaphore(%dma_start3A_1428 : memref<!tpu.dma_semaphore, #tpu.memory_space<semaphore_mem>>)
      } else {
      }
      %mul3A_853 = arith.constant 2 : i32
      %mul3A_854 = arith.muli %mul3A_853, %scan3A_560 : i32
      %add3A_855 = arith.constant 1 : i32
      %add3A_856 = arith.addi %mul3A_854, %add3A_855 : i32
      %mul3A_857 = arith.constant 8 : i32
      %mul3A_858 = arith.muli %add3A_856, %mul3A_857 : i32
      %add3A_859 = arith.addi %mul3A_2, %mul3A_858 : i32
      %multiple_of3A_860 = tpu.assume_multiple %add3A_859, 8 : i32
      %dma_wait3A_861 = arith.constant 1 : i32
      %dma_wait3A_862 = arith.constant 0 : i32
      %dma_wait3A_863 = arith.constant 1 : i32
      %dma_wait3A_864 = arith.constant 0 : i32
      %dma_wait3A_865 = arith.constant 1 : i32
      %dma_wait3A_866 = arith.constant 0 : i32
      %dma_wait3A_867 = arith.constant 0 : i32
      %dma_wait3A_868 = tpu.memref_slice %arg9[%dma_wait3A_863, %dma_wait3A_864, %dma_wait3A_866, %dma_wait3A_867] : memref<2x8x200x32xf32, #tpu.memory_space<vmem>> -> memref<1x1x128x32xf32, #tpu.memory_space<vmem>>
      %dma_wait3A_869 = tpu.memref_squeeze %dma_wait3A_868 : memref<1x1x128x32xf32, #tpu.memory_space<vmem>> -> memref<128x32xf32, #tpu.memory_space<vmem>>
      %dma_wait3A_870 = arith.constant 0 : i32
      %dma_wait3A_871 = tpu.memref_slice %arg7[%dma_wait3A_861, %dma_wait3A_862, %dma_wait3A_870] : memref<2x8x128xi32, #tpu.memory_space<vmem>> -> memref<1x1x128xi32, #tpu.memory_space<vmem>>
      %dma_wait3A_872 = tpu.memref_squeeze %dma_wait3A_871 : memref<1x1x128xi32, #tpu.memory_space<vmem>> -> memref<128xi32, #tpu.memory_space<vmem>>
      %dma_wait3A_873 = arith.constant 0 : i32
      %dma_wait3A_874 = arith.constant 0 : i32
      %dma_wait3A_875 = tpu.memref_slice %arg2[%dma_wait3A_873, %dma_wait3A_874] : memref<1000000x32xf32, #tpu.memory_space<hbm>> -> memref<1000000x32xf32, #tpu.memory_space<hbm>>
      %dma_wait3A_876 = tpu.memref_slice %arg11[%dma_wait3A_865] : memref<2x!tpu.dma_semaphore, #tpu.memory_space<semaphore_mem>> -> memref<1x!tpu.dma_semaphore, #tpu.memory_space<semaphore_mem>>
      %dma_wait3A_877 = tpu.memref_squeeze %dma_wait3A_876 : memref<1x!tpu.dma_semaphore, #tpu.memory_space<semaphore_mem>> -> memref<!tpu.dma_semaphore, #tpu.memory_space<semaphore_mem>>
      tpu.wait_indirect_dma semaphore(%dma_wait3A_877 : memref<!tpu.dma_semaphore, #tpu.memory_space<semaphore_mem>>) src(%dma_wait3A_875 : memref<1000000x32xf32, #tpu.memory_space<hbm>>) dst(%dma_wait3A_869 : memref<128x32xf32, #tpu.memory_space<vmem>>)
      %dma_wait3A_878 = arith.constant 1 : i32
      %dma_wait3A_879 = arith.constant 0 : i32
      %dma_wait3A_880 = arith.constant 1 : i32
      %dma_wait3A_881 = arith.constant 0 : i32
      %dma_wait3A_882 = arith.constant 1 : i32
      %dma_wait3A_883 = arith.constant 128 : i32
      %dma_wait3A_884 = arith.constant 0 : i32
      %dma_wait3A_885 = tpu.memref_slice %arg9[%dma_wait3A_880, %dma_wait3A_881, %dma_wait3A_883, %dma_wait3A_884] : memref<2x8x200x32xf32, #tpu.memory_space<vmem>> -> memref<1x1x72x32xf32, #tpu.memory_space<vmem>>
      %dma_wait3A_886 = tpu.memref_squeeze %dma_wait3A_885 : memref<1x1x72x32xf32, #tpu.memory_space<vmem>> -> memref<72x32xf32, #tpu.memory_space<vmem>>
      %dma_wait3A_887 = arith.constant 0 : i32
      %dma_wait3A_888 = tpu.memref_slice %arg8[%dma_wait3A_878, %dma_wait3A_879, %dma_wait3A_887] : memref<2x8x128xi32, #tpu.memory_space<vmem>> -> memref<1x1x72xi32, #tpu.memory_space<vmem>>
      %dma_wait3A_889 = tpu.memref_squeeze %dma_wait3A_888 : memref<1x1x72xi32, #tpu.memory_space<vmem>> -> memref<72xi32, #tpu.memory_space<vmem>>
      %dma_wait3A_890 = arith.constant 0 : i32
      %dma_wait3A_891 = arith.constant 0 : i32
      %dma_wait3A_892 = tpu.memref_slice %arg2[%dma_wait3A_890, %dma_wait3A_891] : memref<1000000x32xf32, #tpu.memory_space<hbm>> -> memref<1000000x32xf32, #tpu.memory_space<hbm>>
      %dma_wait3A_893 = tpu.memref_slice %arg11[%dma_wait3A_882] : memref<2x!tpu.dma_semaphore, #tpu.memory_space<semaphore_mem>> -> memref<1x!tpu.dma_semaphore, #tpu.memory_space<semaphore_mem>>
      %dma_wait3A_894 = tpu.memref_squeeze %dma_wait3A_893 : memref<1x!tpu.dma_semaphore, #tpu.memory_space<semaphore_mem>> -> memref<!tpu.dma_semaphore, #tpu.memory_space<semaphore_mem>>
      tpu.wait_indirect_dma semaphore(%dma_wait3A_894 : memref<!tpu.dma_semaphore, #tpu.memory_space<semaphore_mem>>) src(%dma_wait3A_892 : memref<1000000x32xf32, #tpu.memory_space<hbm>>) dst(%dma_wait3A_886 : memref<72x32xf32, #tpu.memory_space<vmem>>)
      %dma_wait3A_895 = arith.constant 1 : i32
      %dma_wait3A_896 = arith.constant 1 : i32
      %dma_wait3A_897 = arith.constant 1 : i32
      %dma_wait3A_898 = arith.constant 1 : i32
      %dma_wait3A_899 = arith.constant 1 : i32
      %dma_wait3A_900 = arith.constant 0 : i32
      %dma_wait3A_901 = arith.constant 0 : i32
      %dma_wait3A_902 = tpu.memref_slice %arg9[%dma_wait3A_897, %dma_wait3A_898, %dma_wait3A_900, %dma_wait3A_901] : memref<2x8x200x32xf32, #tpu.memory_space<vmem>> -> memref<1x1x128x32xf32, #tpu.memory_space<vmem>>
      %dma_wait3A_903 = tpu.memref_squeeze %dma_wait3A_902 : memref<1x1x128x32xf32, #tpu.memory_space<vmem>> -> memref<128x32xf32, #tpu.memory_space<vmem>>
      %dma_wait3A_904 = arith.constant 0 : i32
      %dma_wait3A_905 = tpu.memref_slice %arg7[%dma_wait3A_895, %dma_wait3A_896, %dma_wait3A_904] : memref<2x8x128xi32, #tpu.memory_space<vmem>> -> memref<1x1x128xi32, #tpu.memory_space<vmem>>
      %dma_wait3A_906 = tpu.memref_squeeze %dma_wait3A_905 : memref<1x1x128xi32, #tpu.memory_space<vmem>> -> memref<128xi32, #tpu.memory_space<vmem>>
      %dma_wait3A_907 = arith.constant 0 : i32
      %dma_wait3A_908 = arith.constant 0 : i32
      %dma_wait3A_909 = tpu.memref_slice %arg2[%dma_wait3A_907, %dma_wait3A_908] : memref<1000000x32xf32, #tpu.memory_space<hbm>> -> memref<1000000x32xf32, #tpu.memory_space<hbm>>
      %dma_wait3A_910 = tpu.memref_slice %arg11[%dma_wait3A_899] : memref<2x!tpu.dma_semaphore, #tpu.memory_space<semaphore_mem>> -> memref<1x!tpu.dma_semaphore, #tpu.memory_space<semaphore_mem>>
      %dma_wait3A_911 = tpu.memref_squeeze %dma_wait3A_910 : memref<1x!tpu.dma_semaphore, #tpu.memory_space<semaphore_mem>> -> memref<!tpu.dma_semaphore, #tpu.memory_space<semaphore_mem>>
      tpu.wait_indirect_dma semaphore(%dma_wait3A_911 : memref<!tpu.dma_semaphore, #tpu.memory_space<semaphore_mem>>) src(%dma_wait3A_909 : memref<1000000x32xf32, #tpu.memory_space<hbm>>) dst(%dma_wait3A_903 : memref<128x32xf32, #tpu.memory_space<vmem>>)
      %dma_wait3A_912 = arith.constant 1 : i32
      %dma_wait3A_913 = arith.constant 1 : i32
      %dma_wait3A_914 = arith.constant 1 : i32
      %dma_wait3A_915 = arith.constant 1 : i32
      %dma_wait3A_916 = arith.constant 1 : i32
      %dma_wait3A_917 = arith.constant 128 : i32
      %dma_wait3A_918 = arith.constant 0 : i32
      %dma_wait3A_919 = tpu.memref_slice %arg9[%dma_wait3A_914, %dma_wait3A_915, %dma_wait3A_917, %dma_wait3A_918] : memref<2x8x200x32xf32, #tpu.memory_space<vmem>> -> memref<1x1x72x32xf32, #tpu.memory_space<vmem>>
      %dma_wait3A_920 = tpu.memref_squeeze %dma_wait3A_919 : memref<1x1x72x32xf32, #tpu.memory_space<vmem>> -> memref<72x32xf32, #tpu.memory_space<vmem>>
      %dma_wait3A_921 = arith.constant 0 : i32
      %dma_wait3A_922 = tpu.memref_slice %arg8[%dma_wait3A_912, %dma_wait3A_913, %dma_wait3A_921] : memref<2x8x128xi32, #tpu.memory_space<vmem>> -> memref<1x1x72xi32, #tpu.memory_space<vmem>>
      %dma_wait3A_923 = tpu.memref_squeeze %dma_wait3A_922 : memref<1x1x72xi32, #tpu.memory_space<vmem>> -> memref<72xi32, #tpu.memory_space<vmem>>
      %dma_wait3A_924 = arith.constant 0 : i32
      %dma_wait3A_925 = arith.constant 0 : i32
      %dma_wait3A_926 = tpu.memref_slice %arg2[%dma_wait3A_924, %dma_wait3A_925] : memref<1000000x32xf32, #tpu.memory_space<hbm>> -> memref<1000000x32xf32, #tpu.memory_space<hbm>>
      %dma_wait3A_927 = tpu.memref_slice %arg11[%dma_wait3A_916] : memref<2x!tpu.dma_semaphore, #tpu.memory_space<semaphore_mem>> -> memref<1x!tpu.dma_semaphore, #tpu.memory_space<semaphore_mem>>
      %dma_wait3A_928 = tpu.memref_squeeze %dma_wait3A_927 : memref<1x!tpu.dma_semaphore, #tpu.memory_space<semaphore_mem>> -> memref<!tpu.dma_semaphore, #tpu.memory_space<semaphore_mem>>
      tpu.wait_indirect_dma semaphore(%dma_wait3A_928 : memref<!tpu.dma_semaphore, #tpu.memory_space<semaphore_mem>>) src(%dma_wait3A_926 : memref<1000000x32xf32, #tpu.memory_space<hbm>>) dst(%dma_wait3A_920 : memref<72x32xf32, #tpu.memory_space<vmem>>)
      %dma_wait3A_929 = arith.constant 1 : i32
      %dma_wait3A_930 = arith.constant 2 : i32
      %dma_wait3A_931 = arith.constant 1 : i32
      %dma_wait3A_932 = arith.constant 2 : i32
      %dma_wait3A_933 = arith.constant 1 : i32
      %dma_wait3A_934 = arith.constant 0 : i32
      %dma_wait3A_935 = arith.constant 0 : i32
      %dma_wait3A_936 = tpu.memref_slice %arg9[%dma_wait3A_931, %dma_wait3A_932, %dma_wait3A_934, %dma_wait3A_935] : memref<2x8x200x32xf32, #tpu.memory_space<vmem>> -> memref<1x1x128x32xf32, #tpu.memory_space<vmem>>
      %dma_wait3A_937 = tpu.memref_squeeze %dma_wait3A_936 : memref<1x1x128x32xf32, #tpu.memory_space<vmem>> -> memref<128x32xf32, #tpu.memory_space<vmem>>
      %dma_wait3A_938 = arith.constant 0 : i32
      %dma_wait3A_939 = tpu.memref_slice %arg7[%dma_wait3A_929, %dma_wait3A_930, %dma_wait3A_938] : memref<2x8x128xi32, #tpu.memory_space<vmem>> -> memref<1x1x128xi32, #tpu.memory_space<vmem>>
      %dma_wait3A_940 = tpu.memref_squeeze %dma_wait3A_939 : memref<1x1x128xi32, #tpu.memory_space<vmem>> -> memref<128xi32, #tpu.memory_space<vmem>>
      %dma_wait3A_941 = arith.constant 0 : i32
      %dma_wait3A_942 = arith.constant 0 : i32
      %dma_wait3A_943 = tpu.memref_slice %arg2[%dma_wait3A_941, %dma_wait3A_942] : memref<1000000x32xf32, #tpu.memory_space<hbm>> -> memref<1000000x32xf32, #tpu.memory_space<hbm>>
      %dma_wait3A_944 = tpu.memref_slice %arg11[%dma_wait3A_933] : memref<2x!tpu.dma_semaphore, #tpu.memory_space<semaphore_mem>> -> memref<1x!tpu.dma_semaphore, #tpu.memory_space<semaphore_mem>>
      %dma_wait3A_945 = tpu.memref_squeeze %dma_wait3A_944 : memref<1x!tpu.dma_semaphore, #tpu.memory_space<semaphore_mem>> -> memref<!tpu.dma_semaphore, #tpu.memory_space<semaphore_mem>>
      tpu.wait_indirect_dma semaphore(%dma_wait3A_945 : memref<!tpu.dma_semaphore, #tpu.memory_space<semaphore_mem>>) src(%dma_wait3A_943 : memref<1000000x32xf32, #tpu.memory_space<hbm>>) dst(%dma_wait3A_937 : memref<128x32xf32, #tpu.memory_space<vmem>>)
      %dma_wait3A_946 = arith.constant 1 : i32
      %dma_wait3A_947 = arith.constant 2 : i32
      %dma_wait3A_948 = arith.constant 1 : i32
      %dma_wait3A_949 = arith.constant 2 : i32
      %dma_wait3A_950 = arith.constant 1 : i32
      %dma_wait3A_951 = arith.constant 128 : i32
      %dma_wait3A_952 = arith.constant 0 : i32
      %dma_wait3A_953 = tpu.memref_slice %arg9[%dma_wait3A_948, %dma_wait3A_949, %dma_wait3A_951, %dma_wait3A_952] : memref<2x8x200x32xf32, #tpu.memory_space<vmem>> -> memref<1x1x72x32xf32, #tpu.memory_space<vmem>>
      %dma_wait3A_954 = tpu.memref_squeeze %dma_wait3A_953 : memref<1x1x72x32xf32, #tpu.memory_space<vmem>> -> memref<72x32xf32, #tpu.memory_space<vmem>>
      %dma_wait3A_955 = arith.constant 0 : i32
      %dma_wait3A_956 = tpu.memref_slice %arg8[%dma_wait3A_946, %dma_wait3A_947, %dma_wait3A_955] : memref<2x8x128xi32, #tpu.memory_space<vmem>> -> memref<1x1x72xi32, #tpu.memory_space<vmem>>
      %dma_wait3A_957 = tpu.memref_squeeze %dma_wait3A_956 : memref<1x1x72xi32, #tpu.memory_space<vmem>> -> memref<72xi32, #tpu.memory_space<vmem>>
      %dma_wait3A_958 = arith.constant 0 : i32
      %dma_wait3A_959 = arith.constant 0 : i32
      %dma_wait3A_960 = tpu.memref_slice %arg2[%dma_wait3A_958, %dma_wait3A_959] : memref<1000000x32xf32, #tpu.memory_space<hbm>> -> memref<1000000x32xf32, #tpu.memory_space<hbm>>
      %dma_wait3A_961 = tpu.memref_slice %arg11[%dma_wait3A_950] : memref<2x!tpu.dma_semaphore, #tpu.memory_space<semaphore_mem>> -> memref<1x!tpu.dma_semaphore, #tpu.memory_space<semaphore_mem>>
      %dma_wait3A_962 = tpu.memref_squeeze %dma_wait3A_961 : memref<1x!tpu.dma_semaphore, #tpu.memory_space<semaphore_mem>> -> memref<!tpu.dma_semaphore, #tpu.memory_space<semaphore_mem>>
      tpu.wait_indirect_dma semaphore(%dma_wait3A_962 : memref<!tpu.dma_semaphore, #tpu.memory_space<semaphore_mem>>) src(%dma_wait3A_960 : memref<1000000x32xf32, #tpu.memory_space<hbm>>) dst(%dma_wait3A_954 : memref<72x32xf32, #tpu.memory_space<vmem>>)
      %dma_wait3A_963 = arith.constant 1 : i32
      %dma_wait3A_964 = arith.constant 3 : i32
      %dma_wait3A_965 = arith.constant 1 : i32
      %dma_wait3A_966 = arith.constant 3 : i32
      %dma_wait3A_967 = arith.constant 1 : i32
      %dma_wait3A_968 = arith.constant 0 : i32
      %dma_wait3A_969 = arith.constant 0 : i32
      %dma_wait3A_970 = tpu.memref_slice %arg9[%dma_wait3A_965, %dma_wait3A_966, %dma_wait3A_968, %dma_wait3A_969] : memref<2x8x200x32xf32, #tpu.memory_space<vmem>> -> memref<1x1x128x32xf32, #tpu.memory_space<vmem>>
      %dma_wait3A_971 = tpu.memref_squeeze %dma_wait3A_970 : memref<1x1x128x32xf32, #tpu.memory_space<vmem>> -> memref<128x32xf32, #tpu.memory_space<vmem>>
      %dma_wait3A_972 = arith.constant 0 : i32
      %dma_wait3A_973 = tpu.memref_slice %arg7[%dma_wait3A_963, %dma_wait3A_964, %dma_wait3A_972] : memref<2x8x128xi32, #tpu.memory_space<vmem>> -> memref<1x1x128xi32, #tpu.memory_space<vmem>>
      %dma_wait3A_974 = tpu.memref_squeeze %dma_wait3A_973 : memref<1x1x128xi32, #tpu.memory_space<vmem>> -> memref<128xi32, #tpu.memory_space<vmem>>
      %dma_wait3A_975 = arith.constant 0 : i32
      %dma_wait3A_976 = arith.constant 0 : i32
      %dma_wait3A_977 = tpu.memref_slice %arg2[%dma_wait3A_975, %dma_wait3A_976] : memref<1000000x32xf32, #tpu.memory_space<hbm>> -> memref<1000000x32xf32, #tpu.memory_space<hbm>>
      %dma_wait3A_978 = tpu.memref_slice %arg11[%dma_wait3A_967] : memref<2x!tpu.dma_semaphore, #tpu.memory_space<semaphore_mem>> -> memref<1x!tpu.dma_semaphore, #tpu.memory_space<semaphore_mem>>
      %dma_wait3A_979 = tpu.memref_squeeze %dma_wait3A_978 : memref<1x!tpu.dma_semaphore, #tpu.memory_space<semaphore_mem>> -> memref<!tpu.dma_semaphore, #tpu.memory_space<semaphore_mem>>
      tpu.wait_indirect_dma semaphore(%dma_wait3A_979 : memref<!tpu.dma_semaphore, #tpu.memory_space<semaphore_mem>>) src(%dma_wait3A_977 : memref<1000000x32xf32, #tpu.memory_space<hbm>>) dst(%dma_wait3A_971 : memref<128x32xf32, #tpu.memory_space<vmem>>)
      %dma_wait3A_980 = arith.constant 1 : i32
      %dma_wait3A_981 = arith.constant 3 : i32
      %dma_wait3A_982 = arith.constant 1 : i32
      %dma_wait3A_983 = arith.constant 3 : i32
      %dma_wait3A_984 = arith.constant 1 : i32
      %dma_wait3A_985 = arith.constant 128 : i32
      %dma_wait3A_986 = arith.constant 0 : i32
      %dma_wait3A_987 = tpu.memref_slice %arg9[%dma_wait3A_982, %dma_wait3A_983, %dma_wait3A_985, %dma_wait3A_986] : memref<2x8x200x32xf32, #tpu.memory_space<vmem>> -> memref<1x1x72x32xf32, #tpu.memory_space<vmem>>
      %dma_wait3A_988 = tpu.memref_squeeze %dma_wait3A_987 : memref<1x1x72x32xf32, #tpu.memory_space<vmem>> -> memref<72x32xf32, #tpu.memory_space<vmem>>
      %dma_wait3A_989 = arith.constant 0 : i32
      %dma_wait3A_990 = tpu.memref_slice %arg8[%dma_wait3A_980, %dma_wait3A_981, %dma_wait3A_989] : memref<2x8x128xi32, #tpu.memory_space<vmem>> -> memref<1x1x72xi32, #tpu.memory_space<vmem>>
      %dma_wait3A_991 = tpu.memref_squeeze %dma_wait3A_990 : memref<1x1x72xi32, #tpu.memory_space<vmem>> -> memref<72xi32, #tpu.memory_space<vmem>>
      %dma_wait3A_992 = arith.constant 0 : i32
      %dma_wait3A_993 = arith.constant 0 : i32
      %dma_wait3A_994 = tpu.memref_slice %arg2[%dma_wait3A_992, %dma_wait3A_993] : memref<1000000x32xf32, #tpu.memory_space<hbm>> -> memref<1000000x32xf32, #tpu.memory_space<hbm>>
      %dma_wait3A_995 = tpu.memref_slice %arg11[%dma_wait3A_984] : memref<2x!tpu.dma_semaphore, #tpu.memory_space<semaphore_mem>> -> memref<1x!tpu.dma_semaphore, #tpu.memory_space<semaphore_mem>>
      %dma_wait3A_996 = tpu.memref_squeeze %dma_wait3A_995 : memref<1x!tpu.dma_semaphore, #tpu.memory_space<semaphore_mem>> -> memref<!tpu.dma_semaphore, #tpu.memory_space<semaphore_mem>>
      tpu.wait_indirect_dma semaphore(%dma_wait3A_996 : memref<!tpu.dma_semaphore, #tpu.memory_space<semaphore_mem>>) src(%dma_wait3A_994 : memref<1000000x32xf32, #tpu.memory_space<hbm>>) dst(%dma_wait3A_988 : memref<72x32xf32, #tpu.memory_space<vmem>>)
      %dma_wait3A_997 = arith.constant 1 : i32
      %dma_wait3A_998 = arith.constant 4 : i32
      %dma_wait3A_999 = arith.constant 1 : i32
      %dma_wait3A_1000 = arith.constant 4 : i32
      %dma_wait3A_1001 = arith.constant 1 : i32
      %dma_wait3A_1002 = arith.constant 0 : i32
      %dma_wait3A_1003 = arith.constant 0 : i32
      %dma_wait3A_1004 = tpu.memref_slice %arg9[%dma_wait3A_999, %dma_wait3A_1000, %dma_wait3A_1002, %dma_wait3A_1003] : memref<2x8x200x32xf32, #tpu.memory_space<vmem>> -> memref<1x1x128x32xf32, #tpu.memory_space<vmem>>
      %dma_wait3A_1005 = tpu.memref_squeeze %dma_wait3A_1004 : memref<1x1x128x32xf32, #tpu.memory_space<vmem>> -> memref<128x32xf32, #tpu.memory_space<vmem>>
      %dma_wait3A_1006 = arith.constant 0 : i32
      %dma_wait3A_1007 = tpu.memref_slice %arg7[%dma_wait3A_997, %dma_wait3A_998, %dma_wait3A_1006] : memref<2x8x128xi32, #tpu.memory_space<vmem>> -> memref<1x1x128xi32, #tpu.memory_space<vmem>>
      %dma_wait3A_1008 = tpu.memref_squeeze %dma_wait3A_1007 : memref<1x1x128xi32, #tpu.memory_space<vmem>> -> memref<128xi32, #tpu.memory_space<vmem>>
      %dma_wait3A_1009 = arith.constant 0 : i32
      %dma_wait3A_1010 = arith.constant 0 : i32
      %dma_wait3A_1011 = tpu.memref_slice %arg2[%dma_wait3A_1009, %dma_wait3A_1010] : memref<1000000x32xf32, #tpu.memory_space<hbm>> -> memref<1000000x32xf32, #tpu.memory_space<hbm>>
      %dma_wait3A_1012 = tpu.memref_slice %arg11[%dma_wait3A_1001] : memref<2x!tpu.dma_semaphore, #tpu.memory_space<semaphore_mem>> -> memref<1x!tpu.dma_semaphore, #tpu.memory_space<semaphore_mem>>
      %dma_wait3A_1013 = tpu.memref_squeeze %dma_wait3A_1012 : memref<1x!tpu.dma_semaphore, #tpu.memory_space<semaphore_mem>> -> memref<!tpu.dma_semaphore, #tpu.memory_space<semaphore_mem>>
      tpu.wait_indirect_dma semaphore(%dma_wait3A_1013 : memref<!tpu.dma_semaphore, #tpu.memory_space<semaphore_mem>>) src(%dma_wait3A_1011 : memref<1000000x32xf32, #tpu.memory_space<hbm>>) dst(%dma_wait3A_1005 : memref<128x32xf32, #tpu.memory_space<vmem>>)
      %dma_wait3A_1014 = arith.constant 1 : i32
      %dma_wait3A_1015 = arith.constant 4 : i32
      %dma_wait3A_1016 = arith.constant 1 : i32
      %dma_wait3A_1017 = arith.constant 4 : i32
      %dma_wait3A_1018 = arith.constant 1 : i32
      %dma_wait3A_1019 = arith.constant 128 : i32
      %dma_wait3A_1020 = arith.constant 0 : i32
      %dma_wait3A_1021 = tpu.memref_slice %arg9[%dma_wait3A_1016, %dma_wait3A_1017, %dma_wait3A_1019, %dma_wait3A_1020] : memref<2x8x200x32xf32, #tpu.memory_space<vmem>> -> memref<1x1x72x32xf32, #tpu.memory_space<vmem>>
      %dma_wait3A_1022 = tpu.memref_squeeze %dma_wait3A_1021 : memref<1x1x72x32xf32, #tpu.memory_space<vmem>> -> memref<72x32xf32, #tpu.memory_space<vmem>>
      %dma_wait3A_1023 = arith.constant 0 : i32
      %dma_wait3A_1024 = tpu.memref_slice %arg8[%dma_wait3A_1014, %dma_wait3A_1015, %dma_wait3A_1023] : memref<2x8x128xi32, #tpu.memory_space<vmem>> -> memref<1x1x72xi32, #tpu.memory_space<vmem>>
      %dma_wait3A_1025 = tpu.memref_squeeze %dma_wait3A_1024 : memref<1x1x72xi32, #tpu.memory_space<vmem>> -> memref<72xi32, #tpu.memory_space<vmem>>
      %dma_wait3A_1026 = arith.constant 0 : i32
      %dma_wait3A_1027 = arith.constant 0 : i32
      %dma_wait3A_1028 = tpu.memref_slice %arg2[%dma_wait3A_1026, %dma_wait3A_1027] : memref<1000000x32xf32, #tpu.memory_space<hbm>> -> memref<1000000x32xf32, #tpu.memory_space<hbm>>
      %dma_wait3A_1029 = tpu.memref_slice %arg11[%dma_wait3A_1018] : memref<2x!tpu.dma_semaphore, #tpu.memory_space<semaphore_mem>> -> memref<1x!tpu.dma_semaphore, #tpu.memory_space<semaphore_mem>>
      %dma_wait3A_1030 = tpu.memref_squeeze %dma_wait3A_1029 : memref<1x!tpu.dma_semaphore, #tpu.memory_space<semaphore_mem>> -> memref<!tpu.dma_semaphore, #tpu.memory_space<semaphore_mem>>
      tpu.wait_indirect_dma semaphore(%dma_wait3A_1030 : memref<!tpu.dma_semaphore, #tpu.memory_space<semaphore_mem>>) src(%dma_wait3A_1028 : memref<1000000x32xf32, #tpu.memory_space<hbm>>) dst(%dma_wait3A_1022 : memref<72x32xf32, #tpu.memory_space<vmem>>)
      %dma_wait3A_1031 = arith.constant 1 : i32
      %dma_wait3A_1032 = arith.constant 5 : i32
      %dma_wait3A_1033 = arith.constant 1 : i32
      %dma_wait3A_1034 = arith.constant 5 : i32
      %dma_wait3A_1035 = arith.constant 1 : i32
      %dma_wait3A_1036 = arith.constant 0 : i32
      %dma_wait3A_1037 = arith.constant 0 : i32
      %dma_wait3A_1038 = tpu.memref_slice %arg9[%dma_wait3A_1033, %dma_wait3A_1034, %dma_wait3A_1036, %dma_wait3A_1037] : memref<2x8x200x32xf32, #tpu.memory_space<vmem>> -> memref<1x1x128x32xf32, #tpu.memory_space<vmem>>
      %dma_wait3A_1039 = tpu.memref_squeeze %dma_wait3A_1038 : memref<1x1x128x32xf32, #tpu.memory_space<vmem>> -> memref<128x32xf32, #tpu.memory_space<vmem>>
      %dma_wait3A_1040 = arith.constant 0 : i32
      %dma_wait3A_1041 = tpu.memref_slice %arg7[%dma_wait3A_1031, %dma_wait3A_1032, %dma_wait3A_1040] : memref<2x8x128xi32, #tpu.memory_space<vmem>> -> memref<1x1x128xi32, #tpu.memory_space<vmem>>
      %dma_wait3A_1042 = tpu.memref_squeeze %dma_wait3A_1041 : memref<1x1x128xi32, #tpu.memory_space<vmem>> -> memref<128xi32, #tpu.memory_space<vmem>>
      %dma_wait3A_1043 = arith.constant 0 : i32
      %dma_wait3A_1044 = arith.constant 0 : i32
      %dma_wait3A_1045 = tpu.memref_slice %arg2[%dma_wait3A_1043, %dma_wait3A_1044] : memref<1000000x32xf32, #tpu.memory_space<hbm>> -> memref<1000000x32xf32, #tpu.memory_space<hbm>>
      %dma_wait3A_1046 = tpu.memref_slice %arg11[%dma_wait3A_1035] : memref<2x!tpu.dma_semaphore, #tpu.memory_space<semaphore_mem>> -> memref<1x!tpu.dma_semaphore, #tpu.memory_space<semaphore_mem>>
      %dma_wait3A_1047 = tpu.memref_squeeze %dma_wait3A_1046 : memref<1x!tpu.dma_semaphore, #tpu.memory_space<semaphore_mem>> -> memref<!tpu.dma_semaphore, #tpu.memory_space<semaphore_mem>>
      tpu.wait_indirect_dma semaphore(%dma_wait3A_1047 : memref<!tpu.dma_semaphore, #tpu.memory_space<semaphore_mem>>) src(%dma_wait3A_1045 : memref<1000000x32xf32, #tpu.memory_space<hbm>>) dst(%dma_wait3A_1039 : memref<128x32xf32, #tpu.memory_space<vmem>>)
      %dma_wait3A_1048 = arith.constant 1 : i32
      %dma_wait3A_1049 = arith.constant 5 : i32
      %dma_wait3A_1050 = arith.constant 1 : i32
      %dma_wait3A_1051 = arith.constant 5 : i32
      %dma_wait3A_1052 = arith.constant 1 : i32
      %dma_wait3A_1053 = arith.constant 128 : i32
      %dma_wait3A_1054 = arith.constant 0 : i32
      %dma_wait3A_1055 = tpu.memref_slice %arg9[%dma_wait3A_1050, %dma_wait3A_1051, %dma_wait3A_1053, %dma_wait3A_1054] : memref<2x8x200x32xf32, #tpu.memory_space<vmem>> -> memref<1x1x72x32xf32, #tpu.memory_space<vmem>>
      %dma_wait3A_1056 = tpu.memref_squeeze %dma_wait3A_1055 : memref<1x1x72x32xf32, #tpu.memory_space<vmem>> -> memref<72x32xf32, #tpu.memory_space<vmem>>
      %dma_wait3A_1057 = arith.constant 0 : i32
      %dma_wait3A_1058 = tpu.memref_slice %arg8[%dma_wait3A_1048, %dma_wait3A_1049, %dma_wait3A_1057] : memref<2x8x128xi32, #tpu.memory_space<vmem>> -> memref<1x1x72xi32, #tpu.memory_space<vmem>>
      %dma_wait3A_1059 = tpu.memref_squeeze %dma_wait3A_1058 : memref<1x1x72xi32, #tpu.memory_space<vmem>> -> memref<72xi32, #tpu.memory_space<vmem>>
      %dma_wait3A_1060 = arith.constant 0 : i32
      %dma_wait3A_1061 = arith.constant 0 : i32
      %dma_wait3A_1062 = tpu.memref_slice %arg2[%dma_wait3A_1060, %dma_wait3A_1061] : memref<1000000x32xf32, #tpu.memory_space<hbm>> -> memref<1000000x32xf32, #tpu.memory_space<hbm>>
      %dma_wait3A_1063 = tpu.memref_slice %arg11[%dma_wait3A_1052] : memref<2x!tpu.dma_semaphore, #tpu.memory_space<semaphore_mem>> -> memref<1x!tpu.dma_semaphore, #tpu.memory_space<semaphore_mem>>
      %dma_wait3A_1064 = tpu.memref_squeeze %dma_wait3A_1063 : memref<1x!tpu.dma_semaphore, #tpu.memory_space<semaphore_mem>> -> memref<!tpu.dma_semaphore, #tpu.memory_space<semaphore_mem>>
      tpu.wait_indirect_dma semaphore(%dma_wait3A_1064 : memref<!tpu.dma_semaphore, #tpu.memory_space<semaphore_mem>>) src(%dma_wait3A_1062 : memref<1000000x32xf32, #tpu.memory_space<hbm>>) dst(%dma_wait3A_1056 : memref<72x32xf32, #tpu.memory_space<vmem>>)
      %dma_wait3A_1065 = arith.constant 1 : i32
      %dma_wait3A_1066 = arith.constant 6 : i32
      %dma_wait3A_1067 = arith.constant 1 : i32
      %dma_wait3A_1068 = arith.constant 6 : i32
      %dma_wait3A_1069 = arith.constant 1 : i32
      %dma_wait3A_1070 = arith.constant 0 : i32
      %dma_wait3A_1071 = arith.constant 0 : i32
      %dma_wait3A_1072 = tpu.memref_slice %arg9[%dma_wait3A_1067, %dma_wait3A_1068, %dma_wait3A_1070, %dma_wait3A_1071] : memref<2x8x200x32xf32, #tpu.memory_space<vmem>> -> memref<1x1x128x32xf32, #tpu.memory_space<vmem>>
      %dma_wait3A_1073 = tpu.memref_squeeze %dma_wait3A_1072 : memref<1x1x128x32xf32, #tpu.memory_space<vmem>> -> memref<128x32xf32, #tpu.memory_space<vmem>>
      %dma_wait3A_1074 = arith.constant 0 : i32
      %dma_wait3A_1075 = tpu.memref_slice %arg7[%dma_wait3A_1065, %dma_wait3A_1066, %dma_wait3A_1074] : memref<2x8x128xi32, #tpu.memory_space<vmem>> -> memref<1x1x128xi32, #tpu.memory_space<vmem>>
      %dma_wait3A_1076 = tpu.memref_squeeze %dma_wait3A_1075 : memref<1x1x128xi32, #tpu.memory_space<vmem>> -> memref<128xi32, #tpu.memory_space<vmem>>
      %dma_wait3A_1077 = arith.constant 0 : i32
      %dma_wait3A_1078 = arith.constant 0 : i32
      %dma_wait3A_1079 = tpu.memref_slice %arg2[%dma_wait3A_1077, %dma_wait3A_1078] : memref<1000000x32xf32, #tpu.memory_space<hbm>> -> memref<1000000x32xf32, #tpu.memory_space<hbm>>
      %dma_wait3A_1080 = tpu.memref_slice %arg11[%dma_wait3A_1069] : memref<2x!tpu.dma_semaphore, #tpu.memory_space<semaphore_mem>> -> memref<1x!tpu.dma_semaphore, #tpu.memory_space<semaphore_mem>>
      %dma_wait3A_1081 = tpu.memref_squeeze %dma_wait3A_1080 : memref<1x!tpu.dma_semaphore, #tpu.memory_space<semaphore_mem>> -> memref<!tpu.dma_semaphore, #tpu.memory_space<semaphore_mem>>
      tpu.wait_indirect_dma semaphore(%dma_wait3A_1081 : memref<!tpu.dma_semaphore, #tpu.memory_space<semaphore_mem>>) src(%dma_wait3A_1079 : memref<1000000x32xf32, #tpu.memory_space<hbm>>) dst(%dma_wait3A_1073 : memref<128x32xf32, #tpu.memory_space<vmem>>)
      %dma_wait3A_1082 = arith.constant 1 : i32
      %dma_wait3A_1083 = arith.constant 6 : i32
      %dma_wait3A_1084 = arith.constant 1 : i32
      %dma_wait3A_1085 = arith.constant 6 : i32
      %dma_wait3A_1086 = arith.constant 1 : i32
      %dma_wait3A_1087 = arith.constant 128 : i32
      %dma_wait3A_1088 = arith.constant 0 : i32
      %dma_wait3A_1089 = tpu.memref_slice %arg9[%dma_wait3A_1084, %dma_wait3A_1085, %dma_wait3A_1087, %dma_wait3A_1088] : memref<2x8x200x32xf32, #tpu.memory_space<vmem>> -> memref<1x1x72x32xf32, #tpu.memory_space<vmem>>
      %dma_wait3A_1090 = tpu.memref_squeeze %dma_wait3A_1089 : memref<1x1x72x32xf32, #tpu.memory_space<vmem>> -> memref<72x32xf32, #tpu.memory_space<vmem>>
      %dma_wait3A_1091 = arith.constant 0 : i32
      %dma_wait3A_1092 = tpu.memref_slice %arg8[%dma_wait3A_1082, %dma_wait3A_1083, %dma_wait3A_1091] : memref<2x8x128xi32, #tpu.memory_space<vmem>> -> memref<1x1x72xi32, #tpu.memory_space<vmem>>
      %dma_wait3A_1093 = tpu.memref_squeeze %dma_wait3A_1092 : memref<1x1x72xi32, #tpu.memory_space<vmem>> -> memref<72xi32, #tpu.memory_space<vmem>>
      %dma_wait3A_1094 = arith.constant 0 : i32
      %dma_wait3A_1095 = arith.constant 0 : i32
      %dma_wait3A_1096 = tpu.memref_slice %arg2[%dma_wait3A_1094, %dma_wait3A_1095] : memref<1000000x32xf32, #tpu.memory_space<hbm>> -> memref<1000000x32xf32, #tpu.memory_space<hbm>>
      %dma_wait3A_1097 = tpu.memref_slice %arg11[%dma_wait3A_1086] : memref<2x!tpu.dma_semaphore, #tpu.memory_space<semaphore_mem>> -> memref<1x!tpu.dma_semaphore, #tpu.memory_space<semaphore_mem>>
      %dma_wait3A_1098 = tpu.memref_squeeze %dma_wait3A_1097 : memref<1x!tpu.dma_semaphore, #tpu.memory_space<semaphore_mem>> -> memref<!tpu.dma_semaphore, #tpu.memory_space<semaphore_mem>>
      tpu.wait_indirect_dma semaphore(%dma_wait3A_1098 : memref<!tpu.dma_semaphore, #tpu.memory_space<semaphore_mem>>) src(%dma_wait3A_1096 : memref<1000000x32xf32, #tpu.memory_space<hbm>>) dst(%dma_wait3A_1090 : memref<72x32xf32, #tpu.memory_space<vmem>>)
      %dma_wait3A_1099 = arith.constant 1 : i32
      %dma_wait3A_1100 = arith.constant 7 : i32
      %dma_wait3A_1101 = arith.constant 1 : i32
      %dma_wait3A_1102 = arith.constant 7 : i32
      %dma_wait3A_1103 = arith.constant 1 : i32
      %dma_wait3A_1104 = arith.constant 0 : i32
      %dma_wait3A_1105 = arith.constant 0 : i32
      %dma_wait3A_1106 = tpu.memref_slice %arg9[%dma_wait3A_1101, %dma_wait3A_1102, %dma_wait3A_1104, %dma_wait3A_1105] : memref<2x8x200x32xf32, #tpu.memory_space<vmem>> -> memref<1x1x128x32xf32, #tpu.memory_space<vmem>>
      %dma_wait3A_1107 = tpu.memref_squeeze %dma_wait3A_1106 : memref<1x1x128x32xf32, #tpu.memory_space<vmem>> -> memref<128x32xf32, #tpu.memory_space<vmem>>
      %dma_wait3A_1108 = arith.constant 0 : i32
      %dma_wait3A_1109 = tpu.memref_slice %arg7[%dma_wait3A_1099, %dma_wait3A_1100, %dma_wait3A_1108] : memref<2x8x128xi32, #tpu.memory_space<vmem>> -> memref<1x1x128xi32, #tpu.memory_space<vmem>>
      %dma_wait3A_1110 = tpu.memref_squeeze %dma_wait3A_1109 : memref<1x1x128xi32, #tpu.memory_space<vmem>> -> memref<128xi32, #tpu.memory_space<vmem>>
      %dma_wait3A_1111 = arith.constant 0 : i32
      %dma_wait3A_1112 = arith.constant 0 : i32
      %dma_wait3A_1113 = tpu.memref_slice %arg2[%dma_wait3A_1111, %dma_wait3A_1112] : memref<1000000x32xf32, #tpu.memory_space<hbm>> -> memref<1000000x32xf32, #tpu.memory_space<hbm>>
      %dma_wait3A_1114 = tpu.memref_slice %arg11[%dma_wait3A_1103] : memref<2x!tpu.dma_semaphore, #tpu.memory_space<semaphore_mem>> -> memref<1x!tpu.dma_semaphore, #tpu.memory_space<semaphore_mem>>
      %dma_wait3A_1115 = tpu.memref_squeeze %dma_wait3A_1114 : memref<1x!tpu.dma_semaphore, #tpu.memory_space<semaphore_mem>> -> memref<!tpu.dma_semaphore, #tpu.memory_space<semaphore_mem>>
      tpu.wait_indirect_dma semaphore(%dma_wait3A_1115 : memref<!tpu.dma_semaphore, #tpu.memory_space<semaphore_mem>>) src(%dma_wait3A_1113 : memref<1000000x32xf32, #tpu.memory_space<hbm>>) dst(%dma_wait3A_1107 : memref<128x32xf32, #tpu.memory_space<vmem>>)
      %dma_wait3A_1116 = arith.constant 1 : i32
      %dma_wait3A_1117 = arith.constant 7 : i32
      %dma_wait3A_1118 = arith.constant 1 : i32
      %dma_wait3A_1119 = arith.constant 7 : i32
      %dma_wait3A_1120 = arith.constant 1 : i32
      %dma_wait3A_1121 = arith.constant 128 : i32
      %dma_wait3A_1122 = arith.constant 0 : i32
      %dma_wait3A_1123 = tpu.memref_slice %arg9[%dma_wait3A_1118, %dma_wait3A_1119, %dma_wait3A_1121, %dma_wait3A_1122] : memref<2x8x200x32xf32, #tpu.memory_space<vmem>> -> memref<1x1x72x32xf32, #tpu.memory_space<vmem>>
      %dma_wait3A_1124 = tpu.memref_squeeze %dma_wait3A_1123 : memref<1x1x72x32xf32, #tpu.memory_space<vmem>> -> memref<72x32xf32, #tpu.memory_space<vmem>>
      %dma_wait3A_1125 = arith.constant 0 : i32
      %dma_wait3A_1126 = tpu.memref_slice %arg8[%dma_wait3A_1116, %dma_wait3A_1117, %dma_wait3A_1125] : memref<2x8x128xi32, #tpu.memory_space<vmem>> -> memref<1x1x72xi32, #tpu.memory_space<vmem>>
      %dma_wait3A_1127 = tpu.memref_squeeze %dma_wait3A_1126 : memref<1x1x72xi32, #tpu.memory_space<vmem>> -> memref<72xi32, #tpu.memory_space<vmem>>
      %dma_wait3A_1128 = arith.constant 0 : i32
      %dma_wait3A_1129 = arith.constant 0 : i32
      %dma_wait3A_1130 = tpu.memref_slice %arg2[%dma_wait3A_1128, %dma_wait3A_1129] : memref<1000000x32xf32, #tpu.memory_space<hbm>> -> memref<1000000x32xf32, #tpu.memory_space<hbm>>
      %dma_wait3A_1131 = tpu.memref_slice %arg11[%dma_wait3A_1120] : memref<2x!tpu.dma_semaphore, #tpu.memory_space<semaphore_mem>> -> memref<1x!tpu.dma_semaphore, #tpu.memory_space<semaphore_mem>>
      %dma_wait3A_1132 = tpu.memref_squeeze %dma_wait3A_1131 : memref<1x!tpu.dma_semaphore, #tpu.memory_space<semaphore_mem>> -> memref<!tpu.dma_semaphore, #tpu.memory_space<semaphore_mem>>
      tpu.wait_indirect_dma semaphore(%dma_wait3A_1132 : memref<!tpu.dma_semaphore, #tpu.memory_space<semaphore_mem>>) src(%dma_wait3A_1130 : memref<1000000x32xf32, #tpu.memory_space<hbm>>) dst(%dma_wait3A_1124 : memref<72x32xf32, #tpu.memory_space<vmem>>)
      %scan3A_1133 = arith.constant 0 : i32
      %scan3A_1134 = arith.constant 0 : i32
      %scan3A_1135 = arith.constant 200 : i32
      %scan3A_1136 = arith.addi %scan3A_1134, %scan3A_1135 : i32
      %scan3A_1137 = arith.constant 1 : i32
      %scan3A_1138 = scf.for %scan3A_1149 = %scan3A_1134 to %scan3A_1136 step %scan3A_1137 iter_args(%scan3A_1150 = %scan3A_1133) -> (i32)  : i32 {
        %get3A = arith.index_cast %scan3A_1149 : i32 to index
        %get3A_1151 = arith.constant 0 : index
        %get3A_1152 = tpu.vector_load %arg10[%get3A, %get3A_1151] {strides = array<i32>} : memref<200x32xf32, #tpu.memory_space<vmem>>, vector<1x16xf32>,
        %get3A_1153 = vector.shape_cast %get3A_1152 : vector<1x16xf32> to vector<16xf32>
        %get3A_1154 = arith.index_cast %scan3A_1149 : i32 to index
        %get3A_1155 = arith.constant 16 : index
        %get3A_1156 = tpu.vector_load %arg10[%get3A_1154, %get3A_1155] {strides = array<i32>} : memref<200x32xf32, #tpu.memory_space<vmem>>, vector<1x16xf32>,
        %get3A_1157 = vector.shape_cast %get3A_1156 : vector<1x16xf32> to vector<16xf32>
        %get3A_1158 = arith.constant 1 : i32
        %get3A_1159 = arith.constant 0 : i32
        %get3A_1160 = arith.index_cast %get3A_1158 : i32 to index
        %get3A_1161 = arith.index_cast %get3A_1159 : i32 to index
        %get3A_1162 = arith.index_cast %scan3A_1149 : i32 to index
        %get3A_1163 = arith.constant 0 : index
        %get3A_1164 = tpu.vector_load %arg9[%get3A_1160, %get3A_1161, %get3A_1162, %get3A_1163] {strides = array<i32>} : memref<2x8x200x32xf32, #tpu.memory_space<vmem>>, vector<1x1x1x16xf32>,
        %get3A_1165 = vector.shape_cast %get3A_1164 : vector<1x1x1x16xf32> to vector<16xf32>
        %add3A_1166 = arith.addf %get3A_1165, %get3A_1153 : vector<16xf32>
        %swap3A = arith.constant 1 : i32
        %swap3A_1167 = arith.constant 0 : i32
        %swap3A_1168 = arith.index_cast %swap3A : i32 to index
        %swap3A_1169 = arith.index_cast %swap3A_1167 : i32 to index
        %swap3A_1170 = arith.index_cast %scan3A_1149 : i32 to index
        %swap3A_1171 = arith.constant 0 : index
        %swap3A_1172 = tpu.vector_load %arg9[%swap3A_1168, %swap3A_1169, %swap3A_1170, %swap3A_1171] {strides = array<i32>} : memref<2x8x200x32xf32, #tpu.memory_space<vmem>>, vector<1x1x1x16xf32>,
        %swap3A_1173 = vector.shape_cast %swap3A_1172 : vector<1x1x1x16xf32> to vector<16xf32>
        %swap3A_1174 = vector.shape_cast %add3A_1166 : vector<16xf32> to vector<1x1x1x16xf32>
        tpu.vector_store %arg9[%swap3A_1168, %swap3A_1169, %swap3A_1170, %swap3A_1171], %swap3A_1174 {strides = array<i32>} : memref<2x8x200x32xf32, #tpu.memory_space<vmem>>, vector<1x1x1x16xf32>,
        %get3A_1175 = arith.constant 1 : i32
        %get3A_1176 = arith.constant 0 : i32
        %get3A_1177 = arith.index_cast %get3A_1175 : i32 to index
        %get3A_1178 = arith.index_cast %get3A_1176 : i32 to index
        %get3A_1179 = arith.index_cast %scan3A_1149 : i32 to index
        %get3A_1180 = arith.constant 16 : index
        %get3A_1181 = tpu.vector_load %arg9[%get3A_1177, %get3A_1178, %get3A_1179, %get3A_1180] {strides = array<i32>} : memref<2x8x200x32xf32, #tpu.memory_space<vmem>>, vector<1x1x1x16xf32>,
        %get3A_1182 = vector.shape_cast %get3A_1181 : vector<1x1x1x16xf32> to vector<16xf32>
        %add3A_1183 = arith.addf %get3A_1182, %get3A_1157 : vector<16xf32>
        %swap3A_1184 = arith.constant 1 : i32
        %swap3A_1185 = arith.constant 0 : i32
        %swap3A_1186 = arith.index_cast %swap3A_1184 : i32 to index
        %swap3A_1187 = arith.index_cast %swap3A_1185 : i32 to index
        %swap3A_1188 = arith.index_cast %scan3A_1149 : i32 to index
        %swap3A_1189 = arith.constant 16 : index
        %swap3A_1190 = tpu.vector_load %arg9[%swap3A_1186, %swap3A_1187, %swap3A_1188, %swap3A_1189] {strides = array<i32>} : memref<2x8x200x32xf32, #tpu.memory_space<vmem>>, vector<1x1x1x16xf32>,
        %swap3A_1191 = vector.shape_cast %swap3A_1190 : vector<1x1x1x16xf32> to vector<16xf32>
        %swap3A_1192 = vector.shape_cast %add3A_1183 : vector<16xf32> to vector<1x1x1x16xf32>
        tpu.vector_store %arg9[%swap3A_1186, %swap3A_1187, %swap3A_1188, %swap3A_1189], %swap3A_1192 {strides = array<i32>} : memref<2x8x200x32xf32, #tpu.memory_space<vmem>>, vector<1x1x1x16xf32>,
        %get3A_1193 = arith.constant 1 : i32
        %get3A_1194 = arith.constant 1 : i32
        %get3A_1195 = arith.index_cast %get3A_1193 : i32 to index
        %get3A_1196 = arith.index_cast %get3A_1194 : i32 to index
        %get3A_1197 = arith.index_cast %scan3A_1149 : i32 to index
        %get3A_1198 = arith.constant 0 : index
        %get3A_1199 = tpu.vector_load %arg9[%get3A_1195, %get3A_1196, %get3A_1197, %get3A_1198] {strides = array<i32>} : memref<2x8x200x32xf32, #tpu.memory_space<vmem>>, vector<1x1x1x16xf32>,
        %get3A_1200 = vector.shape_cast %get3A_1199 : vector<1x1x1x16xf32> to vector<16xf32>
        %add3A_1201 = arith.addf %get3A_1200, %get3A_1153 : vector<16xf32>
        %swap3A_1202 = arith.constant 1 : i32
        %swap3A_1203 = arith.constant 1 : i32
        %swap3A_1204 = arith.index_cast %swap3A_1202 : i32 to index
        %swap3A_1205 = arith.index_cast %swap3A_1203 : i32 to index
        %swap3A_1206 = arith.index_cast %scan3A_1149 : i32 to index
        %swap3A_1207 = arith.constant 0 : index
        %swap3A_1208 = tpu.vector_load %arg9[%swap3A_1204, %swap3A_1205, %swap3A_1206, %swap3A_1207] {strides = array<i32>} : memref<2x8x200x32xf32, #tpu.memory_space<vmem>>, vector<1x1x1x16xf32>,
        %swap3A_1209 = vector.shape_cast %swap3A_1208 : vector<1x1x1x16xf32> to vector<16xf32>
        %swap3A_1210 = vector.shape_cast %add3A_1201 : vector<16xf32> to vector<1x1x1x16xf32>
        tpu.vector_store %arg9[%swap3A_1204, %swap3A_1205, %swap3A_1206, %swap3A_1207], %swap3A_1210 {strides = array<i32>} : memref<2x8x200x32xf32, #tpu.memory_space<vmem>>, vector<1x1x1x16xf32>,
        %get3A_1211 = arith.constant 1 : i32
        %get3A_1212 = arith.constant 1 : i32
        %get3A_1213 = arith.index_cast %get3A_1211 : i32 to index
        %get3A_1214 = arith.index_cast %get3A_1212 : i32 to index
        %get3A_1215 = arith.index_cast %scan3A_1149 : i32 to index
        %get3A_1216 = arith.constant 16 : index
        %get3A_1217 = tpu.vector_load %arg9[%get3A_1213, %get3A_1214, %get3A_1215, %get3A_1216] {strides = array<i32>} : memref<2x8x200x32xf32, #tpu.memory_space<vmem>>, vector<1x1x1x16xf32>,
        %get3A_1218 = vector.shape_cast %get3A_1217 : vector<1x1x1x16xf32> to vector<16xf32>
        %add3A_1219 = arith.addf %get3A_1218, %get3A_1157 : vector<16xf32>
        %swap3A_1220 = arith.constant 1 : i32
        %swap3A_1221 = arith.constant 1 : i32
        %swap3A_1222 = arith.index_cast %swap3A_1220 : i32 to index
        %swap3A_1223 = arith.index_cast %swap3A_1221 : i32 to index
        %swap3A_1224 = arith.index_cast %scan3A_1149 : i32 to index
        %swap3A_1225 = arith.constant 16 : index
        %swap3A_1226 = tpu.vector_load %arg9[%swap3A_1222, %swap3A_1223, %swap3A_1224, %swap3A_1225] {strides = array<i32>} : memref<2x8x200x32xf32, #tpu.memory_space<vmem>>, vector<1x1x1x16xf32>,
        %swap3A_1227 = vector.shape_cast %swap3A_1226 : vector<1x1x1x16xf32> to vector<16xf32>
        %swap3A_1228 = vector.shape_cast %add3A_1219 : vector<16xf32> to vector<1x1x1x16xf32>
        tpu.vector_store %arg9[%swap3A_1222, %swap3A_1223, %swap3A_1224, %swap3A_1225], %swap3A_1228 {strides = array<i32>} : memref<2x8x200x32xf32, #tpu.memory_space<vmem>>, vector<1x1x1x16xf32>,
        %get3A_1229 = arith.constant 1 : i32
        %get3A_1230 = arith.constant 2 : i32
        %get3A_1231 = arith.index_cast %get3A_1229 : i32 to index
        %get3A_1232 = arith.index_cast %get3A_1230 : i32 to index
        %get3A_1233 = arith.index_cast %scan3A_1149 : i32 to index
        %get3A_1234 = arith.constant 0 : index
        %get3A_1235 = tpu.vector_load %arg9[%get3A_1231, %get3A_1232, %get3A_1233, %get3A_1234] {strides = array<i32>} : memref<2x8x200x32xf32, #tpu.memory_space<vmem>>, vector<1x1x1x16xf32>,
        %get3A_1236 = vector.shape_cast %get3A_1235 : vector<1x1x1x16xf32> to vector<16xf32>
        %add3A_1237 = arith.addf %get3A_1236, %get3A_1153 : vector<16xf32>
        %swap3A_1238 = arith.constant 1 : i32
        %swap3A_1239 = arith.constant 2 : i32
        %swap3A_1240 = arith.index_cast %swap3A_1238 : i32 to index
        %swap3A_1241 = arith.index_cast %swap3A_1239 : i32 to index
        %swap3A_1242 = arith.index_cast %scan3A_1149 : i32 to index
        %swap3A_1243 = arith.constant 0 : index
        %swap3A_1244 = tpu.vector_load %arg9[%swap3A_1240, %swap3A_1241, %swap3A_1242, %swap3A_1243] {strides = array<i32>} : memref<2x8x200x32xf32, #tpu.memory_space<vmem>>, vector<1x1x1x16xf32>,
        %swap3A_1245 = vector.shape_cast %swap3A_1244 : vector<1x1x1x16xf32> to vector<16xf32>
        %swap3A_1246 = vector.shape_cast %add3A_1237 : vector<16xf32> to vector<1x1x1x16xf32>
        tpu.vector_store %arg9[%swap3A_1240, %swap3A_1241, %swap3A_1242, %swap3A_1243], %swap3A_1246 {strides = array<i32>} : memref<2x8x200x32xf32, #tpu.memory_space<vmem>>, vector<1x1x1x16xf32>,
        %get3A_1247 = arith.constant 1 : i32
        %get3A_1248 = arith.constant 2 : i32
        %get3A_1249 = arith.index_cast %get3A_1247 : i32 to index
        %get3A_1250 = arith.index_cast %get3A_1248 : i32 to index
        %get3A_1251 = arith.index_cast %scan3A_1149 : i32 to index
        %get3A_1252 = arith.constant 16 : index
        %get3A_1253 = tpu.vector_load %arg9[%get3A_1249, %get3A_1250, %get3A_1251, %get3A_1252] {strides = array<i32>} : memref<2x8x200x32xf32, #tpu.memory_space<vmem>>, vector<1x1x1x16xf32>,
        %get3A_1254 = vector.shape_cast %get3A_1253 : vector<1x1x1x16xf32> to vector<16xf32>
        %add3A_1255 = arith.addf %get3A_1254, %get3A_1157 : vector<16xf32>
        %swap3A_1256 = arith.constant 1 : i32
        %swap3A_1257 = arith.constant 2 : i32
        %swap3A_1258 = arith.index_cast %swap3A_1256 : i32 to index
        %swap3A_1259 = arith.index_cast %swap3A_1257 : i32 to index
        %swap3A_1260 = arith.index_cast %scan3A_1149 : i32 to index
        %swap3A_1261 = arith.constant 16 : index
        %swap3A_1262 = tpu.vector_load %arg9[%swap3A_1258, %swap3A_1259, %swap3A_1260, %swap3A_1261] {strides = array<i32>} : memref<2x8x200x32xf32, #tpu.memory_space<vmem>>, vector<1x1x1x16xf32>,
        %swap3A_1263 = vector.shape_cast %swap3A_1262 : vector<1x1x1x16xf32> to vector<16xf32>
        %swap3A_1264 = vector.shape_cast %add3A_1255 : vector<16xf32> to vector<1x1x1x16xf32>
        tpu.vector_store %arg9[%swap3A_1258, %swap3A_1259, %swap3A_1260, %swap3A_1261], %swap3A_1264 {strides = array<i32>} : memref<2x8x200x32xf32, #tpu.memory_space<vmem>>, vector<1x1x1x16xf32>,
        %get3A_1265 = arith.constant 1 : i32
        %get3A_1266 = arith.constant 3 : i32
        %get3A_1267 = arith.index_cast %get3A_1265 : i32 to index
        %get3A_1268 = arith.index_cast %get3A_1266 : i32 to index
        %get3A_1269 = arith.index_cast %scan3A_1149 : i32 to index
        %get3A_1270 = arith.constant 0 : index
        %get3A_1271 = tpu.vector_load %arg9[%get3A_1267, %get3A_1268, %get3A_1269, %get3A_1270] {strides = array<i32>} : memref<2x8x200x32xf32, #tpu.memory_space<vmem>>, vector<1x1x1x16xf32>,
        %get3A_1272 = vector.shape_cast %get3A_1271 : vector<1x1x1x16xf32> to vector<16xf32>
        %add3A_1273 = arith.addf %get3A_1272, %get3A_1153 : vector<16xf32>
        %swap3A_1274 = arith.constant 1 : i32
        %swap3A_1275 = arith.constant 3 : i32
        %swap3A_1276 = arith.index_cast %swap3A_1274 : i32 to index
        %swap3A_1277 = arith.index_cast %swap3A_1275 : i32 to index
        %swap3A_1278 = arith.index_cast %scan3A_1149 : i32 to index
        %swap3A_1279 = arith.constant 0 : index
        %swap3A_1280 = tpu.vector_load %arg9[%swap3A_1276, %swap3A_1277, %swap3A_1278, %swap3A_1279] {strides = array<i32>} : memref<2x8x200x32xf32, #tpu.memory_space<vmem>>, vector<1x1x1x16xf32>,
        %swap3A_1281 = vector.shape_cast %swap3A_1280 : vector<1x1x1x16xf32> to vector<16xf32>
        %swap3A_1282 = vector.shape_cast %add3A_1273 : vector<16xf32> to vector<1x1x1x16xf32>
        tpu.vector_store %arg9[%swap3A_1276, %swap3A_1277, %swap3A_1278, %swap3A_1279], %swap3A_1282 {strides = array<i32>} : memref<2x8x200x32xf32, #tpu.memory_space<vmem>>, vector<1x1x1x16xf32>,
        %get3A_1283 = arith.constant 1 : i32
        %get3A_1284 = arith.constant 3 : i32
        %get3A_1285 = arith.index_cast %get3A_1283 : i32 to index
        %get3A_1286 = arith.index_cast %get3A_1284 : i32 to index
        %get3A_1287 = arith.index_cast %scan3A_1149 : i32 to index
        %get3A_1288 = arith.constant 16 : index
        %get3A_1289 = tpu.vector_load %arg9[%get3A_1285, %get3A_1286, %get3A_1287, %get3A_1288] {strides = array<i32>} : memref<2x8x200x32xf32, #tpu.memory_space<vmem>>, vector<1x1x1x16xf32>,
        %get3A_1290 = vector.shape_cast %get3A_1289 : vector<1x1x1x16xf32> to vector<16xf32>
        %add3A_1291 = arith.addf %get3A_1290, %get3A_1157 : vector<16xf32>
        %swap3A_1292 = arith.constant 1 : i32
        %swap3A_1293 = arith.constant 3 : i32
        %swap3A_1294 = arith.index_cast %swap3A_1292 : i32 to index
        %swap3A_1295 = arith.index_cast %swap3A_1293 : i32 to index
        %swap3A_1296 = arith.index_cast %scan3A_1149 : i32 to index
        %swap3A_1297 = arith.constant 16 : index
        %swap3A_1298 = tpu.vector_load %arg9[%swap3A_1294, %swap3A_1295, %swap3A_1296, %swap3A_1297] {strides = array<i32>} : memref<2x8x200x32xf32, #tpu.memory_space<vmem>>, vector<1x1x1x16xf32>,
        %swap3A_1299 = vector.shape_cast %swap3A_1298 : vector<1x1x1x16xf32> to vector<16xf32>
        %swap3A_1300 = vector.shape_cast %add3A_1291 : vector<16xf32> to vector<1x1x1x16xf32>
        tpu.vector_store %arg9[%swap3A_1294, %swap3A_1295, %swap3A_1296, %swap3A_1297], %swap3A_1300 {strides = array<i32>} : memref<2x8x200x32xf32, #tpu.memory_space<vmem>>, vector<1x1x1x16xf32>,
        %get3A_1301 = arith.constant 1 : i32
        %get3A_1302 = arith.constant 4 : i32
        %get3A_1303 = arith.index_cast %get3A_1301 : i32 to index
        %get3A_1304 = arith.index_cast %get3A_1302 : i32 to index
        %get3A_1305 = arith.index_cast %scan3A_1149 : i32 to index
        %get3A_1306 = arith.constant 0 : index
        %get3A_1307 = tpu.vector_load %arg9[%get3A_1303, %get3A_1304, %get3A_1305, %get3A_1306] {strides = array<i32>} : memref<2x8x200x32xf32, #tpu.memory_space<vmem>>, vector<1x1x1x16xf32>,
        %get3A_1308 = vector.shape_cast %get3A_1307 : vector<1x1x1x16xf32> to vector<16xf32>
        %add3A_1309 = arith.addf %get3A_1308, %get3A_1153 : vector<16xf32>
        %swap3A_1310 = arith.constant 1 : i32
        %swap3A_1311 = arith.constant 4 : i32
        %swap3A_1312 = arith.index_cast %swap3A_1310 : i32 to index
        %swap3A_1313 = arith.index_cast %swap3A_1311 : i32 to index
        %swap3A_1314 = arith.index_cast %scan3A_1149 : i32 to index
        %swap3A_1315 = arith.constant 0 : index
        %swap3A_1316 = tpu.vector_load %arg9[%swap3A_1312, %swap3A_1313, %swap3A_1314, %swap3A_1315] {strides = array<i32>} : memref<2x8x200x32xf32, #tpu.memory_space<vmem>>, vector<1x1x1x16xf32>,
        %swap3A_1317 = vector.shape_cast %swap3A_1316 : vector<1x1x1x16xf32> to vector<16xf32>
        %swap3A_1318 = vector.shape_cast %add3A_1309 : vector<16xf32> to vector<1x1x1x16xf32>
        tpu.vector_store %arg9[%swap3A_1312, %swap3A_1313, %swap3A_1314, %swap3A_1315], %swap3A_1318 {strides = array<i32>} : memref<2x8x200x32xf32, #tpu.memory_space<vmem>>, vector<1x1x1x16xf32>,
        %get3A_1319 = arith.constant 1 : i32
        %get3A_1320 = arith.constant 4 : i32
        %get3A_1321 = arith.index_cast %get3A_1319 : i32 to index
        %get3A_1322 = arith.index_cast %get3A_1320 : i32 to index
        %get3A_1323 = arith.index_cast %scan3A_1149 : i32 to index
        %get3A_1324 = arith.constant 16 : index
        %get3A_1325 = tpu.vector_load %arg9[%get3A_1321, %get3A_1322, %get3A_1323, %get3A_1324] {strides = array<i32>} : memref<2x8x200x32xf32, #tpu.memory_space<vmem>>, vector<1x1x1x16xf32>,
        %get3A_1326 = vector.shape_cast %get3A_1325 : vector<1x1x1x16xf32> to vector<16xf32>
        %add3A_1327 = arith.addf %get3A_1326, %get3A_1157 : vector<16xf32>
        %swap3A_1328 = arith.constant 1 : i32
        %swap3A_1329 = arith.constant 4 : i32
        %swap3A_1330 = arith.index_cast %swap3A_1328 : i32 to index
        %swap3A_1331 = arith.index_cast %swap3A_1329 : i32 to index
        %swap3A_1332 = arith.index_cast %scan3A_1149 : i32 to index
        %swap3A_1333 = arith.constant 16 : index
        %swap3A_1334 = tpu.vector_load %arg9[%swap3A_1330, %swap3A_1331, %swap3A_1332, %swap3A_1333] {strides = array<i32>} : memref<2x8x200x32xf32, #tpu.memory_space<vmem>>, vector<1x1x1x16xf32>,
        %swap3A_1335 = vector.shape_cast %swap3A_1334 : vector<1x1x1x16xf32> to vector<16xf32>
        %swap3A_1336 = vector.shape_cast %add3A_1327 : vector<16xf32> to vector<1x1x1x16xf32>
        tpu.vector_store %arg9[%swap3A_1330, %swap3A_1331, %swap3A_1332, %swap3A_1333], %swap3A_1336 {strides = array<i32>} : memref<2x8x200x32xf32, #tpu.memory_space<vmem>>, vector<1x1x1x16xf32>,
        %get3A_1337 = arith.constant 1 : i32
        %get3A_1338 = arith.constant 5 : i32
        %get3A_1339 = arith.index_cast %get3A_1337 : i32 to index
        %get3A_1340 = arith.index_cast %get3A_1338 : i32 to index
        %get3A_1341 = arith.index_cast %scan3A_1149 : i32 to index
        %get3A_1342 = arith.constant 0 : index
        %get3A_1343 = tpu.vector_load %arg9[%get3A_1339, %get3A_1340, %get3A_1341, %get3A_1342] {strides = array<i32>} : memref<2x8x200x32xf32, #tpu.memory_space<vmem>>, vector<1x1x1x16xf32>,
        %get3A_1344 = vector.shape_cast %get3A_1343 : vector<1x1x1x16xf32> to vector<16xf32>
        %add3A_1345 = arith.addf %get3A_1344, %get3A_1153 : vector<16xf32>
        %swap3A_1346 = arith.constant 1 : i32
        %swap3A_1347 = arith.constant 5 : i32
        %swap3A_1348 = arith.index_cast %swap3A_1346 : i32 to index
        %swap3A_1349 = arith.index_cast %swap3A_1347 : i32 to index
        %swap3A_1350 = arith.index_cast %scan3A_1149 : i32 to index
        %swap3A_1351 = arith.constant 0 : index
        %swap3A_1352 = tpu.vector_load %arg9[%swap3A_1348, %swap3A_1349, %swap3A_1350, %swap3A_1351] {strides = array<i32>} : memref<2x8x200x32xf32, #tpu.memory_space<vmem>>, vector<1x1x1x16xf32>,
        %swap3A_1353 = vector.shape_cast %swap3A_1352 : vector<1x1x1x16xf32> to vector<16xf32>
        %swap3A_1354 = vector.shape_cast %add3A_1345 : vector<16xf32> to vector<1x1x1x16xf32>
        tpu.vector_store %arg9[%swap3A_1348, %swap3A_1349, %swap3A_1350, %swap3A_1351], %swap3A_1354 {strides = array<i32>} : memref<2x8x200x32xf32, #tpu.memory_space<vmem>>, vector<1x1x1x16xf32>,
        %get3A_1355 = arith.constant 1 : i32
        %get3A_1356 = arith.constant 5 : i32
        %get3A_1357 = arith.index_cast %get3A_1355 : i32 to index
        %get3A_1358 = arith.index_cast %get3A_1356 : i32 to index
        %get3A_1359 = arith.index_cast %scan3A_1149 : i32 to index
        %get3A_1360 = arith.constant 16 : index
        %get3A_1361 = tpu.vector_load %arg9[%get3A_1357, %get3A_1358, %get3A_1359, %get3A_1360] {strides = array<i32>} : memref<2x8x200x32xf32, #tpu.memory_space<vmem>>, vector<1x1x1x16xf32>,
        %get3A_1362 = vector.shape_cast %get3A_1361 : vector<1x1x1x16xf32> to vector<16xf32>
        %add3A_1363 = arith.addf %get3A_1362, %get3A_1157 : vector<16xf32>
        %swap3A_1364 = arith.constant 1 : i32
        %swap3A_1365 = arith.constant 5 : i32
        %swap3A_1366 = arith.index_cast %swap3A_1364 : i32 to index
        %swap3A_1367 = arith.index_cast %swap3A_1365 : i32 to index
        %swap3A_1368 = arith.index_cast %scan3A_1149 : i32 to index
        %swap3A_1369 = arith.constant 16 : index
        %swap3A_1370 = tpu.vector_load %arg9[%swap3A_1366, %swap3A_1367, %swap3A_1368, %swap3A_1369] {strides = array<i32>} : memref<2x8x200x32xf32, #tpu.memory_space<vmem>>, vector<1x1x1x16xf32>,
        %swap3A_1371 = vector.shape_cast %swap3A_1370 : vector<1x1x1x16xf32> to vector<16xf32>
        %swap3A_1372 = vector.shape_cast %add3A_1363 : vector<16xf32> to vector<1x1x1x16xf32>
        tpu.vector_store %arg9[%swap3A_1366, %swap3A_1367, %swap3A_1368, %swap3A_1369], %swap3A_1372 {strides = array<i32>} : memref<2x8x200x32xf32, #tpu.memory_space<vmem>>, vector<1x1x1x16xf32>,
        %get3A_1373 = arith.constant 1 : i32
        %get3A_1374 = arith.constant 6 : i32
        %get3A_1375 = arith.index_cast %get3A_1373 : i32 to index
        %get3A_1376 = arith.index_cast %get3A_1374 : i32 to index
        %get3A_1377 = arith.index_cast %scan3A_1149 : i32 to index
        %get3A_1378 = arith.constant 0 : index
        %get3A_1379 = tpu.vector_load %arg9[%get3A_1375, %get3A_1376, %get3A_1377, %get3A_1378] {strides = array<i32>} : memref<2x8x200x32xf32, #tpu.memory_space<vmem>>, vector<1x1x1x16xf32>,
        %get3A_1380 = vector.shape_cast %get3A_1379 : vector<1x1x1x16xf32> to vector<16xf32>
        %add3A_1381 = arith.addf %get3A_1380, %get3A_1153 : vector<16xf32>
        %swap3A_1382 = arith.constant 1 : i32
        %swap3A_1383 = arith.constant 6 : i32
        %swap3A_1384 = arith.index_cast %swap3A_1382 : i32 to index
        %swap3A_1385 = arith.index_cast %swap3A_1383 : i32 to index
        %swap3A_1386 = arith.index_cast %scan3A_1149 : i32 to index
        %swap3A_1387 = arith.constant 0 : index
        %swap3A_1388 = tpu.vector_load %arg9[%swap3A_1384, %swap3A_1385, %swap3A_1386, %swap3A_1387] {strides = array<i32>} : memref<2x8x200x32xf32, #tpu.memory_space<vmem>>, vector<1x1x1x16xf32>,
        %swap3A_1389 = vector.shape_cast %swap3A_1388 : vector<1x1x1x16xf32> to vector<16xf32>
        %swap3A_1390 = vector.shape_cast %add3A_1381 : vector<16xf32> to vector<1x1x1x16xf32>
        tpu.vector_store %arg9[%swap3A_1384, %swap3A_1385, %swap3A_1386, %swap3A_1387], %swap3A_1390 {strides = array<i32>} : memref<2x8x200x32xf32, #tpu.memory_space<vmem>>, vector<1x1x1x16xf32>,
        %get3A_1391 = arith.constant 1 : i32
        %get3A_1392 = arith.constant 6 : i32
        %get3A_1393 = arith.index_cast %get3A_1391 : i32 to index
        %get3A_1394 = arith.index_cast %get3A_1392 : i32 to index
        %get3A_1395 = arith.index_cast %scan3A_1149 : i32 to index
        %get3A_1396 = arith.constant 16 : index
        %get3A_1397 = tpu.vector_load %arg9[%get3A_1393, %get3A_1394, %get3A_1395, %get3A_1396] {strides = array<i32>} : memref<2x8x200x32xf32, #tpu.memory_space<vmem>>, vector<1x1x1x16xf32>,
        %get3A_1398 = vector.shape_cast %get3A_1397 : vector<1x1x1x16xf32> to vector<16xf32>
        %add3A_1399 = arith.addf %get3A_1398, %get3A_1157 : vector<16xf32>
        %swap3A_1400 = arith.constant 1 : i32
        %swap3A_1401 = arith.constant 6 : i32
        %swap3A_1402 = arith.index_cast %swap3A_1400 : i32 to index
        %swap3A_1403 = arith.index_cast %swap3A_1401 : i32 to index
        %swap3A_1404 = arith.index_cast %scan3A_1149 : i32 to index
        %swap3A_1405 = arith.constant 16 : index
        %swap3A_1406 = tpu.vector_load %arg9[%swap3A_1402, %swap3A_1403, %swap3A_1404, %swap3A_1405] {strides = array<i32>} : memref<2x8x200x32xf32, #tpu.memory_space<vmem>>, vector<1x1x1x16xf32>,
        %swap3A_1407 = vector.shape_cast %swap3A_1406 : vector<1x1x1x16xf32> to vector<16xf32>
        %swap3A_1408 = vector.shape_cast %add3A_1399 : vector<16xf32> to vector<1x1x1x16xf32>
        tpu.vector_store %arg9[%swap3A_1402, %swap3A_1403, %swap3A_1404, %swap3A_1405], %swap3A_1408 {strides = array<i32>} : memref<2x8x200x32xf32, #tpu.memory_space<vmem>>, vector<1x1x1x16xf32>,
        %get3A_1409 = arith.constant 1 : i32
        %get3A_1410 = arith.constant 7 : i32
        %get3A_1411 = arith.index_cast %get3A_1409 : i32 to index
        %get3A_1412 = arith.index_cast %get3A_1410 : i32 to index
        %get3A_1413 = arith.index_cast %scan3A_1149 : i32 to index
        %get3A_1414 = arith.constant 0 : index
        %get3A_1415 = tpu.vector_load %arg9[%get3A_1411, %get3A_1412, %get3A_1413, %get3A_1414] {strides = array<i32>} : memref<2x8x200x32xf32, #tpu.memory_space<vmem>>, vector<1x1x1x16xf32>,
        %get3A_1416 = vector.shape_cast %get3A_1415 : vector<1x1x1x16xf32> to vector<16xf32>
        %add3A_1417 = arith.addf %get3A_1416, %get3A_1153 : vector<16xf32>
        %swap3A_1418 = arith.constant 1 : i32
        %swap3A_1419 = arith.constant 7 : i32
        %swap3A_1420 = arith.index_cast %swap3A_1418 : i32 to index
        %swap3A_1421 = arith.index_cast %swap3A_1419 : i32 to index
        %swap3A_1422 = arith.index_cast %scan3A_1149 : i32 to index
        %swap3A_1423 = arith.constant 0 : index
        %swap3A_1424 = tpu.vector_load %arg9[%swap3A_1420, %swap3A_1421, %swap3A_1422, %swap3A_1423] {strides = array<i32>} : memref<2x8x200x32xf32, #tpu.memory_space<vmem>>, vector<1x1x1x16xf32>,
        %swap3A_1425 = vector.shape_cast %swap3A_1424 : vector<1x1x1x16xf32> to vector<16xf32>
        %swap3A_1426 = vector.shape_cast %add3A_1417 : vector<16xf32> to vector<1x1x1x16xf32>
        tpu.vector_store %arg9[%swap3A_1420, %swap3A_1421, %swap3A_1422, %swap3A_1423], %swap3A_1426 {strides = array<i32>} : memref<2x8x200x32xf32, #tpu.memory_space<vmem>>, vector<1x1x1x16xf32>,
        %get3A_1427 = arith.constant 1 : i32
        %get3A_1428 = arith.constant 7 : i32
        %get3A_1429 = arith.index_cast %get3A_1427 : i32 to index
        %get3A_1430 = arith.index_cast %get3A_1428 : i32 to index
        %get3A_1431 = arith.index_cast %scan3A_1149 : i32 to index
        %get3A_1432 = arith.constant 16 : index
        %get3A_1433 = tpu.vector_load %arg9[%get3A_1429, %get3A_1430, %get3A_1431, %get3A_1432] {strides = array<i32>} : memref<2x8x200x32xf32, #tpu.memory_space<vmem>>, vector<1x1x1x16xf32>,
        %get3A_1434 = vector.shape_cast %get3A_1433 : vector<1x1x1x16xf32> to vector<16xf32>
        %add3A_1435 = arith.addf %get3A_1434, %get3A_1157 : vector<16xf32>
        %swap3A_1436 = arith.constant 1 : i32
        %swap3A_1437 = arith.constant 7 : i32
        %swap3A_1438 = arith.index_cast %swap3A_1436 : i32 to index
        %swap3A_1439 = arith.index_cast %swap3A_1437 : i32 to index
        %swap3A_1440 = arith.index_cast %scan3A_1149 : i32 to index
        %swap3A_1441 = arith.constant 16 : index
        %swap3A_1442 = tpu.vector_load %arg9[%swap3A_1438, %swap3A_1439, %swap3A_1440, %swap3A_1441] {strides = array<i32>} : memref<2x8x200x32xf32, #tpu.memory_space<vmem>>, vector<1x1x1x16xf32>,
        %swap3A_1443 = vector.shape_cast %swap3A_1442 : vector<1x1x1x16xf32> to vector<16xf32>
        %swap3A_1444 = vector.shape_cast %add3A_1435 : vector<16xf32> to vector<1x1x1x16xf32>
        tpu.vector_store %arg9[%swap3A_1438, %swap3A_1439, %swap3A_1440, %swap3A_1441], %swap3A_1444 {strides = array<i32>} : memref<2x8x200x32xf32, #tpu.memory_space<vmem>>, vector<1x1x1x16xf32>,
        %scan3A_1445 = arith.constant 0 : i32
        scf.yield %scan3A_1445 : i32
      }
      %scan3A_1139 = arith.constant 200 : i32
      %run_scoped3A_1140 = arith.constant 1 : i32
      "tpu.region"() ({
        %run_scoped3A_1149 = tpu.sem_alloc : memref<!tpu.dma_semaphore, #tpu.memory_space<semaphore_mem>>
        %dma_start3A_1150 = arith.constant 0 : i32
        %dma_start3A_1151 = arith.constant 0 : i32
        %dma_start3A_1152 = arith.constant 0 : i32
        %dma_start3A_1153 = tpu.memref_slice %arg9[%run_scoped3A_1140, %dma_start3A_1150, %dma_start3A_1151, %dma_start3A_1152] : memref<2x8x200x32xf32, #tpu.memory_space<vmem>> -> memref<1x8x200x32xf32, #tpu.memory_space<vmem>>
        %dma_start3A_1154 = tpu.memref_squeeze %dma_start3A_1153 : memref<1x8x200x32xf32, #tpu.memory_space<vmem>> -> memref<8x200x32xf32, #tpu.memory_space<vmem>>
        %dma_start3A_1155 = arith.constant 0 : i32
        %dma_start3A_1156 = arith.constant 0 : i32
        %dma_start3A_1157 = tpu.memref_slice %arg6[%multiple_of3A_860, %dma_start3A_1155, %dma_start3A_1156] : memref<4096x200x128xf32, #tpu.memory_space<hbm>> -> memref<8x200x32xf32, #tpu.memory_space<hbm>>
        %dma_start3A_1158 = arith.constant 0 : i32
        %dma_start3A_1159 = arith.constant 0 : i32
        %dma_start3A_1160 = tpu.memref_slice %arg6[%multiple_of3A_860, %dma_start3A_1158, %dma_start3A_1159] : memref<4096x200x128xf32, #tpu.memory_space<hbm>> -> memref<8x200x32xf32, #tpu.memory_space<hbm>>
        %dma_start3A_1161 = arith.constant 0 : i32
        %dma_start3A_1162 = arith.constant 0 : i32
        %dma_start3A_1163 = arith.constant 0 : i32
        %dma_start3A_1164 = tpu.memref_slice %arg9[%run_scoped3A_1140, %dma_start3A_1161, %dma_start3A_1162, %dma_start3A_1163] : memref<2x8x200x32xf32, #tpu.memory_space<vmem>> -> memref<1x8x200x32xf32, #tpu.memory_space<vmem>>
        %dma_start3A_1165 = tpu.memref_squeeze %dma_start3A_1164 : memref<1x8x200x32xf32, #tpu.memory_space<vmem>> -> memref<8x200x32xf32, #tpu.memory_space<vmem>>
        tpu.enqueue_dma source(%dma_start3A_1165 : memref<8x200x32xf32, #tpu.memory_space<vmem>>) target(%dma_start3A_1160 : memref<8x200x32xf32, #tpu.memory_space<hbm>>) target_semaphore(%run_scoped3A_1149 : memref<!tpu.dma_semaphore, #tpu.memory_space<semaphore_mem>>)
        %dma_wait3A_1166 = arith.constant 0 : i32
        %dma_wait3A_1167 = arith.constant 0 : i32
        %dma_wait3A_1168 = arith.constant 0 : i32
        %dma_wait3A_1169 = tpu.memref_slice %arg9[%run_scoped3A_1140, %dma_wait3A_1166, %dma_wait3A_1167, %dma_wait3A_1168] : memref<2x8x200x32xf32, #tpu.memory_space<vmem>> -> memref<1x8x200x32xf32, #tpu.memory_space<vmem>>
        %dma_wait3A_1170 = tpu.memref_squeeze %dma_wait3A_1169 : memref<1x8x200x32xf32, #tpu.memory_space<vmem>> -> memref<8x200x32xf32, #tpu.memory_space<vmem>>
        %dma_wait3A_1171 = arith.constant 0 : i32
        %dma_wait3A_1172 = arith.constant 0 : i32
        %dma_wait3A_1173 = tpu.memref_slice %arg6[%multiple_of3A_860, %dma_wait3A_1171, %dma_wait3A_1172] : memref<4096x200x128xf32, #tpu.memory_space<hbm>> -> memref<8x200x32xf32, #tpu.memory_space<hbm>>
        %dma_wait3A_1174 = arith.constant 0 : i32
        %dma_wait3A_1175 = arith.constant 0 : i32
        %dma_wait3A_1176 = tpu.memref_slice %arg6[%multiple_of3A_860, %dma_wait3A_1174, %dma_wait3A_1175] : memref<4096x200x128xf32, #tpu.memory_space<hbm>> -> memref<8x200x32xf32, #tpu.memory_space<hbm>>
        %dma_wait3A_1177 = arith.constant 0 : i32
        %dma_wait3A_1178 = arith.constant 0 : i32
        %dma_wait3A_1179 = arith.constant 0 : i32
        %dma_wait3A_1180 = tpu.memref_slice %arg9[%run_scoped3A_1140, %dma_wait3A_1177, %dma_wait3A_1178, %dma_wait3A_1179] : memref<2x8x200x32xf32, #tpu.memory_space<vmem>> -> memref<1x8x200x32xf32, #tpu.memory_space<vmem>>
        %dma_wait3A_1181 = tpu.memref_squeeze %dma_wait3A_1180 : memref<1x8x200x32xf32, #tpu.memory_space<vmem>> -> memref<8x200x32xf32, #tpu.memory_space<vmem>>
        tpu.wait_dma2 semaphore(%run_scoped3A_1149 : memref<!tpu.dma_semaphore, #tpu.memory_space<semaphore_mem>>) src(%dma_wait3A_1181 : memref<8x200x32xf32, #tpu.memory_space<vmem>>) dst(%dma_wait3A_1176 : memref<8x200x32xf32, #tpu.memory_space<hbm>>)
        tpu.yield
      }) : () -> ()
      %add3A_1141 = arith.constant 2 : i32
      %add3A_1142 = arith.addi %add3A_856, %add3A_1141 : i32
      %lt3A_1143 = arith.constant 16 : i32
      %lt3A_1144 = arith.cmpi slt, %add3A_1142, %lt3A_1143 : i32
      %convert_element_type3A_1145 = arith.extui %lt3A_1144 : i1 to i32
      %cond3A_1146 = arith.constant 0 : i32
      %cond3A_1147 = arith.cmpi ne, %convert_element_type3A_1145, %cond3A_1146 : i32
      scf.if %cond3A_1147 {
        %add3A_1149 = arith.constant 2 : i32
        %add3A_1150 = arith.addi %add3A_856, %add3A_1149 : i32
        %mul3A_1151 = arith.constant 8 : i32
        %mul3A_1152 = arith.muli %add3A_1150, %mul3A_1151 : i32
        %add3A_1153 = arith.addi %mul3A_2, %mul3A_1152 : i32
        %multiple_of3A_1154 = tpu.assume_multiple %add3A_1153, 8 : i32
        %run_scoped3A_1155 = arith.constant 1 : i32
        "tpu.region"() ({
          %run_scoped3A_1429 = tpu.sem_alloc : memref<!tpu.dma_semaphore, #tpu.memory_space<semaphore_mem>>
          %dma_start3A_1430 = arith.constant 0 : i32
          %dma_start3A_1431 = arith.constant 0 : i32
          %dma_start3A_1432 = tpu.memref_slice %arg7[%run_scoped3A_1155, %dma_start3A_1430, %dma_start3A_1431] : memref<2x8x128xi32, #tpu.memory_space<vmem>> -> memref<1x8x128xi32, #tpu.memory_space<vmem>>
          %dma_start3A_1433 = tpu.memref_squeeze %dma_start3A_1432 : memref<1x8x128xi32, #tpu.memory_space<vmem>> -> memref<8x128xi32, #tpu.memory_space<vmem>>
          %dma_start3A_1434 = arith.constant 0 : i32
          %dma_start3A_1435 = tpu.memref_slice %arg3[%multiple_of3A_1154, %dma_start3A_1434] : memref<4096x128xi32, #tpu.memory_space<hbm>> -> memref<8x128xi32, #tpu.memory_space<hbm>>
          %dma_start3A_1436 = arith.constant 0 : i32
          %dma_start3A_1437 = arith.constant 0 : i32
          %dma_start3A_1438 = tpu.memref_slice %arg7[%run_scoped3A_1155, %dma_start3A_1436, %dma_start3A_1437] : memref<2x8x128xi32, #tpu.memory_space<vmem>> -> memref<1x8x128xi32, #tpu.memory_space<vmem>>
          %dma_start3A_1439 = tpu.memref_squeeze %dma_start3A_1438 : memref<1x8x128xi32, #tpu.memory_space<vmem>> -> memref<8x128xi32, #tpu.memory_space<vmem>>
          %dma_start3A_1440 = arith.constant 0 : i32
          %dma_start3A_1441 = tpu.memref_slice %arg3[%multiple_of3A_1154, %dma_start3A_1440] : memref<4096x128xi32, #tpu.memory_space<hbm>> -> memref<8x128xi32, #tpu.memory_space<hbm>>
          tpu.enqueue_dma source(%dma_start3A_1441 : memref<8x128xi32, #tpu.memory_space<hbm>>) target(%dma_start3A_1439 : memref<8x128xi32, #tpu.memory_space<vmem>>) target_semaphore(%run_scoped3A_1429 : memref<!tpu.dma_semaphore, #tpu.memory_space<semaphore_mem>>)
          %dma_wait3A_1442 = arith.constant 0 : i32
          %dma_wait3A_1443 = arith.constant 0 : i32
          %dma_wait3A_1444 = tpu.memref_slice %arg7[%run_scoped3A_1155, %dma_wait3A_1442, %dma_wait3A_1443] : memref<2x8x128xi32, #tpu.memory_space<vmem>> -> memref<1x8x128xi32, #tpu.memory_space<vmem>>
          %dma_wait3A_1445 = tpu.memref_squeeze %dma_wait3A_1444 : memref<1x8x128xi32, #tpu.memory_space<vmem>> -> memref<8x128xi32, #tpu.memory_space<vmem>>
          %dma_wait3A_1446 = arith.constant 0 : i32
          %dma_wait3A_1447 = tpu.memref_slice %arg3[%multiple_of3A_1154, %dma_wait3A_1446] : memref<4096x128xi32, #tpu.memory_space<hbm>> -> memref<8x128xi32, #tpu.memory_space<hbm>>
          %dma_wait3A_1448 = arith.constant 0 : i32
          %dma_wait3A_1449 = arith.constant 0 : i32
          %dma_wait3A_1450 = tpu.memref_slice %arg7[%run_scoped3A_1155, %dma_wait3A_1448, %dma_wait3A_1449] : memref<2x8x128xi32, #tpu.memory_space<vmem>> -> memref<1x8x128xi32, #tpu.memory_space<vmem>>
          %dma_wait3A_1451 = tpu.memref_squeeze %dma_wait3A_1450 : memref<1x8x128xi32, #tpu.memory_space<vmem>> -> memref<8x128xi32, #tpu.memory_space<vmem>>
          %dma_wait3A_1452 = arith.constant 0 : i32
          %dma_wait3A_1453 = tpu.memref_slice %arg3[%multiple_of3A_1154, %dma_wait3A_1452] : memref<4096x128xi32, #tpu.memory_space<hbm>> -> memref<8x128xi32, #tpu.memory_space<hbm>>
          tpu.wait_dma2 semaphore(%run_scoped3A_1429 : memref<!tpu.dma_semaphore, #tpu.memory_space<semaphore_mem>>) src(%dma_wait3A_1453 : memref<8x128xi32, #tpu.memory_space<hbm>>) dst(%dma_wait3A_1451 : memref<8x128xi32, #tpu.memory_space<vmem>>)
          tpu.yield
        }) : () -> ()
        %run_scoped3A_1156 = arith.constant 1 : i32
        "tpu.region"() ({
          %run_scoped3A_1429 = tpu.sem_alloc : memref<!tpu.dma_semaphore, #tpu.memory_space<semaphore_mem>>
          %dma_start3A_1430 = arith.constant 0 : i32
          %dma_start3A_1431 = arith.constant 0 : i32
          %dma_start3A_1432 = tpu.memref_slice %arg8[%run_scoped3A_1156, %dma_start3A_1430, %dma_start3A_1431] : memref<2x8x128xi32, #tpu.memory_space<vmem>> -> memref<1x8x128xi32, #tpu.memory_space<vmem>>
          %dma_start3A_1433 = tpu.memref_squeeze %dma_start3A_1432 : memref<1x8x128xi32, #tpu.memory_space<vmem>> -> memref<8x128xi32, #tpu.memory_space<vmem>>
          %dma_start3A_1434 = arith.constant 0 : i32
          %dma_start3A_1435 = tpu.memref_slice %arg4[%multiple_of3A_1154, %dma_start3A_1434] : memref<4096x128xi32, #tpu.memory_space<hbm>> -> memref<8x128xi32, #tpu.memory_space<hbm>>
          %dma_start3A_1436 = arith.constant 0 : i32
          %dma_start3A_1437 = arith.constant 0 : i32
          %dma_start3A_1438 = tpu.memref_slice %arg8[%run_scoped3A_1156, %dma_start3A_1436, %dma_start3A_1437] : memref<2x8x128xi32, #tpu.memory_space<vmem>> -> memref<1x8x128xi32, #tpu.memory_space<vmem>>
          %dma_start3A_1439 = tpu.memref_squeeze %dma_start3A_1438 : memref<1x8x128xi32, #tpu.memory_space<vmem>> -> memref<8x128xi32, #tpu.memory_space<vmem>>
          %dma_start3A_1440 = arith.constant 0 : i32
          %dma_start3A_1441 = tpu.memref_slice %arg4[%multiple_of3A_1154, %dma_start3A_1440] : memref<4096x128xi32, #tpu.memory_space<hbm>> -> memref<8x128xi32, #tpu.memory_space<hbm>>
          tpu.enqueue_dma source(%dma_start3A_1441 : memref<8x128xi32, #tpu.memory_space<hbm>>) target(%dma_start3A_1439 : memref<8x128xi32, #tpu.memory_space<vmem>>) target_semaphore(%run_scoped3A_1429 : memref<!tpu.dma_semaphore, #tpu.memory_space<semaphore_mem>>)
          %dma_wait3A_1442 = arith.constant 0 : i32
          %dma_wait3A_1443 = arith.constant 0 : i32
          %dma_wait3A_1444 = tpu.memref_slice %arg8[%run_scoped3A_1156, %dma_wait3A_1442, %dma_wait3A_1443] : memref<2x8x128xi32, #tpu.memory_space<vmem>> -> memref<1x8x128xi32, #tpu.memory_space<vmem>>
          %dma_wait3A_1445 = tpu.memref_squeeze %dma_wait3A_1444 : memref<1x8x128xi32, #tpu.memory_space<vmem>> -> memref<8x128xi32, #tpu.memory_space<vmem>>
          %dma_wait3A_1446 = arith.constant 0 : i32
          %dma_wait3A_1447 = tpu.memref_slice %arg4[%multiple_of3A_1154, %dma_wait3A_1446] : memref<4096x128xi32, #tpu.memory_space<hbm>> -> memref<8x128xi32, #tpu.memory_space<hbm>>
          %dma_wait3A_1448 = arith.constant 0 : i32
          %dma_wait3A_1449 = arith.constant 0 : i32
          %dma_wait3A_1450 = tpu.memref_slice %arg8[%run_scoped3A_1156, %dma_wait3A_1448, %dma_wait3A_1449] : memref<2x8x128xi32, #tpu.memory_space<vmem>> -> memref<1x8x128xi32, #tpu.memory_space<vmem>>
          %dma_wait3A_1451 = tpu.memref_squeeze %dma_wait3A_1450 : memref<1x8x128xi32, #tpu.memory_space<vmem>> -> memref<8x128xi32, #tpu.memory_space<vmem>>
          %dma_wait3A_1452 = arith.constant 0 : i32
          %dma_wait3A_1453 = tpu.memref_slice %arg4[%multiple_of3A_1154, %dma_wait3A_1452] : memref<4096x128xi32, #tpu.memory_space<hbm>> -> memref<8x128xi32, #tpu.memory_space<hbm>>
          tpu.wait_dma2 semaphore(%run_scoped3A_1429 : memref<!tpu.dma_semaphore, #tpu.memory_space<semaphore_mem>>) src(%dma_wait3A_1453 : memref<8x128xi32, #tpu.memory_space<hbm>>) dst(%dma_wait3A_1451 : memref<8x128xi32, #tpu.memory_space<vmem>>)
          tpu.yield
        }) : () -> ()
        %dma_start3A_1157 = arith.constant 1 : i32
        %dma_start3A_1158 = arith.constant 0 : i32
        %dma_start3A_1159 = arith.constant 1 : i32
        %dma_start3A_1160 = arith.constant 0 : i32
        %dma_start3A_1161 = arith.constant 1 : i32
        %dma_start3A_1162 = arith.constant 0 : i32
        %dma_start3A_1163 = arith.constant 0 : i32
        %dma_start3A_1164 = tpu.memref_slice %arg9[%dma_start3A_1159, %dma_start3A_1160, %dma_start3A_1162, %dma_start3A_1163] : memref<2x8x200x32xf32, #tpu.memory_space<vmem>> -> memref<1x1x128x32xf32, #tpu.memory_space<vmem>>
        %dma_start3A_1165 = tpu.memref_squeeze %dma_start3A_1164 : memref<1x1x128x32xf32, #tpu.memory_space<vmem>> -> memref<128x32xf32, #tpu.memory_space<vmem>>
        %dma_start3A_1166 = arith.constant 0 : i32
        %dma_start3A_1167 = tpu.memref_slice %arg7[%dma_start3A_1157, %dma_start3A_1158, %dma_start3A_1166] : memref<2x8x128xi32, #tpu.memory_space<vmem>> -> memref<1x1x128xi32, #tpu.memory_space<vmem>>
        %dma_start3A_1168 = tpu.memref_squeeze %dma_start3A_1167 : memref<1x1x128xi32, #tpu.memory_space<vmem>> -> memref<128xi32, #tpu.memory_space<vmem>>
        %dma_start3A_1169 = arith.constant 0 : i32
        %dma_start3A_1170 = arith.constant 0 : i32
        %dma_start3A_1171 = tpu.memref_slice %arg2[%dma_start3A_1169, %dma_start3A_1170] : memref<1000000x32xf32, #tpu.memory_space<hbm>> -> memref<1000000x32xf32, #tpu.memory_space<hbm>>
        %dma_start3A_1172 = tpu.memref_slice %arg11[%dma_start3A_1161] : memref<2x!tpu.dma_semaphore, #tpu.memory_space<semaphore_mem>> -> memref<1x!tpu.dma_semaphore, #tpu.memory_space<semaphore_mem>>
        %dma_start3A_1173 = tpu.memref_squeeze %dma_start3A_1172 : memref<1x!tpu.dma_semaphore, #tpu.memory_space<semaphore_mem>> -> memref<!tpu.dma_semaphore, #tpu.memory_space<semaphore_mem>>
        tpu.enqueue_indirect_dma source(%dma_start3A_1171 : memref<1000000x32xf32, #tpu.memory_space<hbm>>) target(%dma_start3A_1165 : memref<128x32xf32, #tpu.memory_space<vmem>>) offsets(%dma_start3A_1168 : memref<128xi32, #tpu.memory_space<vmem>>) semaphore(%dma_start3A_1173 : memref<!tpu.dma_semaphore, #tpu.memory_space<semaphore_mem>>)
        %dma_start3A_1174 = arith.constant 1 : i32
        %dma_start3A_1175 = arith.constant 0 : i32
        %dma_start3A_1176 = arith.constant 1 : i32
        %dma_start3A_1177 = arith.constant 0 : i32
        %dma_start3A_1178 = arith.constant 1 : i32
        %dma_start3A_1179 = arith.constant 128 : i32
        %dma_start3A_1180 = arith.constant 0 : i32
        %dma_start3A_1181 = tpu.memref_slice %arg9[%dma_start3A_1176, %dma_start3A_1177, %dma_start3A_1179, %dma_start3A_1180] : memref<2x8x200x32xf32, #tpu.memory_space<vmem>> -> memref<1x1x72x32xf32, #tpu.memory_space<vmem>>
        %dma_start3A_1182 = tpu.memref_squeeze %dma_start3A_1181 : memref<1x1x72x32xf32, #tpu.memory_space<vmem>> -> memref<72x32xf32, #tpu.memory_space<vmem>>
        %dma_start3A_1183 = arith.constant 0 : i32
        %dma_start3A_1184 = tpu.memref_slice %arg8[%dma_start3A_1174, %dma_start3A_1175, %dma_start3A_1183] : memref<2x8x128xi32, #tpu.memory_space<vmem>> -> memref<1x1x72xi32, #tpu.memory_space<vmem>>
        %dma_start3A_1185 = tpu.memref_squeeze %dma_start3A_1184 : memref<1x1x72xi32, #tpu.memory_space<vmem>> -> memref<72xi32, #tpu.memory_space<vmem>>
        %dma_start3A_1186 = arith.constant 0 : i32
        %dma_start3A_1187 = arith.constant 0 : i32
        %dma_start3A_1188 = tpu.memref_slice %arg2[%dma_start3A_1186, %dma_start3A_1187] : memref<1000000x32xf32, #tpu.memory_space<hbm>> -> memref<1000000x32xf32, #tpu.memory_space<hbm>>
        %dma_start3A_1189 = tpu.memref_slice %arg11[%dma_start3A_1178] : memref<2x!tpu.dma_semaphore, #tpu.memory_space<semaphore_mem>> -> memref<1x!tpu.dma_semaphore, #tpu.memory_space<semaphore_mem>>
        %dma_start3A_1190 = tpu.memref_squeeze %dma_start3A_1189 : memref<1x!tpu.dma_semaphore, #tpu.memory_space<semaphore_mem>> -> memref<!tpu.dma_semaphore, #tpu.memory_space<semaphore_mem>>
        tpu.enqueue_indirect_dma source(%dma_start3A_1188 : memref<1000000x32xf32, #tpu.memory_space<hbm>>) target(%dma_start3A_1182 : memref<72x32xf32, #tpu.memory_space<vmem>>) offsets(%dma_start3A_1185 : memref<72xi32, #tpu.memory_space<vmem>>) semaphore(%dma_start3A_1190 : memref<!tpu.dma_semaphore, #tpu.memory_space<semaphore_mem>>)
        %dma_start3A_1191 = arith.constant 1 : i32
        %dma_start3A_1192 = arith.constant 1 : i32
        %dma_start3A_1193 = arith.constant 1 : i32
        %dma_start3A_1194 = arith.constant 1 : i32
        %dma_start3A_1195 = arith.constant 1 : i32
        %dma_start3A_1196 = arith.constant 0 : i32
        %dma_start3A_1197 = arith.constant 0 : i32
        %dma_start3A_1198 = tpu.memref_slice %arg9[%dma_start3A_1193, %dma_start3A_1194, %dma_start3A_1196, %dma_start3A_1197] : memref<2x8x200x32xf32, #tpu.memory_space<vmem>> -> memref<1x1x128x32xf32, #tpu.memory_space<vmem>>
        %dma_start3A_1199 = tpu.memref_squeeze %dma_start3A_1198 : memref<1x1x128x32xf32, #tpu.memory_space<vmem>> -> memref<128x32xf32, #tpu.memory_space<vmem>>
        %dma_start3A_1200 = arith.constant 0 : i32
        %dma_start3A_1201 = tpu.memref_slice %arg7[%dma_start3A_1191, %dma_start3A_1192, %dma_start3A_1200] : memref<2x8x128xi32, #tpu.memory_space<vmem>> -> memref<1x1x128xi32, #tpu.memory_space<vmem>>
        %dma_start3A_1202 = tpu.memref_squeeze %dma_start3A_1201 : memref<1x1x128xi32, #tpu.memory_space<vmem>> -> memref<128xi32, #tpu.memory_space<vmem>>
        %dma_start3A_1203 = arith.constant 0 : i32
        %dma_start3A_1204 = arith.constant 0 : i32
        %dma_start3A_1205 = tpu.memref_slice %arg2[%dma_start3A_1203, %dma_start3A_1204] : memref<1000000x32xf32, #tpu.memory_space<hbm>> -> memref<1000000x32xf32, #tpu.memory_space<hbm>>
        %dma_start3A_1206 = tpu.memref_slice %arg11[%dma_start3A_1195] : memref<2x!tpu.dma_semaphore, #tpu.memory_space<semaphore_mem>> -> memref<1x!tpu.dma_semaphore, #tpu.memory_space<semaphore_mem>>
        %dma_start3A_1207 = tpu.memref_squeeze %dma_start3A_1206 : memref<1x!tpu.dma_semaphore, #tpu.memory_space<semaphore_mem>> -> memref<!tpu.dma_semaphore, #tpu.memory_space<semaphore_mem>>
        tpu.enqueue_indirect_dma source(%dma_start3A_1205 : memref<1000000x32xf32, #tpu.memory_space<hbm>>) target(%dma_start3A_1199 : memref<128x32xf32, #tpu.memory_space<vmem>>) offsets(%dma_start3A_1202 : memref<128xi32, #tpu.memory_space<vmem>>) semaphore(%dma_start3A_1207 : memref<!tpu.dma_semaphore, #tpu.memory_space<semaphore_mem>>)
        %dma_start3A_1208 = arith.constant 1 : i32
        %dma_start3A_1209 = arith.constant 1 : i32
        %dma_start3A_1210 = arith.constant 1 : i32
        %dma_start3A_1211 = arith.constant 1 : i32
        %dma_start3A_1212 = arith.constant 1 : i32
        %dma_start3A_1213 = arith.constant 128 : i32
        %dma_start3A_1214 = arith.constant 0 : i32
        %dma_start3A_1215 = tpu.memref_slice %arg9[%dma_start3A_1210, %dma_start3A_1211, %dma_start3A_1213, %dma_start3A_1214] : memref<2x8x200x32xf32, #tpu.memory_space<vmem>> -> memref<1x1x72x32xf32, #tpu.memory_space<vmem>>
        %dma_start3A_1216 = tpu.memref_squeeze %dma_start3A_1215 : memref<1x1x72x32xf32, #tpu.memory_space<vmem>> -> memref<72x32xf32, #tpu.memory_space<vmem>>
        %dma_start3A_1217 = arith.constant 0 : i32
        %dma_start3A_1218 = tpu.memref_slice %arg8[%dma_start3A_1208, %dma_start3A_1209, %dma_start3A_1217] : memref<2x8x128xi32, #tpu.memory_space<vmem>> -> memref<1x1x72xi32, #tpu.memory_space<vmem>>
        %dma_start3A_1219 = tpu.memref_squeeze %dma_start3A_1218 : memref<1x1x72xi32, #tpu.memory_space<vmem>> -> memref<72xi32, #tpu.memory_space<vmem>>
        %dma_start3A_1220 = arith.constant 0 : i32
        %dma_start3A_1221 = arith.constant 0 : i32
        %dma_start3A_1222 = tpu.memref_slice %arg2[%dma_start3A_1220, %dma_start3A_1221] : memref<1000000x32xf32, #tpu.memory_space<hbm>> -> memref<1000000x32xf32, #tpu.memory_space<hbm>>
        %dma_start3A_1223 = tpu.memref_slice %arg11[%dma_start3A_1212] : memref<2x!tpu.dma_semaphore, #tpu.memory_space<semaphore_mem>> -> memref<1x!tpu.dma_semaphore, #tpu.memory_space<semaphore_mem>>
        %dma_start3A_1224 = tpu.memref_squeeze %dma_start3A_1223 : memref<1x!tpu.dma_semaphore, #tpu.memory_space<semaphore_mem>> -> memref<!tpu.dma_semaphore, #tpu.memory_space<semaphore_mem>>
        tpu.enqueue_indirect_dma source(%dma_start3A_1222 : memref<1000000x32xf32, #tpu.memory_space<hbm>>) target(%dma_start3A_1216 : memref<72x32xf32, #tpu.memory_space<vmem>>) offsets(%dma_start3A_1219 : memref<72xi32, #tpu.memory_space<vmem>>) semaphore(%dma_start3A_1224 : memref<!tpu.dma_semaphore, #tpu.memory_space<semaphore_mem>>)
        %dma_start3A_1225 = arith.constant 1 : i32
        %dma_start3A_1226 = arith.constant 2 : i32
        %dma_start3A_1227 = arith.constant 1 : i32
        %dma_start3A_1228 = arith.constant 2 : i32
        %dma_start3A_1229 = arith.constant 1 : i32
        %dma_start3A_1230 = arith.constant 0 : i32
        %dma_start3A_1231 = arith.constant 0 : i32
        %dma_start3A_1232 = tpu.memref_slice %arg9[%dma_start3A_1227, %dma_start3A_1228, %dma_start3A_1230, %dma_start3A_1231] : memref<2x8x200x32xf32, #tpu.memory_space<vmem>> -> memref<1x1x128x32xf32, #tpu.memory_space<vmem>>
        %dma_start3A_1233 = tpu.memref_squeeze %dma_start3A_1232 : memref<1x1x128x32xf32, #tpu.memory_space<vmem>> -> memref<128x32xf32, #tpu.memory_space<vmem>>
        %dma_start3A_1234 = arith.constant 0 : i32
        %dma_start3A_1235 = tpu.memref_slice %arg7[%dma_start3A_1225, %dma_start3A_1226, %dma_start3A_1234] : memref<2x8x128xi32, #tpu.memory_space<vmem>> -> memref<1x1x128xi32, #tpu.memory_space<vmem>>
        %dma_start3A_1236 = tpu.memref_squeeze %dma_start3A_1235 : memref<1x1x128xi32, #tpu.memory_space<vmem>> -> memref<128xi32, #tpu.memory_space<vmem>>
        %dma_start3A_1237 = arith.constant 0 : i32
        %dma_start3A_1238 = arith.constant 0 : i32
        %dma_start3A_1239 = tpu.memref_slice %arg2[%dma_start3A_1237, %dma_start3A_1238] : memref<1000000x32xf32, #tpu.memory_space<hbm>> -> memref<1000000x32xf32, #tpu.memory_space<hbm>>
        %dma_start3A_1240 = tpu.memref_slice %arg11[%dma_start3A_1229] : memref<2x!tpu.dma_semaphore, #tpu.memory_space<semaphore_mem>> -> memref<1x!tpu.dma_semaphore, #tpu.memory_space<semaphore_mem>>
        %dma_start3A_1241 = tpu.memref_squeeze %dma_start3A_1240 : memref<1x!tpu.dma_semaphore, #tpu.memory_space<semaphore_mem>> -> memref<!tpu.dma_semaphore, #tpu.memory_space<semaphore_mem>>
        tpu.enqueue_indirect_dma source(%dma_start3A_1239 : memref<1000000x32xf32, #tpu.memory_space<hbm>>) target(%dma_start3A_1233 : memref<128x32xf32, #tpu.memory_space<vmem>>) offsets(%dma_start3A_1236 : memref<128xi32, #tpu.memory_space<vmem>>) semaphore(%dma_start3A_1241 : memref<!tpu.dma_semaphore, #tpu.memory_space<semaphore_mem>>)
        %dma_start3A_1242 = arith.constant 1 : i32
        %dma_start3A_1243 = arith.constant 2 : i32
        %dma_start3A_1244 = arith.constant 1 : i32
        %dma_start3A_1245 = arith.constant 2 : i32
        %dma_start3A_1246 = arith.constant 1 : i32
        %dma_start3A_1247 = arith.constant 128 : i32
        %dma_start3A_1248 = arith.constant 0 : i32
        %dma_start3A_1249 = tpu.memref_slice %arg9[%dma_start3A_1244, %dma_start3A_1245, %dma_start3A_1247, %dma_start3A_1248] : memref<2x8x200x32xf32, #tpu.memory_space<vmem>> -> memref<1x1x72x32xf32, #tpu.memory_space<vmem>>
        %dma_start3A_1250 = tpu.memref_squeeze %dma_start3A_1249 : memref<1x1x72x32xf32, #tpu.memory_space<vmem>> -> memref<72x32xf32, #tpu.memory_space<vmem>>
        %dma_start3A_1251 = arith.constant 0 : i32
        %dma_start3A_1252 = tpu.memref_slice %arg8[%dma_start3A_1242, %dma_start3A_1243, %dma_start3A_1251] : memref<2x8x128xi32, #tpu.memory_space<vmem>> -> memref<1x1x72xi32, #tpu.memory_space<vmem>>
        %dma_start3A_1253 = tpu.memref_squeeze %dma_start3A_1252 : memref<1x1x72xi32, #tpu.memory_space<vmem>> -> memref<72xi32, #tpu.memory_space<vmem>>
        %dma_start3A_1254 = arith.constant 0 : i32
        %dma_start3A_1255 = arith.constant 0 : i32
        %dma_start3A_1256 = tpu.memref_slice %arg2[%dma_start3A_1254, %dma_start3A_1255] : memref<1000000x32xf32, #tpu.memory_space<hbm>> -> memref<1000000x32xf32, #tpu.memory_space<hbm>>
        %dma_start3A_1257 = tpu.memref_slice %arg11[%dma_start3A_1246] : memref<2x!tpu.dma_semaphore, #tpu.memory_space<semaphore_mem>> -> memref<1x!tpu.dma_semaphore, #tpu.memory_space<semaphore_mem>>
        %dma_start3A_1258 = tpu.memref_squeeze %dma_start3A_1257 : memref<1x!tpu.dma_semaphore, #tpu.memory_space<semaphore_mem>> -> memref<!tpu.dma_semaphore, #tpu.memory_space<semaphore_mem>>
        tpu.enqueue_indirect_dma source(%dma_start3A_1256 : memref<1000000x32xf32, #tpu.memory_space<hbm>>) target(%dma_start3A_1250 : memref<72x32xf32, #tpu.memory_space<vmem>>) offsets(%dma_start3A_1253 : memref<72xi32, #tpu.memory_space<vmem>>) semaphore(%dma_start3A_1258 : memref<!tpu.dma_semaphore, #tpu.memory_space<semaphore_mem>>)
        %dma_start3A_1259 = arith.constant 1 : i32
        %dma_start3A_1260 = arith.constant 3 : i32
        %dma_start3A_1261 = arith.constant 1 : i32
        %dma_start3A_1262 = arith.constant 3 : i32
        %dma_start3A_1263 = arith.constant 1 : i32
        %dma_start3A_1264 = arith.constant 0 : i32
        %dma_start3A_1265 = arith.constant 0 : i32
        %dma_start3A_1266 = tpu.memref_slice %arg9[%dma_start3A_1261, %dma_start3A_1262, %dma_start3A_1264, %dma_start3A_1265] : memref<2x8x200x32xf32, #tpu.memory_space<vmem>> -> memref<1x1x128x32xf32, #tpu.memory_space<vmem>>
        %dma_start3A_1267 = tpu.memref_squeeze %dma_start3A_1266 : memref<1x1x128x32xf32, #tpu.memory_space<vmem>> -> memref<128x32xf32, #tpu.memory_space<vmem>>
        %dma_start3A_1268 = arith.constant 0 : i32
        %dma_start3A_1269 = tpu.memref_slice %arg7[%dma_start3A_1259, %dma_start3A_1260, %dma_start3A_1268] : memref<2x8x128xi32, #tpu.memory_space<vmem>> -> memref<1x1x128xi32, #tpu.memory_space<vmem>>
        %dma_start3A_1270 = tpu.memref_squeeze %dma_start3A_1269 : memref<1x1x128xi32, #tpu.memory_space<vmem>> -> memref<128xi32, #tpu.memory_space<vmem>>
        %dma_start3A_1271 = arith.constant 0 : i32
        %dma_start3A_1272 = arith.constant 0 : i32
        %dma_start3A_1273 = tpu.memref_slice %arg2[%dma_start3A_1271, %dma_start3A_1272] : memref<1000000x32xf32, #tpu.memory_space<hbm>> -> memref<1000000x32xf32, #tpu.memory_space<hbm>>
        %dma_start3A_1274 = tpu.memref_slice %arg11[%dma_start3A_1263] : memref<2x!tpu.dma_semaphore, #tpu.memory_space<semaphore_mem>> -> memref<1x!tpu.dma_semaphore, #tpu.memory_space<semaphore_mem>>
        %dma_start3A_1275 = tpu.memref_squeeze %dma_start3A_1274 : memref<1x!tpu.dma_semaphore, #tpu.memory_space<semaphore_mem>> -> memref<!tpu.dma_semaphore, #tpu.memory_space<semaphore_mem>>
        tpu.enqueue_indirect_dma source(%dma_start3A_1273 : memref<1000000x32xf32, #tpu.memory_space<hbm>>) target(%dma_start3A_1267 : memref<128x32xf32, #tpu.memory_space<vmem>>) offsets(%dma_start3A_1270 : memref<128xi32, #tpu.memory_space<vmem>>) semaphore(%dma_start3A_1275 : memref<!tpu.dma_semaphore, #tpu.memory_space<semaphore_mem>>)
        %dma_start3A_1276 = arith.constant 1 : i32
        %dma_start3A_1277 = arith.constant 3 : i32
        %dma_start3A_1278 = arith.constant 1 : i32
        %dma_start3A_1279 = arith.constant 3 : i32
        %dma_start3A_1280 = arith.constant 1 : i32
        %dma_start3A_1281 = arith.constant 128 : i32
        %dma_start3A_1282 = arith.constant 0 : i32
        %dma_start3A_1283 = tpu.memref_slice %arg9[%dma_start3A_1278, %dma_start3A_1279, %dma_start3A_1281, %dma_start3A_1282] : memref<2x8x200x32xf32, #tpu.memory_space<vmem>> -> memref<1x1x72x32xf32, #tpu.memory_space<vmem>>
        %dma_start3A_1284 = tpu.memref_squeeze %dma_start3A_1283 : memref<1x1x72x32xf32, #tpu.memory_space<vmem>> -> memref<72x32xf32, #tpu.memory_space<vmem>>
        %dma_start3A_1285 = arith.constant 0 : i32
        %dma_start3A_1286 = tpu.memref_slice %arg8[%dma_start3A_1276, %dma_start3A_1277, %dma_start3A_1285] : memref<2x8x128xi32, #tpu.memory_space<vmem>> -> memref<1x1x72xi32, #tpu.memory_space<vmem>>
        %dma_start3A_1287 = tpu.memref_squeeze %dma_start3A_1286 : memref<1x1x72xi32, #tpu.memory_space<vmem>> -> memref<72xi32, #tpu.memory_space<vmem>>
        %dma_start3A_1288 = arith.constant 0 : i32
        %dma_start3A_1289 = arith.constant 0 : i32
        %dma_start3A_1290 = tpu.memref_slice %arg2[%dma_start3A_1288, %dma_start3A_1289] : memref<1000000x32xf32, #tpu.memory_space<hbm>> -> memref<1000000x32xf32, #tpu.memory_space<hbm>>
        %dma_start3A_1291 = tpu.memref_slice %arg11[%dma_start3A_1280] : memref<2x!tpu.dma_semaphore, #tpu.memory_space<semaphore_mem>> -> memref<1x!tpu.dma_semaphore, #tpu.memory_space<semaphore_mem>>
        %dma_start3A_1292 = tpu.memref_squeeze %dma_start3A_1291 : memref<1x!tpu.dma_semaphore, #tpu.memory_space<semaphore_mem>> -> memref<!tpu.dma_semaphore, #tpu.memory_space<semaphore_mem>>
        tpu.enqueue_indirect_dma source(%dma_start3A_1290 : memref<1000000x32xf32, #tpu.memory_space<hbm>>) target(%dma_start3A_1284 : memref<72x32xf32, #tpu.memory_space<vmem>>) offsets(%dma_start3A_1287 : memref<72xi32, #tpu.memory_space<vmem>>) semaphore(%dma_start3A_1292 : memref<!tpu.dma_semaphore, #tpu.memory_space<semaphore_mem>>)
        %dma_start3A_1293 = arith.constant 1 : i32
        %dma_start3A_1294 = arith.constant 4 : i32
        %dma_start3A_1295 = arith.constant 1 : i32
        %dma_start3A_1296 = arith.constant 4 : i32
        %dma_start3A_1297 = arith.constant 1 : i32
        %dma_start3A_1298 = arith.constant 0 : i32
        %dma_start3A_1299 = arith.constant 0 : i32
        %dma_start3A_1300 = tpu.memref_slice %arg9[%dma_start3A_1295, %dma_start3A_1296, %dma_start3A_1298, %dma_start3A_1299] : memref<2x8x200x32xf32, #tpu.memory_space<vmem>> -> memref<1x1x128x32xf32, #tpu.memory_space<vmem>>
        %dma_start3A_1301 = tpu.memref_squeeze %dma_start3A_1300 : memref<1x1x128x32xf32, #tpu.memory_space<vmem>> -> memref<128x32xf32, #tpu.memory_space<vmem>>
        %dma_start3A_1302 = arith.constant 0 : i32
        %dma_start3A_1303 = tpu.memref_slice %arg7[%dma_start3A_1293, %dma_start3A_1294, %dma_start3A_1302] : memref<2x8x128xi32, #tpu.memory_space<vmem>> -> memref<1x1x128xi32, #tpu.memory_space<vmem>>
        %dma_start3A_1304 = tpu.memref_squeeze %dma_start3A_1303 : memref<1x1x128xi32, #tpu.memory_space<vmem>> -> memref<128xi32, #tpu.memory_space<vmem>>
        %dma_start3A_1305 = arith.constant 0 : i32
        %dma_start3A_1306 = arith.constant 0 : i32
        %dma_start3A_1307 = tpu.memref_slice %arg2[%dma_start3A_1305, %dma_start3A_1306] : memref<1000000x32xf32, #tpu.memory_space<hbm>> -> memref<1000000x32xf32, #tpu.memory_space<hbm>>
        %dma_start3A_1308 = tpu.memref_slice %arg11[%dma_start3A_1297] : memref<2x!tpu.dma_semaphore, #tpu.memory_space<semaphore_mem>> -> memref<1x!tpu.dma_semaphore, #tpu.memory_space<semaphore_mem>>
        %dma_start3A_1309 = tpu.memref_squeeze %dma_start3A_1308 : memref<1x!tpu.dma_semaphore, #tpu.memory_space<semaphore_mem>> -> memref<!tpu.dma_semaphore, #tpu.memory_space<semaphore_mem>>
        tpu.enqueue_indirect_dma source(%dma_start3A_1307 : memref<1000000x32xf32, #tpu.memory_space<hbm>>) target(%dma_start3A_1301 : memref<128x32xf32, #tpu.memory_space<vmem>>) offsets(%dma_start3A_1304 : memref<128xi32, #tpu.memory_space<vmem>>) semaphore(%dma_start3A_1309 : memref<!tpu.dma_semaphore, #tpu.memory_space<semaphore_mem>>)
        %dma_start3A_1310 = arith.constant 1 : i32
        %dma_start3A_1311 = arith.constant 4 : i32
        %dma_start3A_1312 = arith.constant 1 : i32
        %dma_start3A_1313 = arith.constant 4 : i32
        %dma_start3A_1314 = arith.constant 1 : i32
        %dma_start3A_1315 = arith.constant 128 : i32
        %dma_start3A_1316 = arith.constant 0 : i32
        %dma_start3A_1317 = tpu.memref_slice %arg9[%dma_start3A_1312, %dma_start3A_1313, %dma_start3A_1315, %dma_start3A_1316] : memref<2x8x200x32xf32, #tpu.memory_space<vmem>> -> memref<1x1x72x32xf32, #tpu.memory_space<vmem>>
        %dma_start3A_1318 = tpu.memref_squeeze %dma_start3A_1317 : memref<1x1x72x32xf32, #tpu.memory_space<vmem>> -> memref<72x32xf32, #tpu.memory_space<vmem>>
        %dma_start3A_1319 = arith.constant 0 : i32
        %dma_start3A_1320 = tpu.memref_slice %arg8[%dma_start3A_1310, %dma_start3A_1311, %dma_start3A_1319] : memref<2x8x128xi32, #tpu.memory_space<vmem>> -> memref<1x1x72xi32, #tpu.memory_space<vmem>>
        %dma_start3A_1321 = tpu.memref_squeeze %dma_start3A_1320 : memref<1x1x72xi32, #tpu.memory_space<vmem>> -> memref<72xi32, #tpu.memory_space<vmem>>
        %dma_start3A_1322 = arith.constant 0 : i32
        %dma_start3A_1323 = arith.constant 0 : i32
        %dma_start3A_1324 = tpu.memref_slice %arg2[%dma_start3A_1322, %dma_start3A_1323] : memref<1000000x32xf32, #tpu.memory_space<hbm>> -> memref<1000000x32xf32, #tpu.memory_space<hbm>>
        %dma_start3A_1325 = tpu.memref_slice %arg11[%dma_start3A_1314] : memref<2x!tpu.dma_semaphore, #tpu.memory_space<semaphore_mem>> -> memref<1x!tpu.dma_semaphore, #tpu.memory_space<semaphore_mem>>
        %dma_start3A_1326 = tpu.memref_squeeze %dma_start3A_1325 : memref<1x!tpu.dma_semaphore, #tpu.memory_space<semaphore_mem>> -> memref<!tpu.dma_semaphore, #tpu.memory_space<semaphore_mem>>
        tpu.enqueue_indirect_dma source(%dma_start3A_1324 : memref<1000000x32xf32, #tpu.memory_space<hbm>>) target(%dma_start3A_1318 : memref<72x32xf32, #tpu.memory_space<vmem>>) offsets(%dma_start3A_1321 : memref<72xi32, #tpu.memory_space<vmem>>) semaphore(%dma_start3A_1326 : memref<!tpu.dma_semaphore, #tpu.memory_space<semaphore_mem>>)
        %dma_start3A_1327 = arith.constant 1 : i32
        %dma_start3A_1328 = arith.constant 5 : i32
        %dma_start3A_1329 = arith.constant 1 : i32
        %dma_start3A_1330 = arith.constant 5 : i32
        %dma_start3A_1331 = arith.constant 1 : i32
        %dma_start3A_1332 = arith.constant 0 : i32
        %dma_start3A_1333 = arith.constant 0 : i32
        %dma_start3A_1334 = tpu.memref_slice %arg9[%dma_start3A_1329, %dma_start3A_1330, %dma_start3A_1332, %dma_start3A_1333] : memref<2x8x200x32xf32, #tpu.memory_space<vmem>> -> memref<1x1x128x32xf32, #tpu.memory_space<vmem>>
        %dma_start3A_1335 = tpu.memref_squeeze %dma_start3A_1334 : memref<1x1x128x32xf32, #tpu.memory_space<vmem>> -> memref<128x32xf32, #tpu.memory_space<vmem>>
        %dma_start3A_1336 = arith.constant 0 : i32
        %dma_start3A_1337 = tpu.memref_slice %arg7[%dma_start3A_1327, %dma_start3A_1328, %dma_start3A_1336] : memref<2x8x128xi32, #tpu.memory_space<vmem>> -> memref<1x1x128xi32, #tpu.memory_space<vmem>>
        %dma_start3A_1338 = tpu.memref_squeeze %dma_start3A_1337 : memref<1x1x128xi32, #tpu.memory_space<vmem>> -> memref<128xi32, #tpu.memory_space<vmem>>
        %dma_start3A_1339 = arith.constant 0 : i32
        %dma_start3A_1340 = arith.constant 0 : i32
        %dma_start3A_1341 = tpu.memref_slice %arg2[%dma_start3A_1339, %dma_start3A_1340] : memref<1000000x32xf32, #tpu.memory_space<hbm>> -> memref<1000000x32xf32, #tpu.memory_space<hbm>>
        %dma_start3A_1342 = tpu.memref_slice %arg11[%dma_start3A_1331] : memref<2x!tpu.dma_semaphore, #tpu.memory_space<semaphore_mem>> -> memref<1x!tpu.dma_semaphore, #tpu.memory_space<semaphore_mem>>
        %dma_start3A_1343 = tpu.memref_squeeze %dma_start3A_1342 : memref<1x!tpu.dma_semaphore, #tpu.memory_space<semaphore_mem>> -> memref<!tpu.dma_semaphore, #tpu.memory_space<semaphore_mem>>
        tpu.enqueue_indirect_dma source(%dma_start3A_1341 : memref<1000000x32xf32, #tpu.memory_space<hbm>>) target(%dma_start3A_1335 : memref<128x32xf32, #tpu.memory_space<vmem>>) offsets(%dma_start3A_1338 : memref<128xi32, #tpu.memory_space<vmem>>) semaphore(%dma_start3A_1343 : memref<!tpu.dma_semaphore, #tpu.memory_space<semaphore_mem>>)
        %dma_start3A_1344 = arith.constant 1 : i32
        %dma_start3A_1345 = arith.constant 5 : i32
        %dma_start3A_1346 = arith.constant 1 : i32
        %dma_start3A_1347 = arith.constant 5 : i32
        %dma_start3A_1348 = arith.constant 1 : i32
        %dma_start3A_1349 = arith.constant 128 : i32
        %dma_start3A_1350 = arith.constant 0 : i32
        %dma_start3A_1351 = tpu.memref_slice %arg9[%dma_start3A_1346, %dma_start3A_1347, %dma_start3A_1349, %dma_start3A_1350] : memref<2x8x200x32xf32, #tpu.memory_space<vmem>> -> memref<1x1x72x32xf32, #tpu.memory_space<vmem>>
        %dma_start3A_1352 = tpu.memref_squeeze %dma_start3A_1351 : memref<1x1x72x32xf32, #tpu.memory_space<vmem>> -> memref<72x32xf32, #tpu.memory_space<vmem>>
        %dma_start3A_1353 = arith.constant 0 : i32
        %dma_start3A_1354 = tpu.memref_slice %arg8[%dma_start3A_1344, %dma_start3A_1345, %dma_start3A_1353] : memref<2x8x128xi32, #tpu.memory_space<vmem>> -> memref<1x1x72xi32, #tpu.memory_space<vmem>>
        %dma_start3A_1355 = tpu.memref_squeeze %dma_start3A_1354 : memref<1x1x72xi32, #tpu.memory_space<vmem>> -> memref<72xi32, #tpu.memory_space<vmem>>
        %dma_start3A_1356 = arith.constant 0 : i32
        %dma_start3A_1357 = arith.constant 0 : i32
        %dma_start3A_1358 = tpu.memref_slice %arg2[%dma_start3A_1356, %dma_start3A_1357] : memref<1000000x32xf32, #tpu.memory_space<hbm>> -> memref<1000000x32xf32, #tpu.memory_space<hbm>>
        %dma_start3A_1359 = tpu.memref_slice %arg11[%dma_start3A_1348] : memref<2x!tpu.dma_semaphore, #tpu.memory_space<semaphore_mem>> -> memref<1x!tpu.dma_semaphore, #tpu.memory_space<semaphore_mem>>
        %dma_start3A_1360 = tpu.memref_squeeze %dma_start3A_1359 : memref<1x!tpu.dma_semaphore, #tpu.memory_space<semaphore_mem>> -> memref<!tpu.dma_semaphore, #tpu.memory_space<semaphore_mem>>
        tpu.enqueue_indirect_dma source(%dma_start3A_1358 : memref<1000000x32xf32, #tpu.memory_space<hbm>>) target(%dma_start3A_1352 : memref<72x32xf32, #tpu.memory_space<vmem>>) offsets(%dma_start3A_1355 : memref<72xi32, #tpu.memory_space<vmem>>) semaphore(%dma_start3A_1360 : memref<!tpu.dma_semaphore, #tpu.memory_space<semaphore_mem>>)
        %dma_start3A_1361 = arith.constant 1 : i32
        %dma_start3A_1362 = arith.constant 6 : i32
        %dma_start3A_1363 = arith.constant 1 : i32
        %dma_start3A_1364 = arith.constant 6 : i32
        %dma_start3A_1365 = arith.constant 1 : i32
        %dma_start3A_1366 = arith.constant 0 : i32
        %dma_start3A_1367 = arith.constant 0 : i32
        %dma_start3A_1368 = tpu.memref_slice %arg9[%dma_start3A_1363, %dma_start3A_1364, %dma_start3A_1366, %dma_start3A_1367] : memref<2x8x200x32xf32, #tpu.memory_space<vmem>> -> memref<1x1x128x32xf32, #tpu.memory_space<vmem>>
        %dma_start3A_1369 = tpu.memref_squeeze %dma_start3A_1368 : memref<1x1x128x32xf32, #tpu.memory_space<vmem>> -> memref<128x32xf32, #tpu.memory_space<vmem>>
        %dma_start3A_1370 = arith.constant 0 : i32
        %dma_start3A_1371 = tpu.memref_slice %arg7[%dma_start3A_1361, %dma_start3A_1362, %dma_start3A_1370] : memref<2x8x128xi32, #tpu.memory_space<vmem>> -> memref<1x1x128xi32, #tpu.memory_space<vmem>>
        %dma_start3A_1372 = tpu.memref_squeeze %dma_start3A_1371 : memref<1x1x128xi32, #tpu.memory_space<vmem>> -> memref<128xi32, #tpu.memory_space<vmem>>
        %dma_start3A_1373 = arith.constant 0 : i32
        %dma_start3A_1374 = arith.constant 0 : i32
        %dma_start3A_1375 = tpu.memref_slice %arg2[%dma_start3A_1373, %dma_start3A_1374] : memref<1000000x32xf32, #tpu.memory_space<hbm>> -> memref<1000000x32xf32, #tpu.memory_space<hbm>>
        %dma_start3A_1376 = tpu.memref_slice %arg11[%dma_start3A_1365] : memref<2x!tpu.dma_semaphore, #tpu.memory_space<semaphore_mem>> -> memref<1x!tpu.dma_semaphore, #tpu.memory_space<semaphore_mem>>
        %dma_start3A_1377 = tpu.memref_squeeze %dma_start3A_1376 : memref<1x!tpu.dma_semaphore, #tpu.memory_space<semaphore_mem>> -> memref<!tpu.dma_semaphore, #tpu.memory_space<semaphore_mem>>
        tpu.enqueue_indirect_dma source(%dma_start3A_1375 : memref<1000000x32xf32, #tpu.memory_space<hbm>>) target(%dma_start3A_1369 : memref<128x32xf32, #tpu.memory_space<vmem>>) offsets(%dma_start3A_1372 : memref<128xi32, #tpu.memory_space<vmem>>) semaphore(%dma_start3A_1377 : memref<!tpu.dma_semaphore, #tpu.memory_space<semaphore_mem>>)
        %dma_start3A_1378 = arith.constant 1 : i32
        %dma_start3A_1379 = arith.constant 6 : i32
        %dma_start3A_1380 = arith.constant 1 : i32
        %dma_start3A_1381 = arith.constant 6 : i32
        %dma_start3A_1382 = arith.constant 1 : i32
        %dma_start3A_1383 = arith.constant 128 : i32
        %dma_start3A_1384 = arith.constant 0 : i32
        %dma_start3A_1385 = tpu.memref_slice %arg9[%dma_start3A_1380, %dma_start3A_1381, %dma_start3A_1383, %dma_start3A_1384] : memref<2x8x200x32xf32, #tpu.memory_space<vmem>> -> memref<1x1x72x32xf32, #tpu.memory_space<vmem>>
        %dma_start3A_1386 = tpu.memref_squeeze %dma_start3A_1385 : memref<1x1x72x32xf32, #tpu.memory_space<vmem>> -> memref<72x32xf32, #tpu.memory_space<vmem>>
        %dma_start3A_1387 = arith.constant 0 : i32
        %dma_start3A_1388 = tpu.memref_slice %arg8[%dma_start3A_1378, %dma_start3A_1379, %dma_start3A_1387] : memref<2x8x128xi32, #tpu.memory_space<vmem>> -> memref<1x1x72xi32, #tpu.memory_space<vmem>>
        %dma_start3A_1389 = tpu.memref_squeeze %dma_start3A_1388 : memref<1x1x72xi32, #tpu.memory_space<vmem>> -> memref<72xi32, #tpu.memory_space<vmem>>
        %dma_start3A_1390 = arith.constant 0 : i32
        %dma_start3A_1391 = arith.constant 0 : i32
        %dma_start3A_1392 = tpu.memref_slice %arg2[%dma_start3A_1390, %dma_start3A_1391] : memref<1000000x32xf32, #tpu.memory_space<hbm>> -> memref<1000000x32xf32, #tpu.memory_space<hbm>>
        %dma_start3A_1393 = tpu.memref_slice %arg11[%dma_start3A_1382] : memref<2x!tpu.dma_semaphore, #tpu.memory_space<semaphore_mem>> -> memref<1x!tpu.dma_semaphore, #tpu.memory_space<semaphore_mem>>
        %dma_start3A_1394 = tpu.memref_squeeze %dma_start3A_1393 : memref<1x!tpu.dma_semaphore, #tpu.memory_space<semaphore_mem>> -> memref<!tpu.dma_semaphore, #tpu.memory_space<semaphore_mem>>
        tpu.enqueue_indirect_dma source(%dma_start3A_1392 : memref<1000000x32xf32, #tpu.memory_space<hbm>>) target(%dma_start3A_1386 : memref<72x32xf32, #tpu.memory_space<vmem>>) offsets(%dma_start3A_1389 : memref<72xi32, #tpu.memory_space<vmem>>) semaphore(%dma_start3A_1394 : memref<!tpu.dma_semaphore, #tpu.memory_space<semaphore_mem>>)
        %dma_start3A_1395 = arith.constant 1 : i32
        %dma_start3A_1396 = arith.constant 7 : i32
        %dma_start3A_1397 = arith.constant 1 : i32
        %dma_start3A_1398 = arith.constant 7 : i32
        %dma_start3A_1399 = arith.constant 1 : i32
        %dma_start3A_1400 = arith.constant 0 : i32
        %dma_start3A_1401 = arith.constant 0 : i32
        %dma_start3A_1402 = tpu.memref_slice %arg9[%dma_start3A_1397, %dma_start3A_1398, %dma_start3A_1400, %dma_start3A_1401] : memref<2x8x200x32xf32, #tpu.memory_space<vmem>> -> memref<1x1x128x32xf32, #tpu.memory_space<vmem>>
        %dma_start3A_1403 = tpu.memref_squeeze %dma_start3A_1402 : memref<1x1x128x32xf32, #tpu.memory_space<vmem>> -> memref<128x32xf32, #tpu.memory_space<vmem>>
        %dma_start3A_1404 = arith.constant 0 : i32
        %dma_start3A_1405 = tpu.memref_slice %arg7[%dma_start3A_1395, %dma_start3A_1396, %dma_start3A_1404] : memref<2x8x128xi32, #tpu.memory_space<vmem>> -> memref<1x1x128xi32, #tpu.memory_space<vmem>>
        %dma_start3A_1406 = tpu.memref_squeeze %dma_start3A_1405 : memref<1x1x128xi32, #tpu.memory_space<vmem>> -> memref<128xi32, #tpu.memory_space<vmem>>
        %dma_start3A_1407 = arith.constant 0 : i32
        %dma_start3A_1408 = arith.constant 0 : i32
        %dma_start3A_1409 = tpu.memref_slice %arg2[%dma_start3A_1407, %dma_start3A_1408] : memref<1000000x32xf32, #tpu.memory_space<hbm>> -> memref<1000000x32xf32, #tpu.memory_space<hbm>>
        %dma_start3A_1410 = tpu.memref_slice %arg11[%dma_start3A_1399] : memref<2x!tpu.dma_semaphore, #tpu.memory_space<semaphore_mem>> -> memref<1x!tpu.dma_semaphore, #tpu.memory_space<semaphore_mem>>
        %dma_start3A_1411 = tpu.memref_squeeze %dma_start3A_1410 : memref<1x!tpu.dma_semaphore, #tpu.memory_space<semaphore_mem>> -> memref<!tpu.dma_semaphore, #tpu.memory_space<semaphore_mem>>
        tpu.enqueue_indirect_dma source(%dma_start3A_1409 : memref<1000000x32xf32, #tpu.memory_space<hbm>>) target(%dma_start3A_1403 : memref<128x32xf32, #tpu.memory_space<vmem>>) offsets(%dma_start3A_1406 : memref<128xi32, #tpu.memory_space<vmem>>) semaphore(%dma_start3A_1411 : memref<!tpu.dma_semaphore, #tpu.memory_space<semaphore_mem>>)
        %dma_start3A_1412 = arith.constant 1 : i32
        %dma_start3A_1413 = arith.constant 7 : i32
        %dma_start3A_1414 = arith.constant 1 : i32
        %dma_start3A_1415 = arith.constant 7 : i32
        %dma_start3A_1416 = arith.constant 1 : i32
        %dma_start3A_1417 = arith.constant 128 : i32
        %dma_start3A_1418 = arith.constant 0 : i32
        %dma_start3A_1419 = tpu.memref_slice %arg9[%dma_start3A_1414, %dma_start3A_1415, %dma_start3A_1417, %dma_start3A_1418] : memref<2x8x200x32xf32, #tpu.memory_space<vmem>> -> memref<1x1x72x32xf32, #tpu.memory_space<vmem>>
        %dma_start3A_1420 = tpu.memref_squeeze %dma_start3A_1419 : memref<1x1x72x32xf32, #tpu.memory_space<vmem>> -> memref<72x32xf32, #tpu.memory_space<vmem>>
        %dma_start3A_1421 = arith.constant 0 : i32
        %dma_start3A_1422 = tpu.memref_slice %arg8[%dma_start3A_1412, %dma_start3A_1413, %dma_start3A_1421] : memref<2x8x128xi32, #tpu.memory_space<vmem>> -> memref<1x1x72xi32, #tpu.memory_space<vmem>>
        %dma_start3A_1423 = tpu.memref_squeeze %dma_start3A_1422 : memref<1x1x72xi32, #tpu.memory_space<vmem>> -> memref<72xi32, #tpu.memory_space<vmem>>
        %dma_start3A_1424 = arith.constant 0 : i32
        %dma_start3A_1425 = arith.constant 0 : i32
        %dma_start3A_1426 = tpu.memref_slice %arg2[%dma_start3A_1424, %dma_start3A_1425] : memref<1000000x32xf32, #tpu.memory_space<hbm>> -> memref<1000000x32xf32, #tpu.memory_space<hbm>>
        %dma_start3A_1427 = tpu.memref_slice %arg11[%dma_start3A_1416] : memref<2x!tpu.dma_semaphore, #tpu.memory_space<semaphore_mem>> -> memref<1x!tpu.dma_semaphore, #tpu.memory_space<semaphore_mem>>
        %dma_start3A_1428 = tpu.memref_squeeze %dma_start3A_1427 : memref<1x!tpu.dma_semaphore, #tpu.memory_space<semaphore_mem>> -> memref<!tpu.dma_semaphore, #tpu.memory_space<semaphore_mem>>
        tpu.enqueue_indirect_dma source(%dma_start3A_1426 : memref<1000000x32xf32, #tpu.memory_space<hbm>>) target(%dma_start3A_1420 : memref<72x32xf32, #tpu.memory_space<vmem>>) offsets(%dma_start3A_1423 : memref<72xi32, #tpu.memory_space<vmem>>) semaphore(%dma_start3A_1428 : memref<!tpu.dma_semaphore, #tpu.memory_space<semaphore_mem>>)
      } else {
      }
      %scan3A_1148 = arith.constant 0 : i32
      scf.yield %scan3A_1148 : i32
    }
    %scan3A_559 = arith.constant 8 : i32
    return
  }
}

</mosaic_0001>

<sc_bundles>
// kernel: _run.3.cloned.1.call-start
scs
__scs_entry_jumppad:
0x0: {  	(pc) =	sbr.rel $0x88, $3  }
0x1: {  	(tag) =	ssettag $0x0;
	lr =	simm.s32 $0x1  }
0x2: {  	[smem:$0x3F9E] =	sst lr;
	_ =	strace $0xD0000000  }
0x3: {  	_ = 	snop  }
0x4: {  	_ = 	snop  }
0x5: {  	_ = 	snop  }
0x6: {  	_ = 	snop  }
0x7: {  	_ = 	snop  }
__scs_overlays_trampoline_lowered:
0x8: {  	[smem:$0x3FAD] =	sst s0  }
0x9: {  	[smem:$0x3FAE] =	sst s1  }
0xa: {  	[smem:$0x3FAF] =	sst s2  }
0xb: {  	[smem:$0x3FB0] =	sst s3  }
0xc: {  	[smem:$0x3FB1] =	sst s4  }
0xd: {  	[smem:$0x3FB2] =	sst s5  }
0xe: {  	[smem:$0x3FB3] =	sst s6  }
0xf: {  	[smem:$0x3FB4] =	sst s7  }
0x10: {  	[smem:$0x3FB5] =	sst s8  }
0x11: {  	[smem:$0x3FB6] =	sst s9;
	s0 =	simm.s32 @!p0 $0x0  }
0x12: {  	s1 =	sld [smem:$0x3F9C];
	s0 =	simm.s32 @p0 $0x1  }
0x13: {  	[smem:$0x3FB7] =	sst s0;
	s0 =	simm.s32 @!p1 $0x0  }
0x14: {  	s2 =	sld [smem:$0x3F9B];
	s0 =	simm.s32 @p1 $0x1  }
0x15: {  	[smem:$0x3FB8] =	sst s0;
	s0 =	simm.s32 @!p2 $0x0  }
0x16: {  	s3 =	sld [smem:$0x3FDB];
	s0 =	simm.s32 @p2 $0x1  }
0x17: {  	s4 =	simm.s32 $0x1BF5;
	[smem:$0x3FBA] =	sst s0  }
0x18: {  	s0 =	sld [smem:$0x3F9D];
	_ =	swait.ge [sflag:s4], $0x0  }
0x19: {  	s7 =	sld [smem:$0x3F9E]  }
0x1a: {  	s8 =	sadd.s32 $0xFFFFE003, lr  }
0x1b: {  	s9 =	sadd.s32 $0xFFFFFEF7, lr;
	s5 =	simm.s32 $0xFFFFFFFF;
	p2 =	slt.u32 s8, $0xFFFFF086  }
0x1c: {  	p1 =	slt.u32 s9, $0xF7A;
	s5 =	simm.s32 @!p2 $0x0  }
0x1d: {  	s5 =	simm.s32 @p1 $0x1;
	p0 =	seq.s32 s7, s2  }
0x1e: {  	s7 =	smul.u32 @!p0 $0xF7A, s2;
	p2 =	seq.s32 @!p0 s5, $0x0  }
0x1f: {  	s9 =	smul.u32 $0xF7A, s1;
	s8 =	simm.s32 @!p0 $0x1BF5;
	p2 =	por !p2, p0  }
0x20: {  	[sflag:s8] =	ssyncset.s32 @!p0 $0xFFFFF086;
	s6 =	sadd.s32 @!p0 s3, s7;
	s7 =	simm.s32 @!p0 $0x108  }
0x21: {  	s3 =	sadd.s32 s3, s9;
	s6 =	sadd.s32 @!p0 $0x88, s6;
	s7 =	simm.s32 @p2 $0x1082  }
0x22: {  	[simem:s7], [sflag:s8] =	dma.local @!p0 [hbm:s6], $0xF7A  }
0x23: {  	s9 =	sor.u32 $0xD0000000, s2;
	s6 =	simm.s32 $0x108;
	_ =	swait.ge @!p0 [sflag:s8], $0x0  }
0x24: {  	s3 =	sadd.s32 $0x88, s3;
	s6 =	simm.s32 @!p1 $0x1082;
	[sflag:s4] =	ssyncset.s32 $0xFFFFF086  }
0x25: {  	[simem:s6], [sflag:s4] =	dma.local [hbm:s3], $0xF7A  }
0x26: {  	[smem:$0x3F9E] =	sst s1;
	(tag) =	ssettag s2;
	_ =	strace s9  }
0x27: {  	s1 =	sld [smem:$0x3FAE]  }
0x28: {  	s2 =	sld [smem:$0x3FAF]  }
0x29: {  	s4 =	sld [smem:$0x3FB1]  }
0x2a: {  	p0 =	seq.s32 s5, $0x0;
	s5 =	sld [smem:$0x3FB2]  }
0x2b: {  	s6 =	sld [smem:$0x3FB3]  }
0x2c: {  	s7 =	sld [smem:$0x3FB4]  }
0x2d: {  	s3 =	simm.s32 $0x108;
	s8 =	sld [smem:$0x3FB5]  }
0x2e: {  	s3 =	simm.s32 @!p0 $0x1082;
	s9 =	sld [smem:$0x3FB6]  }
0x2f: {  	lr =	sadd.s32 s0, s3;
	s0 =	sld [smem:$0x3FAD]  }
0x30: {  	s3 =	sld [smem:$0x3FB0]  }
0x31: {  	[smem:$0x3FB9] =	sst s10  }
0x32: {  	s10 =	sld [smem:$0x3FB7];
	_ =	sdelay $0x3  }
0x33: {  	p0 =	seq.s32 s10, $0x1;
	s10 =	sld [smem:$0x3FB9];
	_ =	sdelay $0x3  }
0x34: {  	[smem:$0x3FB9] =	sst s10  }
0x35: {  	s10 =	sld [smem:$0x3FB8];
	_ =	sdelay $0x3  }
0x36: {  	p1 =	seq.s32 s10, $0x1;
	s10 =	sld [smem:$0x3FB9];
	_ =	sdelay $0x3  }
0x37: {  	[smem:$0x3FB9] =	sst s10  }
0x38: {  	s10 =	sld [smem:$0x3FBA]  }
0x39: {  	_ = 	snop;
	(pc) =	sbr.ind lr, $3  }
0x3a: {  	_ = 	snop  }
0x3b: {  	_ = 	snop  }
0x3c: {  	p2 =	seq.s32 s10, $0x1;
	s10 =	sld [smem:$0x3FB9]  }
0x3d: {  	_ =	shalt  }
0x3e: {  	_ =	shalt  }
0x3f: {  	_ =	shalt  }
0x40: {  	_ =	shalt  }
0x41: {  	_ =	shalt  }
0x42: {  	_ =	shalt  }
0x43: {  	_ =	shalt  }
0x44: {  	_ =	shalt  }
0x45: {  	_ =	shalt  }
0x46: {  	_ =	shalt  }
0x47: {  	_ =	shalt  }
0x48: {  	_ =	shalt  }
0x49: {  	_ =	shalt  }
0x4a: {  	_ =	shalt  }
0x4b: {  	_ =	shalt  }
0x4c: {  	_ =	shalt  }
0x4d: {  	_ =	shalt  }
0x4e: {  	_ =	shalt  }
0x4f: {  	_ =	shalt  }
0x50: {  	_ =	shalt  }
0x51: {  	_ =	shalt  }
0x52: {  	_ =	shalt  }
0x53: {  	_ =	shalt  }
0x54: {  	_ =	shalt  }
0x55: {  	_ =	shalt  }
0x56: {  	_ =	shalt  }
0x57: {  	_ =	shalt  }
0x58: {  	_ =	shalt  }
0x59: {  	_ =	shalt  }
0x5a: {  	_ =	shalt  }
0x5b: {  	_ =	shalt  }
0x5c: {  	_ =	shalt  }
0x5d: {  	_ =	shalt  }
0x5e: {  	_ =	shalt  }
0x5f: {  	_ =	shalt  }
0x60: {  	_ =	shalt  }
0x61: {  	_ =	shalt  }
0x62: {  	_ =	shalt  }
0x63: {  	_ =	shalt  }
0x64: {  	_ =	shalt  }
0x65: {  	_ =	shalt  }
0x66: {  	_ =	shalt  }
0x67: {  	_ =	shalt  }
0x68: {  	_ =	shalt  }
0x69: {  	_ =	shalt  }
0x6a: {  	_ =	shalt  }
0x6b: {  	_ =	shalt  }
0x6c: {  	_ =	shalt  }
0x6d: {  	_ =	shalt  }
0x6e: {  	_ =	shalt  }
0x6f: {  	_ =	shalt  }
0x70: {  	_ =	shalt  }
0x71: {  	_ =	shalt  }
0x72: {  	_ =	shalt  }
0x73: {  	_ =	shalt  }
0x74: {  	_ =	shalt  }
0x75: {  	_ =	shalt  }
0x76: {  	_ =	shalt  }
0x77: {  	_ =	shalt  }
0x78: {  	_ =	shalt  }
0x79: {  	_ =	shalt  }
0x7a: {  	_ =	shalt  }
0x7b: {  	_ =	shalt  }
0x7c: {  	_ =	shalt  }
0x7d: {  	_ =	shalt  }
0x7e: {  	_ =	shalt  }
0x7f: {  	_ =	shalt  }
0x80: {  	_ =	shalt  }
0x81: {  	_ =	shalt  }
0x82: {  	_ =	shalt  }
0x83: {  	_ =	shalt  }
0x84: {  	_ =	shalt  }
0x85: {  	_ =	shalt  }
0x86: {  	_ =	shalt  }
0x87: {  	_ =	shalt  }
.Lfunc_end0:
.L_simem_size_0:
called_computation.1_lowered:
.L_overlay_start_0:
0x88: {  	s2 =	sld [smem:$0x3FD9]  }
0x89: {  	s3 =	sld [smem:$0x3FFE];
	_ =	sdelay $0x1  }
0x8a: {  	s1 =	srdreg.scid  }
0x8b: {  	s0 =	sand.u32 $0x1, s1  }
0x8c: {  	s17 =	sshll.u32 s0, $0xA;
	s2 =	sadd.s32 s3, s2  }
0x8d: {  	s2 =	sadd.s32 s2, s17  }
0x8e: {  	[smem:$0x3FC5] =	sst s2  }
0x8f: {  	_ = 	snop  }
0x90: {  	s2 =	sld [smem:$0x3FD0];
	(tm) =	ssettm $0x1  }
0x91: {  	s18 =	sld [smem:$0x3FFB];
	_ =	sdelay $0x3  }
0x92: {  	_ =	strace s18  }
0x93: {  	s3 =	sld [smem:$0x3FFC];
	_ =	sdelay $0x3  }
0x94: {  	_ =	strace s3  }
0x95: {  	s3 =	sld [smem:$0x3FFD];
	_ =	sdelay $0x3  }
0x96: {  	_ =	strace s3  }
0x97: {  	_ =	strace $0x8FFFFFFF  }
0x98: {  	s19 =	sld [smem:$0x3FDB];
	_ =	sdelay $0x1  }
0x99: {  	s4 =	simm.s32 $_scs_section_size  }
0x9a: {  	s5 =	simm.s32 $_size__tile_overlayer_lowered;
	s6 =	simm.s32 $_tile_overlayer_lowered  }
0x9b: {  	s22 =	simm.s32 $0x1BFF;
	s21 =	sshll.u32 s6, $0x1;
	s3 =	sadd.s32 s4, s19  }
0x9c: {  	s7 =	simm.s32 $0x0;
	s20 =	sshll.u32 s5, $0x1;
	s5 =	sadd.s32 s21, s3  }
0x9d: {  	[timem:s7], [sflag:s22] =	dma.local [hbm:s5], s20  }
0x9e: {  	_ =	swait.ge [sflag:s22], s20  }
0x9f: {  	s4 =	ssub.s32 $0x0, s20;
	[sflag:s22] =	ssyncset.done $0x0  }
0xa0: {  	[sflag:s22] =	ssyncadd.s32 s4;
	_ =	sdelay $0x1  }
0xa1: {  	s23 =	simm.s32 $0x1B8B  }
0xa2: {  	_ =	swait.ge [sflag:s23], $0x1  }
0xa3: {  	[sflag:s23] =	ssyncset.done $0x0  }
0xa4: {  	s25 =	simm.s32 $0x1B8E;
	s24 =	sld [smem:$0x3FFE];
	[sflag:s23] =	ssyncadd.s32 $0xFFFFFFFF  }
0xa5: {  	s26 =	simm.s32 $execute0_lowered;
	[smem:$0x3FD2] =	sst s25  }
0xa6: {  	s5 =	sshll.u32 s26, $0x1;
	_ =	strace $0x80000046;
	[dreg:$0x1] =	wrdreg $0xFFFFFFFF  }
0xa7: {  	s28 =	simm.s32 $_size_execute0_lowered;
	s3 =	sadd.s32 s3, s5;
	[dreg:$0x0] =	wrdreg $0x0  }
0xa8: {  	s5 =	sshll.u32 s28, $0x1;
	[dreg:$0x2] =	wrdreg s3  }
0xa9: {  	[dreg:$0x3] =	wrdreg s5  }
0xaa: {  	[dreg:$0x4] =	wrdreg $0xC0  }
0xab: {  	_ =	task [dreg:s7], $0x5FFFF  }
0xac: {  	[dreg:$0x1] =	wrdreg $0xFFFFFFFF  }
0xad: {  	[dreg:$0x0] =	wrdreg $0x60  }
0xae: {  	[dreg:$0x2] =	wrdreg s24  }
0xaf: {  	[dreg:$0x3] =	wrdreg s2  }
0xb0: {  	[dreg:$0x4] =	wrdreg $0x9  }
0xb1: {  	_ =	task.clear_ibuf [dreg:s7], $0x5FFFF;
	_ =	strace $0x90000046  }
0xb2: {  	s29 =	simm.s32 $0x9;
	_ =	strace $0x80000048  }
0xb3: {  	_ =	swait.ge [sflag:s29], $0x1  }
0xb4: {  	[sflag:s29] =	ssyncadd.s32 $0xFFFFFFFF  }
0xb5: {  	_ =	strace $0x90000048  }
0xb6: {  	_ =	sfence  }
0xb7: {  	s30 =	sld [smem:$0x0];
	_ =	sdelay $0x2  }
0xb8: {  	s31 =	sshll.u32 s1, $0xD;
	s1 =	sshrl.u32 s1, $0x2  }
0xb9: {  	s3 =	sand.u32 $0x4000, s31;
	s1 =	sadd.s32 s1, s30  }
0xba: {  	s0 =	sor.u32 s3, s0;
	s1 =	sshll.u32 s1, $0x11  }
0xbb: {  	s0 =	sor.u32 s1, s0  }
0xbc: {  	s0 =	sadd.s32 $0x8F2B, s0  }
0xbd: {  	[sflag:s0] =	ssyncadd.remote.s32 $0x1  }
0xbe: {  	_ =	sfence.sel $0xFFFF  }
0xbf: {  	[dreg:$0x0] =	wrdreg $0xFFFFFFFF;
	(pc) =	sbr.abs _section_cstart, $3  }
0xc0: {  	[dreg:$0x1] =	wrdreg $0xFFFFFFFF  }
0xc1: {  	_ =	task.clear_ibuf [dreg:s7], $0x2FFFF;
	_ =	strace $0x9FFFFFFF  }
0xc2: {  	(tm) =	ssettm $0x7FFFFFFF  }
0xc3: {  	_ =	shalt  }
tec
execute0_lowered:
.L_overlay_start_1:
0x0: {  	(tag) =	ssettag $0x1  }
0x1: {  	s0 =	rddreg [dreg:$0x0]  }
0x2: {  	s1 =	rddreg [dreg:$0x1];
	s2 =	simm.s32 $0x0  }
0x3: {  	s3 =	srdreg.scid;
	s7 =	stileid.u32;
	s17 =	simm.s32 $0x3  }
0x4: {  	s19 =	simm.s32 $0x80;
	s21 =	simm.s32 $0x48;
	s28 =	simm.s32 $0xC00  }
0x5: {  	s29 =	simm.s32 $0xD800;
	s22 =	simm.s32 $0x16E00;
	s23 =	simm.s32 $0xF00  }
0x6: {  	s18 =	simm.s32 $0x19700;
	s10 =	simm.s32 $0x1;
	s11 =	simm.s32 $0x20  }
0x7: {  	s12 =	simm.s32 $0x2;
	[smem:$0x7FF] =	sst s2;
	s4 =	sadd.s32 $0xF43200, s0  }
0x8: {  	s5 =	sadd.s32 $0xE00, s0;
	s3 =	sand.u32 $0x1, s3;
	s7 =	sshll.u32 s7, $0x8  }
0x9: {  	s8 =	sadd.s32 $0x10E00, s0;
	s6 =	ssub.s32 $0x2, s3;
	s3 =	sshll.u32 s3, $0x7  }
0xa: {  	_ =	strace $0x80000047;
	[dreg:$0x3] =	wrdreg s8;
	s7 =	sor.u32 s3, s7  }
0xb: {  	s8 =	sadd.s32 $0x11200, s0;
	s9 =	sshrl.u32 s6, $0x1;
	s3 =	sshll.u32 s7, $0x4  }
0xc: {  	s24 =	ssub.s32 s6, s9;
	s9 =	simm.s32 $0xF80;
	s25 =	sadd.s32 s5, s3  }
0xd: {  	s26 =	sadd.s32 s1, s3;
	s30 =	sor.u32 $0x80, s3;
	s13 =	sor.u32 $0x100, s3  }
.Ltmp0:
0xe: {  	s14 =	sor.u32 $0x180, s3;
	[dreg:$0x4] =	wrdreg s25;
	(pc) =	sbr.rel .LBB2_1-.Ltmp0, $4  }
0xf: {  	s0 =	smax.u32 s24, $0x1;
	s24 =	simm.s32 $0x17E00;
	[dreg:$0x5] =	wrdreg s26  }
0x10: {  	s3 =	simm.s32 $0x0;
	s31 =	sadd.s32 s5, s30;
	[dreg:$0x8] =	wrdreg s0  }
0x11: {  	s6 =	sadd.s32 s1, s30;
	s26 =	simm.s32 $0x400;
	[dreg:$0x6] =	wrdreg s31  }
0x12: {  	s25 =	simm.s32 $0x780;
	[dreg:$0x7] =	wrdreg s6;
	s6 =	simm.s32 $0x18700  }
.LBB2_8:
0x13: {  	s3 =	rddreg [dreg:$0x9]  }
0x14: {  	s0 =	rddreg [dreg:$0x8];
	s3 =	sadd.s32 $0x1, s3  }
0x15: {  	p0 =	sne.s32 s3, s0  }
.Ltmp1:
0x16: {  	_ = 	snop;
	(pc) =	sbr.rel @!p0 .LBB2_9-.Ltmp1, $1  }
0x17: {  	_ =	sdelay $0x3  }
.LBB2_1:
0x18: {  	[dreg:$0x9] =	wrdreg s3  }
0x19: {  	s0 =	rddreg [dreg:$0x3];
	s31 =	simm.s32 $0x1A000  }
0x1a: {  	[tilespmem:s31], [sflag:$0x3] =	stream.linear.gather [hbm4b:s0+s2], $0x1900, $0x38;
	[tilespmem:$0x1B900] =	vst v63  }
0x1b: {  	_ =	swait.ge [sflag:s17], $0x1900  }
0x1c: {  	[sflag:s17] =	ssyncset.done $0x0  }
0x1d: {  	s15 =	rddreg [dreg:$0x4];
	[sflag:s17] =	ssyncadd.s32 $0xFFFFE700  }
0x1e: {  	[tilespmem:s2], [sflag:$0x3] =	stream.linear.gather [hbm4b:s15+s2], $0x400, $0x38;
	[tilespmem:$0x1B900] =	vst v63  }
0x1f: {  	_ =	swait.ge [sflag:s17], $0x400  }
0x20: {  	[sflag:s17] =	ssyncset.done $0x0  }
0x21: {  	s20 =	simm.s32 $0x800;
	s16 =	rddreg [dreg:$0x5];
	[sflag:s17] =	ssyncadd.s32 $0xFFFFFC00  }
0x22: {  	[tilespmem:s20], [sflag:$0x3] =	stream.linear.gather [hbm4b:s16+s2], $0x400, $0x38;
	[tilespmem:$0x1B900] =	vst v63  }
0x23: {  	_ =	swait.ge [sflag:s17], $0x400  }
0x24: {  	[sflag:s17] =	ssyncset.done $0x0  }
0x25: {  	s30 =	simm.s32 $0x1000;
	[sflag:s17] =	ssyncadd.s32 $0xFFFFFC00  }
0x26: {  	[tilespmem:s30], [sflag:$0x1] =	stream.indirect.gather [hbm4b:s4+s19], $0x20, s2, s19, $0xb8;
	[tilespmem:$0x1B900] =	vst v63  }
0x27: {  	s31 =	simm.s32 $0x2000  }
0x28: {  	[tilespmem:s31], [sflag:$0x1] =	stream.indirect.gather [hbm4b:s4+s21], $0x20, s20, s21, $0xb8;
	[tilespmem:$0x1B900] =	vst v63  }
0x29: {  	s15 =	simm.s32 $0x2900  }
0x2a: {  	[tilespmem:s15], [sflag:$0x1] =	stream.indirect.gather [hbm4b:s4+s19], $0x20, s19, s19, $0xb8;
	[tilespmem:$0x1B900] =	vst v63  }
0x2b: {  	s16 =	simm.s32 $0x880;
	s20 =	simm.s32 $0x3900  }
0x2c: {  	[tilespmem:s20], [sflag:$0x1] =	stream.indirect.gather [hbm4b:s4+s21], $0x20, s16, s21, $0xb8;
	[tilespmem:$0x1B900] =	vst v63  }
0x2d: {  	s30 =	simm.s32 $0x100;
	s31 =	simm.s32 $0x4200  }
0x2e: {  	[tilespmem:s31], [sflag:$0x1] =	stream.indirect.gather [hbm4b:s4+s19], $0x20, s30, s19, $0xb8;
	[tilespmem:$0x1B900] =	vst v63  }
0x2f: {  	s3 =	simm.s32 $0x900;
	s15 =	simm.s32 $0x5200  }
0x30: {  	[tilespmem:s15], [sflag:$0x1] =	stream.indirect.gather [hbm4b:s4+s21], $0x20, s3, s21, $0xb8;
	[tilespmem:$0x1B900] =	vst v63  }
0x31: {  	s16 =	simm.s32 $0x180;
	s20 =	simm.s32 $0x5B00  }
0x32: {  	[tilespmem:s20], [sflag:$0x1] =	stream.indirect.gather [hbm4b:s4+s19], $0x20, s16, s19, $0xb8;
	[tilespmem:$0x1B900] =	vst v63  }
0x33: {  	s30 =	simm.s32 $0x980;
	s31 =	simm.s32 $0x6B00  }
0x34: {  	[tilespmem:s31], [sflag:$0x1] =	stream.indirect.gather [hbm4b:s4+s21], $0x20, s30, s21, $0xb8;
	[tilespmem:$0x1B900] =	vst v63  }
0x35: {  	s3 =	simm.s32 $0x200;
	s15 =	simm.s32 $0x7400  }
0x36: {  	[tilespmem:s15], [sflag:$0x1] =	stream.indirect.gather [hbm4b:s4+s19], $0x20, s3, s19, $0xb8;
	[tilespmem:$0x1B900] =	vst v63  }
0x37: {  	s16 =	simm.s32 $0xA00;
	s20 =	simm.s32 $0x8400  }
0x38: {  	[tilespmem:s20], [sflag:$0x1] =	stream.indirect.gather [hbm4b:s4+s21], $0x20, s16, s21, $0xb8;
	[tilespmem:$0x1B900] =	vst v63  }
0x39: {  	s30 =	simm.s32 $0x280;
	s31 =	simm.s32 $0x8D00  }
0x3a: {  	[tilespmem:s31], [sflag:$0x1] =	stream.indirect.gather [hbm4b:s4+s19], $0x20, s30, s19, $0xb8;
	[tilespmem:$0x1B900] =	vst v63  }
0x3b: {  	s3 =	simm.s32 $0xA80;
	s15 =	simm.s32 $0x9D00  }
0x3c: {  	[tilespmem:s15], [sflag:$0x1] =	stream.indirect.gather [hbm4b:s4+s21], $0x20, s3, s21, $0xb8;
	[tilespmem:$0x1B900] =	vst v63  }
0x3d: {  	s16 =	simm.s32 $0x300;
	s20 =	simm.s32 $0xA600  }
0x3e: {  	[tilespmem:s20], [sflag:$0x1] =	stream.indirect.gather [hbm4b:s4+s19], $0x20, s16, s19, $0xb8;
	[tilespmem:$0x1B900] =	vst v63  }
0x3f: {  	s30 =	simm.s32 $0xB00;
	s31 =	simm.s32 $0xB600  }
0x40: {  	[tilespmem:s31], [sflag:$0x1] =	stream.indirect.gather [hbm4b:s4+s21], $0x20, s30, s21, $0xb8;
	[tilespmem:$0x1B900] =	vst v63  }
0x41: {  	s15 =	simm.s32 $0x380;
	s16 =	simm.s32 $0xBF00  }
0x42: {  	[tilespmem:s16], [sflag:$0x1] =	stream.indirect.gather [hbm4b:s4+s19], $0x20, s15, s19, $0xb8;
	[tilespmem:$0x1B900] =	vst v63  }
0x43: {  	s20 =	simm.s32 $0xB80;
	s30 =	simm.s32 $0xCF00  }
0x44: {  	[tilespmem:s30], [sflag:$0x1] =	stream.indirect.gather [hbm4b:s4+s21], $0x20, s20, s21, $0xb8;
	[tilespmem:$0x1B900] =	vst v63  }
0x45: {  	s31 =	rddreg [dreg:$0x6]  }
0x46: {  	[tilespmem:s26], [sflag:$0x3] =	stream.linear.gather [hbm4b:s31+s2], $0x400, $0x38;
	[tilespmem:$0x1B900] =	vst v63  }
0x47: {  	_ =	swait.ge [sflag:s17], $0x400  }
0x48: {  	[sflag:s17] =	ssyncset.done $0x0  }
0x49: {  	s3 =	rddreg [dreg:$0x7];
	[sflag:s17] =	ssyncadd.s32 $0xFFFFFC00  }
0x4a: {  	[tilespmem:s28], [sflag:$0x3] =	stream.linear.gather [hbm4b:s3+s2], $0x400, $0x38;
	[tilespmem:$0x1B900] =	vst v63  }
0x4b: {  	_ =	swait.ge [sflag:s17], $0x400  }
0x4c: {  	[sflag:s17] =	ssyncset.done $0x0  }
0x4d: {  	[sflag:s17] =	ssyncadd.s32 $0xFFFFFC00  }
0x4e: {  	[tilespmem:s29], [sflag:$0x2] =	stream.indirect.gather [hbm4b:s4+s19], $0x20, s26, s19, $0xb8;
	[tilespmem:$0x1B900] =	vst v63  }
0x4f: {  	s15 =	simm.s32 $0xE800  }
0x50: {  	[tilespmem:s15], [sflag:$0x2] =	stream.indirect.gather [hbm4b:s4+s21], $0x20, s28, s21, $0xb8;
	[tilespmem:$0x1B900] =	vst v63  }
0x51: {  	s16 =	simm.s32 $0x480;
	s20 =	simm.s32 $0xF100  }
0x52: {  	[tilespmem:s20], [sflag:$0x2] =	stream.indirect.gather [hbm4b:s4+s19], $0x20, s16, s19, $0xb8;
	[tilespmem:$0x1B900] =	vst v63  }
0x53: {  	s30 =	simm.s32 $0xC80;
	s31 =	simm.s32 $0x10100  }
0x54: {  	[tilespmem:s31], [sflag:$0x2] =	stream.indirect.gather [hbm4b:s4+s21], $0x20, s30, s21, $0xb8;
	[tilespmem:$0x1B900] =	vst v63  }
0x55: {  	s3 =	simm.s32 $0x500;
	s15 =	simm.s32 $0x10A00  }
0x56: {  	[tilespmem:s15], [sflag:$0x2] =	stream.indirect.gather [hbm4b:s4+s19], $0x20, s3, s19, $0xb8;
	[tilespmem:$0x1B900] =	vst v63  }
0x57: {  	s16 =	simm.s32 $0xD00;
	s20 =	simm.s32 $0x11A00  }
0x58: {  	[tilespmem:s20], [sflag:$0x2] =	stream.indirect.gather [hbm4b:s4+s21], $0x20, s16, s21, $0xb8;
	[tilespmem:$0x1B900] =	vst v63  }
0x59: {  	s30 =	simm.s32 $0x580;
	s31 =	simm.s32 $0x12300  }
0x5a: {  	[tilespmem:s31], [sflag:$0x2] =	stream.indirect.gather [hbm4b:s4+s19], $0x20, s30, s19, $0xb8;
	[tilespmem:$0x1B900] =	vst v63  }
0x5b: {  	s3 =	simm.s32 $0xD80;
	s15 =	simm.s32 $0x13300  }
0x5c: {  	[tilespmem:s15], [sflag:$0x2] =	stream.indirect.gather [hbm4b:s4+s21], $0x20, s3, s21, $0xb8;
	[tilespmem:$0x1B900] =	vst v63  }
0x5d: {  	s16 =	simm.s32 $0x600;
	s20 =	simm.s32 $0x13C00  }
0x5e: {  	[tilespmem:s20], [sflag:$0x2] =	stream.indirect.gather [hbm4b:s4+s19], $0x20, s16, s19, $0xb8;
	[tilespmem:$0x1B900] =	vst v63  }
0x5f: {  	s30 =	simm.s32 $0xE00;
	s31 =	simm.s32 $0x14C00  }
0x60: {  	[tilespmem:s31], [sflag:$0x2] =	stream.indirect.gather [hbm4b:s4+s21], $0x20, s30, s21, $0xb8;
	[tilespmem:$0x1B900] =	vst v63  }
0x61: {  	s15 =	simm.s32 $0x680;
	s16 =	simm.s32 $0x15500  }
0x62: {  	[tilespmem:s16], [sflag:$0x2] =	stream.indirect.gather [hbm4b:s4+s19], $0x20, s15, s19, $0xb8;
	[tilespmem:$0x1B900] =	vst v63  }
0x63: {  	s20 =	simm.s32 $0xE80;
	s30 =	simm.s32 $0x16500  }
0x64: {  	[tilespmem:s30], [sflag:$0x2] =	stream.indirect.gather [hbm4b:s4+s21], $0x20, s20, s21, $0xb8;
	[tilespmem:$0x1B900] =	vst v63  }
0x65: {  	s31 =	simm.s32 $0x700  }
0x66: {  	[tilespmem:s22], [sflag:$0x2] =	stream.indirect.gather [hbm4b:s4+s19], $0x20, s31, s19, $0xb8;
	[tilespmem:$0x1B900] =	vst v63  }
0x67: {  	_ = 	snop  }
0x68: {  	[tilespmem:s24], [sflag:$0x2] =	stream.indirect.gather [hbm4b:s4+s21], $0x20, s23, s21, $0xb8;
	[tilespmem:$0x1B900] =	vst v63  }
0x69: {  	_ = 	snop  }
0x6a: {  	[tilespmem:s6], [sflag:$0x2] =	stream.indirect.gather [hbm4b:s4+s19], $0x20, s25, s19, $0xb8;
	[tilespmem:$0x1B900] =	vst v63  }
0x6b: {  	s15 =	simm.s32 $0x0  }
0x6c: {  	[tilespmem:s18], [sflag:$0x2] =	stream.indirect.gather [hbm4b:s4+s21], $0x20, s9, s21, $0xb8;
	[tilespmem:$0x1B900] =	vst v63  }
.LBB2_2:
0x6d: {  	_ =	swait.ge [sflag:s10], $0x1000  }
0x6e: {  	[sflag:s10] =	ssyncset.done $0x0  }
0x6f: {  	[sflag:s10] =	ssyncadd.s32 $0xFFFFF000  }
0x70: {  	_ =	swait.ge [sflag:s10], $0x900  }
0x71: {  	[sflag:s10] =	ssyncset.done $0x0  }
0x72: {  	[sflag:s10] =	ssyncadd.s32 $0xFFFFF700  }
0x73: {  	_ =	swait.ge [sflag:s10], $0x1000  }
0x74: {  	[sflag:s10] =	ssyncset.done $0x0  }
0x75: {  	[sflag:s10] =	ssyncadd.s32 $0xFFFFF000  }
0x76: {  	_ =	swait.ge [sflag:s10], $0x900  }
0x77: {  	[sflag:s10] =	ssyncset.done $0x0  }
0x78: {  	[sflag:s10] =	ssyncadd.s32 $0xFFFFF700  }
0x79: {  	_ =	swait.ge [sflag:s10], $0x1000  }
0x7a: {  	[sflag:s10] =	ssyncset.done $0x0  }
0x7b: {  	[sflag:s10] =	ssyncadd.s32 $0xFFFFF000  }
0x7c: {  	_ =	swait.ge [sflag:s10], $0x900  }
0x7d: {  	[sflag:s10] =	ssyncset.done $0x0  }
0x7e: {  	[sflag:s10] =	ssyncadd.s32 $0xFFFFF700  }
0x7f: {  	_ =	swait.ge [sflag:s10], $0x1000  }
0x80: {  	[sflag:s10] =	ssyncset.done $0x0  }
0x81: {  	[sflag:s10] =	ssyncadd.s32 $0xFFFFF000  }
0x82: {  	_ =	swait.ge [sflag:s10], $0x900  }
0x83: {  	[sflag:s10] =	ssyncset.done $0x0  }
0x84: {  	[sflag:s10] =	ssyncadd.s32 $0xFFFFF700  }
0x85: {  	_ =	swait.ge [sflag:s10], $0x1000  }
0x86: {  	[sflag:s10] =	ssyncset.done $0x0  }
0x87: {  	[sflag:s10] =	ssyncadd.s32 $0xFFFFF000  }
0x88: {  	_ =	swait.ge [sflag:s10], $0x900  }
0x89: {  	[sflag:s10] =	ssyncset.done $0x0  }
0x8a: {  	[sflag:s10] =	ssyncadd.s32 $0xFFFFF700  }
0x8b: {  	_ =	swait.ge [sflag:s10], $0x1000  }
0x8c: {  	[sflag:s10] =	ssyncset.done $0x0  }
0x8d: {  	[sflag:s10] =	ssyncadd.s32 $0xFFFFF000  }
0x8e: {  	_ =	swait.ge [sflag:s10], $0x900  }
0x8f: {  	[sflag:s10] =	ssyncset.done $0x0  }
0x90: {  	[sflag:s10] =	ssyncadd.s32 $0xFFFFF700  }
0x91: {  	_ =	swait.ge [sflag:s10], $0x1000  }
0x92: {  	[sflag:s10] =	ssyncset.done $0x0  }
0x93: {  	[sflag:s10] =	ssyncadd.s32 $0xFFFFF000  }
0x94: {  	_ =	swait.ge [sflag:s10], $0x900  }
0x95: {  	[sflag:s10] =	ssyncset.done $0x0  }
0x96: {  	[sflag:s10] =	ssyncadd.s32 $0xFFFFF700  }
0x97: {  	_ =	swait.ge [sflag:s10], $0x1000  }
0x98: {  	[sflag:s10] =	ssyncset.done $0x0  }
0x99: {  	[sflag:s10] =	ssyncadd.s32 $0xFFFFF000  }
0x9a: {  	_ =	swait.ge [sflag:s10], $0x900  }
0x9b: {  	[sflag:s10] =	ssyncset.done $0x0  }
0x9c: {  	s20 =	simm.s32 $0x0;
	[sflag:s10] =	ssyncadd.s32 $0xFFFFF700  }
0x9d: {  	v1 =	vld [tilespmem:s20+$0x1A000]  }
0x9e: {  	v0 =	vld [tilespmem:s20+$0x1A010]  }
0x9f: {  	v2 =	vld [tilespmem:s20+$0x1000]  }
0xa0: {  	v3 =	vld [tilespmem:s20+$0x1010]  }
0xa1: {  	v4 =	vld [tilespmem:s20+$0x2900]  }
0xa2: {  	v5 =	vld [tilespmem:s20+$0x2910]  }
0xa3: {  	v6 =	vld [tilespmem:s20+$0x4200]  }
0xa4: {  	v7 =	vld [tilespmem:s20+$0x4210];
	v2 =	vadd.f32 v2, v1  }
0xa5: {  	v8 =	vld [tilespmem:s20+$0x5B00];
	v3 =	vadd.f32 v3, v0  }
0xa6: {  	v9 =	vld [tilespmem:s20+$0x5B10];
	[tilespmem:s20+$0x1000] =	vst v2;
	v2 =	vadd.f32 v4, v1  }
0xa7: {  	v10 =	vld [tilespmem:s20+$0x7400];
	[tilespmem:s20+$0x1010] =	vst v3;
	v3 =	vadd.f32 v5, v0  }
0xa8: {  	v11 =	vld [tilespmem:s20+$0x7410];
	[tilespmem:s20+$0x2900] =	vst v2;
	v2 =	vadd.f32 v6, v1  }
0xa9: {  	v4 =	vadd.f32 v7, v0;
	[tilespmem:s20+$0x2910] =	vst v3;
	v3 =	vld [tilespmem:s20+$0x8D00]  }
0xaa: {  	v5 =	vadd.f32 v8, v1;
	[tilespmem:s20+$0x4200] =	vst v2;
	v2 =	vld [tilespmem:s20+$0x8D10]  }
0xab: {  	[tilespmem:s20+$0x4210] =	vst v4;
	v4 =	vld [tilespmem:s20+$0xA600];
	v6 =	vadd.f32 v9, v0  }
0xac: {  	v8 =	vadd.f32 v10, v1;
	[tilespmem:s20+$0x5B00] =	vst v5;
	v5 =	vld [tilespmem:s20+$0xA610]  }
0xad: {  	s30 =	simm.s32 $0x80;
	v7 =	vadd.f32 v11, v0;
	[tilespmem:s20+$0x5B10] =	vst v6;
	v6 =	vld [tilespmem:s20+$0xBF00]  }
.LBB2_3:
0xae: {  	s0 =	sshra.s32 s30, $0x2;
	p0 =	sne.s32 s30, $0x6380;
	[tilespmem:s20+$0x7400] =	vst v8;
	v3 =	vadd.f32 v3, v1;
	v8 =	vld [tilespmem:s20+$0xBF10]  }
0xaf: {  	v9 =	vld [tilespmem:s0+$0x1A000];
	[tilespmem:s20+$0x7410] =	vst v7;
	v2 =	vadd.f32 v2, v0  }
0xb0: {  	v7 =	vld [tilespmem:s0+$0x1A010];
	[tilespmem:s20+$0x8D00] =	vst v3;
	v3 =	vadd.f32 v4, v1  }
0xb1: {  	v4 =	vld [tilespmem:s0+$0x1000];
	[tilespmem:s20+$0x8D10] =	vst v2;
	v2 =	vadd.f32 v5, v0  }
0xb2: {  	v5 =	vld [tilespmem:s0+$0x1010];
	[tilespmem:s20+$0xA600] =	vst v3;
	v6 =	vadd.f32 v6, v1  }
0xb3: {  	v3 =	vld [tilespmem:s0+$0x2900];
	[tilespmem:s20+$0xA610] =	vst v2;
	v8 =	vadd.f32 v8, v0  }
0xb4: {  	v2 =	vld [tilespmem:s0+$0x2910];
	[tilespmem:s20+$0xBF00] =	vst v6;
	v1 =	vmov v9  }
0xb5: {  	v6 =	vld [tilespmem:s0+$0x4200];
	[tilespmem:s20+$0xBF10] =	vst v8;
	v0 =	vmov v7;
	s20 =	smov.u32 s0  }
0xb6: {  	v4 =	vadd.f32 v4, v1;
	v7 =	vld [tilespmem:s20+$0x4210]  }
0xb7: {  	v5 =	vadd.f32 v5, v0;
	v8 =	vld [tilespmem:s20+$0x5B00]  }
0xb8: {  	[tilespmem:s20+$0x1000] =	vst v4;
	v3 =	vadd.f32 v3, v1;
	v4 =	vld [tilespmem:s20+$0x5B10]  }
0xb9: {  	[tilespmem:s20+$0x1010] =	vst v5;
	v2 =	vadd.f32 v2, v0;
	v5 =	vld [tilespmem:s20+$0x7400]  }
0xba: {  	[tilespmem:s20+$0x2900] =	vst v3;
	v6 =	vadd.f32 v6, v1;
	v9 =	vld [tilespmem:s20+$0x7410]  }
.Ltmp2:
0xbb: {  	[tilespmem:s20+$0x2910] =	vst v2;
	v7 =	vadd.f32 v7, v0;
	v3 =	vld [tilespmem:s20+$0x8D00];
	(pc) =	sbr.rel @p0 .LBB2_3-.Ltmp2, $4  }
0xbc: {  	[tilespmem:s20+$0x4200] =	vst v6;
	v6 =	vadd.f32 v8, v1;
	v2 =	vld [tilespmem:s20+$0x8D10]  }
0xbd: {  	[tilespmem:s20+$0x4210] =	vst v7;
	v7 =	vadd.f32 v4, v0;
	v4 =	vld [tilespmem:s20+$0xA600]  }
0xbe: {  	[tilespmem:s20+$0x5B00] =	vst v6;
	v8 =	vadd.f32 v5, v1;
	v5 =	vld [tilespmem:s20+$0xA610]  }
0xbf: {  	s30 =	sadd.s32 $0x80, s30;
	[tilespmem:s20+$0x5B10] =	vst v7;
	v7 =	vadd.f32 v9, v0;
	v6 =	vld [tilespmem:s20+$0xBF00]  }
0xc0: {  	[tilespmem:s20+$0x7400] =	vst v8;
	v3 =	vadd.f32 v3, v1;
	v8 =	vld [tilespmem:s20+$0xBF10]  }
0xc1: {  	[tilespmem:s20+$0x7410] =	vst v7;
	v2 =	vadd.f32 v2, v0  }
0xc2: {  	[tilespmem:s20+$0x8D00] =	vst v3;
	v3 =	vadd.f32 v4, v1  }
0xc3: {  	s30 =	sshll.u32 s15, $0x4;
	[tilespmem:s20+$0x8D10] =	vst v2;
	v2 =	vadd.f32 v5, v0  }
0xc4: {  	s0 =	sadd.s32 s7, s30;
	[tilespmem:s20+$0xA600] =	vst v3;
	v1 =	vadd.f32 v6, v1  }
0xc5: {  	s0 =	smul.u32 $0xC80, s0;
	[tilespmem:s20+$0xA610] =	vst v2;
	v0 =	vadd.f32 v8, v0  }
0xc6: {  	[tilespmem:s20+$0xBF00] =	vst v1  }
0xc7: {  	s3 =	simm.s32 $0x1000;
	s0 =	sadd.s32 s8, s0;
	[tilespmem:s20+$0xBF10] =	vst v0  }
0xc8: {  	[hbm4b:s0+s11] =	stream.strided.scatter [tilespmem:s3], [sflag:$0x3], $0xC800, s19, s11, $0x38;
	[tilespmem:$0x1B900] =	vst v63  }
0xc9: {  	p0 =	seq.s32 s15, $0x7;
	s20 =	sshll.u32 s15, $0x8;
	_ =	swait.ge [sflag:s17], $0xC800  }
0xca: {  	s0 =	sadd.s32 @!p0 s20, s13;
	[sflag:s17] =	ssyncset.done $0x0  }
0xcb: {  	s3 =	simm.s32 @!p0 $0x0;
	s31 =	sadd.s32 @!p0 s5, s0;
	[sflag:s17] =	ssyncadd.s32 $0xFFFF3800  }
0xcc: {  	[tilespmem:s3], [sflag:$0x3] =	stream.linear.gather @!p0 [hbm4b:s31+s3], $0x400, $0x38;
	[tilespmem:$0x1B900] =	vst v63  }
0xcd: {  	s31 =	simm.s32 @!p0 $0x3  }
0xce: {  	_ =	swait.ge @!p0 [sflag:s31], $0x400  }
0xcf: {  	[sflag:s31] =	ssyncset.done @!p0 $0x0  }
0xd0: {  	s16 =	simm.s32 @!p0 $0x800;
	s0 =	sadd.s32 @!p0 s1, s0;
	[sflag:s31] =	ssyncadd.s32 @!p0 $0xFFFFFC00  }
0xd1: {  	[tilespmem:s16], [sflag:$0x3] =	stream.linear.gather @!p0 [hbm4b:s0+s3], $0x400, $0x38;
	[tilespmem:$0x1B900] =	vst v63  }
0xd2: {  	_ =	swait.ge @!p0 [sflag:s31], $0x400  }
0xd3: {  	[sflag:s31] =	ssyncset.done @!p0 $0x0  }
0xd4: {  	s0 =	simm.s32 @!p0 $0x80;
	[sflag:s31] =	ssyncadd.s32 @!p0 $0xFFFFFC00;
	s31 =	simm.s32 @!p0 $0x1000  }
0xd5: {  	[tilespmem:s31], [sflag:$0x1] =	stream.indirect.gather @!p0 [hbm4b:s4+s0], $0x20, s3, s0, $0xb8;
	[tilespmem:$0x1B900] =	vst v63  }
0xd6: {  	s3 =	simm.s32 @!p0 $0x48;
	s31 =	simm.s32 @!p0 $0x2000  }
0xd7: {  	[tilespmem:s31], [sflag:$0x1] =	stream.indirect.gather @!p0 [hbm4b:s4+s3], $0x20, s16, s3, $0xb8;
	[tilespmem:$0x1B900] =	vst v63  }
0xd8: {  	s16 =	simm.s32 @!p0 $0x2900  }
0xd9: {  	[tilespmem:s16], [sflag:$0x1] =	stream.indirect.gather @!p0 [hbm4b:s4+s0], $0x20, s0, s0, $0xb8;
	[tilespmem:$0x1B900] =	vst v63  }
0xda: {  	s31 =	simm.s32 @!p0 $0x3900;
	s16 =	simm.s32 @!p0 $0x880  }
0xdb: {  	[tilespmem:s31], [sflag:$0x1] =	stream.indirect.gather @!p0 [hbm4b:s4+s3], $0x20, s16, s3, $0xb8;
	[tilespmem:$0x1B900] =	vst v63  }
0xdc: {  	s16 =	simm.s32 @!p0 $0x100;
	s31 =	simm.s32 @!p0 $0x4200  }
0xdd: {  	[tilespmem:s31], [sflag:$0x1] =	stream.indirect.gather @!p0 [hbm4b:s4+s0], $0x20, s16, s0, $0xb8;
	[tilespmem:$0x1B900] =	vst v63  }
0xde: {  	s16 =	simm.s32 @!p0 $0x900;
	s31 =	simm.s32 @!p0 $0x5200  }
0xdf: {  	[tilespmem:s31], [sflag:$0x1] =	stream.indirect.gather @!p0 [hbm4b:s4+s3], $0x20, s16, s3, $0xb8;
	[tilespmem:$0x1B900] =	vst v63  }
0xe0: {  	s16 =	simm.s32 @!p0 $0x180;
	s31 =	simm.s32 @!p0 $0x5B00  }
0xe1: {  	[tilespmem:s31], [sflag:$0x1] =	stream.indirect.gather @!p0 [hbm4b:s4+s0], $0x20, s16, s0, $0xb8;
	[tilespmem:$0x1B900] =	vst v63  }
0xe2: {  	s16 =	simm.s32 @!p0 $0x980;
	s31 =	simm.s32 @!p0 $0x6B00  }
0xe3: {  	[tilespmem:s31], [sflag:$0x1] =	stream.indirect.gather @!p0 [hbm4b:s4+s3], $0x20, s16, s3, $0xb8;
	[tilespmem:$0x1B900] =	vst v63  }
0xe4: {  	s16 =	simm.s32 @!p0 $0x200;
	s31 =	simm.s32 @!p0 $0x7400  }
0xe5: {  	[tilespmem:s31], [sflag:$0x1] =	stream.indirect.gather @!p0 [hbm4b:s4+s0], $0x20, s16, s0, $0xb8;
	[tilespmem:$0x1B900] =	vst v63  }
0xe6: {  	s16 =	simm.s32 @!p0 $0xA00;
	s31 =	simm.s32 @!p0 $0x8400  }
0xe7: {  	[tilespmem:s31], [sflag:$0x1] =	stream.indirect.gather @!p0 [hbm4b:s4+s3], $0x20, s16, s3, $0xb8;
	[tilespmem:$0x1B900] =	vst v63  }
0xe8: {  	s16 =	simm.s32 @!p0 $0x280;
	s31 =	simm.s32 @!p0 $0x8D00  }
0xe9: {  	[tilespmem:s31], [sflag:$0x1] =	stream.indirect.gather @!p0 [hbm4b:s4+s0], $0x20, s16, s0, $0xb8;
	[tilespmem:$0x1B900] =	vst v63  }
0xea: {  	s16 =	simm.s32 @!p0 $0xA80;
	s31 =	simm.s32 @!p0 $0x9D00  }
0xeb: {  	[tilespmem:s31], [sflag:$0x1] =	stream.indirect.gather @!p0 [hbm4b:s4+s3], $0x20, s16, s3, $0xb8;
	[tilespmem:$0x1B900] =	vst v63  }
0xec: {  	s16 =	simm.s32 @!p0 $0x300;
	s31 =	simm.s32 @!p0 $0xA600  }
0xed: {  	[tilespmem:s31], [sflag:$0x1] =	stream.indirect.gather @!p0 [hbm4b:s4+s0], $0x20, s16, s0, $0xb8;
	[tilespmem:$0x1B900] =	vst v63  }
0xee: {  	s16 =	simm.s32 @!p0 $0xB00;
	s31 =	simm.s32 @!p0 $0xB600  }
0xef: {  	[tilespmem:s31], [sflag:$0x1] =	stream.indirect.gather @!p0 [hbm4b:s4+s3], $0x20, s16, s3, $0xb8;
	[tilespmem:$0x1B900] =	vst v63  }
0xf0: {  	s16 =	simm.s32 @!p0 $0x380;
	s31 =	simm.s32 @!p0 $0xBF00  }
0xf1: {  	[tilespmem:s31], [sflag:$0x1] =	stream.indirect.gather @!p0 [hbm4b:s4+s0], $0x20, s16, s0, $0xb8;
	[tilespmem:$0x1B900] =	vst v63  }
0xf2: {  	s0 =	simm.s32 @!p0 $0xB80;
	s16 =	simm.s32 @!p0 $0xCF00  }
0xf3: {  	[tilespmem:s16], [sflag:$0x1] =	stream.indirect.gather @!p0 [hbm4b:s4+s3], $0x20, s0, s3, $0xb8;
	[tilespmem:$0x1B900] =	vst v63  }
0xf4: {  	_ =	swait.ge [sflag:s12], $0x1000  }
0xf5: {  	[sflag:s12] =	ssyncset.done $0x0  }
0xf6: {  	[sflag:s12] =	ssyncadd.s32 $0xFFFFF000  }
0xf7: {  	_ =	swait.ge [sflag:s12], $0x900  }
0xf8: {  	[sflag:s12] =	ssyncset.done $0x0  }
0xf9: {  	[sflag:s12] =	ssyncadd.s32 $0xFFFFF700  }
0xfa: {  	_ =	swait.ge [sflag:s12], $0x1000  }
0xfb: {  	[sflag:s12] =	ssyncset.done $0x0  }
0xfc: {  	[sflag:s12] =	ssyncadd.s32 $0xFFFFF000  }
0xfd: {  	_ =	swait.ge [sflag:s12], $0x900  }
0xfe: {  	[sflag:s12] =	ssyncset.done $0x0  }
0xff: {  	[sflag:s12] =	ssyncadd.s32 $0xFFFFF700  }
0x100: {  	_ =	swait.ge [sflag:s12], $0x1000  }
0x101: {  	[sflag:s12] =	ssyncset.done $0x0  }
0x102: {  	[sflag:s12] =	ssyncadd.s32 $0xFFFFF000  }
0x103: {  	_ =	swait.ge [sflag:s12], $0x900  }
0x104: {  	[sflag:s12] =	ssyncset.done $0x0  }
0x105: {  	[sflag:s12] =	ssyncadd.s32 $0xFFFFF700  }
0x106: {  	_ =	swait.ge [sflag:s12], $0x1000  }
0x107: {  	[sflag:s12] =	ssyncset.done $0x0  }
0x108: {  	[sflag:s12] =	ssyncadd.s32 $0xFFFFF000  }
0x109: {  	_ =	swait.ge [sflag:s12], $0x900  }
0x10a: {  	[sflag:s12] =	ssyncset.done $0x0  }
0x10b: {  	[sflag:s12] =	ssyncadd.s32 $0xFFFFF700  }
0x10c: {  	_ =	swait.ge [sflag:s12], $0x1000  }
0x10d: {  	[sflag:s12] =	ssyncset.done $0x0  }
0x10e: {  	[sflag:s12] =	ssyncadd.s32 $0xFFFFF000  }
0x10f: {  	_ =	swait.ge [sflag:s12], $0x900  }
0x110: {  	[sflag:s12] =	ssyncset.done $0x0  }
0x111: {  	[sflag:s12] =	ssyncadd.s32 $0xFFFFF700  }
0x112: {  	_ =	swait.ge [sflag:s12], $0x1000  }
0x113: {  	[sflag:s12] =	ssyncset.done $0x0  }
0x114: {  	[sflag:s12] =	ssyncadd.s32 $0xFFFFF000  }
0x115: {  	_ =	swait.ge [sflag:s12], $0x900  }
0x116: {  	[sflag:s12] =	ssyncset.done $0x0  }
0x117: {  	[sflag:s12] =	ssyncadd.s32 $0xFFFFF700  }
0x118: {  	_ =	swait.ge [sflag:s12], $0x1000  }
0x119: {  	[sflag:s12] =	ssyncset.done $0x0  }
0x11a: {  	[sflag:s12] =	ssyncadd.s32 $0xFFFFF000  }
0x11b: {  	_ =	swait.ge [sflag:s12], $0x900  }
0x11c: {  	[sflag:s12] =	ssyncset.done $0x0  }
0x11d: {  	[sflag:s12] =	ssyncadd.s32 $0xFFFFF700  }
0x11e: {  	_ =	swait.ge [sflag:s12], $0x1000  }
0x11f: {  	[sflag:s12] =	ssyncset.done $0x0  }
0x120: {  	[sflag:s12] =	ssyncadd.s32 $0xFFFFF000  }
0x121: {  	_ =	swait.ge [sflag:s12], $0x900  }
0x122: {  	[sflag:s12] =	ssyncset.done $0x0  }
0x123: {  	s31 =	simm.s32 $0x0;
	[sflag:s12] =	ssyncadd.s32 $0xFFFFF700  }
0x124: {  	v1 =	vld [tilespmem:s31+$0x1A000]  }
0x125: {  	v0 =	vld [tilespmem:s31+$0x1A010]  }
0x126: {  	v2 =	vld [tilespmem:s31+$0xD800]  }
0x127: {  	v3 =	vld [tilespmem:s31+$0xD810]  }
0x128: {  	v4 =	vld [tilespmem:s31+$0xF100]  }
0x129: {  	v5 =	vld [tilespmem:s31+$0xF110]  }
0x12a: {  	v6 =	vld [tilespmem:s31+$0x10A00]  }
0x12b: {  	v7 =	vld [tilespmem:s31+$0x10A10];
	v2 =	vadd.f32 v2, v1  }
0x12c: {  	v8 =	vld [tilespmem:s31+$0x12300];
	v3 =	vadd.f32 v3, v0  }
0x12d: {  	v9 =	vld [tilespmem:s31+$0x12310];
	[tilespmem:s31+$0xD800] =	vst v2;
	v2 =	vadd.f32 v4, v1  }
0x12e: {  	v10 =	vld [tilespmem:s31+$0x13C00];
	[tilespmem:s31+$0xD810] =	vst v3;
	v3 =	vadd.f32 v5, v0  }
0x12f: {  	v11 =	vld [tilespmem:s31+$0x13C10];
	[tilespmem:s31+$0xF100] =	vst v2;
	v2 =	vadd.f32 v6, v1  }
0x130: {  	v4 =	vadd.f32 v7, v0;
	[tilespmem:s31+$0xF110] =	vst v3;
	v3 =	vld [tilespmem:s31+$0x15500]  }
0x131: {  	v5 =	vadd.f32 v8, v1;
	[tilespmem:s31+$0x10A00] =	vst v2;
	v2 =	vld [tilespmem:s31+$0x15510]  }
0x132: {  	[tilespmem:s31+$0x10A10] =	vst v4;
	v4 =	vld [tilespmem:s31+$0x16E00];
	v6 =	vadd.f32 v9, v0  }
0x133: {  	v8 =	vadd.f32 v10, v1;
	[tilespmem:s31+$0x12300] =	vst v5;
	v5 =	vld [tilespmem:s31+$0x16E10]  }
0x134: {  	s0 =	simm.s32 $0x80;
	v7 =	vadd.f32 v11, v0;
	[tilespmem:s31+$0x12310] =	vst v6;
	v6 =	vld [tilespmem:s31+$0x18700]  }
.LBB2_5:
0x135: {  	s3 =	sshra.s32 s0, $0x2;
	p1 =	sne.s32 s0, $0x6380;
	[tilespmem:s31+$0x13C00] =	vst v8;
	v3 =	vadd.f32 v3, v1;
	v8 =	vld [tilespmem:s31+$0x18710]  }
0x136: {  	v9 =	vld [tilespmem:s3+$0x1A000];
	[tilespmem:s31+$0x13C10] =	vst v7;
	v2 =	vadd.f32 v2, v0  }
0x137: {  	v7 =	vld [tilespmem:s3+$0x1A010];
	[tilespmem:s31+$0x15500] =	vst v3;
	v3 =	vadd.f32 v4, v1  }
0x138: {  	v4 =	vld [tilespmem:s3+$0xD800];
	[tilespmem:s31+$0x15510] =	vst v2;
	v2 =	vadd.f32 v5, v0  }
0x139: {  	v5 =	vld [tilespmem:s3+$0xD810];
	[tilespmem:s31+$0x16E00] =	vst v3;
	v6 =	vadd.f32 v6, v1  }
0x13a: {  	v3 =	vld [tilespmem:s3+$0xF100];
	[tilespmem:s31+$0x16E10] =	vst v2;
	v8 =	vadd.f32 v8, v0  }
0x13b: {  	v2 =	vld [tilespmem:s3+$0xF110];
	[tilespmem:s31+$0x18700] =	vst v6;
	v1 =	vmov v9  }
0x13c: {  	v6 =	vld [tilespmem:s3+$0x10A00];
	[tilespmem:s31+$0x18710] =	vst v8;
	v0 =	vmov v7;
	s31 =	smov.u32 s3  }
0x13d: {  	v4 =	vadd.f32 v4, v1;
	v7 =	vld [tilespmem:s31+$0x10A10]  }
0x13e: {  	v5 =	vadd.f32 v5, v0;
	v8 =	vld [tilespmem:s31+$0x12300]  }
0x13f: {  	[tilespmem:s31+$0xD800] =	vst v4;
	v3 =	vadd.f32 v3, v1;
	v4 =	vld [tilespmem:s31+$0x12310]  }
0x140: {  	[tilespmem:s31+$0xD810] =	vst v5;
	v2 =	vadd.f32 v2, v0;
	v5 =	vld [tilespmem:s31+$0x13C00]  }
0x141: {  	[tilespmem:s31+$0xF100] =	vst v3;
	v6 =	vadd.f32 v6, v1;
	v9 =	vld [tilespmem:s31+$0x13C10]  }
.Ltmp3:
0x142: {  	[tilespmem:s31+$0xF110] =	vst v2;
	v7 =	vadd.f32 v7, v0;
	v3 =	vld [tilespmem:s31+$0x15500];
	(pc) =	sbr.rel @p1 .LBB2_5-.Ltmp3, $4  }
0x143: {  	[tilespmem:s31+$0x10A00] =	vst v6;
	v6 =	vadd.f32 v8, v1;
	v2 =	vld [tilespmem:s31+$0x15510]  }
0x144: {  	[tilespmem:s31+$0x10A10] =	vst v7;
	v7 =	vadd.f32 v4, v0;
	v4 =	vld [tilespmem:s31+$0x16E00]  }
0x145: {  	[tilespmem:s31+$0x12300] =	vst v6;
	v8 =	vadd.f32 v5, v1;
	v5 =	vld [tilespmem:s31+$0x16E10]  }
0x146: {  	s0 =	sadd.s32 $0x80, s0;
	[tilespmem:s31+$0x12310] =	vst v7;
	v7 =	vadd.f32 v9, v0;
	v6 =	vld [tilespmem:s31+$0x18700]  }
0x147: {  	[tilespmem:s31+$0x13C00] =	vst v8;
	v3 =	vadd.f32 v3, v1;
	v59 =	vld [tilespmem:s31+$0x18710]  }
0x148: {  	[tilespmem:s31+$0x13C10] =	vst v7;
	v2 =	vadd.f32 v2, v0  }
0x149: {  	[tilespmem:s31+$0x15500] =	vst v3;
	v60 =	vadd.f32 v4, v1  }
0x14a: {  	s0 =	sadd.s32 s30, s7;
	[tilespmem:s31+$0x15510] =	vst v2;
	v61 =	vadd.f32 v5, v0  }
0x14b: {  	s0 =	smul.u32 $0xC80, s0;
	[tilespmem:s31+$0x16E00] =	vst v60;
	v62 =	vadd.f32 v6, v1  }
0x14c: {  	[tilespmem:s31+$0x16E10] =	vst v61;
	v63 =	vadd.f32 v59, v0  }
0x14d: {  	s0 =	sadd.s32 s8, s0;
	[tilespmem:s31+$0x18700] =	vst v62  }
.Ltmp4:
0x14e: {  	s0 =	sadd.s32 $0x6400, s0;
	[tilespmem:s31+$0x18710] =	vst v63;
	(pc) =	sbr.rel @p0 .LBB2_8-.Ltmp4, $4  }
0x14f: {  	[hbm4b:s0+s11] =	stream.strided.scatter [tilespmem:s29], [sflag:$0x3], $0xC800, s19, s11, $0x38;
	[tilespmem:$0x1B900] =	vst v63  }
0x150: {  	_ =	swait.ge [sflag:s17], $0xC800  }
0x151: {  	[sflag:s17] =	ssyncset.done $0x0  }
0x152: {  	[sflag:s17] =	ssyncadd.s32 $0xFFFF3800  }
0x153: {  	s0 =	sadd.s32 s20, s14  }
0x154: {  	s3 =	sadd.s32 s5, s0  }
0x155: {  	[tilespmem:s26], [sflag:$0x3] =	stream.linear.gather [hbm4b:s3+s2], $0x400, $0x38;
	[tilespmem:$0x1B900] =	vst v63  }
0x156: {  	_ =	swait.ge [sflag:s17], $0x400  }
0x157: {  	[sflag:s17] =	ssyncset.done $0x0  }
0x158: {  	s0 =	sadd.s32 s1, s0;
	[sflag:s17] =	ssyncadd.s32 $0xFFFFFC00  }
0x159: {  	[tilespmem:s28], [sflag:$0x3] =	stream.linear.gather [hbm4b:s0+s2], $0x400, $0x38;
	[tilespmem:$0x1B900] =	vst v63  }
0x15a: {  	_ =	swait.ge [sflag:s17], $0x400  }
0x15b: {  	[sflag:s17] =	ssyncset.done $0x0  }
0x15c: {  	[sflag:s17] =	ssyncadd.s32 $0xFFFFFC00  }
0x15d: {  	[tilespmem:s29], [sflag:$0x2] =	stream.indirect.gather [hbm4b:s4+s19], $0x20, s26, s19, $0xb8;
	[tilespmem:$0x1B900] =	vst v63  }
0x15e: {  	s3 =	simm.s32 $0xE800  }
0x15f: {  	[tilespmem:s3], [sflag:$0x2] =	stream.indirect.gather [hbm4b:s4+s21], $0x20, s28, s21, $0xb8;
	[tilespmem:$0x1B900] =	vst v63  }
0x160: {  	s16 =	simm.s32 $0x480;
	s20 =	simm.s32 $0xF100  }
0x161: {  	[tilespmem:s20], [sflag:$0x2] =	stream.indirect.gather [hbm4b:s4+s19], $0x20, s16, s19, $0xb8;
	[tilespmem:$0x1B900] =	vst v63  }
0x162: {  	s30 =	simm.s32 $0xC80;
	s31 =	simm.s32 $0x10100  }
0x163: {  	[tilespmem:s31], [sflag:$0x2] =	stream.indirect.gather [hbm4b:s4+s21], $0x20, s30, s21, $0xb8;
	[tilespmem:$0x1B900] =	vst v63  }
0x164: {  	s16 =	simm.s32 $0x500;
	s20 =	simm.s32 $0x10A00  }
0x165: {  	[tilespmem:s20], [sflag:$0x2] =	stream.indirect.gather [hbm4b:s4+s19], $0x20, s16, s19, $0xb8;
	[tilespmem:$0x1B900] =	vst v63  }
0x166: {  	s30 =	simm.s32 $0xD00;
	s31 =	simm.s32 $0x11A00  }
0x167: {  	[tilespmem:s31], [sflag:$0x2] =	stream.indirect.gather [hbm4b:s4+s21], $0x20, s30, s21, $0xb8;
	[tilespmem:$0x1B900] =	vst v63  }
0x168: {  	s16 =	simm.s32 $0x580;
	s20 =	simm.s32 $0x12300  }
0x169: {  	[tilespmem:s20], [sflag:$0x2] =	stream.indirect.gather [hbm4b:s4+s19], $0x20, s16, s19, $0xb8;
	[tilespmem:$0x1B900] =	vst v63  }
0x16a: {  	s30 =	simm.s32 $0xD80;
	s31 =	simm.s32 $0x13300  }
0x16b: {  	[tilespmem:s31], [sflag:$0x2] =	stream.indirect.gather [hbm4b:s4+s21], $0x20, s30, s21, $0xb8;
	[tilespmem:$0x1B900] =	vst v63  }
0x16c: {  	s16 =	simm.s32 $0x600;
	s20 =	simm.s32 $0x13C00  }
0x16d: {  	[tilespmem:s20], [sflag:$0x2] =	stream.indirect.gather [hbm4b:s4+s19], $0x20, s16, s19, $0xb8;
	[tilespmem:$0x1B900] =	vst v63  }
0x16e: {  	s30 =	simm.s32 $0xE00;
	s31 =	simm.s32 $0x14C00  }
0x16f: {  	[tilespmem:s31], [sflag:$0x2] =	stream.indirect.gather [hbm4b:s4+s21], $0x20, s30, s21, $0xb8;
	[tilespmem:$0x1B900] =	vst v63  }
0x170: {  	s3 =	simm.s32 $0x680;
	s16 =	simm.s32 $0x15500  }
0x171: {  	[tilespmem:s16], [sflag:$0x2] =	stream.indirect.gather [hbm4b:s4+s19], $0x20, s3, s19, $0xb8;
	[tilespmem:$0x1B900] =	vst v63  }
0x172: {  	s20 =	simm.s32 $0xE80;
	s30 =	simm.s32 $0x16500  }
0x173: {  	[tilespmem:s30], [sflag:$0x2] =	stream.indirect.gather [hbm4b:s4+s21], $0x20, s20, s21, $0xb8;
	[tilespmem:$0x1B900] =	vst v63  }
0x174: {  	s31 =	simm.s32 $0x700  }
0x175: {  	[tilespmem:s22], [sflag:$0x2] =	stream.indirect.gather [hbm4b:s4+s19], $0x20, s31, s19, $0xb8;
	[tilespmem:$0x1B900] =	vst v63  }
0x176: {  	_ = 	snop  }
0x177: {  	[tilespmem:s24], [sflag:$0x2] =	stream.indirect.gather [hbm4b:s4+s21], $0x20, s23, s21, $0xb8;
	[tilespmem:$0x1B900] =	vst v63  }
.Ltmp5:
0x178: {  	_ = 	snop;
	(pc) =	sbr.rel .LBB2_2-.Ltmp5, $4  }
0x179: {  	_ = 	snop  }
0x17a: {  	[tilespmem:s6], [sflag:$0x2] =	stream.indirect.gather [hbm4b:s4+s19], $0x20, s25, s19, $0xb8;
	[tilespmem:$0x1B900] =	vst v63  }
0x17b: {  	s15 =	sadd.s32 $0x1, s15  }
0x17c: {  	[tilespmem:s18], [sflag:$0x2] =	stream.indirect.gather [hbm4b:s4+s21], $0x20, s9, s21, $0xb8;
	[tilespmem:$0x1B900] =	vst v63  }
.LBB2_9:
0x17d: {  	_ =	sfence.sel $0x180000  }
0x17e: {  	[bflag:$0x0] =	sbarrier.arrive $0xFFFF  }
0x17f: {  	_ =	strace $0x90000047  }
0x180: {  	s0 =	stileid.u32;
	[bflag:$0x2] =	sbarrier.arrive $0xFFFF  }
0x181: {  	p0 =	sne.s32 s0, $0x0;
	s0 =	rddreg [dreg:$0x2]  }
0x182: {  	s0 =	sadd.s32 @!p0 $0x100000, s0  }
0x183: {  	[sflag:s0] =	ssyncadd.tile.s32 @!p0 $0x1;
	_ =	shalt  }
.Lfunc_end2:
_tile_overlayer_lowered:
.L_overlay_start_2:
0x184: {  	(tag) =	ssettag $0x2  }
0x185: {  	s0 =	rddreg [dreg:$0x0];
	s2 =	stileid.u32  }
0x186: {  	s1 =	rddreg [dreg:$0x1];
	p0 =	sne.s32 s2, $0x0  }
0x187: {  	s3 =	rddreg [dreg:$0x2];
	[bflag:$0x3] =	sbarrier.arrive $0xFFFF;
	s2 =	simm.s32 @!p0 $0x1C03  }
0x188: {  	[timem:s3], [sflag:s2] =	dma.local @!p0 [hbm:s0], s1  }
0x189: {  	s0 =	simm.s32 @!p0 $0x3  }
0x18a: {  	_ =	swait.ge @!p0 [sflag:s0], s1  }
0x18b: {  	s1 =	ssub.s32 @!p0 $0x0, s1;
	[sflag:s0] =	ssyncset.done @!p0 $0x0  }
0x18c: {  	[sflag:s0] =	ssyncadd.s32 @!p0 s1  }
0x18d: {  	[bflag:$0x3] =	sbarrier.arrive $0xFFFF  }
0x18e: {  	_ =	shalt  }

// kernel: sparse-core-data-format-call.cloned.1.call-start
scs
called_computation_lowered:
.L_overlay_start_0:
0x0: {  	s2 =	sld [smem:$0x3FD9]  }
0x1: {  	s3 =	sld [smem:$0x3FFE];
	_ =	sdelay $0x1  }
0x2: {  	s1 =	srdreg.scid  }
0x3: {  	s0 =	sand.u32 $0x1, s1  }
0x4: {  	s18 =	sshll.u32 s0, $0xA;
	s2 =	sadd.s32 s3, s2  }
0x5: {  	s2 =	sadd.s32 s2, s18  }
0x6: {  	[smem:$0x3FC5] =	sst s2  }
0x7: {  	_ = 	snop  }
0x8: {  	s2 =	sld [smem:$0x3FD0];
	(tm) =	ssettm $0x1  }
0x9: {  	s19 =	sld [smem:$0x3FFB];
	_ =	sdelay $0x3  }
0xa: {  	_ =	strace s19  }
0xb: {  	s3 =	sld [smem:$0x3FFC];
	_ =	sdelay $0x3  }
0xc: {  	_ =	strace s3  }
0xd: {  	s3 =	sld [smem:$0x3FFD];
	_ =	sdelay $0x3  }
0xe: {  	_ =	strace s3  }
0xf: {  	_ =	strace $0x8FFFFFFF  }
0x10: {  	s20 =	sld [smem:$0x3FDB];
	_ =	sdelay $0x1  }
0x11: {  	s4 =	simm.s32 $_scs_section_size  }
0x12: {  	s5 =	simm.s32 $_size__tile_overlayer_lowered;
	s6 =	simm.s32 $_tile_overlayer_lowered  }
0x13: {  	s23 =	simm.s32 $0x1BFF;
	s22 =	sshll.u32 s6, $0x1;
	s3 =	sadd.s32 s4, s20  }
0x14: {  	s7 =	simm.s32 $0x0;
	s21 =	sshll.u32 s5, $0x1;
	s5 =	sadd.s32 s22, s3  }
0x15: {  	[timem:s7], [sflag:s23] =	dma.local [hbm:s5], s21  }
0x16: {  	_ =	swait.ge [sflag:s23], s21  }
0x17: {  	s4 =	ssub.s32 $0x0, s21;
	[sflag:s23] =	ssyncset.done $0x0  }
0x18: {  	[sflag:s23] =	ssyncadd.s32 s4;
	_ =	sdelay $0x1  }
0x19: {  	s24 =	simm.s32 $0x1B8B  }
0x1a: {  	_ =	swait.ge [sflag:s24], $0x1  }
0x1b: {  	[sflag:s24] =	ssyncset.done $0x0  }
0x1c: {  	s26 =	simm.s32 $0x1B8E;
	s25 =	sld [smem:$0x3FFE];
	[sflag:s24] =	ssyncadd.s32 $0xFFFFFFFF  }
0x1d: {  	s27 =	simm.s32 $execute0_lowered;
	[smem:$0x3FD2] =	sst s26  }
0x1e: {  	s5 =	sshll.u32 s27, $0x1;
	_ =	strace $0x80000049;
	[dreg:$0x1] =	wrdreg $0xFFFFFFFF  }
0x1f: {  	s28 =	simm.s32 $_size_execute0_lowered;
	s3 =	sadd.s32 s3, s5;
	[dreg:$0x0] =	wrdreg $0x0  }
0x20: {  	s5 =	sshll.u32 s28, $0x1;
	[dreg:$0x2] =	wrdreg s3  }
0x21: {  	[dreg:$0x3] =	wrdreg s5  }
0x22: {  	[dreg:$0x4] =	wrdreg $0xC0  }
0x23: {  	_ =	task [dreg:s7], $0x5FFFF  }
0x24: {  	[dreg:$0x1] =	wrdreg $0xFFFFFFFF  }
0x25: {  	[dreg:$0x0] =	wrdreg $0x60  }
0x26: {  	[dreg:$0x2] =	wrdreg s25  }
0x27: {  	[dreg:$0x3] =	wrdreg s2  }
0x28: {  	[dreg:$0x4] =	wrdreg $0x9  }
0x29: {  	_ =	task.clear_ibuf [dreg:s7], $0x5FFFF;
	_ =	strace $0x90000049  }
0x2a: {  	s29 =	simm.s32 $0x9;
	_ =	strace $0x8000004B  }
0x2b: {  	_ =	swait.ge [sflag:s29], $0x1  }
0x2c: {  	[sflag:s29] =	ssyncadd.s32 $0xFFFFFFFF  }
0x2d: {  	_ =	strace $0x9000004B  }
0x2e: {  	_ =	sfence  }
0x2f: {  	s30 =	sld [smem:$0x0];
	_ =	sdelay $0x2  }
0x30: {  	s31 =	sshll.u32 s1, $0xD;
	s1 =	sshrl.u32 s1, $0x2  }
0x31: {  	s3 =	sand.u32 $0x4000, s31;
	s1 =	sadd.s32 s1, s30  }
0x32: {  	s0 =	sor.u32 s3, s0;
	s1 =	sshll.u32 s1, $0x11  }
0x33: {  	s0 =	sor.u32 s1, s0  }
0x34: {  	s0 =	sadd.s32 $0x8F2B, s0  }
0x35: {  	[sflag:s0] =	ssyncadd.remote.s32 $0x1  }
0x36: {  	_ =	sfence.sel $0xFFFF  }
0x37: {  	[dreg:$0x0] =	wrdreg $0xFFFFFFFF;
	(pc) =	sbr.abs _section_cstart, $3  }
0x38: {  	[dreg:$0x1] =	wrdreg $0xFFFFFFFF  }
0x39: {  	_ =	task.clear_ibuf [dreg:s7], $0x2FFFF;
	_ =	strace $0x9FFFFFFF  }
0x3a: {  	(tm) =	ssettm $0x7FFFFFFF  }
0x3b: {  	_ =	shalt  }
tec
execute0_lowered:
.L_overlay_start_1:
0x0: {  	(tag) =	ssettag $0x1  }
0x1: {  	s0 =	srdreg.scid  }
0x2: {  	s1 =	sshll.u32 s0, $0x4  }
0x3: {  	s0 =	stileid.u32;
	s1 =	sand.u32 $0x10, s1  }
0x4: {  	s1 =	sor.u32 s0, s1  }
0x5: {  	s6 =	rddreg [dreg:$0x0];
	s4 =	simm.s32 $0x1;
	s2 =	sshll.u32 s1, $0x7  }
0x6: {  	s7 =	simm.s32 $0x2;
	s12 =	simm.s32 $0x0;
	s1 =	ssub.s32 $0x1000, s2  }
0x7: {  	s8 =	simm.s32 $0x8000;
	s13 =	simm.s32 $0x0;
	s3 =	sand.u32 $0xF80, s1  }
0x8: {  	s9 =	simm.s32 $0x0;
	s5 =	sshrl.u32 s1, $0xC;
	p0 =	sne.s32 s3, $0x0  }
.Ltmp0:
0x9: {  	s1 =	rddreg [dreg:$0x2];
	s4 =	simm.s32 @!p0 $0x0;
	(pc) =	sbr.rel .LBB1_1-.Ltmp0, $4  }
0xa: {  	s11 =	simm.s32 $0x0;
	s3 =	rddreg [dreg:$0x1];
	s5 =	sadd.s32 s4, s5  }
0xb: {  	_ =	strace $0x8000004A;
	s4 =	simm.s32 $0x1;
	s5 =	smul.u32 $0xC8, s5  }
0xc: {  	s6 =	sadd.s32 $0x11200, s6;
	s10 =	smov.u32 s2;
	[sflag:s4] =	ssyncpa.u1 $0x0  }
0xd: {  	p0 =	por $0x0, $0x0;
	[sflag:s7] =	ssyncpa.u1 $0x0;
	s7 =	sor.u32 $0x1, s5  }
.LBB1_4:
0xe: {  	s16 =	sshll.u32 s13, $0x3;
	s17 =	sand.u32 $0x78, s13  }
0xf: {  	s30 =	sand.u32 $0x3E00, s13;
	s12 =	sshll.u32 s12, $0xE;
	s16 =	sand.u32 $0xC00, s16  }
0x10: {  	s31 =	sand.u32 $0x7, s13;
	s16 =	sor.u32 s17, s16;
	s17 =	sadd.s32 s3, s30  }
0x11: {  	s13 =	sshll.u32 s31, $0x12;
	s16 =	sshrl.u32 s16, $0x3;
	s12 =	sadd.s32 s12, s17  }
0x12: {  	[tilespmem:s15+$0x0 ss:$0x81] =	vst.msk $0xffff, v0;
	s13 =	sor.u32 $0x400, s13;
	s12 =	sadd.s32 s16, s12  }
0x13: {  	[hbm4b:s12+s13] =	stream.strided.scatter [tilespmem:s14], [sflag:$0x2], $0x1000, s8, s13, $0x20;
	[tilespmem:$0x4040] =	vst v63  }
.LBB1_5:
0x14: {  	s14 =	sadd.s32 $0x1, s9  }
0x15: {  	s12 =	sadd.s32 $0x1000, s10;
	s16 =	smov.u32 s10;
	p2 =	sgt.s32 s14, $0xC7  }
0x16: {  	s16 =	smov.u32 @p2 s12  }
0x17: {  	s14 =	simm.s32 @p2 $0x0;
	p2 =	sgt.s32 s16, $0xFFF  }
0x18: {  	s16 =	smov.u32 @p2 s2;
	p2 =	sne.s32 s11, s7  }
.Ltmp1:
0x19: {  	p1 =	slt.u32 s11, $0x2;
	(pc) =	sbr.rel @!p2 .LBB1_6-.Ltmp1, $4  }
0x1a: {  	s15 =	simm.s32 @!p1 $0x2  }
0x1b: {  	s13 =	smov.u32 s10;
	p0 =	por !p0, !p0;
	_ =	swait.ge @!p1 [sflag:s15], $0x1000  }
0x1c: {  	s12 =	smov.u32 s9;
	[sflag:s15] =	ssyncset.done @!p1 $0x0;
	s9 =	smov.u32 s14  }
0x1d: {  	s11 =	sadd.s32 $0x1, s11;
	[sflag:s15] =	ssyncadd.s32 @!p1 $0xFFFFF000;
	s10 =	smov.u32 s16  }
.LBB1_1:
0x1e: {  	p1 =	sge.u32 s11, s5  }
0x1f: {  	s14 =	sand.u32 @!p1 $0x1FFFFFF, s9  }
0x20: {  	s15 =	smulhi.u32 @!p1 $0x147AE15, s14;
	_ =	sdelay $0x1  }
0x21: {  	s15 =	smul.u32 @!p1 $0xC8, s15  }
0x22: {  	s16 =	sxor.u32 @!p1 $0xFFFFFFFF, s11;
	s17 =	smul.u32 @!p1 $0xC80, s10  }
0x23: {  	s31 =	sadd.s32 $0xFFFFFFFF, s11;
	s16 =	sshll.u32 @!p1 s16, $0xC;
	s14 =	ssub.s32 @!p1 s14, s15  }
0x24: {  	s15 =	sand.u32 @!p1 $0x1000, s16;
	s16 =	sadd.s32 @!p1 s6, s17;
	s14 =	sshll.u32 @!p1 s14, $0x4  }
0x25: {  	s17 =	simm.s32 @!p1 $0x6400;
	s14 =	sadd.s32 @!p1 s14, s16;
	s16 =	simm.s32 @!p1 $0x20  }
0x26: {  	[tilespmem:s15], [sflag:$0x1] =	stream.strided.gather @!p1 [hbm4b:s14+s16], $0x1000, s17, s16, $0x38;
	[tilespmem:$0x4040] =	vst v63  }
0x27: {  	p1 =	sge.u32 s31, s5  }
.Ltmp2:
0x28: {  	_ = 	snop;
	(pc) =	sbr.rel @p1 .LBB1_5-.Ltmp2, $1  }
0x29: {  	_ =	sdelay $0x3  }
0x2a: {  	s14 =	simm.s32 $0x1  }
0x2b: {  	_ =	swait.ge [sflag:s4], $0x1000;
	s14 =	simm.s32 @!p0 $0x0  }
0x2c: {  	[sflag:s4] =	ssyncset.done $0x0;
	s15 =	sshll.u32 s14, $0xC  }
0x2d: {  	[sflag:s4] =	ssyncadd.s32 $0xFFFFF000;
	s18 =	sor.u32 $0x10, s15  }
0x2e: {  	s14 =	smul.u32 $0x4080, s14;
	v1 =	vld [tilespmem:s18+$0x0]  }
0x2f: {  	s30 =	sand.u32 $0x1, s11;
	v0 =	vld [tilespmem:s18+$0xFFFFFFF0]  }
0x30: {  	s15 =	smul.u32 $0x4080, s30;
	s14 =	sshrl.u32 s14, $0x2  }
0x31: {  	s16 =	sor.u32 $0x2000, s14  }
0x32: {  	s31 =	sshrl.u32 s15, $0x2;
	s15 =	sadd.s32 $0x0, s16  }
0x33: {  	s17 =	simm.s32 $0x4;
	s18 =	sadd.s32 $0x20, s18;
	s14 =	sor.u32 $0x2000, s31;
	[tilespmem:s15+$0x810 ss:$0x81] =	vst.msk $0xffff, v1  }
.LBB1_3:
0x34: {  	v1 =	vld [tilespmem:s18+$0x0];
	p1 =	sne.s32 s17, $0x1FC;
	[tilespmem:s15+$0x0 ss:$0x81] =	vst.msk $0xffff, v0;
	s15 =	smov.u32 s17;
	s17 =	sadd.s32 $0x4, s17  }
.Ltmp3:
0x35: {  	v0 =	vld [tilespmem:s18+$0xFFFFFFF0];
	(pc) =	sbr.rel @p1 .LBB1_3-.Ltmp3, $4  }
0x36: {  	_ = 	snop  }
0x37: {  	s15 =	sshra.s32 s15, $0x2  }
0x38: {  	s15 =	sadd.s32 s15, s16  }
0x39: {  	s18 =	sadd.s32 $0x20, s18;
	[tilespmem:s15+$0x810 ss:$0x81] =	vst.msk $0xffff, v1  }
.Ltmp4:
0x3a: {  	_ = 	snop;
	(pc) =	sbr.rel .LBB1_4-.Ltmp4, $1  }
0x3b: {  	_ =	sdelay $0x3  }
.LBB1_6:
0x3c: {  	_ =	sfence.sel $0x180000  }
0x3d: {  	s2 =	simm.s32 $0x1;
	[bflag:$0x0] =	sbarrier.arrive $0xFFFF  }
0x3e: {  	s31 =	simm.s32 $0x2;
	[sflag:s2] =	ssyncpa.u1 $0x1  }
0x3f: {  	[sflag:s31] =	ssyncpa.u1 $0x1  }
0x40: {  	p0 =	sne.s32 s0, $0x0;
	_ =	strace $0x9000004A  }
0x41: {  	s0 =	sadd.s32 @!p0 $0x100000, s1;
	[bflag:$0x2] =	sbarrier.arrive $0xFFFF  }
0x42: {  	[sflag:s0] =	ssyncadd.tile.s32 @!p0 $0x1;
	_ =	shalt  }
.Lfunc_end1:
_tile_overlayer_lowered:
.L_overlay_start_2:
0x43: {  	(tag) =	ssettag $0x2  }
0x44: {  	s0 =	rddreg [dreg:$0x0];
	s2 =	stileid.u32  }
0x45: {  	s1 =	rddreg [dreg:$0x1];
	p0 =	sne.s32 s2, $0x0  }
0x46: {  	s3 =	rddreg [dreg:$0x2];
	[bflag:$0x3] =	sbarrier.arrive $0xFFFF;
	s2 =	simm.s32 @!p0 $0x1C01  }
0x47: {  	[timem:s3], [sflag:s2] =	dma.local @!p0 [hbm:s0], s1  }
0x48: {  	s0 =	simm.s32 @!p0 $0x1  }
0x49: {  	_ =	swait.ge @!p0 [sflag:s0], s1  }
0x4a: {  	s1 =	ssub.s32 @!p0 $0x0, s1;
	[sflag:s0] =	ssyncset.done @!p0 $0x0  }
0x4b: {  	[sflag:s0] =	ssyncadd.s32 @!p0 s1  }
0x4c: {  	[bflag:$0x3] =	sbarrier.arrive $0xFFFF  }
0x4d: {  	_ =	shalt  }

</sc_bundles>
